<compile_context>
chip_gen: v7x
topology: tpu7x:2x2x1
jax: 0.10.2.dev20260603
libtpu: 0.0.44.dev20260713+nightly
codegen_flags: <defaults>
</compile_context>

<pallas_src>
import functools

import jax
import jax.numpy as jnp
from jax import lax
from jax.experimental import pallas as pl
from jax.experimental.pallas import tpu as pltpu
from jax.experimental.pallas import tpu_sc as plsc

N = 10000
NP = 10240
E = 320000
V = 4096
F = 128
H = 256
O = 128

NC = 2
NS = 16
NW = NC * NS
CH = 128
EPAD = 327680
ECHUNKS = EPAD // CH
EPW = ECHUNKS // NW
SEG = 40
RPS = NP // NS
XCH = 64
XPW = NP // XCH // NW

_mesh = plsc.VectorSubcoreMesh(
    core_axis_name="c", subcore_axis_name="s", num_cores=NC, num_subcores=NS
)


@functools.partial(
    pl.kernel,
    out_type=(
        jax.ShapeDtypeStruct((NC, NP, F), jnp.float32),
        jax.ShapeDtypeStruct((NP, H), jnp.float32),
    ),
    mesh=_mesh,
    scratch_types=[
        pltpu.VMEM((EPW, CH), jnp.int32),
        pltpu.VMEM((XPW, XCH), jnp.int32),
        pltpu.VMEM((CH, F), jnp.float32),
        pltpu.VMEM((XCH, H), jnp.float32),
        pltpu.VMEM_SHARED((NP, F), jnp.float32),
        pltpu.SemaphoreType.DMA,
        pltpu.SemaphoreType.DMA,
    ],
)
def _sc_deg_gather(dst3w, x3, zf, of, embw1, deg_out, h1pre, dstv, xv, onesv,
                   rowsv, acc, sem, semg):
    c = lax.axis_index("c")
    s = lax.axis_index("s")
    w = s * NC + c
    pltpu.sync_copy(zf.at[pl.ds(s * RPS, RPS)], acc.at[pl.ds(s * RPS, RPS)])
    pltpu.sync_copy(of, onesv)
    pltpu.sync_copy(dst3w.at[w], dstv)
    pltpu.sync_copy(x3.at[w], xv)
    plsc.subcore_barrier()
    for o in range(EPW // 8):
        for b in range(8):
            pltpu.async_copy(onesv, acc.at[dstv.at[o * 8 + b]], sem, add=True)
        if o < XPW:
            pltpu.async_copy(embw1.at[xv.at[o]], rowsv, semg).wait()
            pltpu.sync_copy(rowsv, h1pre.at[pl.ds((w * XPW + o) * XCH, XCH)])
        for b in range(8):
            pltpu.make_async_copy(of, onesv, sem).wait()
    plsc.subcore_barrier()
    pltpu.sync_copy(acc.at[pl.ds(s * RPS, RPS)],
                    deg_out.at[c, pl.ds(s * RPS, RPS)])


@functools.partial(
    pl.kernel,
    out_type=jax.ShapeDtypeStruct((NC, NP, F), jnp.float32),
    mesh=_mesh,
    scratch_types=[
        pltpu.VMEM((SEG, CH), jnp.int32),
        pltpu.VMEM((SEG, CH), jnp.int32),
        pltpu.VMEM((CH, F), jnp.float32),
        pltpu.VMEM((CH, F), jnp.float32),
        pltpu.VMEM_SHARED((NP, F), jnp.float32),
        pltpu.SemaphoreType.DMA,
        pltpu.SemaphoreType.DMA,
    ],
)
def _sc_agg1(src4s, dst4s, g1s, acc_out, srcv, dstv, rows0, rows1, acc,
             sem0, sem1):
    c = lax.axis_index("c")
    s = lax.axis_index("s")
    pltpu.sync_copy(g1s.at[c, pl.ds(s * RPS, RPS)], acc.at[pl.ds(s * RPS, RPS)])
    plsc.subcore_barrier()
    for seg in range(ECHUNKS // NS // SEG):
        pltpu.sync_copy(src4s.at[s, seg], srcv)
        pltpu.sync_copy(dst4s.at[s, seg], dstv)
        pltpu.async_copy(g1s.at[c].at[srcv.at[0]], rows0, sem0)

        @pl.loop(0, SEG, step=2)
        def _pair(j):
            pltpu.async_copy(g1s.at[c].at[srcv.at[j + 1]], rows1, sem1)
            pltpu.make_async_copy(g1s.at[c, pl.ds(0, CH)], rows0, sem0).wait()
            pltpu.sync_copy(rows0, acc.at[dstv.at[j]], add=True)
            jn = jnp.minimum(j + 2, SEG - 1)
            pltpu.async_copy(g1s.at[c].at[srcv.at[jn]], rows0, sem0)
            pltpu.make_async_copy(g1s.at[c, pl.ds(0, CH)], rows1, sem1).wait()
            pltpu.sync_copy(rows1, acc.at[dstv.at[j + 1]], add=True)

        pltpu.make_async_copy(g1s.at[c, pl.ds(0, CH)], rows0, sem0).wait()
    plsc.subcore_barrier()
    pltpu.sync_copy(acc.at[pl.ds(s * RPS, RPS)],
                    acc_out.at[c, pl.ds(s * RPS, RPS)])


@functools.partial(
    pl.kernel,
    out_type=jax.ShapeDtypeStruct((NC, NP, O), jnp.float32),
    mesh=_mesh,
    scratch_types=[
        pltpu.VMEM((SEG, CH), jnp.int32),
        pltpu.VMEM((SEG, CH), jnp.int32),
        pltpu.VMEM((CH, O), jnp.float32),
        pltpu.VMEM((CH, O), jnp.float32),
        pltpu.VMEM_SHARED((NP, O), jnp.float32),
        pltpu.SemaphoreType.DMA,
        pltpu.SemaphoreType.DMA,
    ],
)
def _sc_agg2(src4w, dst4w, init2, acc_out, srcv, dstv, rows0, rows1, acc,
             sem0, sem1):
    c = lax.axis_index("c")
    s = lax.axis_index("s")
    w = s * NC + c
    pltpu.sync_copy(init2.at[c, pl.ds(s * RPS, RPS)], acc.at[pl.ds(s * RPS, RPS)])
    plsc.subcore_barrier()
    for seg in range(EPW // SEG):
        pltpu.sync_copy(src4w.at[w, seg], srcv)
        pltpu.sync_copy(dst4w.at[w, seg], dstv)
        pltpu.async_copy(init2.at[0].at[srcv.at[0]], rows0, sem0)

        @pl.loop(0, SEG, step=2)
        def _pair(j):
            pltpu.async_copy(init2.at[0].at[srcv.at[j + 1]], rows1, sem1)
            pltpu.make_async_copy(init2.at[0, pl.ds(0, CH)], rows0, sem0).wait()
            pltpu.sync_copy(rows0, acc.at[dstv.at[j]], add=True)
            jn = jnp.minimum(j + 2, SEG - 1)
            pltpu.async_copy(init2.at[0].at[srcv.at[jn]], rows0, sem0)
            pltpu.make_async_copy(init2.at[0, pl.ds(0, CH)], rows1, sem1).wait()
            pltpu.sync_copy(rows1, acc.at[dstv.at[j + 1]], add=True)

        pltpu.make_async_copy(init2.at[0, pl.ds(0, CH)], rows0, sem0).wait()
    plsc.subcore_barrier()
    pltpu.sync_copy(acc.at[pl.ds(s * RPS, RPS)],
                    acc_out.at[c, pl.ds(s * RPS, RPS)])


def _tc_embw1_body(emb_ref, w1_ref, out_ref):
    out_ref[...] = jnp.dot(emb_ref[...], w1_ref[...],
                           preferred_element_type=jnp.float32)


def _tc_embw1(emb, w1):
    return pl.pallas_call(
        _tc_embw1_body,
        out_shape=jax.ShapeDtypeStruct((V, H), jnp.float32),
    )(emb, w1)


def _tc_norm1_body(deg_ref, h1pre_ref, dis_ref, g1_ref):
    d = deg_ref[0][:, :16] + deg_ref[1][:, :16] + 1.0
    dis = lax.rsqrt(d)
    dis_ref[...] = dis
    g = h1pre_ref[...] * dis[:, :1]
    g1_ref[...] = jnp.stack([g[:, :F], g[:, F:]])


def _tc_norm1(deg16, h1pre):
    blk = 512
    return pl.pallas_call(
        _tc_norm1_body,
        grid=(NP // blk,),
        in_specs=[
            pl.BlockSpec((NC, blk, F), lambda i: (0, i, 0)),
            pl.BlockSpec((blk, H), lambda i: (i, 0)),
        ],
        out_specs=[
            pl.BlockSpec((blk, 16), lambda i: (i, 0)),
            pl.BlockSpec((2, blk, F), lambda i: (0, i, 0)),
        ],
        out_shape=[
            jax.ShapeDtypeStruct((NP, 16), jnp.float32),
            jax.ShapeDtypeStruct((2, NP, F), jnp.float32),
        ],
    )(deg16, h1pre)


def _tc_layer2_body(acc1_ref, dis_ref, b1_ref, w2_ref, init2_ref):
    dis = dis_ref[...][:, :1]
    h1 = jnp.concatenate([acc1_ref[0], acc1_ref[1]], axis=1)
    h1 = jnp.maximum(dis * h1 + b1_ref[...], 0.0)
    g2 = jnp.dot(h1, w2_ref[...], preferred_element_type=jnp.float32) * dis
    init2_ref[...] = jnp.stack([g2, jnp.zeros_like(g2)])


def _tc_layer2(acc1, dis16, b1r, w2):
    blk = 512
    return pl.pallas_call(
        _tc_layer2_body,
        grid=(NP // blk,),
        in_specs=[
            pl.BlockSpec((NC, blk, F), lambda i: (0, i, 0)),
            pl.BlockSpec((blk, 16), lambda i: (i, 0)),
            pl.BlockSpec((1, H), lambda i: (0, 0)),
            pl.BlockSpec((H, O), lambda i: (0, 0)),
        ],
        out_specs=pl.BlockSpec((2, blk, O), lambda i: (0, i, 0)),
        out_shape=jax.ShapeDtypeStruct((2, NP, O), jnp.float32),
    )(acc1, dis16, b1r, w2)


def _tc_head_body(acc2_ref, dis_ref, b2_ref, wfc_ref, bfc_ref, out_ref):
    dis = dis_ref[...][:, :1]
    h2 = jnp.maximum(dis * (acc2_ref[0] + acc2_ref[1]) + b2_ref[...], 0.0)
    out_ref[...] = jnp.dot(h2, wfc_ref[...],
                           preferred_element_type=jnp.float32) + bfc_ref[...]


def _tc_head(acc2, dis16, b2r, wfc, bfcr):
    nblk, vblk = 1000, 512
    return pl.pallas_call(
        _tc_head_body,
        grid=(N // nblk, V // vblk),
        in_specs=[
            pl.BlockSpec((NC, nblk, O), lambda i, j: (0, i, 0)),
            pl.BlockSpec((nblk, 16), lambda i, j: (i, 0)),
            pl.BlockSpec((1, O), lambda i, j: (0, 0)),
            pl.BlockSpec((O, vblk), lambda i, j: (0, j)),
            pl.BlockSpec((1, vblk), lambda i, j: (0, j)),
        ],
        out_specs=pl.BlockSpec((nblk, vblk), lambda i, j: (i, j)),
        out_shape=jax.ShapeDtypeStruct((N, V), jnp.float32),
    )(acc2, dis16, b2r, wfc, bfcr)


@jax.jit
def kernel(x, edge_index, emb, W1, b1, W2, b2, Wfc, bfc):
    xpad = jnp.concatenate(
        [x.astype(jnp.int32), jnp.arange(NP - N, dtype=jnp.int32) % V])
    x3 = xpad.reshape(NW, XPW, XCH)
    src = edge_index[0].astype(jnp.int32)
    dst = edge_index[1].astype(jnp.int32)
    npad = EPAD - E
    pad_src = jnp.arange(npad, dtype=jnp.int32) % N
    pad_dst = N + (jnp.arange(npad, dtype=jnp.int32) % (NP - N))
    srcp = jnp.concatenate([src, pad_src])
    dstp = jnp.concatenate([dst, pad_dst])
    dst3w = dstp.reshape(NW, EPW, CH)
    src4w = srcp.reshape(NW, EPW // SEG, SEG, CH)
    dst4w = dstp.reshape(NW, EPW // SEG, SEG, CH)
    src4s = srcp.reshape(NS, ECHUNKS // NS // SEG, SEG, CH)
    dst4s = dstp.reshape(NS, ECHUNKS // NS // SEG, SEG, CH)
    zf = jnp.zeros((NP, F), jnp.float32)
    of = jnp.ones((CH, F), jnp.float32)
    b1r = b1.reshape(1, H)
    b2r = b2.reshape(1, O)
    bfcr = bfc.reshape(1, V)

    embw1 = _tc_embw1(emb, W1)
    deg16, h1pre = _sc_deg_gather(dst3w, x3, zf, of, embw1)
    dis16, g1s = _tc_norm1(deg16, h1pre)
    acc1 = _sc_agg1(src4s, dst4s, g1s)
    init2 = _tc_layer2(acc1, dis16, b1r, W2)
    acc2 = _sc_agg2(src4w, dst4w, init2)
    return _tc_head(acc2, dis16, b2r, Wfc, bfcr)

# --- scband reference (transcript-rebuilt; emitter-appended) ---
"""Pipeline reference for scband-gnn-32667521253537 (READ-ONLY COPY).

The authoritative reference and input builder live on the scoring server;
editing this copy changes nothing except your own understanding.
"""

import jax, jax.numpy as jnp
import numpy as np

N = 10000
E = 320000
V = 4096
F = 128
H = 256
O = 128


def gcn_conv(x, edge_index, W, b, num_nodes):
    # GCNConv: add self-loops, symmetric normalization, linear transform, scatter-add aggregate
    src = edge_index[0]
    dst = edge_index[1]
    loop = jnp.arange(num_nodes, dtype=edge_index.dtype)
    src = jnp.concatenate([src, loop])
    dst = jnp.concatenate([dst, loop])
    ones = jnp.ones(src.shape[0], dtype=x.dtype)
    deg = jnp.zeros((num_nodes,), dtype=x.dtype).at[dst].add(ones)
    deg_inv_sqrt = jnp.where(deg > 0, 1.0 / jnp.sqrt(deg), 0.0)
    norm = deg_inv_sqrt[src] * deg_inv_sqrt[dst]
    h = x @ W
    msg = h[src] * norm[:, None]
    out = jnp.zeros((num_nodes, W.shape[1]), dtype=x.dtype).at[dst].add(msg)
    return out + b


def setup_inputs(seed: int = 0) -> dict:
    key = jax.random.key(seed)
    ks = jax.random.split(key, 10)
    x = jax.random.randint(ks[0], (N,), 0, V)
    edge_index = jax.random.randint(ks[1], (2, E), 0, N)
    emb = jax.random.normal(ks[2], (V, F), dtype=jnp.float32) * 0.02
    W1 = jax.random.normal(ks[3], (F, H), dtype=jnp.float32) * (1.0 / np.sqrt(F))
    b1 = jnp.zeros((H,), dtype=jnp.float32)
    W2 = jax.random.normal(ks[4], (H, O), dtype=jnp.float32) * (1.0 / np.sqrt(H))
    b2 = jnp.zeros((O,), dtype=jnp.float32)
    Wfc = jax.random.normal(ks[5], (O, V), dtype=jnp.float32) * (1.0 / np.sqrt(O))
    bfc = jnp.zeros((V,), dtype=jnp.float32)
    return {"x": x, "edge_index": edge_index, "emb": emb, "W1": W1, "b1": b1, "W2": W2, "b2": b2, "Wfc": Wfc, "bfc": bfc}


def reference(x, edge_index, emb, W1, b1, W2, b2, Wfc, bfc):
    h = emb[x]  # embedding lookup: [N, F]
    h = gcn_conv(h, edge_index, W1, b1, N)
    h = jax.nn.relu(h)
    h = gcn_conv(h, edge_index, W2, b2, N)
    h = jax.nn.relu(h)
    out = h @ Wfc + bfc  # [N, V]
    return out

if __name__ == "__main__":
    import jax
    _d = setup_inputs()
    print(jax.jit(kernel)(*tuple(_d.values())))

</pallas_src>

<mosaic_0001>
#map = affine_map<(d0, d1) -> (0, 0, 0, 0)>
#map1 = affine_map<(d0, d1) -> (0, 0, 0)>
module attributes {stable_mosaic.version = 14 : i64} {
  func.func @_sc_agg2(%arg0: i32, %arg1: i32, %arg2: memref<32x2x40x128xi32, #tpu.memory_space<hbm>>, %arg3: memref<32x2x40x128xi32, #tpu.memory_space<hbm>>, %arg4: memref<2x10240x128xf32, #tpu.memory_space<hbm>>, %arg5: memref<2x10240x128xf32, #tpu.memory_space<hbm>>, %arg6: memref<40x128xi32, #tpu.memory_space<vmem>>, %arg7: memref<40x128xi32, #tpu.memory_space<vmem>>, %arg8: memref<128x128xf32, #tpu.memory_space<vmem>>, %arg9: memref<128x128xf32, #tpu.memory_space<vmem>>, %arg10: memref<10240x128xf32, #tpu.memory_space<vmem_shared>>, %arg11: memref<!tpu.dma_semaphore, #tpu.memory_space<semaphore_mem>>, %arg12: memref<!tpu.dma_semaphore, #tpu.memory_space<semaphore_mem>>) attributes {dimension_semantics = [#tpu.dimension_semantics<core_parallel>, #tpu.dimension_semantics<subcore_parallel>], iteration_bounds = array<i64: 2, 16>, scalar_prefetch = 0 : i64, scratch_operands = 7 : i64, tpu.core_type = #tpu.core_type<sc_vector_subcore>, window_params = [{transform_indices = #map}, {transform_indices = #map}, {transform_indices = #map1}, {transform_indices = #map1}]} {
    %mul3A = arith.constant 2 : i32
    %mul3A_0 = arith.muli %arg1, %mul3A : i32
    %add3A = arith.addi %mul3A_0, %arg0 : i32
    %mul3A_1 = arith.constant 640 : i32
    %mul3A_2 = arith.muli %arg1, %mul3A_1 : i32
    %mul3A_3 = arith.constant 640 : i32
    %mul3A_4 = arith.muli %arg1, %mul3A_3 : i32
    "tpu.region"() ({
      %run_scoped3A_62 = tpu.sem_alloc : memref<!tpu.dma_semaphore, #tpu.memory_space<semaphore_mem>>
      %dma_start3A_63 = arith.constant 0 : i32
      %dma_start3A_64 = tpu.memref_slice %arg10[%mul3A_4, %dma_start3A_63] : memref<10240x128xf32, #tpu.memory_space<vmem_shared>> -> memref<640x128xf32, #tpu.memory_space<vmem_shared>>
      %dma_start3A_65 = arith.constant 0 : i32
      %dma_start3A_66 = tpu.memref_slice %arg4[%arg0, %mul3A_2, %dma_start3A_65] : memref<2x10240x128xf32, #tpu.memory_space<hbm>> -> memref<1x640x128xf32, #tpu.memory_space<hbm>>
      %dma_start3A_67 = tpu.memref_squeeze %dma_start3A_66 : memref<1x640x128xf32, #tpu.memory_space<hbm>> -> memref<640x128xf32, #tpu.memory_space<hbm>>
      tpu.enqueue_dma source(%dma_start3A_67 : memref<640x128xf32, #tpu.memory_space<hbm>>) target(%dma_start3A_64 : memref<640x128xf32, #tpu.memory_space<vmem_shared>>) target_semaphore(%run_scoped3A_62 : memref<!tpu.dma_semaphore, #tpu.memory_space<semaphore_mem>>)
      %dma_wait3A_68 = arith.constant 0 : i32
      %dma_wait3A_69 = tpu.memref_slice %arg10[%mul3A_4, %dma_wait3A_68] : memref<10240x128xf32, #tpu.memory_space<vmem_shared>> -> memref<640x128xf32, #tpu.memory_space<vmem_shared>>
      %dma_wait3A_70 = arith.constant 0 : i32
      %dma_wait3A_71 = tpu.memref_slice %arg4[%arg0, %mul3A_2, %dma_wait3A_70] : memref<2x10240x128xf32, #tpu.memory_space<hbm>> -> memref<1x640x128xf32, #tpu.memory_space<hbm>>
      %dma_wait3A_72 = tpu.memref_squeeze %dma_wait3A_71 : memref<1x640x128xf32, #tpu.memory_space<hbm>> -> memref<640x128xf32, #tpu.memory_space<hbm>>
      tpu.wait_dma2 semaphore(%run_scoped3A_62 : memref<!tpu.dma_semaphore, #tpu.memory_space<semaphore_mem>>) src(%dma_wait3A_72 : memref<640x128xf32, #tpu.memory_space<hbm>>) dst(%dma_wait3A_69 : memref<640x128xf32, #tpu.memory_space<vmem_shared>>)
      tpu.yield
    }) : () -> ()
    %barrier3A = arith.constant 0 : index
    tpu.barrier barrier_id(%barrier3A)
    %run_scoped3A = arith.constant 0 : i32
    "tpu.region"() ({
      %run_scoped3A_62 = tpu.sem_alloc : memref<!tpu.dma_semaphore, #tpu.memory_space<semaphore_mem>>
      %dma_start3A_63 = arith.constant 0 : i32
      %dma_start3A_64 = arith.constant 0 : i32
      %dma_start3A_65 = tpu.memref_slice %arg2[%add3A, %run_scoped3A, %dma_start3A_63, %dma_start3A_64] : memref<32x2x40x128xi32, #tpu.memory_space<hbm>> -> memref<1x1x40x128xi32, #tpu.memory_space<hbm>>
      %dma_start3A_66 = tpu.memref_squeeze %dma_start3A_65 : memref<1x1x40x128xi32, #tpu.memory_space<hbm>> -> memref<40x128xi32, #tpu.memory_space<hbm>>
      %dma_start3A_67 = arith.constant 0 : i32
      %dma_start3A_68 = arith.constant 0 : i32
      %dma_start3A_69 = tpu.memref_slice %arg2[%add3A, %run_scoped3A, %dma_start3A_67, %dma_start3A_68] : memref<32x2x40x128xi32, #tpu.memory_space<hbm>> -> memref<1x1x40x128xi32, #tpu.memory_space<hbm>>
      %dma_start3A_70 = tpu.memref_squeeze %dma_start3A_69 : memref<1x1x40x128xi32, #tpu.memory_space<hbm>> -> memref<40x128xi32, #tpu.memory_space<hbm>>
      tpu.enqueue_dma source(%dma_start3A_70 : memref<40x128xi32, #tpu.memory_space<hbm>>) target(%arg6 : memref<40x128xi32, #tpu.memory_space<vmem>>) target_semaphore(%run_scoped3A_62 : memref<!tpu.dma_semaphore, #tpu.memory_space<semaphore_mem>>)
      %dma_wait3A_71 = arith.constant 0 : i32
      %dma_wait3A_72 = arith.constant 0 : i32
      %dma_wait3A_73 = tpu.memref_slice %arg2[%add3A, %run_scoped3A, %dma_wait3A_71, %dma_wait3A_72] : memref<32x2x40x128xi32, #tpu.memory_space<hbm>> -> memref<1x1x40x128xi32, #tpu.memory_space<hbm>>
      %dma_wait3A_74 = tpu.memref_squeeze %dma_wait3A_73 : memref<1x1x40x128xi32, #tpu.memory_space<hbm>> -> memref<40x128xi32, #tpu.memory_space<hbm>>
      %dma_wait3A_75 = arith.constant 0 : i32
      %dma_wait3A_76 = arith.constant 0 : i32
      %dma_wait3A_77 = tpu.memref_slice %arg2[%add3A, %run_scoped3A, %dma_wait3A_75, %dma_wait3A_76] : memref<32x2x40x128xi32, #tpu.memory_space<hbm>> -> memref<1x1x40x128xi32, #tpu.memory_space<hbm>>
      %dma_wait3A_78 = tpu.memref_squeeze %dma_wait3A_77 : memref<1x1x40x128xi32, #tpu.memory_space<hbm>> -> memref<40x128xi32, #tpu.memory_space<hbm>>
      tpu.wait_dma2 semaphore(%run_scoped3A_62 : memref<!tpu.dma_semaphore, #tpu.memory_space<semaphore_mem>>) src(%dma_wait3A_78 : memref<40x128xi32, #tpu.memory_space<hbm>>) dst(%arg6 : memref<40x128xi32, #tpu.memory_space<vmem>>)
      tpu.yield
    }) : () -> ()
    %run_scoped3A_5 = arith.constant 0 : i32
    "tpu.region"() ({
      %run_scoped3A_62 = tpu.sem_alloc : memref<!tpu.dma_semaphore, #tpu.memory_space<semaphore_mem>>
      %dma_start3A_63 = arith.constant 0 : i32
      %dma_start3A_64 = arith.constant 0 : i32
      %dma_start3A_65 = tpu.memref_slice %arg3[%add3A, %run_scoped3A_5, %dma_start3A_63, %dma_start3A_64] : memref<32x2x40x128xi32, #tpu.memory_space<hbm>> -> memref<1x1x40x128xi32, #tpu.memory_space<hbm>>
      %dma_start3A_66 = tpu.memref_squeeze %dma_start3A_65 : memref<1x1x40x128xi32, #tpu.memory_space<hbm>> -> memref<40x128xi32, #tpu.memory_space<hbm>>
      %dma_start3A_67 = arith.constant 0 : i32
      %dma_start3A_68 = arith.constant 0 : i32
      %dma_start3A_69 = tpu.memref_slice %arg3[%add3A, %run_scoped3A_5, %dma_start3A_67, %dma_start3A_68] : memref<32x2x40x128xi32, #tpu.memory_space<hbm>> -> memref<1x1x40x128xi32, #tpu.memory_space<hbm>>
      %dma_start3A_70 = tpu.memref_squeeze %dma_start3A_69 : memref<1x1x40x128xi32, #tpu.memory_space<hbm>> -> memref<40x128xi32, #tpu.memory_space<hbm>>
      tpu.enqueue_dma source(%dma_start3A_70 : memref<40x128xi32, #tpu.memory_space<hbm>>) target(%arg7 : memref<40x128xi32, #tpu.memory_space<vmem>>) target_semaphore(%run_scoped3A_62 : memref<!tpu.dma_semaphore, #tpu.memory_space<semaphore_mem>>)
      %dma_wait3A_71 = arith.constant 0 : i32
      %dma_wait3A_72 = arith.constant 0 : i32
      %dma_wait3A_73 = tpu.memref_slice %arg3[%add3A, %run_scoped3A_5, %dma_wait3A_71, %dma_wait3A_72] : memref<32x2x40x128xi32, #tpu.memory_space<hbm>> -> memref<1x1x40x128xi32, #tpu.memory_space<hbm>>
      %dma_wait3A_74 = tpu.memref_squeeze %dma_wait3A_73 : memref<1x1x40x128xi32, #tpu.memory_space<hbm>> -> memref<40x128xi32, #tpu.memory_space<hbm>>
      %dma_wait3A_75 = arith.constant 0 : i32
      %dma_wait3A_76 = arith.constant 0 : i32
      %dma_wait3A_77 = tpu.memref_slice %arg3[%add3A, %run_scoped3A_5, %dma_wait3A_75, %dma_wait3A_76] : memref<32x2x40x128xi32, #tpu.memory_space<hbm>> -> memref<1x1x40x128xi32, #tpu.memory_space<hbm>>
      %dma_wait3A_78 = tpu.memref_squeeze %dma_wait3A_77 : memref<1x1x40x128xi32, #tpu.memory_space<hbm>> -> memref<40x128xi32, #tpu.memory_space<hbm>>
      tpu.wait_dma2 semaphore(%run_scoped3A_62 : memref<!tpu.dma_semaphore, #tpu.memory_space<semaphore_mem>>) src(%dma_wait3A_78 : memref<40x128xi32, #tpu.memory_space<hbm>>) dst(%arg7 : memref<40x128xi32, #tpu.memory_space<vmem>>)
      tpu.yield
    }) : () -> ()
    %dma_start3A = arith.constant 0 : i32
    %dma_start3A_6 = arith.constant 0 : i32
    %dma_start3A_7 = arith.constant 0 : i32
    %dma_start3A_8 = tpu.memref_slice %arg6[%dma_start3A_6, %dma_start3A_7] : memref<40x128xi32, #tpu.memory_space<vmem>> -> memref<1x128xi32, #tpu.memory_space<vmem>>
    %dma_start3A_9 = tpu.memref_squeeze %dma_start3A_8 : memref<1x128xi32, #tpu.memory_space<vmem>> -> memref<128xi32, #tpu.memory_space<vmem>>
    %dma_start3A_10 = arith.constant 0 : i32
    %dma_start3A_11 = arith.constant 0 : i32
    %dma_start3A_12 = tpu.memref_slice %arg4[%dma_start3A, %dma_start3A_10, %dma_start3A_11] : memref<2x10240x128xf32, #tpu.memory_space<hbm>> -> memref<1x10240x128xf32, #tpu.memory_space<hbm>>
    %dma_start3A_13 = tpu.memref_squeeze %dma_start3A_12 : memref<1x10240x128xf32, #tpu.memory_space<hbm>> -> memref<10240x128xf32, #tpu.memory_space<hbm>>
    %dma_start3A_14 = arith.constant 0 : i32
    %dma_start3A_15 = arith.constant 0 : i32
    %dma_start3A_16 = tpu.memref_slice %dma_start3A_13[%dma_start3A_14, %dma_start3A_15] : memref<10240x128xf32, #tpu.memory_space<hbm>> -> memref<10240x128xf32, #tpu.memory_space<hbm>>
    tpu.enqueue_indirect_dma source(%dma_start3A_16 : memref<10240x128xf32, #tpu.memory_space<hbm>>) target(%arg8 : memref<128x128xf32, #tpu.memory_space<vmem>>) offsets(%dma_start3A_9 : memref<128xi32, #tpu.memory_space<vmem>>) semaphore(%arg11 : memref<!tpu.dma_semaphore, #tpu.memory_space<semaphore_mem>>)
    %scan3A = arith.constant 0 : i32
    %scan3A_17 = arith.constant 20 : i32
    %scan3A_18 = arith.addi %scan3A, %scan3A_17 : i32
    %scan3A_19 = arith.constant 1 : i32
    scf.for %scan3A_62 = %scan3A to %scan3A_18 step %scan3A_19  : i32 {
      %mul3A_63 = arith.constant 2 : i32
      %mul3A_64 = arith.muli %scan3A_62, %mul3A_63 : i32
      %add3A_65 = arith.constant 0 : i32
      %add3A_66 = arith.addi %add3A_65, %mul3A_64 : i32
      %add3A_67 = arith.constant 1 : i32
      %add3A_68 = arith.addi %add3A_66, %add3A_67 : i32
      %dma_start3A_69 = arith.constant 0 : i32
      %dma_start3A_70 = arith.constant 0 : i32
      %dma_start3A_71 = tpu.memref_slice %arg6[%add3A_68, %dma_start3A_70] : memref<40x128xi32, #tpu.memory_space<vmem>> -> memref<1x128xi32, #tpu.memory_space<vmem>>
      %dma_start3A_72 = tpu.memref_squeeze %dma_start3A_71 : memref<1x128xi32, #tpu.memory_space<vmem>> -> memref<128xi32, #tpu.memory_space<vmem>>
      %dma_start3A_73 = arith.constant 0 : i32
      %dma_start3A_74 = arith.constant 0 : i32
      %dma_start3A_75 = tpu.memref_slice %arg4[%dma_start3A_69, %dma_start3A_73, %dma_start3A_74] : memref<2x10240x128xf32, #tpu.memory_space<hbm>> -> memref<1x10240x128xf32, #tpu.memory_space<hbm>>
      %dma_start3A_76 = tpu.memref_squeeze %dma_start3A_75 : memref<1x10240x128xf32, #tpu.memory_space<hbm>> -> memref<10240x128xf32, #tpu.memory_space<hbm>>
      %dma_start3A_77 = arith.constant 0 : i32
      %dma_start3A_78 = arith.constant 0 : i32
      %dma_start3A_79 = tpu.memref_slice %dma_start3A_76[%dma_start3A_77, %dma_start3A_78] : memref<10240x128xf32, #tpu.memory_space<hbm>> -> memref<10240x128xf32, #tpu.memory_space<hbm>>
      tpu.enqueue_indirect_dma source(%dma_start3A_79 : memref<10240x128xf32, #tpu.memory_space<hbm>>) target(%arg9 : memref<128x128xf32, #tpu.memory_space<vmem>>) offsets(%dma_start3A_72 : memref<128xi32, #tpu.memory_space<vmem>>) semaphore(%arg12 : memref<!tpu.dma_semaphore, #tpu.memory_space<semaphore_mem>>)
      %dma_wait3A_80 = arith.constant 0 : i32
      %dma_wait3A_81 = arith.constant 0 : i32
      %dma_wait3A_82 = arith.constant 0 : i32
      %dma_wait3A_83 = tpu.memref_slice %arg4[%dma_wait3A_80, %dma_wait3A_81, %dma_wait3A_82] : memref<2x10240x128xf32, #tpu.memory_space<hbm>> -> memref<1x128x128xf32, #tpu.memory_space<hbm>>
      %dma_wait3A_84 = tpu.memref_squeeze %dma_wait3A_83 : memref<1x128x128xf32, #tpu.memory_space<hbm>> -> memref<128x128xf32, #tpu.memory_space<hbm>>
      %dma_wait3A_85 = arith.constant 0 : i32
      %dma_wait3A_86 = arith.constant 0 : i32
      %dma_wait3A_87 = tpu.memref_slice %arg4[%dma_wait3A_80, %dma_wait3A_85, %dma_wait3A_86] : memref<2x10240x128xf32, #tpu.memory_space<hbm>> -> memref<1x128x128xf32, #tpu.memory_space<hbm>>
      %dma_wait3A_88 = tpu.memref_squeeze %dma_wait3A_87 : memref<1x128x128xf32, #tpu.memory_space<hbm>> -> memref<128x128xf32, #tpu.memory_space<hbm>>
      tpu.wait_dma2 semaphore(%arg11 : memref<!tpu.dma_semaphore, #tpu.memory_space<semaphore_mem>>) src(%dma_wait3A_88 : memref<128x128xf32, #tpu.memory_space<hbm>>) dst(%arg8 : memref<128x128xf32, #tpu.memory_space<vmem>>)
      "tpu.region"() ({
        %run_scoped3A_114 = tpu.sem_alloc : memref<!tpu.dma_semaphore, #tpu.memory_space<semaphore_mem>>
        %dma_start3A_115 = arith.constant 0 : i32
        %dma_start3A_116 = tpu.memref_slice %arg7[%add3A_66, %dma_start3A_115] : memref<40x128xi32, #tpu.memory_space<vmem>> -> memref<1x128xi32, #tpu.memory_space<vmem>>
        %dma_start3A_117 = tpu.memref_squeeze %dma_start3A_116 : memref<1x128xi32, #tpu.memory_space<vmem>> -> memref<128xi32, #tpu.memory_space<vmem>>
        %dma_start3A_118 = arith.constant 0 : i32
        %dma_start3A_119 = arith.constant 0 : i32
        %dma_start3A_120 = tpu.memref_slice %arg10[%dma_start3A_118, %dma_start3A_119] : memref<10240x128xf32, #tpu.memory_space<vmem_shared>> -> memref<10240x128xf32, #tpu.memory_space<vmem_shared>>
        tpu.enqueue_indirect_dma source(%arg8 : memref<128x128xf32, #tpu.memory_space<vmem>>) target(%dma_start3A_120 : memref<10240x128xf32, #tpu.memory_space<vmem_shared>>) offsets(%dma_start3A_117 : memref<128xi32, #tpu.memory_space<vmem>>) semaphore(%run_scoped3A_114 : memref<!tpu.dma_semaphore, #tpu.memory_space<semaphore_mem>>) {add = true}
        %dma_wait3A_121 = arith.constant 0 : i32
        %dma_wait3A_122 = tpu.memref_slice %arg7[%add3A_66, %dma_wait3A_121] : memref<40x128xi32, #tpu.memory_space<vmem>> -> memref<1x128xi32, #tpu.memory_space<vmem>>
        %dma_wait3A_123 = tpu.memref_squeeze %dma_wait3A_122 : memref<1x128xi32, #tpu.memory_space<vmem>> -> memref<128xi32, #tpu.memory_space<vmem>>
        %dma_wait3A_124 = arith.constant 0 : i32
        %dma_wait3A_125 = arith.constant 0 : i32
        %dma_wait3A_126 = tpu.memref_slice %arg10[%dma_wait3A_124, %dma_wait3A_125] : memref<10240x128xf32, #tpu.memory_space<vmem_shared>> -> memref<10240x128xf32, #tpu.memory_space<vmem_shared>>
        tpu.wait_indirect_dma semaphore(%run_scoped3A_114 : memref<!tpu.dma_semaphore, #tpu.memory_space<semaphore_mem>>) src(%arg8 : memref<128x128xf32, #tpu.memory_space<vmem>>) dst(%dma_wait3A_126 : memref<10240x128xf32, #tpu.memory_space<vmem_shared>>)
        tpu.yield
      }) : () -> ()
      %add3A_89 = arith.constant 2 : i32
      %add3A_90 = arith.addi %add3A_66, %add3A_89 : i32
      %min3A = arith.constant 39 : i32
      %min3A_91 = arith.minsi %add3A_90, %min3A : i32
      %dma_start3A_92 = arith.constant 0 : i32
      %dma_start3A_93 = arith.constant 0 : i32
      %dma_start3A_94 = tpu.memref_slice %arg6[%min3A_91, %dma_start3A_93] : memref<40x128xi32, #tpu.memory_space<vmem>> -> memref<1x128xi32, #tpu.memory_space<vmem>>
      %dma_start3A_95 = tpu.memref_squeeze %dma_start3A_94 : memref<1x128xi32, #tpu.memory_space<vmem>> -> memref<128xi32, #tpu.memory_space<vmem>>
      %dma_start3A_96 = arith.constant 0 : i32
      %dma_start3A_97 = arith.constant 0 : i32
      %dma_start3A_98 = tpu.memref_slice %arg4[%dma_start3A_92, %dma_start3A_96, %dma_start3A_97] : memref<2x10240x128xf32, #tpu.memory_space<hbm>> -> memref<1x10240x128xf32, #tpu.memory_space<hbm>>
      %dma_start3A_99 = tpu.memref_squeeze %dma_start3A_98 : memref<1x10240x128xf32, #tpu.memory_space<hbm>> -> memref<10240x128xf32, #tpu.memory_space<hbm>>
      %dma_start3A_100 = arith.constant 0 : i32
      %dma_start3A_101 = arith.constant 0 : i32
      %dma_start3A_102 = tpu.memref_slice %dma_start3A_99[%dma_start3A_100, %dma_start3A_101] : memref<10240x128xf32, #tpu.memory_space<hbm>> -> memref<10240x128xf32, #tpu.memory_space<hbm>>
      tpu.enqueue_indirect_dma source(%dma_start3A_102 : memref<10240x128xf32, #tpu.memory_space<hbm>>) target(%arg8 : memref<128x128xf32, #tpu.memory_space<vmem>>) offsets(%dma_start3A_95 : memref<128xi32, #tpu.memory_space<vmem>>) semaphore(%arg11 : memref<!tpu.dma_semaphore, #tpu.memory_space<semaphore_mem>>)
      %dma_wait3A_103 = arith.constant 0 : i32
      %dma_wait3A_104 = arith.constant 0 : i32
      %dma_wait3A_105 = arith.constant 0 : i32
      %dma_wait3A_106 = tpu.memref_slice %arg4[%dma_wait3A_103, %dma_wait3A_104, %dma_wait3A_105] : memref<2x10240x128xf32, #tpu.memory_space<hbm>> -> memref<1x128x128xf32, #tpu.memory_space<hbm>>
      %dma_wait3A_107 = tpu.memref_squeeze %dma_wait3A_106 : memref<1x128x128xf32, #tpu.memory_space<hbm>> -> memref<128x128xf32, #tpu.memory_space<hbm>>
      %dma_wait3A_108 = arith.constant 0 : i32
      %dma_wait3A_109 = arith.constant 0 : i32
      %dma_wait3A_110 = tpu.memref_slice %arg4[%dma_wait3A_103, %dma_wait3A_108, %dma_wait3A_109] : memref<2x10240x128xf32, #tpu.memory_space<hbm>> -> memref<1x128x128xf32, #tpu.memory_space<hbm>>
      %dma_wait3A_111 = tpu.memref_squeeze %dma_wait3A_110 : memref<1x128x128xf32, #tpu.memory_space<hbm>> -> memref<128x128xf32, #tpu.memory_space<hbm>>
      tpu.wait_dma2 semaphore(%arg12 : memref<!tpu.dma_semaphore, #tpu.memory_space<semaphore_mem>>) src(%dma_wait3A_111 : memref<128x128xf32, #tpu.memory_space<hbm>>) dst(%arg9 : memref<128x128xf32, #tpu.memory_space<vmem>>)
      %add3A_112 = arith.constant 1 : i32
      %add3A_113 = arith.addi %add3A_66, %add3A_112 : i32
      "tpu.region"() ({
        %run_scoped3A_114 = tpu.sem_alloc : memref<!tpu.dma_semaphore, #tpu.memory_space<semaphore_mem>>
        %dma_start3A_115 = arith.constant 0 : i32
        %dma_start3A_116 = tpu.memref_slice %arg7[%add3A_113, %dma_start3A_115] : memref<40x128xi32, #tpu.memory_space<vmem>> -> memref<1x128xi32, #tpu.memory_space<vmem>>
        %dma_start3A_117 = tpu.memref_squeeze %dma_start3A_116 : memref<1x128xi32, #tpu.memory_space<vmem>> -> memref<128xi32, #tpu.memory_space<vmem>>
        %dma_start3A_118 = arith.constant 0 : i32
        %dma_start3A_119 = arith.constant 0 : i32
        %dma_start3A_120 = tpu.memref_slice %arg10[%dma_start3A_118, %dma_start3A_119] : memref<10240x128xf32, #tpu.memory_space<vmem_shared>> -> memref<10240x128xf32, #tpu.memory_space<vmem_shared>>
        tpu.enqueue_indirect_dma source(%arg9 : memref<128x128xf32, #tpu.memory_space<vmem>>) target(%dma_start3A_120 : memref<10240x128xf32, #tpu.memory_space<vmem_shared>>) offsets(%dma_start3A_117 : memref<128xi32, #tpu.memory_space<vmem>>) semaphore(%run_scoped3A_114 : memref<!tpu.dma_semaphore, #tpu.memory_space<semaphore_mem>>) {add = true}
        %dma_wait3A_121 = arith.constant 0 : i32
        %dma_wait3A_122 = tpu.memref_slice %arg7[%add3A_113, %dma_wait3A_121] : memref<40x128xi32, #tpu.memory_space<vmem>> -> memref<1x128xi32, #tpu.memory_space<vmem>>
        %dma_wait3A_123 = tpu.memref_squeeze %dma_wait3A_122 : memref<1x128xi32, #tpu.memory_space<vmem>> -> memref<128xi32, #tpu.memory_space<vmem>>
        %dma_wait3A_124 = arith.constant 0 : i32
        %dma_wait3A_125 = arith.constant 0 : i32
        %dma_wait3A_126 = tpu.memref_slice %arg10[%dma_wait3A_124, %dma_wait3A_125] : memref<10240x128xf32, #tpu.memory_space<vmem_shared>> -> memref<10240x128xf32, #tpu.memory_space<vmem_shared>>
        tpu.wait_indirect_dma semaphore(%run_scoped3A_114 : memref<!tpu.dma_semaphore, #tpu.memory_space<semaphore_mem>>) src(%arg9 : memref<128x128xf32, #tpu.memory_space<vmem>>) dst(%dma_wait3A_126 : memref<10240x128xf32, #tpu.memory_space<vmem_shared>>)
        tpu.yield
      }) : () -> ()
    }
    %scan3A_20 = arith.constant 20 : i32
    %dma_wait3A = arith.constant 0 : i32
    %dma_wait3A_21 = arith.constant 0 : i32
    %dma_wait3A_22 = arith.constant 0 : i32
    %dma_wait3A_23 = tpu.memref_slice %arg4[%dma_wait3A, %dma_wait3A_21, %dma_wait3A_22] : memref<2x10240x128xf32, #tpu.memory_space<hbm>> -> memref<1x128x128xf32, #tpu.memory_space<hbm>>
    %dma_wait3A_24 = tpu.memref_squeeze %dma_wait3A_23 : memref<1x128x128xf32, #tpu.memory_space<hbm>> -> memref<128x128xf32, #tpu.memory_space<hbm>>
    %dma_wait3A_25 = arith.constant 0 : i32
    %dma_wait3A_26 = arith.constant 0 : i32
    %dma_wait3A_27 = tpu.memref_slice %arg4[%dma_wait3A, %dma_wait3A_25, %dma_wait3A_26] : memref<2x10240x128xf32, #tpu.memory_space<hbm>> -> memref<1x128x128xf32, #tpu.memory_space<hbm>>
    %dma_wait3A_28 = tpu.memref_squeeze %dma_wait3A_27 : memref<1x128x128xf32, #tpu.memory_space<hbm>> -> memref<128x128xf32, #tpu.memory_space<hbm>>
    tpu.wait_dma2 semaphore(%arg11 : memref<!tpu.dma_semaphore, #tpu.memory_space<semaphore_mem>>) src(%dma_wait3A_28 : memref<128x128xf32, #tpu.memory_space<hbm>>) dst(%arg8 : memref<128x128xf32, #tpu.memory_space<vmem>>)
    %run_scoped3A_29 = arith.constant 1 : i32
    "tpu.region"() ({
      %run_scoped3A_62 = tpu.sem_alloc : memref<!tpu.dma_semaphore, #tpu.memory_space<semaphore_mem>>
      %dma_start3A_63 = arith.constant 0 : i32
      %dma_start3A_64 = arith.constant 0 : i32
      %dma_start3A_65 = tpu.memref_slice %arg2[%add3A, %run_scoped3A_29, %dma_start3A_63, %dma_start3A_64] : memref<32x2x40x128xi32, #tpu.memory_space<hbm>> -> memref<1x1x40x128xi32, #tpu.memory_space<hbm>>
      %dma_start3A_66 = tpu.memref_squeeze %dma_start3A_65 : memref<1x1x40x128xi32, #tpu.memory_space<hbm>> -> memref<40x128xi32, #tpu.memory_space<hbm>>
      %dma_start3A_67 = arith.constant 0 : i32
      %dma_start3A_68 = arith.constant 0 : i32
      %dma_start3A_69 = tpu.memref_slice %arg2[%add3A, %run_scoped3A_29, %dma_start3A_67, %dma_start3A_68] : memref<32x2x40x128xi32, #tpu.memory_space<hbm>> -> memref<1x1x40x128xi32, #tpu.memory_space<hbm>>
      %dma_start3A_70 = tpu.memref_squeeze %dma_start3A_69 : memref<1x1x40x128xi32, #tpu.memory_space<hbm>> -> memref<40x128xi32, #tpu.memory_space<hbm>>
      tpu.enqueue_dma source(%dma_start3A_70 : memref<40x128xi32, #tpu.memory_space<hbm>>) target(%arg6 : memref<40x128xi32, #tpu.memory_space<vmem>>) target_semaphore(%run_scoped3A_62 : memref<!tpu.dma_semaphore, #tpu.memory_space<semaphore_mem>>)
      %dma_wait3A_71 = arith.constant 0 : i32
      %dma_wait3A_72 = arith.constant 0 : i32
      %dma_wait3A_73 = tpu.memref_slice %arg2[%add3A, %run_scoped3A_29, %dma_wait3A_71, %dma_wait3A_72] : memref<32x2x40x128xi32, #tpu.memory_space<hbm>> -> memref<1x1x40x128xi32, #tpu.memory_space<hbm>>
      %dma_wait3A_74 = tpu.memref_squeeze %dma_wait3A_73 : memref<1x1x40x128xi32, #tpu.memory_space<hbm>> -> memref<40x128xi32, #tpu.memory_space<hbm>>
      %dma_wait3A_75 = arith.constant 0 : i32
      %dma_wait3A_76 = arith.constant 0 : i32
      %dma_wait3A_77 = tpu.memref_slice %arg2[%add3A, %run_scoped3A_29, %dma_wait3A_75, %dma_wait3A_76] : memref<32x2x40x128xi32, #tpu.memory_space<hbm>> -> memref<1x1x40x128xi32, #tpu.memory_space<hbm>>
      %dma_wait3A_78 = tpu.memref_squeeze %dma_wait3A_77 : memref<1x1x40x128xi32, #tpu.memory_space<hbm>> -> memref<40x128xi32, #tpu.memory_space<hbm>>
      tpu.wait_dma2 semaphore(%run_scoped3A_62 : memref<!tpu.dma_semaphore, #tpu.memory_space<semaphore_mem>>) src(%dma_wait3A_78 : memref<40x128xi32, #tpu.memory_space<hbm>>) dst(%arg6 : memref<40x128xi32, #tpu.memory_space<vmem>>)
      tpu.yield
    }) : () -> ()
    %run_scoped3A_30 = arith.constant 1 : i32
    "tpu.region"() ({
      %run_scoped3A_62 = tpu.sem_alloc : memref<!tpu.dma_semaphore, #tpu.memory_space<semaphore_mem>>
      %dma_start3A_63 = arith.constant 0 : i32
      %dma_start3A_64 = arith.constant 0 : i32
      %dma_start3A_65 = tpu.memref_slice %arg3[%add3A, %run_scoped3A_30, %dma_start3A_63, %dma_start3A_64] : memref<32x2x40x128xi32, #tpu.memory_space<hbm>> -> memref<1x1x40x128xi32, #tpu.memory_space<hbm>>
      %dma_start3A_66 = tpu.memref_squeeze %dma_start3A_65 : memref<1x1x40x128xi32, #tpu.memory_space<hbm>> -> memref<40x128xi32, #tpu.memory_space<hbm>>
      %dma_start3A_67 = arith.constant 0 : i32
      %dma_start3A_68 = arith.constant 0 : i32
      %dma_start3A_69 = tpu.memref_slice %arg3[%add3A, %run_scoped3A_30, %dma_start3A_67, %dma_start3A_68] : memref<32x2x40x128xi32, #tpu.memory_space<hbm>> -> memref<1x1x40x128xi32, #tpu.memory_space<hbm>>
      %dma_start3A_70 = tpu.memref_squeeze %dma_start3A_69 : memref<1x1x40x128xi32, #tpu.memory_space<hbm>> -> memref<40x128xi32, #tpu.memory_space<hbm>>
      tpu.enqueue_dma source(%dma_start3A_70 : memref<40x128xi32, #tpu.memory_space<hbm>>) target(%arg7 : memref<40x128xi32, #tpu.memory_space<vmem>>) target_semaphore(%run_scoped3A_62 : memref<!tpu.dma_semaphore, #tpu.memory_space<semaphore_mem>>)
      %dma_wait3A_71 = arith.constant 0 : i32
      %dma_wait3A_72 = arith.constant 0 : i32
      %dma_wait3A_73 = tpu.memref_slice %arg3[%add3A, %run_scoped3A_30, %dma_wait3A_71, %dma_wait3A_72] : memref<32x2x40x128xi32, #tpu.memory_space<hbm>> -> memref<1x1x40x128xi32, #tpu.memory_space<hbm>>
      %dma_wait3A_74 = tpu.memref_squeeze %dma_wait3A_73 : memref<1x1x40x128xi32, #tpu.memory_space<hbm>> -> memref<40x128xi32, #tpu.memory_space<hbm>>
      %dma_wait3A_75 = arith.constant 0 : i32
      %dma_wait3A_76 = arith.constant 0 : i32
      %dma_wait3A_77 = tpu.memref_slice %arg3[%add3A, %run_scoped3A_30, %dma_wait3A_75, %dma_wait3A_76] : memref<32x2x40x128xi32, #tpu.memory_space<hbm>> -> memref<1x1x40x128xi32, #tpu.memory_space<hbm>>
      %dma_wait3A_78 = tpu.memref_squeeze %dma_wait3A_77 : memref<1x1x40x128xi32, #tpu.memory_space<hbm>> -> memref<40x128xi32, #tpu.memory_space<hbm>>
      tpu.wait_dma2 semaphore(%run_scoped3A_62 : memref<!tpu.dma_semaphore, #tpu.memory_space<semaphore_mem>>) src(%dma_wait3A_78 : memref<40x128xi32, #tpu.memory_space<hbm>>) dst(%arg7 : memref<40x128xi32, #tpu.memory_space<vmem>>)
      tpu.yield
    }) : () -> ()
    %dma_start3A_31 = arith.constant 0 : i32
    %dma_start3A_32 = arith.constant 0 : i32
    %dma_start3A_33 = arith.constant 0 : i32
    %dma_start3A_34 = tpu.memref_slice %arg6[%dma_start3A_32, %dma_start3A_33] : memref<40x128xi32, #tpu.memory_space<vmem>> -> memref<1x128xi32, #tpu.memory_space<vmem>>
    %dma_start3A_35 = tpu.memref_squeeze %dma_start3A_34 : memref<1x128xi32, #tpu.memory_space<vmem>> -> memref<128xi32, #tpu.memory_space<vmem>>
    %dma_start3A_36 = arith.constant 0 : i32
    %dma_start3A_37 = arith.constant 0 : i32
    %dma_start3A_38 = tpu.memref_slice %arg4[%dma_start3A_31, %dma_start3A_36, %dma_start3A_37] : memref<2x10240x128xf32, #tpu.memory_space<hbm>> -> memref<1x10240x128xf32, #tpu.memory_space<hbm>>
    %dma_start3A_39 = tpu.memref_squeeze %dma_start3A_38 : memref<1x10240x128xf32, #tpu.memory_space<hbm>> -> memref<10240x128xf32, #tpu.memory_space<hbm>>
    %dma_start3A_40 = arith.constant 0 : i32
    %dma_start3A_41 = arith.constant 0 : i32
    %dma_start3A_42 = tpu.memref_slice %dma_start3A_39[%dma_start3A_40, %dma_start3A_41] : memref<10240x128xf32, #tpu.memory_space<hbm>> -> memref<10240x128xf32, #tpu.memory_space<hbm>>
    tpu.enqueue_indirect_dma source(%dma_start3A_42 : memref<10240x128xf32, #tpu.memory_space<hbm>>) target(%arg8 : memref<128x128xf32, #tpu.memory_space<vmem>>) offsets(%dma_start3A_35 : memref<128xi32, #tpu.memory_space<vmem>>) semaphore(%arg11 : memref<!tpu.dma_semaphore, #tpu.memory_space<semaphore_mem>>)
    %scan3A_43 = arith.constant 0 : i32
    %scan3A_44 = arith.constant 20 : i32
    %scan3A_45 = arith.addi %scan3A_43, %scan3A_44 : i32
    %scan3A_46 = arith.constant 1 : i32
    scf.for %scan3A_62 = %scan3A_43 to %scan3A_45 step %scan3A_46  : i32 {
      %mul3A_63 = arith.constant 2 : i32
      %mul3A_64 = arith.muli %scan3A_62, %mul3A_63 : i32
      %add3A_65 = arith.constant 0 : i32
      %add3A_66 = arith.addi %add3A_65, %mul3A_64 : i32
      %add3A_67 = arith.constant 1 : i32
      %add3A_68 = arith.addi %add3A_66, %add3A_67 : i32
      %dma_start3A_69 = arith.constant 0 : i32
      %dma_start3A_70 = arith.constant 0 : i32
      %dma_start3A_71 = tpu.memref_slice %arg6[%add3A_68, %dma_start3A_70] : memref<40x128xi32, #tpu.memory_space<vmem>> -> memref<1x128xi32, #tpu.memory_space<vmem>>
      %dma_start3A_72 = tpu.memref_squeeze %dma_start3A_71 : memref<1x128xi32, #tpu.memory_space<vmem>> -> memref<128xi32, #tpu.memory_space<vmem>>
      %dma_start3A_73 = arith.constant 0 : i32
      %dma_start3A_74 = arith.constant 0 : i32
      %dma_start3A_75 = tpu.memref_slice %arg4[%dma_start3A_69, %dma_start3A_73, %dma_start3A_74] : memref<2x10240x128xf32, #tpu.memory_space<hbm>> -> memref<1x10240x128xf32, #tpu.memory_space<hbm>>
      %dma_start3A_76 = tpu.memref_squeeze %dma_start3A_75 : memref<1x10240x128xf32, #tpu.memory_space<hbm>> -> memref<10240x128xf32, #tpu.memory_space<hbm>>
      %dma_start3A_77 = arith.constant 0 : i32
      %dma_start3A_78 = arith.constant 0 : i32
      %dma_start3A_79 = tpu.memref_slice %dma_start3A_76[%dma_start3A_77, %dma_start3A_78] : memref<10240x128xf32, #tpu.memory_space<hbm>> -> memref<10240x128xf32, #tpu.memory_space<hbm>>
      tpu.enqueue_indirect_dma source(%dma_start3A_79 : memref<10240x128xf32, #tpu.memory_space<hbm>>) target(%arg9 : memref<128x128xf32, #tpu.memory_space<vmem>>) offsets(%dma_start3A_72 : memref<128xi32, #tpu.memory_space<vmem>>) semaphore(%arg12 : memref<!tpu.dma_semaphore, #tpu.memory_space<semaphore_mem>>)
      %dma_wait3A_80 = arith.constant 0 : i32
      %dma_wait3A_81 = arith.constant 0 : i32
      %dma_wait3A_82 = arith.constant 0 : i32
      %dma_wait3A_83 = tpu.memref_slice %arg4[%dma_wait3A_80, %dma_wait3A_81, %dma_wait3A_82] : memref<2x10240x128xf32, #tpu.memory_space<hbm>> -> memref<1x128x128xf32, #tpu.memory_space<hbm>>
      %dma_wait3A_84 = tpu.memref_squeeze %dma_wait3A_83 : memref<1x128x128xf32, #tpu.memory_space<hbm>> -> memref<128x128xf32, #tpu.memory_space<hbm>>
      %dma_wait3A_85 = arith.constant 0 : i32
      %dma_wait3A_86 = arith.constant 0 : i32
      %dma_wait3A_87 = tpu.memref_slice %arg4[%dma_wait3A_80, %dma_wait3A_85, %dma_wait3A_86] : memref<2x10240x128xf32, #tpu.memory_space<hbm>> -> memref<1x128x128xf32, #tpu.memory_space<hbm>>
      %dma_wait3A_88 = tpu.memref_squeeze %dma_wait3A_87 : memref<1x128x128xf32, #tpu.memory_space<hbm>> -> memref<128x128xf32, #tpu.memory_space<hbm>>
      tpu.wait_dma2 semaphore(%arg11 : memref<!tpu.dma_semaphore, #tpu.memory_space<semaphore_mem>>) src(%dma_wait3A_88 : memref<128x128xf32, #tpu.memory_space<hbm>>) dst(%arg8 : memref<128x128xf32, #tpu.memory_space<vmem>>)
      "tpu.region"() ({
        %run_scoped3A_114 = tpu.sem_alloc : memref<!tpu.dma_semaphore, #tpu.memory_space<semaphore_mem>>
        %dma_start3A_115 = arith.constant 0 : i32
        %dma_start3A_116 = tpu.memref_slice %arg7[%add3A_66, %dma_start3A_115] : memref<40x128xi32, #tpu.memory_space<vmem>> -> memref<1x128xi32, #tpu.memory_space<vmem>>
        %dma_start3A_117 = tpu.memref_squeeze %dma_start3A_116 : memref<1x128xi32, #tpu.memory_space<vmem>> -> memref<128xi32, #tpu.memory_space<vmem>>
        %dma_start3A_118 = arith.constant 0 : i32
        %dma_start3A_119 = arith.constant 0 : i32
        %dma_start3A_120 = tpu.memref_slice %arg10[%dma_start3A_118, %dma_start3A_119] : memref<10240x128xf32, #tpu.memory_space<vmem_shared>> -> memref<10240x128xf32, #tpu.memory_space<vmem_shared>>
        tpu.enqueue_indirect_dma source(%arg8 : memref<128x128xf32, #tpu.memory_space<vmem>>) target(%dma_start3A_120 : memref<10240x128xf32, #tpu.memory_space<vmem_shared>>) offsets(%dma_start3A_117 : memref<128xi32, #tpu.memory_space<vmem>>) semaphore(%run_scoped3A_114 : memref<!tpu.dma_semaphore, #tpu.memory_space<semaphore_mem>>) {add = true}
        %dma_wait3A_121 = arith.constant 0 : i32
        %dma_wait3A_122 = tpu.memref_slice %arg7[%add3A_66, %dma_wait3A_121] : memref<40x128xi32, #tpu.memory_space<vmem>> -> memref<1x128xi32, #tpu.memory_space<vmem>>
        %dma_wait3A_123 = tpu.memref_squeeze %dma_wait3A_122 : memref<1x128xi32, #tpu.memory_space<vmem>> -> memref<128xi32, #tpu.memory_space<vmem>>
        %dma_wait3A_124 = arith.constant 0 : i32
        %dma_wait3A_125 = arith.constant 0 : i32
        %dma_wait3A_126 = tpu.memref_slice %arg10[%dma_wait3A_124, %dma_wait3A_125] : memref<10240x128xf32, #tpu.memory_space<vmem_shared>> -> memref<10240x128xf32, #tpu.memory_space<vmem_shared>>
        tpu.wait_indirect_dma semaphore(%run_scoped3A_114 : memref<!tpu.dma_semaphore, #tpu.memory_space<semaphore_mem>>) src(%arg8 : memref<128x128xf32, #tpu.memory_space<vmem>>) dst(%dma_wait3A_126 : memref<10240x128xf32, #tpu.memory_space<vmem_shared>>)
        tpu.yield
      }) : () -> ()
      %add3A_89 = arith.constant 2 : i32
      %add3A_90 = arith.addi %add3A_66, %add3A_89 : i32
      %min3A = arith.constant 39 : i32
      %min3A_91 = arith.minsi %add3A_90, %min3A : i32
      %dma_start3A_92 = arith.constant 0 : i32
      %dma_start3A_93 = arith.constant 0 : i32
      %dma_start3A_94 = tpu.memref_slice %arg6[%min3A_91, %dma_start3A_93] : memref<40x128xi32, #tpu.memory_space<vmem>> -> memref<1x128xi32, #tpu.memory_space<vmem>>
      %dma_start3A_95 = tpu.memref_squeeze %dma_start3A_94 : memref<1x128xi32, #tpu.memory_space<vmem>> -> memref<128xi32, #tpu.memory_space<vmem>>
      %dma_start3A_96 = arith.constant 0 : i32
      %dma_start3A_97 = arith.constant 0 : i32
      %dma_start3A_98 = tpu.memref_slice %arg4[%dma_start3A_92, %dma_start3A_96, %dma_start3A_97] : memref<2x10240x128xf32, #tpu.memory_space<hbm>> -> memref<1x10240x128xf32, #tpu.memory_space<hbm>>
      %dma_start3A_99 = tpu.memref_squeeze %dma_start3A_98 : memref<1x10240x128xf32, #tpu.memory_space<hbm>> -> memref<10240x128xf32, #tpu.memory_space<hbm>>
      %dma_start3A_100 = arith.constant 0 : i32
      %dma_start3A_101 = arith.constant 0 : i32
      %dma_start3A_102 = tpu.memref_slice %dma_start3A_99[%dma_start3A_100, %dma_start3A_101] : memref<10240x128xf32, #tpu.memory_space<hbm>> -> memref<10240x128xf32, #tpu.memory_space<hbm>>
      tpu.enqueue_indirect_dma source(%dma_start3A_102 : memref<10240x128xf32, #tpu.memory_space<hbm>>) target(%arg8 : memref<128x128xf32, #tpu.memory_space<vmem>>) offsets(%dma_start3A_95 : memref<128xi32, #tpu.memory_space<vmem>>) semaphore(%arg11 : memref<!tpu.dma_semaphore, #tpu.memory_space<semaphore_mem>>)
      %dma_wait3A_103 = arith.constant 0 : i32
      %dma_wait3A_104 = arith.constant 0 : i32
      %dma_wait3A_105 = arith.constant 0 : i32
      %dma_wait3A_106 = tpu.memref_slice %arg4[%dma_wait3A_103, %dma_wait3A_104, %dma_wait3A_105] : memref<2x10240x128xf32, #tpu.memory_space<hbm>> -> memref<1x128x128xf32, #tpu.memory_space<hbm>>
      %dma_wait3A_107 = tpu.memref_squeeze %dma_wait3A_106 : memref<1x128x128xf32, #tpu.memory_space<hbm>> -> memref<128x128xf32, #tpu.memory_space<hbm>>
      %dma_wait3A_108 = arith.constant 0 : i32
      %dma_wait3A_109 = arith.constant 0 : i32
      %dma_wait3A_110 = tpu.memref_slice %arg4[%dma_wait3A_103, %dma_wait3A_108, %dma_wait3A_109] : memref<2x10240x128xf32, #tpu.memory_space<hbm>> -> memref<1x128x128xf32, #tpu.memory_space<hbm>>
      %dma_wait3A_111 = tpu.memref_squeeze %dma_wait3A_110 : memref<1x128x128xf32, #tpu.memory_space<hbm>> -> memref<128x128xf32, #tpu.memory_space<hbm>>
      tpu.wait_dma2 semaphore(%arg12 : memref<!tpu.dma_semaphore, #tpu.memory_space<semaphore_mem>>) src(%dma_wait3A_111 : memref<128x128xf32, #tpu.memory_space<hbm>>) dst(%arg9 : memref<128x128xf32, #tpu.memory_space<vmem>>)
      %add3A_112 = arith.constant 1 : i32
      %add3A_113 = arith.addi %add3A_66, %add3A_112 : i32
      "tpu.region"() ({
        %run_scoped3A_114 = tpu.sem_alloc : memref<!tpu.dma_semaphore, #tpu.memory_space<semaphore_mem>>
        %dma_start3A_115 = arith.constant 0 : i32
        %dma_start3A_116 = tpu.memref_slice %arg7[%add3A_113, %dma_start3A_115] : memref<40x128xi32, #tpu.memory_space<vmem>> -> memref<1x128xi32, #tpu.memory_space<vmem>>
        %dma_start3A_117 = tpu.memref_squeeze %dma_start3A_116 : memref<1x128xi32, #tpu.memory_space<vmem>> -> memref<128xi32, #tpu.memory_space<vmem>>
        %dma_start3A_118 = arith.constant 0 : i32
        %dma_start3A_119 = arith.constant 0 : i32
        %dma_start3A_120 = tpu.memref_slice %arg10[%dma_start3A_118, %dma_start3A_119] : memref<10240x128xf32, #tpu.memory_space<vmem_shared>> -> memref<10240x128xf32, #tpu.memory_space<vmem_shared>>
        tpu.enqueue_indirect_dma source(%arg9 : memref<128x128xf32, #tpu.memory_space<vmem>>) target(%dma_start3A_120 : memref<10240x128xf32, #tpu.memory_space<vmem_shared>>) offsets(%dma_start3A_117 : memref<128xi32, #tpu.memory_space<vmem>>) semaphore(%run_scoped3A_114 : memref<!tpu.dma_semaphore, #tpu.memory_space<semaphore_mem>>) {add = true}
        %dma_wait3A_121 = arith.constant 0 : i32
        %dma_wait3A_122 = tpu.memref_slice %arg7[%add3A_113, %dma_wait3A_121] : memref<40x128xi32, #tpu.memory_space<vmem>> -> memref<1x128xi32, #tpu.memory_space<vmem>>
        %dma_wait3A_123 = tpu.memref_squeeze %dma_wait3A_122 : memref<1x128xi32, #tpu.memory_space<vmem>> -> memref<128xi32, #tpu.memory_space<vmem>>
        %dma_wait3A_124 = arith.constant 0 : i32
        %dma_wait3A_125 = arith.constant 0 : i32
        %dma_wait3A_126 = tpu.memref_slice %arg10[%dma_wait3A_124, %dma_wait3A_125] : memref<10240x128xf32, #tpu.memory_space<vmem_shared>> -> memref<10240x128xf32, #tpu.memory_space<vmem_shared>>
        tpu.wait_indirect_dma semaphore(%run_scoped3A_114 : memref<!tpu.dma_semaphore, #tpu.memory_space<semaphore_mem>>) src(%arg9 : memref<128x128xf32, #tpu.memory_space<vmem>>) dst(%dma_wait3A_126 : memref<10240x128xf32, #tpu.memory_space<vmem_shared>>)
        tpu.yield
      }) : () -> ()
    }
    %scan3A_47 = arith.constant 20 : i32
    %dma_wait3A_48 = arith.constant 0 : i32
    %dma_wait3A_49 = arith.constant 0 : i32
    %dma_wait3A_50 = arith.constant 0 : i32
    %dma_wait3A_51 = tpu.memref_slice %arg4[%dma_wait3A_48, %dma_wait3A_49, %dma_wait3A_50] : memref<2x10240x128xf32, #tpu.memory_space<hbm>> -> memref<1x128x128xf32, #tpu.memory_space<hbm>>
    %dma_wait3A_52 = tpu.memref_squeeze %dma_wait3A_51 : memref<1x128x128xf32, #tpu.memory_space<hbm>> -> memref<128x128xf32, #tpu.memory_space<hbm>>
    %dma_wait3A_53 = arith.constant 0 : i32
    %dma_wait3A_54 = arith.constant 0 : i32
    %dma_wait3A_55 = tpu.memref_slice %arg4[%dma_wait3A_48, %dma_wait3A_53, %dma_wait3A_54] : memref<2x10240x128xf32, #tpu.memory_space<hbm>> -> memref<1x128x128xf32, #tpu.memory_space<hbm>>
    %dma_wait3A_56 = tpu.memref_squeeze %dma_wait3A_55 : memref<1x128x128xf32, #tpu.memory_space<hbm>> -> memref<128x128xf32, #tpu.memory_space<hbm>>
    tpu.wait_dma2 semaphore(%arg11 : memref<!tpu.dma_semaphore, #tpu.memory_space<semaphore_mem>>) src(%dma_wait3A_56 : memref<128x128xf32, #tpu.memory_space<hbm>>) dst(%arg8 : memref<128x128xf32, #tpu.memory_space<vmem>>)
    %barrier3A_57 = arith.constant 0 : index
    tpu.barrier barrier_id(%barrier3A_57)
    %mul3A_58 = arith.constant 640 : i32
    %mul3A_59 = arith.muli %arg1, %mul3A_58 : i32
    %mul3A_60 = arith.constant 640 : i32
    %mul3A_61 = arith.muli %arg1, %mul3A_60 : i32
    "tpu.region"() ({
      %run_scoped3A_62 = tpu.sem_alloc : memref<!tpu.dma_semaphore, #tpu.memory_space<semaphore_mem>>
      %dma_start3A_63 = arith.constant 0 : i32
      %dma_start3A_64 = tpu.memref_slice %arg5[%arg0, %mul3A_61, %dma_start3A_63] : memref<2x10240x128xf32, #tpu.memory_space<hbm>> -> memref<1x640x128xf32, #tpu.memory_space<hbm>>
      %dma_start3A_65 = tpu.memref_squeeze %dma_start3A_64 : memref<1x640x128xf32, #tpu.memory_space<hbm>> -> memref<640x128xf32, #tpu.memory_space<hbm>>
      %dma_start3A_66 = arith.constant 0 : i32
      %dma_start3A_67 = tpu.memref_slice %arg10[%mul3A_59, %dma_start3A_66] : memref<10240x128xf32, #tpu.memory_space<vmem_shared>> -> memref<640x128xf32, #tpu.memory_space<vmem_shared>>
      tpu.enqueue_dma source(%dma_start3A_67 : memref<640x128xf32, #tpu.memory_space<vmem_shared>>) target(%dma_start3A_65 : memref<640x128xf32, #tpu.memory_space<hbm>>) target_semaphore(%run_scoped3A_62 : memref<!tpu.dma_semaphore, #tpu.memory_space<semaphore_mem>>)
      %dma_wait3A_68 = arith.constant 0 : i32
      %dma_wait3A_69 = tpu.memref_slice %arg5[%arg0, %mul3A_61, %dma_wait3A_68] : memref<2x10240x128xf32, #tpu.memory_space<hbm>> -> memref<1x640x128xf32, #tpu.memory_space<hbm>>
      %dma_wait3A_70 = tpu.memref_squeeze %dma_wait3A_69 : memref<1x640x128xf32, #tpu.memory_space<hbm>> -> memref<640x128xf32, #tpu.memory_space<hbm>>
      %dma_wait3A_71 = arith.constant 0 : i32
      %dma_wait3A_72 = tpu.memref_slice %arg10[%mul3A_59, %dma_wait3A_71] : memref<10240x128xf32, #tpu.memory_space<vmem_shared>> -> memref<640x128xf32, #tpu.memory_space<vmem_shared>>
      tpu.wait_dma2 semaphore(%run_scoped3A_62 : memref<!tpu.dma_semaphore, #tpu.memory_space<semaphore_mem>>) src(%dma_wait3A_72 : memref<640x128xf32, #tpu.memory_space<vmem_shared>>) dst(%dma_wait3A_70 : memref<640x128xf32, #tpu.memory_space<hbm>>)
      tpu.yield
    }) : () -> ()
    return
  }
}

#map = affine_map<(d0, d1) -> (0, 0, 0)>
#map1 = affine_map<(d0, d1) -> (0, 0)>
module attributes {stable_mosaic.version = 14 : i64} {
  func.func @_sc_deg_gather(%arg0: i32, %arg1: i32, %arg2: memref<32x80x128xi32, #tpu.memory_space<hbm>>, %arg3: memref<32x5x64xi32, #tpu.memory_space<hbm>>, %arg4: memref<10240x128xf32, #tpu.memory_space<hbm>>, %arg5: memref<128x128xf32, #tpu.memory_space<hbm>>, %arg6: memref<4096x256xf32, #tpu.memory_space<hbm>>, %arg7: memref<2x10240x128xf32, #tpu.memory_space<hbm>>, %arg8: memref<10240x256xf32, #tpu.memory_space<hbm>>, %arg9: memref<80x128xi32, #tpu.memory_space<vmem>>, %arg10: memref<5x64xi32, #tpu.memory_space<vmem>>, %arg11: memref<128x128xf32, #tpu.memory_space<vmem>>, %arg12: memref<64x256xf32, #tpu.memory_space<vmem>>, %arg13: memref<10240x128xf32, #tpu.memory_space<vmem_shared>>, %arg14: memref<!tpu.dma_semaphore, #tpu.memory_space<semaphore_mem>>, %arg15: memref<!tpu.dma_semaphore, #tpu.memory_space<semaphore_mem>>) attributes {dimension_semantics = [#tpu.dimension_semantics<core_parallel>, #tpu.dimension_semantics<subcore_parallel>], iteration_bounds = array<i64: 2, 16>, scalar_prefetch = 0 : i64, scratch_operands = 7 : i64, tpu.core_type = #tpu.core_type<sc_vector_subcore>, window_params = [{transform_indices = #map}, {transform_indices = #map}, {transform_indices = #map1}, {transform_indices = #map1}, {transform_indices = #map1}, {transform_indices = #map}, {transform_indices = #map1}]} {
    %mul3A = arith.constant 2 : i32
    %mul3A_0 = arith.muli %arg1, %mul3A : i32
    %add3A = arith.addi %mul3A_0, %arg0 : i32
    %mul3A_1 = arith.constant 640 : i32
    %mul3A_2 = arith.muli %arg1, %mul3A_1 : i32
    %mul3A_3 = arith.constant 640 : i32
    %mul3A_4 = arith.muli %arg1, %mul3A_3 : i32
    "tpu.region"() ({
      %run_scoped3A = tpu.sem_alloc : memref<!tpu.dma_semaphore, #tpu.memory_space<semaphore_mem>>
      %dma_start3A_668 = arith.constant 0 : i32
      %dma_start3A_669 = tpu.memref_slice %arg13[%mul3A_4, %dma_start3A_668] : memref<10240x128xf32, #tpu.memory_space<vmem_shared>> -> memref<640x128xf32, #tpu.memory_space<vmem_shared>>
      %dma_start3A_670 = arith.constant 0 : i32
      %dma_start3A_671 = tpu.memref_slice %arg4[%mul3A_2, %dma_start3A_670] : memref<10240x128xf32, #tpu.memory_space<hbm>> -> memref<640x128xf32, #tpu.memory_space<hbm>>
      tpu.enqueue_dma source(%dma_start3A_671 : memref<640x128xf32, #tpu.memory_space<hbm>>) target(%dma_start3A_669 : memref<640x128xf32, #tpu.memory_space<vmem_shared>>) target_semaphore(%run_scoped3A : memref<!tpu.dma_semaphore, #tpu.memory_space<semaphore_mem>>)
      %dma_wait3A_672 = arith.constant 0 : i32
      %dma_wait3A_673 = tpu.memref_slice %arg13[%mul3A_4, %dma_wait3A_672] : memref<10240x128xf32, #tpu.memory_space<vmem_shared>> -> memref<640x128xf32, #tpu.memory_space<vmem_shared>>
      %dma_wait3A_674 = arith.constant 0 : i32
      %dma_wait3A_675 = tpu.memref_slice %arg4[%mul3A_2, %dma_wait3A_674] : memref<10240x128xf32, #tpu.memory_space<hbm>> -> memref<640x128xf32, #tpu.memory_space<hbm>>
      tpu.wait_dma2 semaphore(%run_scoped3A : memref<!tpu.dma_semaphore, #tpu.memory_space<semaphore_mem>>) src(%dma_wait3A_675 : memref<640x128xf32, #tpu.memory_space<hbm>>) dst(%dma_wait3A_673 : memref<640x128xf32, #tpu.memory_space<vmem_shared>>)
      tpu.yield
    }) : () -> ()
    "tpu.region"() ({
      %run_scoped3A = tpu.sem_alloc : memref<!tpu.dma_semaphore, #tpu.memory_space<semaphore_mem>>
      tpu.enqueue_dma source(%arg5 : memref<128x128xf32, #tpu.memory_space<hbm>>) target(%arg11 : memref<128x128xf32, #tpu.memory_space<vmem>>) target_semaphore(%run_scoped3A : memref<!tpu.dma_semaphore, #tpu.memory_space<semaphore_mem>>)
      tpu.wait_dma2 semaphore(%run_scoped3A : memref<!tpu.dma_semaphore, #tpu.memory_space<semaphore_mem>>) src(%arg5 : memref<128x128xf32, #tpu.memory_space<hbm>>) dst(%arg11 : memref<128x128xf32, #tpu.memory_space<vmem>>)
      tpu.yield
    }) : () -> ()
    "tpu.region"() ({
      %run_scoped3A = tpu.sem_alloc : memref<!tpu.dma_semaphore, #tpu.memory_space<semaphore_mem>>
      %dma_start3A_668 = arith.constant 0 : i32
      %dma_start3A_669 = arith.constant 0 : i32
      %dma_start3A_670 = tpu.memref_slice %arg2[%add3A, %dma_start3A_668, %dma_start3A_669] : memref<32x80x128xi32, #tpu.memory_space<hbm>> -> memref<1x80x128xi32, #tpu.memory_space<hbm>>
      %dma_start3A_671 = tpu.memref_squeeze %dma_start3A_670 : memref<1x80x128xi32, #tpu.memory_space<hbm>> -> memref<80x128xi32, #tpu.memory_space<hbm>>
      %dma_start3A_672 = arith.constant 0 : i32
      %dma_start3A_673 = arith.constant 0 : i32
      %dma_start3A_674 = tpu.memref_slice %arg2[%add3A, %dma_start3A_672, %dma_start3A_673] : memref<32x80x128xi32, #tpu.memory_space<hbm>> -> memref<1x80x128xi32, #tpu.memory_space<hbm>>
      %dma_start3A_675 = tpu.memref_squeeze %dma_start3A_674 : memref<1x80x128xi32, #tpu.memory_space<hbm>> -> memref<80x128xi32, #tpu.memory_space<hbm>>
      tpu.enqueue_dma source(%dma_start3A_675 : memref<80x128xi32, #tpu.memory_space<hbm>>) target(%arg9 : memref<80x128xi32, #tpu.memory_space<vmem>>) target_semaphore(%run_scoped3A : memref<!tpu.dma_semaphore, #tpu.memory_space<semaphore_mem>>)
      %dma_wait3A_676 = arith.constant 0 : i32
      %dma_wait3A_677 = arith.constant 0 : i32
      %dma_wait3A_678 = tpu.memref_slice %arg2[%add3A, %dma_wait3A_676, %dma_wait3A_677] : memref<32x80x128xi32, #tpu.memory_space<hbm>> -> memref<1x80x128xi32, #tpu.memory_space<hbm>>
      %dma_wait3A_679 = tpu.memref_squeeze %dma_wait3A_678 : memref<1x80x128xi32, #tpu.memory_space<hbm>> -> memref<80x128xi32, #tpu.memory_space<hbm>>
      %dma_wait3A_680 = arith.constant 0 : i32
      %dma_wait3A_681 = arith.constant 0 : i32
      %dma_wait3A_682 = tpu.memref_slice %arg2[%add3A, %dma_wait3A_680, %dma_wait3A_681] : memref<32x80x128xi32, #tpu.memory_space<hbm>> -> memref<1x80x128xi32, #tpu.memory_space<hbm>>
      %dma_wait3A_683 = tpu.memref_squeeze %dma_wait3A_682 : memref<1x80x128xi32, #tpu.memory_space<hbm>> -> memref<80x128xi32, #tpu.memory_space<hbm>>
      tpu.wait_dma2 semaphore(%run_scoped3A : memref<!tpu.dma_semaphore, #tpu.memory_space<semaphore_mem>>) src(%dma_wait3A_683 : memref<80x128xi32, #tpu.memory_space<hbm>>) dst(%arg9 : memref<80x128xi32, #tpu.memory_space<vmem>>)
      tpu.yield
    }) : () -> ()
    "tpu.region"() ({
      %run_scoped3A = tpu.sem_alloc : memref<!tpu.dma_semaphore, #tpu.memory_space<semaphore_mem>>
      %dma_start3A_668 = arith.constant 0 : i32
      %dma_start3A_669 = arith.constant 0 : i32
      %dma_start3A_670 = tpu.memref_slice %arg3[%add3A, %dma_start3A_668, %dma_start3A_669] : memref<32x5x64xi32, #tpu.memory_space<hbm>> -> memref<1x5x64xi32, #tpu.memory_space<hbm>>
      %dma_start3A_671 = tpu.memref_squeeze %dma_start3A_670 : memref<1x5x64xi32, #tpu.memory_space<hbm>> -> memref<5x64xi32, #tpu.memory_space<hbm>>
      %dma_start3A_672 = arith.constant 0 : i32
      %dma_start3A_673 = arith.constant 0 : i32
      %dma_start3A_674 = tpu.memref_slice %arg3[%add3A, %dma_start3A_672, %dma_start3A_673] : memref<32x5x64xi32, #tpu.memory_space<hbm>> -> memref<1x5x64xi32, #tpu.memory_space<hbm>>
      %dma_start3A_675 = tpu.memref_squeeze %dma_start3A_674 : memref<1x5x64xi32, #tpu.memory_space<hbm>> -> memref<5x64xi32, #tpu.memory_space<hbm>>
      tpu.enqueue_dma source(%dma_start3A_675 : memref<5x64xi32, #tpu.memory_space<hbm>>) target(%arg10 : memref<5x64xi32, #tpu.memory_space<vmem>>) target_semaphore(%run_scoped3A : memref<!tpu.dma_semaphore, #tpu.memory_space<semaphore_mem>>)
      %dma_wait3A_676 = arith.constant 0 : i32
      %dma_wait3A_677 = arith.constant 0 : i32
      %dma_wait3A_678 = tpu.memref_slice %arg3[%add3A, %dma_wait3A_676, %dma_wait3A_677] : memref<32x5x64xi32, #tpu.memory_space<hbm>> -> memref<1x5x64xi32, #tpu.memory_space<hbm>>
      %dma_wait3A_679 = tpu.memref_squeeze %dma_wait3A_678 : memref<1x5x64xi32, #tpu.memory_space<hbm>> -> memref<5x64xi32, #tpu.memory_space<hbm>>
      %dma_wait3A_680 = arith.constant 0 : i32
      %dma_wait3A_681 = arith.constant 0 : i32
      %dma_wait3A_682 = tpu.memref_slice %arg3[%add3A, %dma_wait3A_680, %dma_wait3A_681] : memref<32x5x64xi32, #tpu.memory_space<hbm>> -> memref<1x5x64xi32, #tpu.memory_space<hbm>>
      %dma_wait3A_683 = tpu.memref_squeeze %dma_wait3A_682 : memref<1x5x64xi32, #tpu.memory_space<hbm>> -> memref<5x64xi32, #tpu.memory_space<hbm>>
      tpu.wait_dma2 semaphore(%run_scoped3A : memref<!tpu.dma_semaphore, #tpu.memory_space<semaphore_mem>>) src(%dma_wait3A_683 : memref<5x64xi32, #tpu.memory_space<hbm>>) dst(%arg10 : memref<5x64xi32, #tpu.memory_space<vmem>>)
      tpu.yield
    }) : () -> ()
    %barrier3A = arith.constant 0 : index
    tpu.barrier barrier_id(%barrier3A)
    %dma_start3A = arith.constant 0 : i32
    %dma_start3A_5 = arith.constant 0 : i32
    %dma_start3A_6 = tpu.memref_slice %arg9[%dma_start3A, %dma_start3A_5] : memref<80x128xi32, #tpu.memory_space<vmem>> -> memref<1x128xi32, #tpu.memory_space<vmem>>
    %dma_start3A_7 = tpu.memref_squeeze %dma_start3A_6 : memref<1x128xi32, #tpu.memory_space<vmem>> -> memref<128xi32, #tpu.memory_space<vmem>>
    %dma_start3A_8 = arith.constant 0 : i32
    %dma_start3A_9 = arith.constant 0 : i32
    %dma_start3A_10 = tpu.memref_slice %arg13[%dma_start3A_8, %dma_start3A_9] : memref<10240x128xf32, #tpu.memory_space<vmem_shared>> -> memref<10240x128xf32, #tpu.memory_space<vmem_shared>>
    tpu.enqueue_indirect_dma source(%arg11 : memref<128x128xf32, #tpu.memory_space<vmem>>) target(%dma_start3A_10 : memref<10240x128xf32, #tpu.memory_space<vmem_shared>>) offsets(%dma_start3A_7 : memref<128xi32, #tpu.memory_space<vmem>>) semaphore(%arg14 : memref<!tpu.dma_semaphore, #tpu.memory_space<semaphore_mem>>) {add = true}
    %dma_start3A_11 = arith.constant 1 : i32
    %dma_start3A_12 = arith.constant 0 : i32
    %dma_start3A_13 = tpu.memref_slice %arg9[%dma_start3A_11, %dma_start3A_12] : memref<80x128xi32, #tpu.memory_space<vmem>> -> memref<1x128xi32, #tpu.memory_space<vmem>>
    %dma_start3A_14 = tpu.memref_squeeze %dma_start3A_13 : memref<1x128xi32, #tpu.memory_space<vmem>> -> memref<128xi32, #tpu.memory_space<vmem>>
    %dma_start3A_15 = arith.constant 0 : i32
    %dma_start3A_16 = arith.constant 0 : i32
    %dma_start3A_17 = tpu.memref_slice %arg13[%dma_start3A_15, %dma_start3A_16] : memref<10240x128xf32, #tpu.memory_space<vmem_shared>> -> memref<10240x128xf32, #tpu.memory_space<vmem_shared>>
    tpu.enqueue_indirect_dma source(%arg11 : memref<128x128xf32, #tpu.memory_space<vmem>>) target(%dma_start3A_17 : memref<10240x128xf32, #tpu.memory_space<vmem_shared>>) offsets(%dma_start3A_14 : memref<128xi32, #tpu.memory_space<vmem>>) semaphore(%arg14 : memref<!tpu.dma_semaphore, #tpu.memory_space<semaphore_mem>>) {add = true}
    %dma_start3A_18 = arith.constant 2 : i32
    %dma_start3A_19 = arith.constant 0 : i32
    %dma_start3A_20 = tpu.memref_slice %arg9[%dma_start3A_18, %dma_start3A_19] : memref<80x128xi32, #tpu.memory_space<vmem>> -> memref<1x128xi32, #tpu.memory_space<vmem>>
    %dma_start3A_21 = tpu.memref_squeeze %dma_start3A_20 : memref<1x128xi32, #tpu.memory_space<vmem>> -> memref<128xi32, #tpu.memory_space<vmem>>
    %dma_start3A_22 = arith.constant 0 : i32
    %dma_start3A_23 = arith.constant 0 : i32
    %dma_start3A_24 = tpu.memref_slice %arg13[%dma_start3A_22, %dma_start3A_23] : memref<10240x128xf32, #tpu.memory_space<vmem_shared>> -> memref<10240x128xf32, #tpu.memory_space<vmem_shared>>
    tpu.enqueue_indirect_dma source(%arg11 : memref<128x128xf32, #tpu.memory_space<vmem>>) target(%dma_start3A_24 : memref<10240x128xf32, #tpu.memory_space<vmem_shared>>) offsets(%dma_start3A_21 : memref<128xi32, #tpu.memory_space<vmem>>) semaphore(%arg14 : memref<!tpu.dma_semaphore, #tpu.memory_space<semaphore_mem>>) {add = true}
    %dma_start3A_25 = arith.constant 3 : i32
    %dma_start3A_26 = arith.constant 0 : i32
    %dma_start3A_27 = tpu.memref_slice %arg9[%dma_start3A_25, %dma_start3A_26] : memref<80x128xi32, #tpu.memory_space<vmem>> -> memref<1x128xi32, #tpu.memory_space<vmem>>
    %dma_start3A_28 = tpu.memref_squeeze %dma_start3A_27 : memref<1x128xi32, #tpu.memory_space<vmem>> -> memref<128xi32, #tpu.memory_space<vmem>>
    %dma_start3A_29 = arith.constant 0 : i32
    %dma_start3A_30 = arith.constant 0 : i32
    %dma_start3A_31 = tpu.memref_slice %arg13[%dma_start3A_29, %dma_start3A_30] : memref<10240x128xf32, #tpu.memory_space<vmem_shared>> -> memref<10240x128xf32, #tpu.memory_space<vmem_shared>>
    tpu.enqueue_indirect_dma source(%arg11 : memref<128x128xf32, #tpu.memory_space<vmem>>) target(%dma_start3A_31 : memref<10240x128xf32, #tpu.memory_space<vmem_shared>>) offsets(%dma_start3A_28 : memref<128xi32, #tpu.memory_space<vmem>>) semaphore(%arg14 : memref<!tpu.dma_semaphore, #tpu.memory_space<semaphore_mem>>) {add = true}
    %dma_start3A_32 = arith.constant 4 : i32
    %dma_start3A_33 = arith.constant 0 : i32
    %dma_start3A_34 = tpu.memref_slice %arg9[%dma_start3A_32, %dma_start3A_33] : memref<80x128xi32, #tpu.memory_space<vmem>> -> memref<1x128xi32, #tpu.memory_space<vmem>>
    %dma_start3A_35 = tpu.memref_squeeze %dma_start3A_34 : memref<1x128xi32, #tpu.memory_space<vmem>> -> memref<128xi32, #tpu.memory_space<vmem>>
    %dma_start3A_36 = arith.constant 0 : i32
    %dma_start3A_37 = arith.constant 0 : i32
    %dma_start3A_38 = tpu.memref_slice %arg13[%dma_start3A_36, %dma_start3A_37] : memref<10240x128xf32, #tpu.memory_space<vmem_shared>> -> memref<10240x128xf32, #tpu.memory_space<vmem_shared>>
    tpu.enqueue_indirect_dma source(%arg11 : memref<128x128xf32, #tpu.memory_space<vmem>>) target(%dma_start3A_38 : memref<10240x128xf32, #tpu.memory_space<vmem_shared>>) offsets(%dma_start3A_35 : memref<128xi32, #tpu.memory_space<vmem>>) semaphore(%arg14 : memref<!tpu.dma_semaphore, #tpu.memory_space<semaphore_mem>>) {add = true}
    %dma_start3A_39 = arith.constant 5 : i32
    %dma_start3A_40 = arith.constant 0 : i32
    %dma_start3A_41 = tpu.memref_slice %arg9[%dma_start3A_39, %dma_start3A_40] : memref<80x128xi32, #tpu.memory_space<vmem>> -> memref<1x128xi32, #tpu.memory_space<vmem>>
    %dma_start3A_42 = tpu.memref_squeeze %dma_start3A_41 : memref<1x128xi32, #tpu.memory_space<vmem>> -> memref<128xi32, #tpu.memory_space<vmem>>
    %dma_start3A_43 = arith.constant 0 : i32
    %dma_start3A_44 = arith.constant 0 : i32
    %dma_start3A_45 = tpu.memref_slice %arg13[%dma_start3A_43, %dma_start3A_44] : memref<10240x128xf32, #tpu.memory_space<vmem_shared>> -> memref<10240x128xf32, #tpu.memory_space<vmem_shared>>
    tpu.enqueue_indirect_dma source(%arg11 : memref<128x128xf32, #tpu.memory_space<vmem>>) target(%dma_start3A_45 : memref<10240x128xf32, #tpu.memory_space<vmem_shared>>) offsets(%dma_start3A_42 : memref<128xi32, #tpu.memory_space<vmem>>) semaphore(%arg14 : memref<!tpu.dma_semaphore, #tpu.memory_space<semaphore_mem>>) {add = true}
    %dma_start3A_46 = arith.constant 6 : i32
    %dma_start3A_47 = arith.constant 0 : i32
    %dma_start3A_48 = tpu.memref_slice %arg9[%dma_start3A_46, %dma_start3A_47] : memref<80x128xi32, #tpu.memory_space<vmem>> -> memref<1x128xi32, #tpu.memory_space<vmem>>
    %dma_start3A_49 = tpu.memref_squeeze %dma_start3A_48 : memref<1x128xi32, #tpu.memory_space<vmem>> -> memref<128xi32, #tpu.memory_space<vmem>>
    %dma_start3A_50 = arith.constant 0 : i32
    %dma_start3A_51 = arith.constant 0 : i32
    %dma_start3A_52 = tpu.memref_slice %arg13[%dma_start3A_50, %dma_start3A_51] : memref<10240x128xf32, #tpu.memory_space<vmem_shared>> -> memref<10240x128xf32, #tpu.memory_space<vmem_shared>>
    tpu.enqueue_indirect_dma source(%arg11 : memref<128x128xf32, #tpu.memory_space<vmem>>) target(%dma_start3A_52 : memref<10240x128xf32, #tpu.memory_space<vmem_shared>>) offsets(%dma_start3A_49 : memref<128xi32, #tpu.memory_space<vmem>>) semaphore(%arg14 : memref<!tpu.dma_semaphore, #tpu.memory_space<semaphore_mem>>) {add = true}
    %dma_start3A_53 = arith.constant 7 : i32
    %dma_start3A_54 = arith.constant 0 : i32
    %dma_start3A_55 = tpu.memref_slice %arg9[%dma_start3A_53, %dma_start3A_54] : memref<80x128xi32, #tpu.memory_space<vmem>> -> memref<1x128xi32, #tpu.memory_space<vmem>>
    %dma_start3A_56 = tpu.memref_squeeze %dma_start3A_55 : memref<1x128xi32, #tpu.memory_space<vmem>> -> memref<128xi32, #tpu.memory_space<vmem>>
    %dma_start3A_57 = arith.constant 0 : i32
    %dma_start3A_58 = arith.constant 0 : i32
    %dma_start3A_59 = tpu.memref_slice %arg13[%dma_start3A_57, %dma_start3A_58] : memref<10240x128xf32, #tpu.memory_space<vmem_shared>> -> memref<10240x128xf32, #tpu.memory_space<vmem_shared>>
    tpu.enqueue_indirect_dma source(%arg11 : memref<128x128xf32, #tpu.memory_space<vmem>>) target(%dma_start3A_59 : memref<10240x128xf32, #tpu.memory_space<vmem_shared>>) offsets(%dma_start3A_56 : memref<128xi32, #tpu.memory_space<vmem>>) semaphore(%arg14 : memref<!tpu.dma_semaphore, #tpu.memory_space<semaphore_mem>>) {add = true}
    %dma_start3A_60 = arith.constant 0 : i32
    %dma_start3A_61 = arith.constant 0 : i32
    %dma_start3A_62 = tpu.memref_slice %arg10[%dma_start3A_60, %dma_start3A_61] : memref<5x64xi32, #tpu.memory_space<vmem>> -> memref<1x64xi32, #tpu.memory_space<vmem>>
    %dma_start3A_63 = tpu.memref_squeeze %dma_start3A_62 : memref<1x64xi32, #tpu.memory_space<vmem>> -> memref<64xi32, #tpu.memory_space<vmem>>
    %dma_start3A_64 = arith.constant 0 : i32
    %dma_start3A_65 = arith.constant 0 : i32
    %dma_start3A_66 = tpu.memref_slice %arg6[%dma_start3A_64, %dma_start3A_65] : memref<4096x256xf32, #tpu.memory_space<hbm>> -> memref<4096x256xf32, #tpu.memory_space<hbm>>
    tpu.enqueue_indirect_dma source(%dma_start3A_66 : memref<4096x256xf32, #tpu.memory_space<hbm>>) target(%arg12 : memref<64x256xf32, #tpu.memory_space<vmem>>) offsets(%dma_start3A_63 : memref<64xi32, #tpu.memory_space<vmem>>) semaphore(%arg15 : memref<!tpu.dma_semaphore, #tpu.memory_space<semaphore_mem>>)
    %dma_wait3A = arith.constant 0 : i32
    %dma_wait3A_67 = arith.constant 0 : i32
    %dma_wait3A_68 = tpu.memref_slice %arg10[%dma_wait3A, %dma_wait3A_67] : memref<5x64xi32, #tpu.memory_space<vmem>> -> memref<1x64xi32, #tpu.memory_space<vmem>>
    %dma_wait3A_69 = tpu.memref_squeeze %dma_wait3A_68 : memref<1x64xi32, #tpu.memory_space<vmem>> -> memref<64xi32, #tpu.memory_space<vmem>>
    %dma_wait3A_70 = arith.constant 0 : i32
    %dma_wait3A_71 = arith.constant 0 : i32
    %dma_wait3A_72 = tpu.memref_slice %arg6[%dma_wait3A_70, %dma_wait3A_71] : memref<4096x256xf32, #tpu.memory_space<hbm>> -> memref<4096x256xf32, #tpu.memory_space<hbm>>
    tpu.wait_indirect_dma semaphore(%arg15 : memref<!tpu.dma_semaphore, #tpu.memory_space<semaphore_mem>>) src(%dma_wait3A_72 : memref<4096x256xf32, #tpu.memory_space<hbm>>) dst(%arg12 : memref<64x256xf32, #tpu.memory_space<vmem>>)
    %mul3A_73 = arith.constant 5 : i32
    %mul3A_74 = arith.muli %add3A, %mul3A_73 : i32
    %add3A_75 = arith.constant 0 : i32
    %add3A_76 = arith.addi %mul3A_74, %add3A_75 : i32
    %mul3A_77 = arith.constant 64 : i32
    %mul3A_78 = arith.muli %add3A_76, %mul3A_77 : i32
    "tpu.region"() ({
      %run_scoped3A = tpu.sem_alloc : memref<!tpu.dma_semaphore, #tpu.memory_space<semaphore_mem>>
      %dma_start3A_668 = arith.constant 0 : i32
      %dma_start3A_669 = tpu.memref_slice %arg8[%mul3A_78, %dma_start3A_668] : memref<10240x256xf32, #tpu.memory_space<hbm>> -> memref<64x256xf32, #tpu.memory_space<hbm>>
      %dma_start3A_670 = arith.constant 0 : i32
      %dma_start3A_671 = tpu.memref_slice %arg8[%mul3A_78, %dma_start3A_670] : memref<10240x256xf32, #tpu.memory_space<hbm>> -> memref<64x256xf32, #tpu.memory_space<hbm>>
      tpu.enqueue_dma source(%arg12 : memref<64x256xf32, #tpu.memory_space<vmem>>) target(%dma_start3A_671 : memref<64x256xf32, #tpu.memory_space<hbm>>) target_semaphore(%run_scoped3A : memref<!tpu.dma_semaphore, #tpu.memory_space<semaphore_mem>>)
      %dma_wait3A_672 = arith.constant 0 : i32
      %dma_wait3A_673 = tpu.memref_slice %arg8[%mul3A_78, %dma_wait3A_672] : memref<10240x256xf32, #tpu.memory_space<hbm>> -> memref<64x256xf32, #tpu.memory_space<hbm>>
      %dma_wait3A_674 = arith.constant 0 : i32
      %dma_wait3A_675 = tpu.memref_slice %arg8[%mul3A_78, %dma_wait3A_674] : memref<10240x256xf32, #tpu.memory_space<hbm>> -> memref<64x256xf32, #tpu.memory_space<hbm>>
      tpu.wait_dma2 semaphore(%run_scoped3A : memref<!tpu.dma_semaphore, #tpu.memory_space<semaphore_mem>>) src(%arg12 : memref<64x256xf32, #tpu.memory_space<vmem>>) dst(%dma_wait3A_675 : memref<64x256xf32, #tpu.memory_space<hbm>>)
      tpu.yield
    }) : () -> ()
    tpu.wait_dma2 semaphore(%arg14 : memref<!tpu.dma_semaphore, #tpu.memory_space<semaphore_mem>>) src(%arg5 : memref<128x128xf32, #tpu.memory_space<hbm>>) dst(%arg11 : memref<128x128xf32, #tpu.memory_space<vmem>>)
    tpu.wait_dma2 semaphore(%arg14 : memref<!tpu.dma_semaphore, #tpu.memory_space<semaphore_mem>>) src(%arg5 : memref<128x128xf32, #tpu.memory_space<hbm>>) dst(%arg11 : memref<128x128xf32, #tpu.memory_space<vmem>>)
    tpu.wait_dma2 semaphore(%arg14 : memref<!tpu.dma_semaphore, #tpu.memory_space<semaphore_mem>>) src(%arg5 : memref<128x128xf32, #tpu.memory_space<hbm>>) dst(%arg11 : memref<128x128xf32, #tpu.memory_space<vmem>>)
    tpu.wait_dma2 semaphore(%arg14 : memref<!tpu.dma_semaphore, #tpu.memory_space<semaphore_mem>>) src(%arg5 : memref<128x128xf32, #tpu.memory_space<hbm>>) dst(%arg11 : memref<128x128xf32, #tpu.memory_space<vmem>>)
    tpu.wait_dma2 semaphore(%arg14 : memref<!tpu.dma_semaphore, #tpu.memory_space<semaphore_mem>>) src(%arg5 : memref<128x128xf32, #tpu.memory_space<hbm>>) dst(%arg11 : memref<128x128xf32, #tpu.memory_space<vmem>>)
    tpu.wait_dma2 semaphore(%arg14 : memref<!tpu.dma_semaphore, #tpu.memory_space<semaphore_mem>>) src(%arg5 : memref<128x128xf32, #tpu.memory_space<hbm>>) dst(%arg11 : memref<128x128xf32, #tpu.memory_space<vmem>>)
    tpu.wait_dma2 semaphore(%arg14 : memref<!tpu.dma_semaphore, #tpu.memory_space<semaphore_mem>>) src(%arg5 : memref<128x128xf32, #tpu.memory_space<hbm>>) dst(%arg11 : memref<128x128xf32, #tpu.memory_space<vmem>>)
    tpu.wait_dma2 semaphore(%arg14 : memref<!tpu.dma_semaphore, #tpu.memory_space<semaphore_mem>>) src(%arg5 : memref<128x128xf32, #tpu.memory_space<hbm>>) dst(%arg11 : memref<128x128xf32, #tpu.memory_space<vmem>>)
    %dma_start3A_79 = arith.constant 8 : i32
    %dma_start3A_80 = arith.constant 0 : i32
    %dma_start3A_81 = tpu.memref_slice %arg9[%dma_start3A_79, %dma_start3A_80] : memref<80x128xi32, #tpu.memory_space<vmem>> -> memref<1x128xi32, #tpu.memory_space<vmem>>
    %dma_start3A_82 = tpu.memref_squeeze %dma_start3A_81 : memref<1x128xi32, #tpu.memory_space<vmem>> -> memref<128xi32, #tpu.memory_space<vmem>>
    %dma_start3A_83 = arith.constant 0 : i32
    %dma_start3A_84 = arith.constant 0 : i32
    %dma_start3A_85 = tpu.memref_slice %arg13[%dma_start3A_83, %dma_start3A_84] : memref<10240x128xf32, #tpu.memory_space<vmem_shared>> -> memref<10240x128xf32, #tpu.memory_space<vmem_shared>>
    tpu.enqueue_indirect_dma source(%arg11 : memref<128x128xf32, #tpu.memory_space<vmem>>) target(%dma_start3A_85 : memref<10240x128xf32, #tpu.memory_space<vmem_shared>>) offsets(%dma_start3A_82 : memref<128xi32, #tpu.memory_space<vmem>>) semaphore(%arg14 : memref<!tpu.dma_semaphore, #tpu.memory_space<semaphore_mem>>) {add = true}
    %dma_start3A_86 = arith.constant 9 : i32
    %dma_start3A_87 = arith.constant 0 : i32
    %dma_start3A_88 = tpu.memref_slice %arg9[%dma_start3A_86, %dma_start3A_87] : memref<80x128xi32, #tpu.memory_space<vmem>> -> memref<1x128xi32, #tpu.memory_space<vmem>>
    %dma_start3A_89 = tpu.memref_squeeze %dma_start3A_88 : memref<1x128xi32, #tpu.memory_space<vmem>> -> memref<128xi32, #tpu.memory_space<vmem>>
    %dma_start3A_90 = arith.constant 0 : i32
    %dma_start3A_91 = arith.constant 0 : i32
    %dma_start3A_92 = tpu.memref_slice %arg13[%dma_start3A_90, %dma_start3A_91] : memref<10240x128xf32, #tpu.memory_space<vmem_shared>> -> memref<10240x128xf32, #tpu.memory_space<vmem_shared>>
    tpu.enqueue_indirect_dma source(%arg11 : memref<128x128xf32, #tpu.memory_space<vmem>>) target(%dma_start3A_92 : memref<10240x128xf32, #tpu.memory_space<vmem_shared>>) offsets(%dma_start3A_89 : memref<128xi32, #tpu.memory_space<vmem>>) semaphore(%arg14 : memref<!tpu.dma_semaphore, #tpu.memory_space<semaphore_mem>>) {add = true}
    %dma_start3A_93 = arith.constant 10 : i32
    %dma_start3A_94 = arith.constant 0 : i32
    %dma_start3A_95 = tpu.memref_slice %arg9[%dma_start3A_93, %dma_start3A_94] : memref<80x128xi32, #tpu.memory_space<vmem>> -> memref<1x128xi32, #tpu.memory_space<vmem>>
    %dma_start3A_96 = tpu.memref_squeeze %dma_start3A_95 : memref<1x128xi32, #tpu.memory_space<vmem>> -> memref<128xi32, #tpu.memory_space<vmem>>
    %dma_start3A_97 = arith.constant 0 : i32
    %dma_start3A_98 = arith.constant 0 : i32
    %dma_start3A_99 = tpu.memref_slice %arg13[%dma_start3A_97, %dma_start3A_98] : memref<10240x128xf32, #tpu.memory_space<vmem_shared>> -> memref<10240x128xf32, #tpu.memory_space<vmem_shared>>
    tpu.enqueue_indirect_dma source(%arg11 : memref<128x128xf32, #tpu.memory_space<vmem>>) target(%dma_start3A_99 : memref<10240x128xf32, #tpu.memory_space<vmem_shared>>) offsets(%dma_start3A_96 : memref<128xi32, #tpu.memory_space<vmem>>) semaphore(%arg14 : memref<!tpu.dma_semaphore, #tpu.memory_space<semaphore_mem>>) {add = true}
    %dma_start3A_100 = arith.constant 11 : i32
    %dma_start3A_101 = arith.constant 0 : i32
    %dma_start3A_102 = tpu.memref_slice %arg9[%dma_start3A_100, %dma_start3A_101] : memref<80x128xi32, #tpu.memory_space<vmem>> -> memref<1x128xi32, #tpu.memory_space<vmem>>
    %dma_start3A_103 = tpu.memref_squeeze %dma_start3A_102 : memref<1x128xi32, #tpu.memory_space<vmem>> -> memref<128xi32, #tpu.memory_space<vmem>>
    %dma_start3A_104 = arith.constant 0 : i32
    %dma_start3A_105 = arith.constant 0 : i32
    %dma_start3A_106 = tpu.memref_slice %arg13[%dma_start3A_104, %dma_start3A_105] : memref<10240x128xf32, #tpu.memory_space<vmem_shared>> -> memref<10240x128xf32, #tpu.memory_space<vmem_shared>>
    tpu.enqueue_indirect_dma source(%arg11 : memref<128x128xf32, #tpu.memory_space<vmem>>) target(%dma_start3A_106 : memref<10240x128xf32, #tpu.memory_space<vmem_shared>>) offsets(%dma_start3A_103 : memref<128xi32, #tpu.memory_space<vmem>>) semaphore(%arg14 : memref<!tpu.dma_semaphore, #tpu.memory_space<semaphore_mem>>) {add = true}
    %dma_start3A_107 = arith.constant 12 : i32
    %dma_start3A_108 = arith.constant 0 : i32
    %dma_start3A_109 = tpu.memref_slice %arg9[%dma_start3A_107, %dma_start3A_108] : memref<80x128xi32, #tpu.memory_space<vmem>> -> memref<1x128xi32, #tpu.memory_space<vmem>>
    %dma_start3A_110 = tpu.memref_squeeze %dma_start3A_109 : memref<1x128xi32, #tpu.memory_space<vmem>> -> memref<128xi32, #tpu.memory_space<vmem>>
    %dma_start3A_111 = arith.constant 0 : i32
    %dma_start3A_112 = arith.constant 0 : i32
    %dma_start3A_113 = tpu.memref_slice %arg13[%dma_start3A_111, %dma_start3A_112] : memref<10240x128xf32, #tpu.memory_space<vmem_shared>> -> memref<10240x128xf32, #tpu.memory_space<vmem_shared>>
    tpu.enqueue_indirect_dma source(%arg11 : memref<128x128xf32, #tpu.memory_space<vmem>>) target(%dma_start3A_113 : memref<10240x128xf32, #tpu.memory_space<vmem_shared>>) offsets(%dma_start3A_110 : memref<128xi32, #tpu.memory_space<vmem>>) semaphore(%arg14 : memref<!tpu.dma_semaphore, #tpu.memory_space<semaphore_mem>>) {add = true}
    %dma_start3A_114 = arith.constant 13 : i32
    %dma_start3A_115 = arith.constant 0 : i32
    %dma_start3A_116 = tpu.memref_slice %arg9[%dma_start3A_114, %dma_start3A_115] : memref<80x128xi32, #tpu.memory_space<vmem>> -> memref<1x128xi32, #tpu.memory_space<vmem>>
    %dma_start3A_117 = tpu.memref_squeeze %dma_start3A_116 : memref<1x128xi32, #tpu.memory_space<vmem>> -> memref<128xi32, #tpu.memory_space<vmem>>
    %dma_start3A_118 = arith.constant 0 : i32
    %dma_start3A_119 = arith.constant 0 : i32
    %dma_start3A_120 = tpu.memref_slice %arg13[%dma_start3A_118, %dma_start3A_119] : memref<10240x128xf32, #tpu.memory_space<vmem_shared>> -> memref<10240x128xf32, #tpu.memory_space<vmem_shared>>
    tpu.enqueue_indirect_dma source(%arg11 : memref<128x128xf32, #tpu.memory_space<vmem>>) target(%dma_start3A_120 : memref<10240x128xf32, #tpu.memory_space<vmem_shared>>) offsets(%dma_start3A_117 : memref<128xi32, #tpu.memory_space<vmem>>) semaphore(%arg14 : memref<!tpu.dma_semaphore, #tpu.memory_space<semaphore_mem>>) {add = true}
    %dma_start3A_121 = arith.constant 14 : i32
    %dma_start3A_122 = arith.constant 0 : i32
    %dma_start3A_123 = tpu.memref_slice %arg9[%dma_start3A_121, %dma_start3A_122] : memref<80x128xi32, #tpu.memory_space<vmem>> -> memref<1x128xi32, #tpu.memory_space<vmem>>
    %dma_start3A_124 = tpu.memref_squeeze %dma_start3A_123 : memref<1x128xi32, #tpu.memory_space<vmem>> -> memref<128xi32, #tpu.memory_space<vmem>>
    %dma_start3A_125 = arith.constant 0 : i32
    %dma_start3A_126 = arith.constant 0 : i32
    %dma_start3A_127 = tpu.memref_slice %arg13[%dma_start3A_125, %dma_start3A_126] : memref<10240x128xf32, #tpu.memory_space<vmem_shared>> -> memref<10240x128xf32, #tpu.memory_space<vmem_shared>>
    tpu.enqueue_indirect_dma source(%arg11 : memref<128x128xf32, #tpu.memory_space<vmem>>) target(%dma_start3A_127 : memref<10240x128xf32, #tpu.memory_space<vmem_shared>>) offsets(%dma_start3A_124 : memref<128xi32, #tpu.memory_space<vmem>>) semaphore(%arg14 : memref<!tpu.dma_semaphore, #tpu.memory_space<semaphore_mem>>) {add = true}
    %dma_start3A_128 = arith.constant 15 : i32
    %dma_start3A_129 = arith.constant 0 : i32
    %dma_start3A_130 = tpu.memref_slice %arg9[%dma_start3A_128, %dma_start3A_129] : memref<80x128xi32, #tpu.memory_space<vmem>> -> memref<1x128xi32, #tpu.memory_space<vmem>>
    %dma_start3A_131 = tpu.memref_squeeze %dma_start3A_130 : memref<1x128xi32, #tpu.memory_space<vmem>> -> memref<128xi32, #tpu.memory_space<vmem>>
    %dma_start3A_132 = arith.constant 0 : i32
    %dma_start3A_133 = arith.constant 0 : i32
    %dma_start3A_134 = tpu.memref_slice %arg13[%dma_start3A_132, %dma_start3A_133] : memref<10240x128xf32, #tpu.memory_space<vmem_shared>> -> memref<10240x128xf32, #tpu.memory_space<vmem_shared>>
    tpu.enqueue_indirect_dma source(%arg11 : memref<128x128xf32, #tpu.memory_space<vmem>>) target(%dma_start3A_134 : memref<10240x128xf32, #tpu.memory_space<vmem_shared>>) offsets(%dma_start3A_131 : memref<128xi32, #tpu.memory_space<vmem>>) semaphore(%arg14 : memref<!tpu.dma_semaphore, #tpu.memory_space<semaphore_mem>>) {add = true}
    %dma_start3A_135 = arith.constant 1 : i32
    %dma_start3A_136 = arith.constant 0 : i32
    %dma_start3A_137 = tpu.memref_slice %arg10[%dma_start3A_135, %dma_start3A_136] : memref<5x64xi32, #tpu.memory_space<vmem>> -> memref<1x64xi32, #tpu.memory_space<vmem>>
    %dma_start3A_138 = tpu.memref_squeeze %dma_start3A_137 : memref<1x64xi32, #tpu.memory_space<vmem>> -> memref<64xi32, #tpu.memory_space<vmem>>
    %dma_start3A_139 = arith.constant 0 : i32
    %dma_start3A_140 = arith.constant 0 : i32
    %dma_start3A_141 = tpu.memref_slice %arg6[%dma_start3A_139, %dma_start3A_140] : memref<4096x256xf32, #tpu.memory_space<hbm>> -> memref<4096x256xf32, #tpu.memory_space<hbm>>
    tpu.enqueue_indirect_dma source(%dma_start3A_141 : memref<4096x256xf32, #tpu.memory_space<hbm>>) target(%arg12 : memref<64x256xf32, #tpu.memory_space<vmem>>) offsets(%dma_start3A_138 : memref<64xi32, #tpu.memory_space<vmem>>) semaphore(%arg15 : memref<!tpu.dma_semaphore, #tpu.memory_space<semaphore_mem>>)
    %dma_wait3A_142 = arith.constant 1 : i32
    %dma_wait3A_143 = arith.constant 0 : i32
    %dma_wait3A_144 = tpu.memref_slice %arg10[%dma_wait3A_142, %dma_wait3A_143] : memref<5x64xi32, #tpu.memory_space<vmem>> -> memref<1x64xi32, #tpu.memory_space<vmem>>
    %dma_wait3A_145 = tpu.memref_squeeze %dma_wait3A_144 : memref<1x64xi32, #tpu.memory_space<vmem>> -> memref<64xi32, #tpu.memory_space<vmem>>
    %dma_wait3A_146 = arith.constant 0 : i32
    %dma_wait3A_147 = arith.constant 0 : i32
    %dma_wait3A_148 = tpu.memref_slice %arg6[%dma_wait3A_146, %dma_wait3A_147] : memref<4096x256xf32, #tpu.memory_space<hbm>> -> memref<4096x256xf32, #tpu.memory_space<hbm>>
    tpu.wait_indirect_dma semaphore(%arg15 : memref<!tpu.dma_semaphore, #tpu.memory_space<semaphore_mem>>) src(%dma_wait3A_148 : memref<4096x256xf32, #tpu.memory_space<hbm>>) dst(%arg12 : memref<64x256xf32, #tpu.memory_space<vmem>>)
    %mul3A_149 = arith.constant 5 : i32
    %mul3A_150 = arith.muli %add3A, %mul3A_149 : i32
    %add3A_151 = arith.constant 1 : i32
    %add3A_152 = arith.addi %mul3A_150, %add3A_151 : i32
    %mul3A_153 = arith.constant 64 : i32
    %mul3A_154 = arith.muli %add3A_152, %mul3A_153 : i32
    "tpu.region"() ({
      %run_scoped3A = tpu.sem_alloc : memref<!tpu.dma_semaphore, #tpu.memory_space<semaphore_mem>>
      %dma_start3A_668 = arith.constant 0 : i32
      %dma_start3A_669 = tpu.memref_slice %arg8[%mul3A_154, %dma_start3A_668] : memref<10240x256xf32, #tpu.memory_space<hbm>> -> memref<64x256xf32, #tpu.memory_space<hbm>>
      %dma_start3A_670 = arith.constant 0 : i32
      %dma_start3A_671 = tpu.memref_slice %arg8[%mul3A_154, %dma_start3A_670] : memref<10240x256xf32, #tpu.memory_space<hbm>> -> memref<64x256xf32, #tpu.memory_space<hbm>>
      tpu.enqueue_dma source(%arg12 : memref<64x256xf32, #tpu.memory_space<vmem>>) target(%dma_start3A_671 : memref<64x256xf32, #tpu.memory_space<hbm>>) target_semaphore(%run_scoped3A : memref<!tpu.dma_semaphore, #tpu.memory_space<semaphore_mem>>)
      %dma_wait3A_672 = arith.constant 0 : i32
      %dma_wait3A_673 = tpu.memref_slice %arg8[%mul3A_154, %dma_wait3A_672] : memref<10240x256xf32, #tpu.memory_space<hbm>> -> memref<64x256xf32, #tpu.memory_space<hbm>>
      %dma_wait3A_674 = arith.constant 0 : i32
      %dma_wait3A_675 = tpu.memref_slice %arg8[%mul3A_154, %dma_wait3A_674] : memref<10240x256xf32, #tpu.memory_space<hbm>> -> memref<64x256xf32, #tpu.memory_space<hbm>>
      tpu.wait_dma2 semaphore(%run_scoped3A : memref<!tpu.dma_semaphore, #tpu.memory_space<semaphore_mem>>) src(%arg12 : memref<64x256xf32, #tpu.memory_space<vmem>>) dst(%dma_wait3A_675 : memref<64x256xf32, #tpu.memory_space<hbm>>)
      tpu.yield
    }) : () -> ()
    tpu.wait_dma2 semaphore(%arg14 : memref<!tpu.dma_semaphore, #tpu.memory_space<semaphore_mem>>) src(%arg5 : memref<128x128xf32, #tpu.memory_space<hbm>>) dst(%arg11 : memref<128x128xf32, #tpu.memory_space<vmem>>)
    tpu.wait_dma2 semaphore(%arg14 : memref<!tpu.dma_semaphore, #tpu.memory_space<semaphore_mem>>) src(%arg5 : memref<128x128xf32, #tpu.memory_space<hbm>>) dst(%arg11 : memref<128x128xf32, #tpu.memory_space<vmem>>)
    tpu.wait_dma2 semaphore(%arg14 : memref<!tpu.dma_semaphore, #tpu.memory_space<semaphore_mem>>) src(%arg5 : memref<128x128xf32, #tpu.memory_space<hbm>>) dst(%arg11 : memref<128x128xf32, #tpu.memory_space<vmem>>)
    tpu.wait_dma2 semaphore(%arg14 : memref<!tpu.dma_semaphore, #tpu.memory_space<semaphore_mem>>) src(%arg5 : memref<128x128xf32, #tpu.memory_space<hbm>>) dst(%arg11 : memref<128x128xf32, #tpu.memory_space<vmem>>)
    tpu.wait_dma2 semaphore(%arg14 : memref<!tpu.dma_semaphore, #tpu.memory_space<semaphore_mem>>) src(%arg5 : memref<128x128xf32, #tpu.memory_space<hbm>>) dst(%arg11 : memref<128x128xf32, #tpu.memory_space<vmem>>)
    tpu.wait_dma2 semaphore(%arg14 : memref<!tpu.dma_semaphore, #tpu.memory_space<semaphore_mem>>) src(%arg5 : memref<128x128xf32, #tpu.memory_space<hbm>>) dst(%arg11 : memref<128x128xf32, #tpu.memory_space<vmem>>)
    tpu.wait_dma2 semaphore(%arg14 : memref<!tpu.dma_semaphore, #tpu.memory_space<semaphore_mem>>) src(%arg5 : memref<128x128xf32, #tpu.memory_space<hbm>>) dst(%arg11 : memref<128x128xf32, #tpu.memory_space<vmem>>)
    tpu.wait_dma2 semaphore(%arg14 : memref<!tpu.dma_semaphore, #tpu.memory_space<semaphore_mem>>) src(%arg5 : memref<128x128xf32, #tpu.memory_space<hbm>>) dst(%arg11 : memref<128x128xf32, #tpu.memory_space<vmem>>)
    %dma_start3A_155 = arith.constant 16 : i32
    %dma_start3A_156 = arith.constant 0 : i32
    %dma_start3A_157 = tpu.memref_slice %arg9[%dma_start3A_155, %dma_start3A_156] : memref<80x128xi32, #tpu.memory_space<vmem>> -> memref<1x128xi32, #tpu.memory_space<vmem>>
    %dma_start3A_158 = tpu.memref_squeeze %dma_start3A_157 : memref<1x128xi32, #tpu.memory_space<vmem>> -> memref<128xi32, #tpu.memory_space<vmem>>
    %dma_start3A_159 = arith.constant 0 : i32
    %dma_start3A_160 = arith.constant 0 : i32
    %dma_start3A_161 = tpu.memref_slice %arg13[%dma_start3A_159, %dma_start3A_160] : memref<10240x128xf32, #tpu.memory_space<vmem_shared>> -> memref<10240x128xf32, #tpu.memory_space<vmem_shared>>
    tpu.enqueue_indirect_dma source(%arg11 : memref<128x128xf32, #tpu.memory_space<vmem>>) target(%dma_start3A_161 : memref<10240x128xf32, #tpu.memory_space<vmem_shared>>) offsets(%dma_start3A_158 : memref<128xi32, #tpu.memory_space<vmem>>) semaphore(%arg14 : memref<!tpu.dma_semaphore, #tpu.memory_space<semaphore_mem>>) {add = true}
    %dma_start3A_162 = arith.constant 17 : i32
    %dma_start3A_163 = arith.constant 0 : i32
    %dma_start3A_164 = tpu.memref_slice %arg9[%dma_start3A_162, %dma_start3A_163] : memref<80x128xi32, #tpu.memory_space<vmem>> -> memref<1x128xi32, #tpu.memory_space<vmem>>
    %dma_start3A_165 = tpu.memref_squeeze %dma_start3A_164 : memref<1x128xi32, #tpu.memory_space<vmem>> -> memref<128xi32, #tpu.memory_space<vmem>>
    %dma_start3A_166 = arith.constant 0 : i32
    %dma_start3A_167 = arith.constant 0 : i32
    %dma_start3A_168 = tpu.memref_slice %arg13[%dma_start3A_166, %dma_start3A_167] : memref<10240x128xf32, #tpu.memory_space<vmem_shared>> -> memref<10240x128xf32, #tpu.memory_space<vmem_shared>>
    tpu.enqueue_indirect_dma source(%arg11 : memref<128x128xf32, #tpu.memory_space<vmem>>) target(%dma_start3A_168 : memref<10240x128xf32, #tpu.memory_space<vmem_shared>>) offsets(%dma_start3A_165 : memref<128xi32, #tpu.memory_space<vmem>>) semaphore(%arg14 : memref<!tpu.dma_semaphore, #tpu.memory_space<semaphore_mem>>) {add = true}
    %dma_start3A_169 = arith.constant 18 : i32
    %dma_start3A_170 = arith.constant 0 : i32
    %dma_start3A_171 = tpu.memref_slice %arg9[%dma_start3A_169, %dma_start3A_170] : memref<80x128xi32, #tpu.memory_space<vmem>> -> memref<1x128xi32, #tpu.memory_space<vmem>>
    %dma_start3A_172 = tpu.memref_squeeze %dma_start3A_171 : memref<1x128xi32, #tpu.memory_space<vmem>> -> memref<128xi32, #tpu.memory_space<vmem>>
    %dma_start3A_173 = arith.constant 0 : i32
    %dma_start3A_174 = arith.constant 0 : i32
    %dma_start3A_175 = tpu.memref_slice %arg13[%dma_start3A_173, %dma_start3A_174] : memref<10240x128xf32, #tpu.memory_space<vmem_shared>> -> memref<10240x128xf32, #tpu.memory_space<vmem_shared>>
    tpu.enqueue_indirect_dma source(%arg11 : memref<128x128xf32, #tpu.memory_space<vmem>>) target(%dma_start3A_175 : memref<10240x128xf32, #tpu.memory_space<vmem_shared>>) offsets(%dma_start3A_172 : memref<128xi32, #tpu.memory_space<vmem>>) semaphore(%arg14 : memref<!tpu.dma_semaphore, #tpu.memory_space<semaphore_mem>>) {add = true}
    %dma_start3A_176 = arith.constant 19 : i32
    %dma_start3A_177 = arith.constant 0 : i32
    %dma_start3A_178 = tpu.memref_slice %arg9[%dma_start3A_176, %dma_start3A_177] : memref<80x128xi32, #tpu.memory_space<vmem>> -> memref<1x128xi32, #tpu.memory_space<vmem>>
    %dma_start3A_179 = tpu.memref_squeeze %dma_start3A_178 : memref<1x128xi32, #tpu.memory_space<vmem>> -> memref<128xi32, #tpu.memory_space<vmem>>
    %dma_start3A_180 = arith.constant 0 : i32
    %dma_start3A_181 = arith.constant 0 : i32
    %dma_start3A_182 = tpu.memref_slice %arg13[%dma_start3A_180, %dma_start3A_181] : memref<10240x128xf32, #tpu.memory_space<vmem_shared>> -> memref<10240x128xf32, #tpu.memory_space<vmem_shared>>
    tpu.enqueue_indirect_dma source(%arg11 : memref<128x128xf32, #tpu.memory_space<vmem>>) target(%dma_start3A_182 : memref<10240x128xf32, #tpu.memory_space<vmem_shared>>) offsets(%dma_start3A_179 : memref<128xi32, #tpu.memory_space<vmem>>) semaphore(%arg14 : memref<!tpu.dma_semaphore, #tpu.memory_space<semaphore_mem>>) {add = true}
    %dma_start3A_183 = arith.constant 20 : i32
    %dma_start3A_184 = arith.constant 0 : i32
    %dma_start3A_185 = tpu.memref_slice %arg9[%dma_start3A_183, %dma_start3A_184] : memref<80x128xi32, #tpu.memory_space<vmem>> -> memref<1x128xi32, #tpu.memory_space<vmem>>
    %dma_start3A_186 = tpu.memref_squeeze %dma_start3A_185 : memref<1x128xi32, #tpu.memory_space<vmem>> -> memref<128xi32, #tpu.memory_space<vmem>>
    %dma_start3A_187 = arith.constant 0 : i32
    %dma_start3A_188 = arith.constant 0 : i32
    %dma_start3A_189 = tpu.memref_slice %arg13[%dma_start3A_187, %dma_start3A_188] : memref<10240x128xf32, #tpu.memory_space<vmem_shared>> -> memref<10240x128xf32, #tpu.memory_space<vmem_shared>>
    tpu.enqueue_indirect_dma source(%arg11 : memref<128x128xf32, #tpu.memory_space<vmem>>) target(%dma_start3A_189 : memref<10240x128xf32, #tpu.memory_space<vmem_shared>>) offsets(%dma_start3A_186 : memref<128xi32, #tpu.memory_space<vmem>>) semaphore(%arg14 : memref<!tpu.dma_semaphore, #tpu.memory_space<semaphore_mem>>) {add = true}
    %dma_start3A_190 = arith.constant 21 : i32
    %dma_start3A_191 = arith.constant 0 : i32
    %dma_start3A_192 = tpu.memref_slice %arg9[%dma_start3A_190, %dma_start3A_191] : memref<80x128xi32, #tpu.memory_space<vmem>> -> memref<1x128xi32, #tpu.memory_space<vmem>>
    %dma_start3A_193 = tpu.memref_squeeze %dma_start3A_192 : memref<1x128xi32, #tpu.memory_space<vmem>> -> memref<128xi32, #tpu.memory_space<vmem>>
    %dma_start3A_194 = arith.constant 0 : i32
    %dma_start3A_195 = arith.constant 0 : i32
    %dma_start3A_196 = tpu.memref_slice %arg13[%dma_start3A_194, %dma_start3A_195] : memref<10240x128xf32, #tpu.memory_space<vmem_shared>> -> memref<10240x128xf32, #tpu.memory_space<vmem_shared>>
    tpu.enqueue_indirect_dma source(%arg11 : memref<128x128xf32, #tpu.memory_space<vmem>>) target(%dma_start3A_196 : memref<10240x128xf32, #tpu.memory_space<vmem_shared>>) offsets(%dma_start3A_193 : memref<128xi32, #tpu.memory_space<vmem>>) semaphore(%arg14 : memref<!tpu.dma_semaphore, #tpu.memory_space<semaphore_mem>>) {add = true}
    %dma_start3A_197 = arith.constant 22 : i32
    %dma_start3A_198 = arith.constant 0 : i32
    %dma_start3A_199 = tpu.memref_slice %arg9[%dma_start3A_197, %dma_start3A_198] : memref<80x128xi32, #tpu.memory_space<vmem>> -> memref<1x128xi32, #tpu.memory_space<vmem>>
    %dma_start3A_200 = tpu.memref_squeeze %dma_start3A_199 : memref<1x128xi32, #tpu.memory_space<vmem>> -> memref<128xi32, #tpu.memory_space<vmem>>
    %dma_start3A_201 = arith.constant 0 : i32
    %dma_start3A_202 = arith.constant 0 : i32
    %dma_start3A_203 = tpu.memref_slice %arg13[%dma_start3A_201, %dma_start3A_202] : memref<10240x128xf32, #tpu.memory_space<vmem_shared>> -> memref<10240x128xf32, #tpu.memory_space<vmem_shared>>
    tpu.enqueue_indirect_dma source(%arg11 : memref<128x128xf32, #tpu.memory_space<vmem>>) target(%dma_start3A_203 : memref<10240x128xf32, #tpu.memory_space<vmem_shared>>) offsets(%dma_start3A_200 : memref<128xi32, #tpu.memory_space<vmem>>) semaphore(%arg14 : memref<!tpu.dma_semaphore, #tpu.memory_space<semaphore_mem>>) {add = true}
    %dma_start3A_204 = arith.constant 23 : i32
    %dma_start3A_205 = arith.constant 0 : i32
    %dma_start3A_206 = tpu.memref_slice %arg9[%dma_start3A_204, %dma_start3A_205] : memref<80x128xi32, #tpu.memory_space<vmem>> -> memref<1x128xi32, #tpu.memory_space<vmem>>
    %dma_start3A_207 = tpu.memref_squeeze %dma_start3A_206 : memref<1x128xi32, #tpu.memory_space<vmem>> -> memref<128xi32, #tpu.memory_space<vmem>>
    %dma_start3A_208 = arith.constant 0 : i32
    %dma_start3A_209 = arith.constant 0 : i32
    %dma_start3A_210 = tpu.memref_slice %arg13[%dma_start3A_208, %dma_start3A_209] : memref<10240x128xf32, #tpu.memory_space<vmem_shared>> -> memref<10240x128xf32, #tpu.memory_space<vmem_shared>>
    tpu.enqueue_indirect_dma source(%arg11 : memref<128x128xf32, #tpu.memory_space<vmem>>) target(%dma_start3A_210 : memref<10240x128xf32, #tpu.memory_space<vmem_shared>>) offsets(%dma_start3A_207 : memref<128xi32, #tpu.memory_space<vmem>>) semaphore(%arg14 : memref<!tpu.dma_semaphore, #tpu.memory_space<semaphore_mem>>) {add = true}
    %dma_start3A_211 = arith.constant 2 : i32
    %dma_start3A_212 = arith.constant 0 : i32
    %dma_start3A_213 = tpu.memref_slice %arg10[%dma_start3A_211, %dma_start3A_212] : memref<5x64xi32, #tpu.memory_space<vmem>> -> memref<1x64xi32, #tpu.memory_space<vmem>>
    %dma_start3A_214 = tpu.memref_squeeze %dma_start3A_213 : memref<1x64xi32, #tpu.memory_space<vmem>> -> memref<64xi32, #tpu.memory_space<vmem>>
    %dma_start3A_215 = arith.constant 0 : i32
    %dma_start3A_216 = arith.constant 0 : i32
    %dma_start3A_217 = tpu.memref_slice %arg6[%dma_start3A_215, %dma_start3A_216] : memref<4096x256xf32, #tpu.memory_space<hbm>> -> memref<4096x256xf32, #tpu.memory_space<hbm>>
    tpu.enqueue_indirect_dma source(%dma_start3A_217 : memref<4096x256xf32, #tpu.memory_space<hbm>>) target(%arg12 : memref<64x256xf32, #tpu.memory_space<vmem>>) offsets(%dma_start3A_214 : memref<64xi32, #tpu.memory_space<vmem>>) semaphore(%arg15 : memref<!tpu.dma_semaphore, #tpu.memory_space<semaphore_mem>>)
    %dma_wait3A_218 = arith.constant 2 : i32
    %dma_wait3A_219 = arith.constant 0 : i32
    %dma_wait3A_220 = tpu.memref_slice %arg10[%dma_wait3A_218, %dma_wait3A_219] : memref<5x64xi32, #tpu.memory_space<vmem>> -> memref<1x64xi32, #tpu.memory_space<vmem>>
    %dma_wait3A_221 = tpu.memref_squeeze %dma_wait3A_220 : memref<1x64xi32, #tpu.memory_space<vmem>> -> memref<64xi32, #tpu.memory_space<vmem>>
    %dma_wait3A_222 = arith.constant 0 : i32
    %dma_wait3A_223 = arith.constant 0 : i32
    %dma_wait3A_224 = tpu.memref_slice %arg6[%dma_wait3A_222, %dma_wait3A_223] : memref<4096x256xf32, #tpu.memory_space<hbm>> -> memref<4096x256xf32, #tpu.memory_space<hbm>>
    tpu.wait_indirect_dma semaphore(%arg15 : memref<!tpu.dma_semaphore, #tpu.memory_space<semaphore_mem>>) src(%dma_wait3A_224 : memref<4096x256xf32, #tpu.memory_space<hbm>>) dst(%arg12 : memref<64x256xf32, #tpu.memory_space<vmem>>)
    %mul3A_225 = arith.constant 5 : i32
    %mul3A_226 = arith.muli %add3A, %mul3A_225 : i32
    %add3A_227 = arith.constant 2 : i32
    %add3A_228 = arith.addi %mul3A_226, %add3A_227 : i32
    %mul3A_229 = arith.constant 64 : i32
    %mul3A_230 = arith.muli %add3A_228, %mul3A_229 : i32
    "tpu.region"() ({
      %run_scoped3A = tpu.sem_alloc : memref<!tpu.dma_semaphore, #tpu.memory_space<semaphore_mem>>
      %dma_start3A_668 = arith.constant 0 : i32
      %dma_start3A_669 = tpu.memref_slice %arg8[%mul3A_230, %dma_start3A_668] : memref<10240x256xf32, #tpu.memory_space<hbm>> -> memref<64x256xf32, #tpu.memory_space<hbm>>
      %dma_start3A_670 = arith.constant 0 : i32
      %dma_start3A_671 = tpu.memref_slice %arg8[%mul3A_230, %dma_start3A_670] : memref<10240x256xf32, #tpu.memory_space<hbm>> -> memref<64x256xf32, #tpu.memory_space<hbm>>
      tpu.enqueue_dma source(%arg12 : memref<64x256xf32, #tpu.memory_space<vmem>>) target(%dma_start3A_671 : memref<64x256xf32, #tpu.memory_space<hbm>>) target_semaphore(%run_scoped3A : memref<!tpu.dma_semaphore, #tpu.memory_space<semaphore_mem>>)
      %dma_wait3A_672 = arith.constant 0 : i32
      %dma_wait3A_673 = tpu.memref_slice %arg8[%mul3A_230, %dma_wait3A_672] : memref<10240x256xf32, #tpu.memory_space<hbm>> -> memref<64x256xf32, #tpu.memory_space<hbm>>
      %dma_wait3A_674 = arith.constant 0 : i32
      %dma_wait3A_675 = tpu.memref_slice %arg8[%mul3A_230, %dma_wait3A_674] : memref<10240x256xf32, #tpu.memory_space<hbm>> -> memref<64x256xf32, #tpu.memory_space<hbm>>
      tpu.wait_dma2 semaphore(%run_scoped3A : memref<!tpu.dma_semaphore, #tpu.memory_space<semaphore_mem>>) src(%arg12 : memref<64x256xf32, #tpu.memory_space<vmem>>) dst(%dma_wait3A_675 : memref<64x256xf32, #tpu.memory_space<hbm>>)
      tpu.yield
    }) : () -> ()
    tpu.wait_dma2 semaphore(%arg14 : memref<!tpu.dma_semaphore, #tpu.memory_space<semaphore_mem>>) src(%arg5 : memref<128x128xf32, #tpu.memory_space<hbm>>) dst(%arg11 : memref<128x128xf32, #tpu.memory_space<vmem>>)
    tpu.wait_dma2 semaphore(%arg14 : memref<!tpu.dma_semaphore, #tpu.memory_space<semaphore_mem>>) src(%arg5 : memref<128x128xf32, #tpu.memory_space<hbm>>) dst(%arg11 : memref<128x128xf32, #tpu.memory_space<vmem>>)
    tpu.wait_dma2 semaphore(%arg14 : memref<!tpu.dma_semaphore, #tpu.memory_space<semaphore_mem>>) src(%arg5 : memref<128x128xf32, #tpu.memory_space<hbm>>) dst(%arg11 : memref<128x128xf32, #tpu.memory_space<vmem>>)
    tpu.wait_dma2 semaphore(%arg14 : memref<!tpu.dma_semaphore, #tpu.memory_space<semaphore_mem>>) src(%arg5 : memref<128x128xf32, #tpu.memory_space<hbm>>) dst(%arg11 : memref<128x128xf32, #tpu.memory_space<vmem>>)
    tpu.wait_dma2 semaphore(%arg14 : memref<!tpu.dma_semaphore, #tpu.memory_space<semaphore_mem>>) src(%arg5 : memref<128x128xf32, #tpu.memory_space<hbm>>) dst(%arg11 : memref<128x128xf32, #tpu.memory_space<vmem>>)
    tpu.wait_dma2 semaphore(%arg14 : memref<!tpu.dma_semaphore, #tpu.memory_space<semaphore_mem>>) src(%arg5 : memref<128x128xf32, #tpu.memory_space<hbm>>) dst(%arg11 : memref<128x128xf32, #tpu.memory_space<vmem>>)
    tpu.wait_dma2 semaphore(%arg14 : memref<!tpu.dma_semaphore, #tpu.memory_space<semaphore_mem>>) src(%arg5 : memref<128x128xf32, #tpu.memory_space<hbm>>) dst(%arg11 : memref<128x128xf32, #tpu.memory_space<vmem>>)
    tpu.wait_dma2 semaphore(%arg14 : memref<!tpu.dma_semaphore, #tpu.memory_space<semaphore_mem>>) src(%arg5 : memref<128x128xf32, #tpu.memory_space<hbm>>) dst(%arg11 : memref<128x128xf32, #tpu.memory_space<vmem>>)
    %dma_start3A_231 = arith.constant 24 : i32
    %dma_start3A_232 = arith.constant 0 : i32
    %dma_start3A_233 = tpu.memref_slice %arg9[%dma_start3A_231, %dma_start3A_232] : memref<80x128xi32, #tpu.memory_space<vmem>> -> memref<1x128xi32, #tpu.memory_space<vmem>>
    %dma_start3A_234 = tpu.memref_squeeze %dma_start3A_233 : memref<1x128xi32, #tpu.memory_space<vmem>> -> memref<128xi32, #tpu.memory_space<vmem>>
    %dma_start3A_235 = arith.constant 0 : i32
    %dma_start3A_236 = arith.constant 0 : i32
    %dma_start3A_237 = tpu.memref_slice %arg13[%dma_start3A_235, %dma_start3A_236] : memref<10240x128xf32, #tpu.memory_space<vmem_shared>> -> memref<10240x128xf32, #tpu.memory_space<vmem_shared>>
    tpu.enqueue_indirect_dma source(%arg11 : memref<128x128xf32, #tpu.memory_space<vmem>>) target(%dma_start3A_237 : memref<10240x128xf32, #tpu.memory_space<vmem_shared>>) offsets(%dma_start3A_234 : memref<128xi32, #tpu.memory_space<vmem>>) semaphore(%arg14 : memref<!tpu.dma_semaphore, #tpu.memory_space<semaphore_mem>>) {add = true}
    %dma_start3A_238 = arith.constant 25 : i32
    %dma_start3A_239 = arith.constant 0 : i32
    %dma_start3A_240 = tpu.memref_slice %arg9[%dma_start3A_238, %dma_start3A_239] : memref<80x128xi32, #tpu.memory_space<vmem>> -> memref<1x128xi32, #tpu.memory_space<vmem>>
    %dma_start3A_241 = tpu.memref_squeeze %dma_start3A_240 : memref<1x128xi32, #tpu.memory_space<vmem>> -> memref<128xi32, #tpu.memory_space<vmem>>
    %dma_start3A_242 = arith.constant 0 : i32
    %dma_start3A_243 = arith.constant 0 : i32
    %dma_start3A_244 = tpu.memref_slice %arg13[%dma_start3A_242, %dma_start3A_243] : memref<10240x128xf32, #tpu.memory_space<vmem_shared>> -> memref<10240x128xf32, #tpu.memory_space<vmem_shared>>
    tpu.enqueue_indirect_dma source(%arg11 : memref<128x128xf32, #tpu.memory_space<vmem>>) target(%dma_start3A_244 : memref<10240x128xf32, #tpu.memory_space<vmem_shared>>) offsets(%dma_start3A_241 : memref<128xi32, #tpu.memory_space<vmem>>) semaphore(%arg14 : memref<!tpu.dma_semaphore, #tpu.memory_space<semaphore_mem>>) {add = true}
    %dma_start3A_245 = arith.constant 26 : i32
    %dma_start3A_246 = arith.constant 0 : i32
    %dma_start3A_247 = tpu.memref_slice %arg9[%dma_start3A_245, %dma_start3A_246] : memref<80x128xi32, #tpu.memory_space<vmem>> -> memref<1x128xi32, #tpu.memory_space<vmem>>
    %dma_start3A_248 = tpu.memref_squeeze %dma_start3A_247 : memref<1x128xi32, #tpu.memory_space<vmem>> -> memref<128xi32, #tpu.memory_space<vmem>>
    %dma_start3A_249 = arith.constant 0 : i32
    %dma_start3A_250 = arith.constant 0 : i32
    %dma_start3A_251 = tpu.memref_slice %arg13[%dma_start3A_249, %dma_start3A_250] : memref<10240x128xf32, #tpu.memory_space<vmem_shared>> -> memref<10240x128xf32, #tpu.memory_space<vmem_shared>>
    tpu.enqueue_indirect_dma source(%arg11 : memref<128x128xf32, #tpu.memory_space<vmem>>) target(%dma_start3A_251 : memref<10240x128xf32, #tpu.memory_space<vmem_shared>>) offsets(%dma_start3A_248 : memref<128xi32, #tpu.memory_space<vmem>>) semaphore(%arg14 : memref<!tpu.dma_semaphore, #tpu.memory_space<semaphore_mem>>) {add = true}
    %dma_start3A_252 = arith.constant 27 : i32
    %dma_start3A_253 = arith.constant 0 : i32
    %dma_start3A_254 = tpu.memref_slice %arg9[%dma_start3A_252, %dma_start3A_253] : memref<80x128xi32, #tpu.memory_space<vmem>> -> memref<1x128xi32, #tpu.memory_space<vmem>>
    %dma_start3A_255 = tpu.memref_squeeze %dma_start3A_254 : memref<1x128xi32, #tpu.memory_space<vmem>> -> memref<128xi32, #tpu.memory_space<vmem>>
    %dma_start3A_256 = arith.constant 0 : i32
    %dma_start3A_257 = arith.constant 0 : i32
    %dma_start3A_258 = tpu.memref_slice %arg13[%dma_start3A_256, %dma_start3A_257] : memref<10240x128xf32, #tpu.memory_space<vmem_shared>> -> memref<10240x128xf32, #tpu.memory_space<vmem_shared>>
    tpu.enqueue_indirect_dma source(%arg11 : memref<128x128xf32, #tpu.memory_space<vmem>>) target(%dma_start3A_258 : memref<10240x128xf32, #tpu.memory_space<vmem_shared>>) offsets(%dma_start3A_255 : memref<128xi32, #tpu.memory_space<vmem>>) semaphore(%arg14 : memref<!tpu.dma_semaphore, #tpu.memory_space<semaphore_mem>>) {add = true}
    %dma_start3A_259 = arith.constant 28 : i32
    %dma_start3A_260 = arith.constant 0 : i32
    %dma_start3A_261 = tpu.memref_slice %arg9[%dma_start3A_259, %dma_start3A_260] : memref<80x128xi32, #tpu.memory_space<vmem>> -> memref<1x128xi32, #tpu.memory_space<vmem>>
    %dma_start3A_262 = tpu.memref_squeeze %dma_start3A_261 : memref<1x128xi32, #tpu.memory_space<vmem>> -> memref<128xi32, #tpu.memory_space<vmem>>
    %dma_start3A_263 = arith.constant 0 : i32
    %dma_start3A_264 = arith.constant 0 : i32
    %dma_start3A_265 = tpu.memref_slice %arg13[%dma_start3A_263, %dma_start3A_264] : memref<10240x128xf32, #tpu.memory_space<vmem_shared>> -> memref<10240x128xf32, #tpu.memory_space<vmem_shared>>
    tpu.enqueue_indirect_dma source(%arg11 : memref<128x128xf32, #tpu.memory_space<vmem>>) target(%dma_start3A_265 : memref<10240x128xf32, #tpu.memory_space<vmem_shared>>) offsets(%dma_start3A_262 : memref<128xi32, #tpu.memory_space<vmem>>) semaphore(%arg14 : memref<!tpu.dma_semaphore, #tpu.memory_space<semaphore_mem>>) {add = true}
    %dma_start3A_266 = arith.constant 29 : i32
    %dma_start3A_267 = arith.constant 0 : i32
    %dma_start3A_268 = tpu.memref_slice %arg9[%dma_start3A_266, %dma_start3A_267] : memref<80x128xi32, #tpu.memory_space<vmem>> -> memref<1x128xi32, #tpu.memory_space<vmem>>
    %dma_start3A_269 = tpu.memref_squeeze %dma_start3A_268 : memref<1x128xi32, #tpu.memory_space<vmem>> -> memref<128xi32, #tpu.memory_space<vmem>>
    %dma_start3A_270 = arith.constant 0 : i32
    %dma_start3A_271 = arith.constant 0 : i32
    %dma_start3A_272 = tpu.memref_slice %arg13[%dma_start3A_270, %dma_start3A_271] : memref<10240x128xf32, #tpu.memory_space<vmem_shared>> -> memref<10240x128xf32, #tpu.memory_space<vmem_shared>>
    tpu.enqueue_indirect_dma source(%arg11 : memref<128x128xf32, #tpu.memory_space<vmem>>) target(%dma_start3A_272 : memref<10240x128xf32, #tpu.memory_space<vmem_shared>>) offsets(%dma_start3A_269 : memref<128xi32, #tpu.memory_space<vmem>>) semaphore(%arg14 : memref<!tpu.dma_semaphore, #tpu.memory_space<semaphore_mem>>) {add = true}
    %dma_start3A_273 = arith.constant 30 : i32
    %dma_start3A_274 = arith.constant 0 : i32
    %dma_start3A_275 = tpu.memref_slice %arg9[%dma_start3A_273, %dma_start3A_274] : memref<80x128xi32, #tpu.memory_space<vmem>> -> memref<1x128xi32, #tpu.memory_space<vmem>>
    %dma_start3A_276 = tpu.memref_squeeze %dma_start3A_275 : memref<1x128xi32, #tpu.memory_space<vmem>> -> memref<128xi32, #tpu.memory_space<vmem>>
    %dma_start3A_277 = arith.constant 0 : i32
    %dma_start3A_278 = arith.constant 0 : i32
    %dma_start3A_279 = tpu.memref_slice %arg13[%dma_start3A_277, %dma_start3A_278] : memref<10240x128xf32, #tpu.memory_space<vmem_shared>> -> memref<10240x128xf32, #tpu.memory_space<vmem_shared>>
    tpu.enqueue_indirect_dma source(%arg11 : memref<128x128xf32, #tpu.memory_space<vmem>>) target(%dma_start3A_279 : memref<10240x128xf32, #tpu.memory_space<vmem_shared>>) offsets(%dma_start3A_276 : memref<128xi32, #tpu.memory_space<vmem>>) semaphore(%arg14 : memref<!tpu.dma_semaphore, #tpu.memory_space<semaphore_mem>>) {add = true}
    %dma_start3A_280 = arith.constant 31 : i32
    %dma_start3A_281 = arith.constant 0 : i32
    %dma_start3A_282 = tpu.memref_slice %arg9[%dma_start3A_280, %dma_start3A_281] : memref<80x128xi32, #tpu.memory_space<vmem>> -> memref<1x128xi32, #tpu.memory_space<vmem>>
    %dma_start3A_283 = tpu.memref_squeeze %dma_start3A_282 : memref<1x128xi32, #tpu.memory_space<vmem>> -> memref<128xi32, #tpu.memory_space<vmem>>
    %dma_start3A_284 = arith.constant 0 : i32
    %dma_start3A_285 = arith.constant 0 : i32
    %dma_start3A_286 = tpu.memref_slice %arg13[%dma_start3A_284, %dma_start3A_285] : memref<10240x128xf32, #tpu.memory_space<vmem_shared>> -> memref<10240x128xf32, #tpu.memory_space<vmem_shared>>
    tpu.enqueue_indirect_dma source(%arg11 : memref<128x128xf32, #tpu.memory_space<vmem>>) target(%dma_start3A_286 : memref<10240x128xf32, #tpu.memory_space<vmem_shared>>) offsets(%dma_start3A_283 : memref<128xi32, #tpu.memory_space<vmem>>) semaphore(%arg14 : memref<!tpu.dma_semaphore, #tpu.memory_space<semaphore_mem>>) {add = true}
    %dma_start3A_287 = arith.constant 3 : i32
    %dma_start3A_288 = arith.constant 0 : i32
    %dma_start3A_289 = tpu.memref_slice %arg10[%dma_start3A_287, %dma_start3A_288] : memref<5x64xi32, #tpu.memory_space<vmem>> -> memref<1x64xi32, #tpu.memory_space<vmem>>
    %dma_start3A_290 = tpu.memref_squeeze %dma_start3A_289 : memref<1x64xi32, #tpu.memory_space<vmem>> -> memref<64xi32, #tpu.memory_space<vmem>>
    %dma_start3A_291 = arith.constant 0 : i32
    %dma_start3A_292 = arith.constant 0 : i32
    %dma_start3A_293 = tpu.memref_slice %arg6[%dma_start3A_291, %dma_start3A_292] : memref<4096x256xf32, #tpu.memory_space<hbm>> -> memref<4096x256xf32, #tpu.memory_space<hbm>>
    tpu.enqueue_indirect_dma source(%dma_start3A_293 : memref<4096x256xf32, #tpu.memory_space<hbm>>) target(%arg12 : memref<64x256xf32, #tpu.memory_space<vmem>>) offsets(%dma_start3A_290 : memref<64xi32, #tpu.memory_space<vmem>>) semaphore(%arg15 : memref<!tpu.dma_semaphore, #tpu.memory_space<semaphore_mem>>)
    %dma_wait3A_294 = arith.constant 3 : i32
    %dma_wait3A_295 = arith.constant 0 : i32
    %dma_wait3A_296 = tpu.memref_slice %arg10[%dma_wait3A_294, %dma_wait3A_295] : memref<5x64xi32, #tpu.memory_space<vmem>> -> memref<1x64xi32, #tpu.memory_space<vmem>>
    %dma_wait3A_297 = tpu.memref_squeeze %dma_wait3A_296 : memref<1x64xi32, #tpu.memory_space<vmem>> -> memref<64xi32, #tpu.memory_space<vmem>>
    %dma_wait3A_298 = arith.constant 0 : i32
    %dma_wait3A_299 = arith.constant 0 : i32
    %dma_wait3A_300 = tpu.memref_slice %arg6[%dma_wait3A_298, %dma_wait3A_299] : memref<4096x256xf32, #tpu.memory_space<hbm>> -> memref<4096x256xf32, #tpu.memory_space<hbm>>
    tpu.wait_indirect_dma semaphore(%arg15 : memref<!tpu.dma_semaphore, #tpu.memory_space<semaphore_mem>>) src(%dma_wait3A_300 : memref<4096x256xf32, #tpu.memory_space<hbm>>) dst(%arg12 : memref<64x256xf32, #tpu.memory_space<vmem>>)
    %mul3A_301 = arith.constant 5 : i32
    %mul3A_302 = arith.muli %add3A, %mul3A_301 : i32
    %add3A_303 = arith.constant 3 : i32
    %add3A_304 = arith.addi %mul3A_302, %add3A_303 : i32
    %mul3A_305 = arith.constant 64 : i32
    %mul3A_306 = arith.muli %add3A_304, %mul3A_305 : i32
    "tpu.region"() ({
      %run_scoped3A = tpu.sem_alloc : memref<!tpu.dma_semaphore, #tpu.memory_space<semaphore_mem>>
      %dma_start3A_668 = arith.constant 0 : i32
      %dma_start3A_669 = tpu.memref_slice %arg8[%mul3A_306, %dma_start3A_668] : memref<10240x256xf32, #tpu.memory_space<hbm>> -> memref<64x256xf32, #tpu.memory_space<hbm>>
      %dma_start3A_670 = arith.constant 0 : i32
      %dma_start3A_671 = tpu.memref_slice %arg8[%mul3A_306, %dma_start3A_670] : memref<10240x256xf32, #tpu.memory_space<hbm>> -> memref<64x256xf32, #tpu.memory_space<hbm>>
      tpu.enqueue_dma source(%arg12 : memref<64x256xf32, #tpu.memory_space<vmem>>) target(%dma_start3A_671 : memref<64x256xf32, #tpu.memory_space<hbm>>) target_semaphore(%run_scoped3A : memref<!tpu.dma_semaphore, #tpu.memory_space<semaphore_mem>>)
      %dma_wait3A_672 = arith.constant 0 : i32
      %dma_wait3A_673 = tpu.memref_slice %arg8[%mul3A_306, %dma_wait3A_672] : memref<10240x256xf32, #tpu.memory_space<hbm>> -> memref<64x256xf32, #tpu.memory_space<hbm>>
      %dma_wait3A_674 = arith.constant 0 : i32
      %dma_wait3A_675 = tpu.memref_slice %arg8[%mul3A_306, %dma_wait3A_674] : memref<10240x256xf32, #tpu.memory_space<hbm>> -> memref<64x256xf32, #tpu.memory_space<hbm>>
      tpu.wait_dma2 semaphore(%run_scoped3A : memref<!tpu.dma_semaphore, #tpu.memory_space<semaphore_mem>>) src(%arg12 : memref<64x256xf32, #tpu.memory_space<vmem>>) dst(%dma_wait3A_675 : memref<64x256xf32, #tpu.memory_space<hbm>>)
      tpu.yield
    }) : () -> ()
    tpu.wait_dma2 semaphore(%arg14 : memref<!tpu.dma_semaphore, #tpu.memory_space<semaphore_mem>>) src(%arg5 : memref<128x128xf32, #tpu.memory_space<hbm>>) dst(%arg11 : memref<128x128xf32, #tpu.memory_space<vmem>>)
    tpu.wait_dma2 semaphore(%arg14 : memref<!tpu.dma_semaphore, #tpu.memory_space<semaphore_mem>>) src(%arg5 : memref<128x128xf32, #tpu.memory_space<hbm>>) dst(%arg11 : memref<128x128xf32, #tpu.memory_space<vmem>>)
    tpu.wait_dma2 semaphore(%arg14 : memref<!tpu.dma_semaphore, #tpu.memory_space<semaphore_mem>>) src(%arg5 : memref<128x128xf32, #tpu.memory_space<hbm>>) dst(%arg11 : memref<128x128xf32, #tpu.memory_space<vmem>>)
    tpu.wait_dma2 semaphore(%arg14 : memref<!tpu.dma_semaphore, #tpu.memory_space<semaphore_mem>>) src(%arg5 : memref<128x128xf32, #tpu.memory_space<hbm>>) dst(%arg11 : memref<128x128xf32, #tpu.memory_space<vmem>>)
    tpu.wait_dma2 semaphore(%arg14 : memref<!tpu.dma_semaphore, #tpu.memory_space<semaphore_mem>>) src(%arg5 : memref<128x128xf32, #tpu.memory_space<hbm>>) dst(%arg11 : memref<128x128xf32, #tpu.memory_space<vmem>>)
    tpu.wait_dma2 semaphore(%arg14 : memref<!tpu.dma_semaphore, #tpu.memory_space<semaphore_mem>>) src(%arg5 : memref<128x128xf32, #tpu.memory_space<hbm>>) dst(%arg11 : memref<128x128xf32, #tpu.memory_space<vmem>>)
    tpu.wait_dma2 semaphore(%arg14 : memref<!tpu.dma_semaphore, #tpu.memory_space<semaphore_mem>>) src(%arg5 : memref<128x128xf32, #tpu.memory_space<hbm>>) dst(%arg11 : memref<128x128xf32, #tpu.memory_space<vmem>>)
    tpu.wait_dma2 semaphore(%arg14 : memref<!tpu.dma_semaphore, #tpu.memory_space<semaphore_mem>>) src(%arg5 : memref<128x128xf32, #tpu.memory_space<hbm>>) dst(%arg11 : memref<128x128xf32, #tpu.memory_space<vmem>>)
    %dma_start3A_307 = arith.constant 32 : i32
    %dma_start3A_308 = arith.constant 0 : i32
    %dma_start3A_309 = tpu.memref_slice %arg9[%dma_start3A_307, %dma_start3A_308] : memref<80x128xi32, #tpu.memory_space<vmem>> -> memref<1x128xi32, #tpu.memory_space<vmem>>
    %dma_start3A_310 = tpu.memref_squeeze %dma_start3A_309 : memref<1x128xi32, #tpu.memory_space<vmem>> -> memref<128xi32, #tpu.memory_space<vmem>>
    %dma_start3A_311 = arith.constant 0 : i32
    %dma_start3A_312 = arith.constant 0 : i32
    %dma_start3A_313 = tpu.memref_slice %arg13[%dma_start3A_311, %dma_start3A_312] : memref<10240x128xf32, #tpu.memory_space<vmem_shared>> -> memref<10240x128xf32, #tpu.memory_space<vmem_shared>>
    tpu.enqueue_indirect_dma source(%arg11 : memref<128x128xf32, #tpu.memory_space<vmem>>) target(%dma_start3A_313 : memref<10240x128xf32, #tpu.memory_space<vmem_shared>>) offsets(%dma_start3A_310 : memref<128xi32, #tpu.memory_space<vmem>>) semaphore(%arg14 : memref<!tpu.dma_semaphore, #tpu.memory_space<semaphore_mem>>) {add = true}
    %dma_start3A_314 = arith.constant 33 : i32
    %dma_start3A_315 = arith.constant 0 : i32
    %dma_start3A_316 = tpu.memref_slice %arg9[%dma_start3A_314, %dma_start3A_315] : memref<80x128xi32, #tpu.memory_space<vmem>> -> memref<1x128xi32, #tpu.memory_space<vmem>>
    %dma_start3A_317 = tpu.memref_squeeze %dma_start3A_316 : memref<1x128xi32, #tpu.memory_space<vmem>> -> memref<128xi32, #tpu.memory_space<vmem>>
    %dma_start3A_318 = arith.constant 0 : i32
    %dma_start3A_319 = arith.constant 0 : i32
    %dma_start3A_320 = tpu.memref_slice %arg13[%dma_start3A_318, %dma_start3A_319] : memref<10240x128xf32, #tpu.memory_space<vmem_shared>> -> memref<10240x128xf32, #tpu.memory_space<vmem_shared>>
    tpu.enqueue_indirect_dma source(%arg11 : memref<128x128xf32, #tpu.memory_space<vmem>>) target(%dma_start3A_320 : memref<10240x128xf32, #tpu.memory_space<vmem_shared>>) offsets(%dma_start3A_317 : memref<128xi32, #tpu.memory_space<vmem>>) semaphore(%arg14 : memref<!tpu.dma_semaphore, #tpu.memory_space<semaphore_mem>>) {add = true}
    %dma_start3A_321 = arith.constant 34 : i32
    %dma_start3A_322 = arith.constant 0 : i32
    %dma_start3A_323 = tpu.memref_slice %arg9[%dma_start3A_321, %dma_start3A_322] : memref<80x128xi32, #tpu.memory_space<vmem>> -> memref<1x128xi32, #tpu.memory_space<vmem>>
    %dma_start3A_324 = tpu.memref_squeeze %dma_start3A_323 : memref<1x128xi32, #tpu.memory_space<vmem>> -> memref<128xi32, #tpu.memory_space<vmem>>
    %dma_start3A_325 = arith.constant 0 : i32
    %dma_start3A_326 = arith.constant 0 : i32
    %dma_start3A_327 = tpu.memref_slice %arg13[%dma_start3A_325, %dma_start3A_326] : memref<10240x128xf32, #tpu.memory_space<vmem_shared>> -> memref<10240x128xf32, #tpu.memory_space<vmem_shared>>
    tpu.enqueue_indirect_dma source(%arg11 : memref<128x128xf32, #tpu.memory_space<vmem>>) target(%dma_start3A_327 : memref<10240x128xf32, #tpu.memory_space<vmem_shared>>) offsets(%dma_start3A_324 : memref<128xi32, #tpu.memory_space<vmem>>) semaphore(%arg14 : memref<!tpu.dma_semaphore, #tpu.memory_space<semaphore_mem>>) {add = true}
    %dma_start3A_328 = arith.constant 35 : i32
    %dma_start3A_329 = arith.constant 0 : i32
    %dma_start3A_330 = tpu.memref_slice %arg9[%dma_start3A_328, %dma_start3A_329] : memref<80x128xi32, #tpu.memory_space<vmem>> -> memref<1x128xi32, #tpu.memory_space<vmem>>
    %dma_start3A_331 = tpu.memref_squeeze %dma_start3A_330 : memref<1x128xi32, #tpu.memory_space<vmem>> -> memref<128xi32, #tpu.memory_space<vmem>>
    %dma_start3A_332 = arith.constant 0 : i32
    %dma_start3A_333 = arith.constant 0 : i32
    %dma_start3A_334 = tpu.memref_slice %arg13[%dma_start3A_332, %dma_start3A_333] : memref<10240x128xf32, #tpu.memory_space<vmem_shared>> -> memref<10240x128xf32, #tpu.memory_space<vmem_shared>>
    tpu.enqueue_indirect_dma source(%arg11 : memref<128x128xf32, #tpu.memory_space<vmem>>) target(%dma_start3A_334 : memref<10240x128xf32, #tpu.memory_space<vmem_shared>>) offsets(%dma_start3A_331 : memref<128xi32, #tpu.memory_space<vmem>>) semaphore(%arg14 : memref<!tpu.dma_semaphore, #tpu.memory_space<semaphore_mem>>) {add = true}
    %dma_start3A_335 = arith.constant 36 : i32
    %dma_start3A_336 = arith.constant 0 : i32
    %dma_start3A_337 = tpu.memref_slice %arg9[%dma_start3A_335, %dma_start3A_336] : memref<80x128xi32, #tpu.memory_space<vmem>> -> memref<1x128xi32, #tpu.memory_space<vmem>>
    %dma_start3A_338 = tpu.memref_squeeze %dma_start3A_337 : memref<1x128xi32, #tpu.memory_space<vmem>> -> memref<128xi32, #tpu.memory_space<vmem>>
    %dma_start3A_339 = arith.constant 0 : i32
    %dma_start3A_340 = arith.constant 0 : i32
    %dma_start3A_341 = tpu.memref_slice %arg13[%dma_start3A_339, %dma_start3A_340] : memref<10240x128xf32, #tpu.memory_space<vmem_shared>> -> memref<10240x128xf32, #tpu.memory_space<vmem_shared>>
    tpu.enqueue_indirect_dma source(%arg11 : memref<128x128xf32, #tpu.memory_space<vmem>>) target(%dma_start3A_341 : memref<10240x128xf32, #tpu.memory_space<vmem_shared>>) offsets(%dma_start3A_338 : memref<128xi32, #tpu.memory_space<vmem>>) semaphore(%arg14 : memref<!tpu.dma_semaphore, #tpu.memory_space<semaphore_mem>>) {add = true}
    %dma_start3A_342 = arith.constant 37 : i32
    %dma_start3A_343 = arith.constant 0 : i32
    %dma_start3A_344 = tpu.memref_slice %arg9[%dma_start3A_342, %dma_start3A_343] : memref<80x128xi32, #tpu.memory_space<vmem>> -> memref<1x128xi32, #tpu.memory_space<vmem>>
    %dma_start3A_345 = tpu.memref_squeeze %dma_start3A_344 : memref<1x128xi32, #tpu.memory_space<vmem>> -> memref<128xi32, #tpu.memory_space<vmem>>
    %dma_start3A_346 = arith.constant 0 : i32
    %dma_start3A_347 = arith.constant 0 : i32
    %dma_start3A_348 = tpu.memref_slice %arg13[%dma_start3A_346, %dma_start3A_347] : memref<10240x128xf32, #tpu.memory_space<vmem_shared>> -> memref<10240x128xf32, #tpu.memory_space<vmem_shared>>
    tpu.enqueue_indirect_dma source(%arg11 : memref<128x128xf32, #tpu.memory_space<vmem>>) target(%dma_start3A_348 : memref<10240x128xf32, #tpu.memory_space<vmem_shared>>) offsets(%dma_start3A_345 : memref<128xi32, #tpu.memory_space<vmem>>) semaphore(%arg14 : memref<!tpu.dma_semaphore, #tpu.memory_space<semaphore_mem>>) {add = true}
    %dma_start3A_349 = arith.constant 38 : i32
    %dma_start3A_350 = arith.constant 0 : i32
    %dma_start3A_351 = tpu.memref_slice %arg9[%dma_start3A_349, %dma_start3A_350] : memref<80x128xi32, #tpu.memory_space<vmem>> -> memref<1x128xi32, #tpu.memory_space<vmem>>
    %dma_start3A_352 = tpu.memref_squeeze %dma_start3A_351 : memref<1x128xi32, #tpu.memory_space<vmem>> -> memref<128xi32, #tpu.memory_space<vmem>>
    %dma_start3A_353 = arith.constant 0 : i32
    %dma_start3A_354 = arith.constant 0 : i32
    %dma_start3A_355 = tpu.memref_slice %arg13[%dma_start3A_353, %dma_start3A_354] : memref<10240x128xf32, #tpu.memory_space<vmem_shared>> -> memref<10240x128xf32, #tpu.memory_space<vmem_shared>>
    tpu.enqueue_indirect_dma source(%arg11 : memref<128x128xf32, #tpu.memory_space<vmem>>) target(%dma_start3A_355 : memref<10240x128xf32, #tpu.memory_space<vmem_shared>>) offsets(%dma_start3A_352 : memref<128xi32, #tpu.memory_space<vmem>>) semaphore(%arg14 : memref<!tpu.dma_semaphore, #tpu.memory_space<semaphore_mem>>) {add = true}
    %dma_start3A_356 = arith.constant 39 : i32
    %dma_start3A_357 = arith.constant 0 : i32
    %dma_start3A_358 = tpu.memref_slice %arg9[%dma_start3A_356, %dma_start3A_357] : memref<80x128xi32, #tpu.memory_space<vmem>> -> memref<1x128xi32, #tpu.memory_space<vmem>>
    %dma_start3A_359 = tpu.memref_squeeze %dma_start3A_358 : memref<1x128xi32, #tpu.memory_space<vmem>> -> memref<128xi32, #tpu.memory_space<vmem>>
    %dma_start3A_360 = arith.constant 0 : i32
    %dma_start3A_361 = arith.constant 0 : i32
    %dma_start3A_362 = tpu.memref_slice %arg13[%dma_start3A_360, %dma_start3A_361] : memref<10240x128xf32, #tpu.memory_space<vmem_shared>> -> memref<10240x128xf32, #tpu.memory_space<vmem_shared>>
    tpu.enqueue_indirect_dma source(%arg11 : memref<128x128xf32, #tpu.memory_space<vmem>>) target(%dma_start3A_362 : memref<10240x128xf32, #tpu.memory_space<vmem_shared>>) offsets(%dma_start3A_359 : memref<128xi32, #tpu.memory_space<vmem>>) semaphore(%arg14 : memref<!tpu.dma_semaphore, #tpu.memory_space<semaphore_mem>>) {add = true}
    %dma_start3A_363 = arith.constant 4 : i32
    %dma_start3A_364 = arith.constant 0 : i32
    %dma_start3A_365 = tpu.memref_slice %arg10[%dma_start3A_363, %dma_start3A_364] : memref<5x64xi32, #tpu.memory_space<vmem>> -> memref<1x64xi32, #tpu.memory_space<vmem>>
    %dma_start3A_366 = tpu.memref_squeeze %dma_start3A_365 : memref<1x64xi32, #tpu.memory_space<vmem>> -> memref<64xi32, #tpu.memory_space<vmem>>
    %dma_start3A_367 = arith.constant 0 : i32
    %dma_start3A_368 = arith.constant 0 : i32
    %dma_start3A_369 = tpu.memref_slice %arg6[%dma_start3A_367, %dma_start3A_368] : memref<4096x256xf32, #tpu.memory_space<hbm>> -> memref<4096x256xf32, #tpu.memory_space<hbm>>
    tpu.enqueue_indirect_dma source(%dma_start3A_369 : memref<4096x256xf32, #tpu.memory_space<hbm>>) target(%arg12 : memref<64x256xf32, #tpu.memory_space<vmem>>) offsets(%dma_start3A_366 : memref<64xi32, #tpu.memory_space<vmem>>) semaphore(%arg15 : memref<!tpu.dma_semaphore, #tpu.memory_space<semaphore_mem>>)
    %dma_wait3A_370 = arith.constant 4 : i32
    %dma_wait3A_371 = arith.constant 0 : i32
    %dma_wait3A_372 = tpu.memref_slice %arg10[%dma_wait3A_370, %dma_wait3A_371] : memref<5x64xi32, #tpu.memory_space<vmem>> -> memref<1x64xi32, #tpu.memory_space<vmem>>
    %dma_wait3A_373 = tpu.memref_squeeze %dma_wait3A_372 : memref<1x64xi32, #tpu.memory_space<vmem>> -> memref<64xi32, #tpu.memory_space<vmem>>
    %dma_wait3A_374 = arith.constant 0 : i32
    %dma_wait3A_375 = arith.constant 0 : i32
    %dma_wait3A_376 = tpu.memref_slice %arg6[%dma_wait3A_374, %dma_wait3A_375] : memref<4096x256xf32, #tpu.memory_space<hbm>> -> memref<4096x256xf32, #tpu.memory_space<hbm>>
    tpu.wait_indirect_dma semaphore(%arg15 : memref<!tpu.dma_semaphore, #tpu.memory_space<semaphore_mem>>) src(%dma_wait3A_376 : memref<4096x256xf32, #tpu.memory_space<hbm>>) dst(%arg12 : memref<64x256xf32, #tpu.memory_space<vmem>>)
    %mul3A_377 = arith.constant 5 : i32
    %mul3A_378 = arith.muli %add3A, %mul3A_377 : i32
    %add3A_379 = arith.constant 4 : i32
    %add3A_380 = arith.addi %mul3A_378, %add3A_379 : i32
    %mul3A_381 = arith.constant 64 : i32
    %mul3A_382 = arith.muli %add3A_380, %mul3A_381 : i32
    "tpu.region"() ({
      %run_scoped3A = tpu.sem_alloc : memref<!tpu.dma_semaphore, #tpu.memory_space<semaphore_mem>>
      %dma_start3A_668 = arith.constant 0 : i32
      %dma_start3A_669 = tpu.memref_slice %arg8[%mul3A_382, %dma_start3A_668] : memref<10240x256xf32, #tpu.memory_space<hbm>> -> memref<64x256xf32, #tpu.memory_space<hbm>>
      %dma_start3A_670 = arith.constant 0 : i32
      %dma_start3A_671 = tpu.memref_slice %arg8[%mul3A_382, %dma_start3A_670] : memref<10240x256xf32, #tpu.memory_space<hbm>> -> memref<64x256xf32, #tpu.memory_space<hbm>>
      tpu.enqueue_dma source(%arg12 : memref<64x256xf32, #tpu.memory_space<vmem>>) target(%dma_start3A_671 : memref<64x256xf32, #tpu.memory_space<hbm>>) target_semaphore(%run_scoped3A : memref<!tpu.dma_semaphore, #tpu.memory_space<semaphore_mem>>)
      %dma_wait3A_672 = arith.constant 0 : i32
      %dma_wait3A_673 = tpu.memref_slice %arg8[%mul3A_382, %dma_wait3A_672] : memref<10240x256xf32, #tpu.memory_space<hbm>> -> memref<64x256xf32, #tpu.memory_space<hbm>>
      %dma_wait3A_674 = arith.constant 0 : i32
      %dma_wait3A_675 = tpu.memref_slice %arg8[%mul3A_382, %dma_wait3A_674] : memref<10240x256xf32, #tpu.memory_space<hbm>> -> memref<64x256xf32, #tpu.memory_space<hbm>>
      tpu.wait_dma2 semaphore(%run_scoped3A : memref<!tpu.dma_semaphore, #tpu.memory_space<semaphore_mem>>) src(%arg12 : memref<64x256xf32, #tpu.memory_space<vmem>>) dst(%dma_wait3A_675 : memref<64x256xf32, #tpu.memory_space<hbm>>)
      tpu.yield
    }) : () -> ()
    tpu.wait_dma2 semaphore(%arg14 : memref<!tpu.dma_semaphore, #tpu.memory_space<semaphore_mem>>) src(%arg5 : memref<128x128xf32, #tpu.memory_space<hbm>>) dst(%arg11 : memref<128x128xf32, #tpu.memory_space<vmem>>)
    tpu.wait_dma2 semaphore(%arg14 : memref<!tpu.dma_semaphore, #tpu.memory_space<semaphore_mem>>) src(%arg5 : memref<128x128xf32, #tpu.memory_space<hbm>>) dst(%arg11 : memref<128x128xf32, #tpu.memory_space<vmem>>)
    tpu.wait_dma2 semaphore(%arg14 : memref<!tpu.dma_semaphore, #tpu.memory_space<semaphore_mem>>) src(%arg5 : memref<128x128xf32, #tpu.memory_space<hbm>>) dst(%arg11 : memref<128x128xf32, #tpu.memory_space<vmem>>)
    tpu.wait_dma2 semaphore(%arg14 : memref<!tpu.dma_semaphore, #tpu.memory_space<semaphore_mem>>) src(%arg5 : memref<128x128xf32, #tpu.memory_space<hbm>>) dst(%arg11 : memref<128x128xf32, #tpu.memory_space<vmem>>)
    tpu.wait_dma2 semaphore(%arg14 : memref<!tpu.dma_semaphore, #tpu.memory_space<semaphore_mem>>) src(%arg5 : memref<128x128xf32, #tpu.memory_space<hbm>>) dst(%arg11 : memref<128x128xf32, #tpu.memory_space<vmem>>)
    tpu.wait_dma2 semaphore(%arg14 : memref<!tpu.dma_semaphore, #tpu.memory_space<semaphore_mem>>) src(%arg5 : memref<128x128xf32, #tpu.memory_space<hbm>>) dst(%arg11 : memref<128x128xf32, #tpu.memory_space<vmem>>)
    tpu.wait_dma2 semaphore(%arg14 : memref<!tpu.dma_semaphore, #tpu.memory_space<semaphore_mem>>) src(%arg5 : memref<128x128xf32, #tpu.memory_space<hbm>>) dst(%arg11 : memref<128x128xf32, #tpu.memory_space<vmem>>)
    tpu.wait_dma2 semaphore(%arg14 : memref<!tpu.dma_semaphore, #tpu.memory_space<semaphore_mem>>) src(%arg5 : memref<128x128xf32, #tpu.memory_space<hbm>>) dst(%arg11 : memref<128x128xf32, #tpu.memory_space<vmem>>)
    %dma_start3A_383 = arith.constant 40 : i32
    %dma_start3A_384 = arith.constant 0 : i32
    %dma_start3A_385 = tpu.memref_slice %arg9[%dma_start3A_383, %dma_start3A_384] : memref<80x128xi32, #tpu.memory_space<vmem>> -> memref<1x128xi32, #tpu.memory_space<vmem>>
    %dma_start3A_386 = tpu.memref_squeeze %dma_start3A_385 : memref<1x128xi32, #tpu.memory_space<vmem>> -> memref<128xi32, #tpu.memory_space<vmem>>
    %dma_start3A_387 = arith.constant 0 : i32
    %dma_start3A_388 = arith.constant 0 : i32
    %dma_start3A_389 = tpu.memref_slice %arg13[%dma_start3A_387, %dma_start3A_388] : memref<10240x128xf32, #tpu.memory_space<vmem_shared>> -> memref<10240x128xf32, #tpu.memory_space<vmem_shared>>
    tpu.enqueue_indirect_dma source(%arg11 : memref<128x128xf32, #tpu.memory_space<vmem>>) target(%dma_start3A_389 : memref<10240x128xf32, #tpu.memory_space<vmem_shared>>) offsets(%dma_start3A_386 : memref<128xi32, #tpu.memory_space<vmem>>) semaphore(%arg14 : memref<!tpu.dma_semaphore, #tpu.memory_space<semaphore_mem>>) {add = true}
    %dma_start3A_390 = arith.constant 41 : i32
    %dma_start3A_391 = arith.constant 0 : i32
    %dma_start3A_392 = tpu.memref_slice %arg9[%dma_start3A_390, %dma_start3A_391] : memref<80x128xi32, #tpu.memory_space<vmem>> -> memref<1x128xi32, #tpu.memory_space<vmem>>
    %dma_start3A_393 = tpu.memref_squeeze %dma_start3A_392 : memref<1x128xi32, #tpu.memory_space<vmem>> -> memref<128xi32, #tpu.memory_space<vmem>>
    %dma_start3A_394 = arith.constant 0 : i32
    %dma_start3A_395 = arith.constant 0 : i32
    %dma_start3A_396 = tpu.memref_slice %arg13[%dma_start3A_394, %dma_start3A_395] : memref<10240x128xf32, #tpu.memory_space<vmem_shared>> -> memref<10240x128xf32, #tpu.memory_space<vmem_shared>>
    tpu.enqueue_indirect_dma source(%arg11 : memref<128x128xf32, #tpu.memory_space<vmem>>) target(%dma_start3A_396 : memref<10240x128xf32, #tpu.memory_space<vmem_shared>>) offsets(%dma_start3A_393 : memref<128xi32, #tpu.memory_space<vmem>>) semaphore(%arg14 : memref<!tpu.dma_semaphore, #tpu.memory_space<semaphore_mem>>) {add = true}
    %dma_start3A_397 = arith.constant 42 : i32
    %dma_start3A_398 = arith.constant 0 : i32
    %dma_start3A_399 = tpu.memref_slice %arg9[%dma_start3A_397, %dma_start3A_398] : memref<80x128xi32, #tpu.memory_space<vmem>> -> memref<1x128xi32, #tpu.memory_space<vmem>>
    %dma_start3A_400 = tpu.memref_squeeze %dma_start3A_399 : memref<1x128xi32, #tpu.memory_space<vmem>> -> memref<128xi32, #tpu.memory_space<vmem>>
    %dma_start3A_401 = arith.constant 0 : i32
    %dma_start3A_402 = arith.constant 0 : i32
    %dma_start3A_403 = tpu.memref_slice %arg13[%dma_start3A_401, %dma_start3A_402] : memref<10240x128xf32, #tpu.memory_space<vmem_shared>> -> memref<10240x128xf32, #tpu.memory_space<vmem_shared>>
    tpu.enqueue_indirect_dma source(%arg11 : memref<128x128xf32, #tpu.memory_space<vmem>>) target(%dma_start3A_403 : memref<10240x128xf32, #tpu.memory_space<vmem_shared>>) offsets(%dma_start3A_400 : memref<128xi32, #tpu.memory_space<vmem>>) semaphore(%arg14 : memref<!tpu.dma_semaphore, #tpu.memory_space<semaphore_mem>>) {add = true}
    %dma_start3A_404 = arith.constant 43 : i32
    %dma_start3A_405 = arith.constant 0 : i32
    %dma_start3A_406 = tpu.memref_slice %arg9[%dma_start3A_404, %dma_start3A_405] : memref<80x128xi32, #tpu.memory_space<vmem>> -> memref<1x128xi32, #tpu.memory_space<vmem>>
    %dma_start3A_407 = tpu.memref_squeeze %dma_start3A_406 : memref<1x128xi32, #tpu.memory_space<vmem>> -> memref<128xi32, #tpu.memory_space<vmem>>
    %dma_start3A_408 = arith.constant 0 : i32
    %dma_start3A_409 = arith.constant 0 : i32
    %dma_start3A_410 = tpu.memref_slice %arg13[%dma_start3A_408, %dma_start3A_409] : memref<10240x128xf32, #tpu.memory_space<vmem_shared>> -> memref<10240x128xf32, #tpu.memory_space<vmem_shared>>
    tpu.enqueue_indirect_dma source(%arg11 : memref<128x128xf32, #tpu.memory_space<vmem>>) target(%dma_start3A_410 : memref<10240x128xf32, #tpu.memory_space<vmem_shared>>) offsets(%dma_start3A_407 : memref<128xi32, #tpu.memory_space<vmem>>) semaphore(%arg14 : memref<!tpu.dma_semaphore, #tpu.memory_space<semaphore_mem>>) {add = true}
    %dma_start3A_411 = arith.constant 44 : i32
    %dma_start3A_412 = arith.constant 0 : i32
    %dma_start3A_413 = tpu.memref_slice %arg9[%dma_start3A_411, %dma_start3A_412] : memref<80x128xi32, #tpu.memory_space<vmem>> -> memref<1x128xi32, #tpu.memory_space<vmem>>
    %dma_start3A_414 = tpu.memref_squeeze %dma_start3A_413 : memref<1x128xi32, #tpu.memory_space<vmem>> -> memref<128xi32, #tpu.memory_space<vmem>>
    %dma_start3A_415 = arith.constant 0 : i32
    %dma_start3A_416 = arith.constant 0 : i32
    %dma_start3A_417 = tpu.memref_slice %arg13[%dma_start3A_415, %dma_start3A_416] : memref<10240x128xf32, #tpu.memory_space<vmem_shared>> -> memref<10240x128xf32, #tpu.memory_space<vmem_shared>>
    tpu.enqueue_indirect_dma source(%arg11 : memref<128x128xf32, #tpu.memory_space<vmem>>) target(%dma_start3A_417 : memref<10240x128xf32, #tpu.memory_space<vmem_shared>>) offsets(%dma_start3A_414 : memref<128xi32, #tpu.memory_space<vmem>>) semaphore(%arg14 : memref<!tpu.dma_semaphore, #tpu.memory_space<semaphore_mem>>) {add = true}
    %dma_start3A_418 = arith.constant 45 : i32
    %dma_start3A_419 = arith.constant 0 : i32
    %dma_start3A_420 = tpu.memref_slice %arg9[%dma_start3A_418, %dma_start3A_419] : memref<80x128xi32, #tpu.memory_space<vmem>> -> memref<1x128xi32, #tpu.memory_space<vmem>>
    %dma_start3A_421 = tpu.memref_squeeze %dma_start3A_420 : memref<1x128xi32, #tpu.memory_space<vmem>> -> memref<128xi32, #tpu.memory_space<vmem>>
    %dma_start3A_422 = arith.constant 0 : i32
    %dma_start3A_423 = arith.constant 0 : i32
    %dma_start3A_424 = tpu.memref_slice %arg13[%dma_start3A_422, %dma_start3A_423] : memref<10240x128xf32, #tpu.memory_space<vmem_shared>> -> memref<10240x128xf32, #tpu.memory_space<vmem_shared>>
    tpu.enqueue_indirect_dma source(%arg11 : memref<128x128xf32, #tpu.memory_space<vmem>>) target(%dma_start3A_424 : memref<10240x128xf32, #tpu.memory_space<vmem_shared>>) offsets(%dma_start3A_421 : memref<128xi32, #tpu.memory_space<vmem>>) semaphore(%arg14 : memref<!tpu.dma_semaphore, #tpu.memory_space<semaphore_mem>>) {add = true}
    %dma_start3A_425 = arith.constant 46 : i32
    %dma_start3A_426 = arith.constant 0 : i32
    %dma_start3A_427 = tpu.memref_slice %arg9[%dma_start3A_425, %dma_start3A_426] : memref<80x128xi32, #tpu.memory_space<vmem>> -> memref<1x128xi32, #tpu.memory_space<vmem>>
    %dma_start3A_428 = tpu.memref_squeeze %dma_start3A_427 : memref<1x128xi32, #tpu.memory_space<vmem>> -> memref<128xi32, #tpu.memory_space<vmem>>
    %dma_start3A_429 = arith.constant 0 : i32
    %dma_start3A_430 = arith.constant 0 : i32
    %dma_start3A_431 = tpu.memref_slice %arg13[%dma_start3A_429, %dma_start3A_430] : memref<10240x128xf32, #tpu.memory_space<vmem_shared>> -> memref<10240x128xf32, #tpu.memory_space<vmem_shared>>
    tpu.enqueue_indirect_dma source(%arg11 : memref<128x128xf32, #tpu.memory_space<vmem>>) target(%dma_start3A_431 : memref<10240x128xf32, #tpu.memory_space<vmem_shared>>) offsets(%dma_start3A_428 : memref<128xi32, #tpu.memory_space<vmem>>) semaphore(%arg14 : memref<!tpu.dma_semaphore, #tpu.memory_space<semaphore_mem>>) {add = true}
    %dma_start3A_432 = arith.constant 47 : i32
    %dma_start3A_433 = arith.constant 0 : i32
    %dma_start3A_434 = tpu.memref_slice %arg9[%dma_start3A_432, %dma_start3A_433] : memref<80x128xi32, #tpu.memory_space<vmem>> -> memref<1x128xi32, #tpu.memory_space<vmem>>
    %dma_start3A_435 = tpu.memref_squeeze %dma_start3A_434 : memref<1x128xi32, #tpu.memory_space<vmem>> -> memref<128xi32, #tpu.memory_space<vmem>>
    %dma_start3A_436 = arith.constant 0 : i32
    %dma_start3A_437 = arith.constant 0 : i32
    %dma_start3A_438 = tpu.memref_slice %arg13[%dma_start3A_436, %dma_start3A_437] : memref<10240x128xf32, #tpu.memory_space<vmem_shared>> -> memref<10240x128xf32, #tpu.memory_space<vmem_shared>>
    tpu.enqueue_indirect_dma source(%arg11 : memref<128x128xf32, #tpu.memory_space<vmem>>) target(%dma_start3A_438 : memref<10240x128xf32, #tpu.memory_space<vmem_shared>>) offsets(%dma_start3A_435 : memref<128xi32, #tpu.memory_space<vmem>>) semaphore(%arg14 : memref<!tpu.dma_semaphore, #tpu.memory_space<semaphore_mem>>) {add = true}
    tpu.wait_dma2 semaphore(%arg14 : memref<!tpu.dma_semaphore, #tpu.memory_space<semaphore_mem>>) src(%arg5 : memref<128x128xf32, #tpu.memory_space<hbm>>) dst(%arg11 : memref<128x128xf32, #tpu.memory_space<vmem>>)
    tpu.wait_dma2 semaphore(%arg14 : memref<!tpu.dma_semaphore, #tpu.memory_space<semaphore_mem>>) src(%arg5 : memref<128x128xf32, #tpu.memory_space<hbm>>) dst(%arg11 : memref<128x128xf32, #tpu.memory_space<vmem>>)
    tpu.wait_dma2 semaphore(%arg14 : memref<!tpu.dma_semaphore, #tpu.memory_space<semaphore_mem>>) src(%arg5 : memref<128x128xf32, #tpu.memory_space<hbm>>) dst(%arg11 : memref<128x128xf32, #tpu.memory_space<vmem>>)
    tpu.wait_dma2 semaphore(%arg14 : memref<!tpu.dma_semaphore, #tpu.memory_space<semaphore_mem>>) src(%arg5 : memref<128x128xf32, #tpu.memory_space<hbm>>) dst(%arg11 : memref<128x128xf32, #tpu.memory_space<vmem>>)
    tpu.wait_dma2 semaphore(%arg14 : memref<!tpu.dma_semaphore, #tpu.memory_space<semaphore_mem>>) src(%arg5 : memref<128x128xf32, #tpu.memory_space<hbm>>) dst(%arg11 : memref<128x128xf32, #tpu.memory_space<vmem>>)
    tpu.wait_dma2 semaphore(%arg14 : memref<!tpu.dma_semaphore, #tpu.memory_space<semaphore_mem>>) src(%arg5 : memref<128x128xf32, #tpu.memory_space<hbm>>) dst(%arg11 : memref<128x128xf32, #tpu.memory_space<vmem>>)
    tpu.wait_dma2 semaphore(%arg14 : memref<!tpu.dma_semaphore, #tpu.memory_space<semaphore_mem>>) src(%arg5 : memref<128x128xf32, #tpu.memory_space<hbm>>) dst(%arg11 : memref<128x128xf32, #tpu.memory_space<vmem>>)
    tpu.wait_dma2 semaphore(%arg14 : memref<!tpu.dma_semaphore, #tpu.memory_space<semaphore_mem>>) src(%arg5 : memref<128x128xf32, #tpu.memory_space<hbm>>) dst(%arg11 : memref<128x128xf32, #tpu.memory_space<vmem>>)
    %dma_start3A_439 = arith.constant 48 : i32
    %dma_start3A_440 = arith.constant 0 : i32
    %dma_start3A_441 = tpu.memref_slice %arg9[%dma_start3A_439, %dma_start3A_440] : memref<80x128xi32, #tpu.memory_space<vmem>> -> memref<1x128xi32, #tpu.memory_space<vmem>>
    %dma_start3A_442 = tpu.memref_squeeze %dma_start3A_441 : memref<1x128xi32, #tpu.memory_space<vmem>> -> memref<128xi32, #tpu.memory_space<vmem>>
    %dma_start3A_443 = arith.constant 0 : i32
    %dma_start3A_444 = arith.constant 0 : i32
    %dma_start3A_445 = tpu.memref_slice %arg13[%dma_start3A_443, %dma_start3A_444] : memref<10240x128xf32, #tpu.memory_space<vmem_shared>> -> memref<10240x128xf32, #tpu.memory_space<vmem_shared>>
    tpu.enqueue_indirect_dma source(%arg11 : memref<128x128xf32, #tpu.memory_space<vmem>>) target(%dma_start3A_445 : memref<10240x128xf32, #tpu.memory_space<vmem_shared>>) offsets(%dma_start3A_442 : memref<128xi32, #tpu.memory_space<vmem>>) semaphore(%arg14 : memref<!tpu.dma_semaphore, #tpu.memory_space<semaphore_mem>>) {add = true}
    %dma_start3A_446 = arith.constant 49 : i32
    %dma_start3A_447 = arith.constant 0 : i32
    %dma_start3A_448 = tpu.memref_slice %arg9[%dma_start3A_446, %dma_start3A_447] : memref<80x128xi32, #tpu.memory_space<vmem>> -> memref<1x128xi32, #tpu.memory_space<vmem>>
    %dma_start3A_449 = tpu.memref_squeeze %dma_start3A_448 : memref<1x128xi32, #tpu.memory_space<vmem>> -> memref<128xi32, #tpu.memory_space<vmem>>
    %dma_start3A_450 = arith.constant 0 : i32
    %dma_start3A_451 = arith.constant 0 : i32
    %dma_start3A_452 = tpu.memref_slice %arg13[%dma_start3A_450, %dma_start3A_451] : memref<10240x128xf32, #tpu.memory_space<vmem_shared>> -> memref<10240x128xf32, #tpu.memory_space<vmem_shared>>
    tpu.enqueue_indirect_dma source(%arg11 : memref<128x128xf32, #tpu.memory_space<vmem>>) target(%dma_start3A_452 : memref<10240x128xf32, #tpu.memory_space<vmem_shared>>) offsets(%dma_start3A_449 : memref<128xi32, #tpu.memory_space<vmem>>) semaphore(%arg14 : memref<!tpu.dma_semaphore, #tpu.memory_space<semaphore_mem>>) {add = true}
    %dma_start3A_453 = arith.constant 50 : i32
    %dma_start3A_454 = arith.constant 0 : i32
    %dma_start3A_455 = tpu.memref_slice %arg9[%dma_start3A_453, %dma_start3A_454] : memref<80x128xi32, #tpu.memory_space<vmem>> -> memref<1x128xi32, #tpu.memory_space<vmem>>
    %dma_start3A_456 = tpu.memref_squeeze %dma_start3A_455 : memref<1x128xi32, #tpu.memory_space<vmem>> -> memref<128xi32, #tpu.memory_space<vmem>>
    %dma_start3A_457 = arith.constant 0 : i32
    %dma_start3A_458 = arith.constant 0 : i32
    %dma_start3A_459 = tpu.memref_slice %arg13[%dma_start3A_457, %dma_start3A_458] : memref<10240x128xf32, #tpu.memory_space<vmem_shared>> -> memref<10240x128xf32, #tpu.memory_space<vmem_shared>>
    tpu.enqueue_indirect_dma source(%arg11 : memref<128x128xf32, #tpu.memory_space<vmem>>) target(%dma_start3A_459 : memref<10240x128xf32, #tpu.memory_space<vmem_shared>>) offsets(%dma_start3A_456 : memref<128xi32, #tpu.memory_space<vmem>>) semaphore(%arg14 : memref<!tpu.dma_semaphore, #tpu.memory_space<semaphore_mem>>) {add = true}
    %dma_start3A_460 = arith.constant 51 : i32
    %dma_start3A_461 = arith.constant 0 : i32
    %dma_start3A_462 = tpu.memref_slice %arg9[%dma_start3A_460, %dma_start3A_461] : memref<80x128xi32, #tpu.memory_space<vmem>> -> memref<1x128xi32, #tpu.memory_space<vmem>>
    %dma_start3A_463 = tpu.memref_squeeze %dma_start3A_462 : memref<1x128xi32, #tpu.memory_space<vmem>> -> memref<128xi32, #tpu.memory_space<vmem>>
    %dma_start3A_464 = arith.constant 0 : i32
    %dma_start3A_465 = arith.constant 0 : i32
    %dma_start3A_466 = tpu.memref_slice %arg13[%dma_start3A_464, %dma_start3A_465] : memref<10240x128xf32, #tpu.memory_space<vmem_shared>> -> memref<10240x128xf32, #tpu.memory_space<vmem_shared>>
    tpu.enqueue_indirect_dma source(%arg11 : memref<128x128xf32, #tpu.memory_space<vmem>>) target(%dma_start3A_466 : memref<10240x128xf32, #tpu.memory_space<vmem_shared>>) offsets(%dma_start3A_463 : memref<128xi32, #tpu.memory_space<vmem>>) semaphore(%arg14 : memref<!tpu.dma_semaphore, #tpu.memory_space<semaphore_mem>>) {add = true}
    %dma_start3A_467 = arith.constant 52 : i32
    %dma_start3A_468 = arith.constant 0 : i32
    %dma_start3A_469 = tpu.memref_slice %arg9[%dma_start3A_467, %dma_start3A_468] : memref<80x128xi32, #tpu.memory_space<vmem>> -> memref<1x128xi32, #tpu.memory_space<vmem>>
    %dma_start3A_470 = tpu.memref_squeeze %dma_start3A_469 : memref<1x128xi32, #tpu.memory_space<vmem>> -> memref<128xi32, #tpu.memory_space<vmem>>
    %dma_start3A_471 = arith.constant 0 : i32
    %dma_start3A_472 = arith.constant 0 : i32
    %dma_start3A_473 = tpu.memref_slice %arg13[%dma_start3A_471, %dma_start3A_472] : memref<10240x128xf32, #tpu.memory_space<vmem_shared>> -> memref<10240x128xf32, #tpu.memory_space<vmem_shared>>
    tpu.enqueue_indirect_dma source(%arg11 : memref<128x128xf32, #tpu.memory_space<vmem>>) target(%dma_start3A_473 : memref<10240x128xf32, #tpu.memory_space<vmem_shared>>) offsets(%dma_start3A_470 : memref<128xi32, #tpu.memory_space<vmem>>) semaphore(%arg14 : memref<!tpu.dma_semaphore, #tpu.memory_space<semaphore_mem>>) {add = true}
    %dma_start3A_474 = arith.constant 53 : i32
    %dma_start3A_475 = arith.constant 0 : i32
    %dma_start3A_476 = tpu.memref_slice %arg9[%dma_start3A_474, %dma_start3A_475] : memref<80x128xi32, #tpu.memory_space<vmem>> -> memref<1x128xi32, #tpu.memory_space<vmem>>
    %dma_start3A_477 = tpu.memref_squeeze %dma_start3A_476 : memref<1x128xi32, #tpu.memory_space<vmem>> -> memref<128xi32, #tpu.memory_space<vmem>>
    %dma_start3A_478 = arith.constant 0 : i32
    %dma_start3A_479 = arith.constant 0 : i32
    %dma_start3A_480 = tpu.memref_slice %arg13[%dma_start3A_478, %dma_start3A_479] : memref<10240x128xf32, #tpu.memory_space<vmem_shared>> -> memref<10240x128xf32, #tpu.memory_space<vmem_shared>>
    tpu.enqueue_indirect_dma source(%arg11 : memref<128x128xf32, #tpu.memory_space<vmem>>) target(%dma_start3A_480 : memref<10240x128xf32, #tpu.memory_space<vmem_shared>>) offsets(%dma_start3A_477 : memref<128xi32, #tpu.memory_space<vmem>>) semaphore(%arg14 : memref<!tpu.dma_semaphore, #tpu.memory_space<semaphore_mem>>) {add = true}
    %dma_start3A_481 = arith.constant 54 : i32
    %dma_start3A_482 = arith.constant 0 : i32
    %dma_start3A_483 = tpu.memref_slice %arg9[%dma_start3A_481, %dma_start3A_482] : memref<80x128xi32, #tpu.memory_space<vmem>> -> memref<1x128xi32, #tpu.memory_space<vmem>>
    %dma_start3A_484 = tpu.memref_squeeze %dma_start3A_483 : memref<1x128xi32, #tpu.memory_space<vmem>> -> memref<128xi32, #tpu.memory_space<vmem>>
    %dma_start3A_485 = arith.constant 0 : i32
    %dma_start3A_486 = arith.constant 0 : i32
    %dma_start3A_487 = tpu.memref_slice %arg13[%dma_start3A_485, %dma_start3A_486] : memref<10240x128xf32, #tpu.memory_space<vmem_shared>> -> memref<10240x128xf32, #tpu.memory_space<vmem_shared>>
    tpu.enqueue_indirect_dma source(%arg11 : memref<128x128xf32, #tpu.memory_space<vmem>>) target(%dma_start3A_487 : memref<10240x128xf32, #tpu.memory_space<vmem_shared>>) offsets(%dma_start3A_484 : memref<128xi32, #tpu.memory_space<vmem>>) semaphore(%arg14 : memref<!tpu.dma_semaphore, #tpu.memory_space<semaphore_mem>>) {add = true}
    %dma_start3A_488 = arith.constant 55 : i32
    %dma_start3A_489 = arith.constant 0 : i32
    %dma_start3A_490 = tpu.memref_slice %arg9[%dma_start3A_488, %dma_start3A_489] : memref<80x128xi32, #tpu.memory_space<vmem>> -> memref<1x128xi32, #tpu.memory_space<vmem>>
    %dma_start3A_491 = tpu.memref_squeeze %dma_start3A_490 : memref<1x128xi32, #tpu.memory_space<vmem>> -> memref<128xi32, #tpu.memory_space<vmem>>
    %dma_start3A_492 = arith.constant 0 : i32
    %dma_start3A_493 = arith.constant 0 : i32
    %dma_start3A_494 = tpu.memref_slice %arg13[%dma_start3A_492, %dma_start3A_493] : memref<10240x128xf32, #tpu.memory_space<vmem_shared>> -> memref<10240x128xf32, #tpu.memory_space<vmem_shared>>
    tpu.enqueue_indirect_dma source(%arg11 : memref<128x128xf32, #tpu.memory_space<vmem>>) target(%dma_start3A_494 : memref<10240x128xf32, #tpu.memory_space<vmem_shared>>) offsets(%dma_start3A_491 : memref<128xi32, #tpu.memory_space<vmem>>) semaphore(%arg14 : memref<!tpu.dma_semaphore, #tpu.memory_space<semaphore_mem>>) {add = true}
    tpu.wait_dma2 semaphore(%arg14 : memref<!tpu.dma_semaphore, #tpu.memory_space<semaphore_mem>>) src(%arg5 : memref<128x128xf32, #tpu.memory_space<hbm>>) dst(%arg11 : memref<128x128xf32, #tpu.memory_space<vmem>>)
    tpu.wait_dma2 semaphore(%arg14 : memref<!tpu.dma_semaphore, #tpu.memory_space<semaphore_mem>>) src(%arg5 : memref<128x128xf32, #tpu.memory_space<hbm>>) dst(%arg11 : memref<128x128xf32, #tpu.memory_space<vmem>>)
    tpu.wait_dma2 semaphore(%arg14 : memref<!tpu.dma_semaphore, #tpu.memory_space<semaphore_mem>>) src(%arg5 : memref<128x128xf32, #tpu.memory_space<hbm>>) dst(%arg11 : memref<128x128xf32, #tpu.memory_space<vmem>>)
    tpu.wait_dma2 semaphore(%arg14 : memref<!tpu.dma_semaphore, #tpu.memory_space<semaphore_mem>>) src(%arg5 : memref<128x128xf32, #tpu.memory_space<hbm>>) dst(%arg11 : memref<128x128xf32, #tpu.memory_space<vmem>>)
    tpu.wait_dma2 semaphore(%arg14 : memref<!tpu.dma_semaphore, #tpu.memory_space<semaphore_mem>>) src(%arg5 : memref<128x128xf32, #tpu.memory_space<hbm>>) dst(%arg11 : memref<128x128xf32, #tpu.memory_space<vmem>>)
    tpu.wait_dma2 semaphore(%arg14 : memref<!tpu.dma_semaphore, #tpu.memory_space<semaphore_mem>>) src(%arg5 : memref<128x128xf32, #tpu.memory_space<hbm>>) dst(%arg11 : memref<128x128xf32, #tpu.memory_space<vmem>>)
    tpu.wait_dma2 semaphore(%arg14 : memref<!tpu.dma_semaphore, #tpu.memory_space<semaphore_mem>>) src(%arg5 : memref<128x128xf32, #tpu.memory_space<hbm>>) dst(%arg11 : memref<128x128xf32, #tpu.memory_space<vmem>>)
    tpu.wait_dma2 semaphore(%arg14 : memref<!tpu.dma_semaphore, #tpu.memory_space<semaphore_mem>>) src(%arg5 : memref<128x128xf32, #tpu.memory_space<hbm>>) dst(%arg11 : memref<128x128xf32, #tpu.memory_space<vmem>>)
    %dma_start3A_495 = arith.constant 56 : i32
    %dma_start3A_496 = arith.constant 0 : i32
    %dma_start3A_497 = tpu.memref_slice %arg9[%dma_start3A_495, %dma_start3A_496] : memref<80x128xi32, #tpu.memory_space<vmem>> -> memref<1x128xi32, #tpu.memory_space<vmem>>
    %dma_start3A_498 = tpu.memref_squeeze %dma_start3A_497 : memref<1x128xi32, #tpu.memory_space<vmem>> -> memref<128xi32, #tpu.memory_space<vmem>>
    %dma_start3A_499 = arith.constant 0 : i32
    %dma_start3A_500 = arith.constant 0 : i32
    %dma_start3A_501 = tpu.memref_slice %arg13[%dma_start3A_499, %dma_start3A_500] : memref<10240x128xf32, #tpu.memory_space<vmem_shared>> -> memref<10240x128xf32, #tpu.memory_space<vmem_shared>>
    tpu.enqueue_indirect_dma source(%arg11 : memref<128x128xf32, #tpu.memory_space<vmem>>) target(%dma_start3A_501 : memref<10240x128xf32, #tpu.memory_space<vmem_shared>>) offsets(%dma_start3A_498 : memref<128xi32, #tpu.memory_space<vmem>>) semaphore(%arg14 : memref<!tpu.dma_semaphore, #tpu.memory_space<semaphore_mem>>) {add = true}
    %dma_start3A_502 = arith.constant 57 : i32
    %dma_start3A_503 = arith.constant 0 : i32
    %dma_start3A_504 = tpu.memref_slice %arg9[%dma_start3A_502, %dma_start3A_503] : memref<80x128xi32, #tpu.memory_space<vmem>> -> memref<1x128xi32, #tpu.memory_space<vmem>>
    %dma_start3A_505 = tpu.memref_squeeze %dma_start3A_504 : memref<1x128xi32, #tpu.memory_space<vmem>> -> memref<128xi32, #tpu.memory_space<vmem>>
    %dma_start3A_506 = arith.constant 0 : i32
    %dma_start3A_507 = arith.constant 0 : i32
    %dma_start3A_508 = tpu.memref_slice %arg13[%dma_start3A_506, %dma_start3A_507] : memref<10240x128xf32, #tpu.memory_space<vmem_shared>> -> memref<10240x128xf32, #tpu.memory_space<vmem_shared>>
    tpu.enqueue_indirect_dma source(%arg11 : memref<128x128xf32, #tpu.memory_space<vmem>>) target(%dma_start3A_508 : memref<10240x128xf32, #tpu.memory_space<vmem_shared>>) offsets(%dma_start3A_505 : memref<128xi32, #tpu.memory_space<vmem>>) semaphore(%arg14 : memref<!tpu.dma_semaphore, #tpu.memory_space<semaphore_mem>>) {add = true}
    %dma_start3A_509 = arith.constant 58 : i32
    %dma_start3A_510 = arith.constant 0 : i32
    %dma_start3A_511 = tpu.memref_slice %arg9[%dma_start3A_509, %dma_start3A_510] : memref<80x128xi32, #tpu.memory_space<vmem>> -> memref<1x128xi32, #tpu.memory_space<vmem>>
    %dma_start3A_512 = tpu.memref_squeeze %dma_start3A_511 : memref<1x128xi32, #tpu.memory_space<vmem>> -> memref<128xi32, #tpu.memory_space<vmem>>
    %dma_start3A_513 = arith.constant 0 : i32
    %dma_start3A_514 = arith.constant 0 : i32
    %dma_start3A_515 = tpu.memref_slice %arg13[%dma_start3A_513, %dma_start3A_514] : memref<10240x128xf32, #tpu.memory_space<vmem_shared>> -> memref<10240x128xf32, #tpu.memory_space<vmem_shared>>
    tpu.enqueue_indirect_dma source(%arg11 : memref<128x128xf32, #tpu.memory_space<vmem>>) target(%dma_start3A_515 : memref<10240x128xf32, #tpu.memory_space<vmem_shared>>) offsets(%dma_start3A_512 : memref<128xi32, #tpu.memory_space<vmem>>) semaphore(%arg14 : memref<!tpu.dma_semaphore, #tpu.memory_space<semaphore_mem>>) {add = true}
    %dma_start3A_516 = arith.constant 59 : i32
    %dma_start3A_517 = arith.constant 0 : i32
    %dma_start3A_518 = tpu.memref_slice %arg9[%dma_start3A_516, %dma_start3A_517] : memref<80x128xi32, #tpu.memory_space<vmem>> -> memref<1x128xi32, #tpu.memory_space<vmem>>
    %dma_start3A_519 = tpu.memref_squeeze %dma_start3A_518 : memref<1x128xi32, #tpu.memory_space<vmem>> -> memref<128xi32, #tpu.memory_space<vmem>>
    %dma_start3A_520 = arith.constant 0 : i32
    %dma_start3A_521 = arith.constant 0 : i32
    %dma_start3A_522 = tpu.memref_slice %arg13[%dma_start3A_520, %dma_start3A_521] : memref<10240x128xf32, #tpu.memory_space<vmem_shared>> -> memref<10240x128xf32, #tpu.memory_space<vmem_shared>>
    tpu.enqueue_indirect_dma source(%arg11 : memref<128x128xf32, #tpu.memory_space<vmem>>) target(%dma_start3A_522 : memref<10240x128xf32, #tpu.memory_space<vmem_shared>>) offsets(%dma_start3A_519 : memref<128xi32, #tpu.memory_space<vmem>>) semaphore(%arg14 : memref<!tpu.dma_semaphore, #tpu.memory_space<semaphore_mem>>) {add = true}
    %dma_start3A_523 = arith.constant 60 : i32
    %dma_start3A_524 = arith.constant 0 : i32
    %dma_start3A_525 = tpu.memref_slice %arg9[%dma_start3A_523, %dma_start3A_524] : memref<80x128xi32, #tpu.memory_space<vmem>> -> memref<1x128xi32, #tpu.memory_space<vmem>>
    %dma_start3A_526 = tpu.memref_squeeze %dma_start3A_525 : memref<1x128xi32, #tpu.memory_space<vmem>> -> memref<128xi32, #tpu.memory_space<vmem>>
    %dma_start3A_527 = arith.constant 0 : i32
    %dma_start3A_528 = arith.constant 0 : i32
    %dma_start3A_529 = tpu.memref_slice %arg13[%dma_start3A_527, %dma_start3A_528] : memref<10240x128xf32, #tpu.memory_space<vmem_shared>> -> memref<10240x128xf32, #tpu.memory_space<vmem_shared>>
    tpu.enqueue_indirect_dma source(%arg11 : memref<128x128xf32, #tpu.memory_space<vmem>>) target(%dma_start3A_529 : memref<10240x128xf32, #tpu.memory_space<vmem_shared>>) offsets(%dma_start3A_526 : memref<128xi32, #tpu.memory_space<vmem>>) semaphore(%arg14 : memref<!tpu.dma_semaphore, #tpu.memory_space<semaphore_mem>>) {add = true}
    %dma_start3A_530 = arith.constant 61 : i32
    %dma_start3A_531 = arith.constant 0 : i32
    %dma_start3A_532 = tpu.memref_slice %arg9[%dma_start3A_530, %dma_start3A_531] : memref<80x128xi32, #tpu.memory_space<vmem>> -> memref<1x128xi32, #tpu.memory_space<vmem>>
    %dma_start3A_533 = tpu.memref_squeeze %dma_start3A_532 : memref<1x128xi32, #tpu.memory_space<vmem>> -> memref<128xi32, #tpu.memory_space<vmem>>
    %dma_start3A_534 = arith.constant 0 : i32
    %dma_start3A_535 = arith.constant 0 : i32
    %dma_start3A_536 = tpu.memref_slice %arg13[%dma_start3A_534, %dma_start3A_535] : memref<10240x128xf32, #tpu.memory_space<vmem_shared>> -> memref<10240x128xf32, #tpu.memory_space<vmem_shared>>
    tpu.enqueue_indirect_dma source(%arg11 : memref<128x128xf32, #tpu.memory_space<vmem>>) target(%dma_start3A_536 : memref<10240x128xf32, #tpu.memory_space<vmem_shared>>) offsets(%dma_start3A_533 : memref<128xi32, #tpu.memory_space<vmem>>) semaphore(%arg14 : memref<!tpu.dma_semaphore, #tpu.memory_space<semaphore_mem>>) {add = true}
    %dma_start3A_537 = arith.constant 62 : i32
    %dma_start3A_538 = arith.constant 0 : i32
    %dma_start3A_539 = tpu.memref_slice %arg9[%dma_start3A_537, %dma_start3A_538] : memref<80x128xi32, #tpu.memory_space<vmem>> -> memref<1x128xi32, #tpu.memory_space<vmem>>
    %dma_start3A_540 = tpu.memref_squeeze %dma_start3A_539 : memref<1x128xi32, #tpu.memory_space<vmem>> -> memref<128xi32, #tpu.memory_space<vmem>>
    %dma_start3A_541 = arith.constant 0 : i32
    %dma_start3A_542 = arith.constant 0 : i32
    %dma_start3A_543 = tpu.memref_slice %arg13[%dma_start3A_541, %dma_start3A_542] : memref<10240x128xf32, #tpu.memory_space<vmem_shared>> -> memref<10240x128xf32, #tpu.memory_space<vmem_shared>>
    tpu.enqueue_indirect_dma source(%arg11 : memref<128x128xf32, #tpu.memory_space<vmem>>) target(%dma_start3A_543 : memref<10240x128xf32, #tpu.memory_space<vmem_shared>>) offsets(%dma_start3A_540 : memref<128xi32, #tpu.memory_space<vmem>>) semaphore(%arg14 : memref<!tpu.dma_semaphore, #tpu.memory_space<semaphore_mem>>) {add = true}
    %dma_start3A_544 = arith.constant 63 : i32
    %dma_start3A_545 = arith.constant 0 : i32
    %dma_start3A_546 = tpu.memref_slice %arg9[%dma_start3A_544, %dma_start3A_545] : memref<80x128xi32, #tpu.memory_space<vmem>> -> memref<1x128xi32, #tpu.memory_space<vmem>>
    %dma_start3A_547 = tpu.memref_squeeze %dma_start3A_546 : memref<1x128xi32, #tpu.memory_space<vmem>> -> memref<128xi32, #tpu.memory_space<vmem>>
    %dma_start3A_548 = arith.constant 0 : i32
    %dma_start3A_549 = arith.constant 0 : i32
    %dma_start3A_550 = tpu.memref_slice %arg13[%dma_start3A_548, %dma_start3A_549] : memref<10240x128xf32, #tpu.memory_space<vmem_shared>> -> memref<10240x128xf32, #tpu.memory_space<vmem_shared>>
    tpu.enqueue_indirect_dma source(%arg11 : memref<128x128xf32, #tpu.memory_space<vmem>>) target(%dma_start3A_550 : memref<10240x128xf32, #tpu.memory_space<vmem_shared>>) offsets(%dma_start3A_547 : memref<128xi32, #tpu.memory_space<vmem>>) semaphore(%arg14 : memref<!tpu.dma_semaphore, #tpu.memory_space<semaphore_mem>>) {add = true}
    tpu.wait_dma2 semaphore(%arg14 : memref<!tpu.dma_semaphore, #tpu.memory_space<semaphore_mem>>) src(%arg5 : memref<128x128xf32, #tpu.memory_space<hbm>>) dst(%arg11 : memref<128x128xf32, #tpu.memory_space<vmem>>)
    tpu.wait_dma2 semaphore(%arg14 : memref<!tpu.dma_semaphore, #tpu.memory_space<semaphore_mem>>) src(%arg5 : memref<128x128xf32, #tpu.memory_space<hbm>>) dst(%arg11 : memref<128x128xf32, #tpu.memory_space<vmem>>)
    tpu.wait_dma2 semaphore(%arg14 : memref<!tpu.dma_semaphore, #tpu.memory_space<semaphore_mem>>) src(%arg5 : memref<128x128xf32, #tpu.memory_space<hbm>>) dst(%arg11 : memref<128x128xf32, #tpu.memory_space<vmem>>)
    tpu.wait_dma2 semaphore(%arg14 : memref<!tpu.dma_semaphore, #tpu.memory_space<semaphore_mem>>) src(%arg5 : memref<128x128xf32, #tpu.memory_space<hbm>>) dst(%arg11 : memref<128x128xf32, #tpu.memory_space<vmem>>)
    tpu.wait_dma2 semaphore(%arg14 : memref<!tpu.dma_semaphore, #tpu.memory_space<semaphore_mem>>) src(%arg5 : memref<128x128xf32, #tpu.memory_space<hbm>>) dst(%arg11 : memref<128x128xf32, #tpu.memory_space<vmem>>)
    tpu.wait_dma2 semaphore(%arg14 : memref<!tpu.dma_semaphore, #tpu.memory_space<semaphore_mem>>) src(%arg5 : memref<128x128xf32, #tpu.memory_space<hbm>>) dst(%arg11 : memref<128x128xf32, #tpu.memory_space<vmem>>)
    tpu.wait_dma2 semaphore(%arg14 : memref<!tpu.dma_semaphore, #tpu.memory_space<semaphore_mem>>) src(%arg5 : memref<128x128xf32, #tpu.memory_space<hbm>>) dst(%arg11 : memref<128x128xf32, #tpu.memory_space<vmem>>)
    tpu.wait_dma2 semaphore(%arg14 : memref<!tpu.dma_semaphore, #tpu.memory_space<semaphore_mem>>) src(%arg5 : memref<128x128xf32, #tpu.memory_space<hbm>>) dst(%arg11 : memref<128x128xf32, #tpu.memory_space<vmem>>)
    %dma_start3A_551 = arith.constant 64 : i32
    %dma_start3A_552 = arith.constant 0 : i32
    %dma_start3A_553 = tpu.memref_slice %arg9[%dma_start3A_551, %dma_start3A_552] : memref<80x128xi32, #tpu.memory_space<vmem>> -> memref<1x128xi32, #tpu.memory_space<vmem>>
    %dma_start3A_554 = tpu.memref_squeeze %dma_start3A_553 : memref<1x128xi32, #tpu.memory_space<vmem>> -> memref<128xi32, #tpu.memory_space<vmem>>
    %dma_start3A_555 = arith.constant 0 : i32
    %dma_start3A_556 = arith.constant 0 : i32
    %dma_start3A_557 = tpu.memref_slice %arg13[%dma_start3A_555, %dma_start3A_556] : memref<10240x128xf32, #tpu.memory_space<vmem_shared>> -> memref<10240x128xf32, #tpu.memory_space<vmem_shared>>
    tpu.enqueue_indirect_dma source(%arg11 : memref<128x128xf32, #tpu.memory_space<vmem>>) target(%dma_start3A_557 : memref<10240x128xf32, #tpu.memory_space<vmem_shared>>) offsets(%dma_start3A_554 : memref<128xi32, #tpu.memory_space<vmem>>) semaphore(%arg14 : memref<!tpu.dma_semaphore, #tpu.memory_space<semaphore_mem>>) {add = true}
    %dma_start3A_558 = arith.constant 65 : i32
    %dma_start3A_559 = arith.constant 0 : i32
    %dma_start3A_560 = tpu.memref_slice %arg9[%dma_start3A_558, %dma_start3A_559] : memref<80x128xi32, #tpu.memory_space<vmem>> -> memref<1x128xi32, #tpu.memory_space<vmem>>
    %dma_start3A_561 = tpu.memref_squeeze %dma_start3A_560 : memref<1x128xi32, #tpu.memory_space<vmem>> -> memref<128xi32, #tpu.memory_space<vmem>>
    %dma_start3A_562 = arith.constant 0 : i32
    %dma_start3A_563 = arith.constant 0 : i32
    %dma_start3A_564 = tpu.memref_slice %arg13[%dma_start3A_562, %dma_start3A_563] : memref<10240x128xf32, #tpu.memory_space<vmem_shared>> -> memref<10240x128xf32, #tpu.memory_space<vmem_shared>>
    tpu.enqueue_indirect_dma source(%arg11 : memref<128x128xf32, #tpu.memory_space<vmem>>) target(%dma_start3A_564 : memref<10240x128xf32, #tpu.memory_space<vmem_shared>>) offsets(%dma_start3A_561 : memref<128xi32, #tpu.memory_space<vmem>>) semaphore(%arg14 : memref<!tpu.dma_semaphore, #tpu.memory_space<semaphore_mem>>) {add = true}
    %dma_start3A_565 = arith.constant 66 : i32
    %dma_start3A_566 = arith.constant 0 : i32
    %dma_start3A_567 = tpu.memref_slice %arg9[%dma_start3A_565, %dma_start3A_566] : memref<80x128xi32, #tpu.memory_space<vmem>> -> memref<1x128xi32, #tpu.memory_space<vmem>>
    %dma_start3A_568 = tpu.memref_squeeze %dma_start3A_567 : memref<1x128xi32, #tpu.memory_space<vmem>> -> memref<128xi32, #tpu.memory_space<vmem>>
    %dma_start3A_569 = arith.constant 0 : i32
    %dma_start3A_570 = arith.constant 0 : i32
    %dma_start3A_571 = tpu.memref_slice %arg13[%dma_start3A_569, %dma_start3A_570] : memref<10240x128xf32, #tpu.memory_space<vmem_shared>> -> memref<10240x128xf32, #tpu.memory_space<vmem_shared>>
    tpu.enqueue_indirect_dma source(%arg11 : memref<128x128xf32, #tpu.memory_space<vmem>>) target(%dma_start3A_571 : memref<10240x128xf32, #tpu.memory_space<vmem_shared>>) offsets(%dma_start3A_568 : memref<128xi32, #tpu.memory_space<vmem>>) semaphore(%arg14 : memref<!tpu.dma_semaphore, #tpu.memory_space<semaphore_mem>>) {add = true}
    %dma_start3A_572 = arith.constant 67 : i32
    %dma_start3A_573 = arith.constant 0 : i32
    %dma_start3A_574 = tpu.memref_slice %arg9[%dma_start3A_572, %dma_start3A_573] : memref<80x128xi32, #tpu.memory_space<vmem>> -> memref<1x128xi32, #tpu.memory_space<vmem>>
    %dma_start3A_575 = tpu.memref_squeeze %dma_start3A_574 : memref<1x128xi32, #tpu.memory_space<vmem>> -> memref<128xi32, #tpu.memory_space<vmem>>
    %dma_start3A_576 = arith.constant 0 : i32
    %dma_start3A_577 = arith.constant 0 : i32
    %dma_start3A_578 = tpu.memref_slice %arg13[%dma_start3A_576, %dma_start3A_577] : memref<10240x128xf32, #tpu.memory_space<vmem_shared>> -> memref<10240x128xf32, #tpu.memory_space<vmem_shared>>
    tpu.enqueue_indirect_dma source(%arg11 : memref<128x128xf32, #tpu.memory_space<vmem>>) target(%dma_start3A_578 : memref<10240x128xf32, #tpu.memory_space<vmem_shared>>) offsets(%dma_start3A_575 : memref<128xi32, #tpu.memory_space<vmem>>) semaphore(%arg14 : memref<!tpu.dma_semaphore, #tpu.memory_space<semaphore_mem>>) {add = true}
    %dma_start3A_579 = arith.constant 68 : i32
    %dma_start3A_580 = arith.constant 0 : i32
    %dma_start3A_581 = tpu.memref_slice %arg9[%dma_start3A_579, %dma_start3A_580] : memref<80x128xi32, #tpu.memory_space<vmem>> -> memref<1x128xi32, #tpu.memory_space<vmem>>
    %dma_start3A_582 = tpu.memref_squeeze %dma_start3A_581 : memref<1x128xi32, #tpu.memory_space<vmem>> -> memref<128xi32, #tpu.memory_space<vmem>>
    %dma_start3A_583 = arith.constant 0 : i32
    %dma_start3A_584 = arith.constant 0 : i32
    %dma_start3A_585 = tpu.memref_slice %arg13[%dma_start3A_583, %dma_start3A_584] : memref<10240x128xf32, #tpu.memory_space<vmem_shared>> -> memref<10240x128xf32, #tpu.memory_space<vmem_shared>>
    tpu.enqueue_indirect_dma source(%arg11 : memref<128x128xf32, #tpu.memory_space<vmem>>) target(%dma_start3A_585 : memref<10240x128xf32, #tpu.memory_space<vmem_shared>>) offsets(%dma_start3A_582 : memref<128xi32, #tpu.memory_space<vmem>>) semaphore(%arg14 : memref<!tpu.dma_semaphore, #tpu.memory_space<semaphore_mem>>) {add = true}
    %dma_start3A_586 = arith.constant 69 : i32
    %dma_start3A_587 = arith.constant 0 : i32
    %dma_start3A_588 = tpu.memref_slice %arg9[%dma_start3A_586, %dma_start3A_587] : memref<80x128xi32, #tpu.memory_space<vmem>> -> memref<1x128xi32, #tpu.memory_space<vmem>>
    %dma_start3A_589 = tpu.memref_squeeze %dma_start3A_588 : memref<1x128xi32, #tpu.memory_space<vmem>> -> memref<128xi32, #tpu.memory_space<vmem>>
    %dma_start3A_590 = arith.constant 0 : i32
    %dma_start3A_591 = arith.constant 0 : i32
    %dma_start3A_592 = tpu.memref_slice %arg13[%dma_start3A_590, %dma_start3A_591] : memref<10240x128xf32, #tpu.memory_space<vmem_shared>> -> memref<10240x128xf32, #tpu.memory_space<vmem_shared>>
    tpu.enqueue_indirect_dma source(%arg11 : memref<128x128xf32, #tpu.memory_space<vmem>>) target(%dma_start3A_592 : memref<10240x128xf32, #tpu.memory_space<vmem_shared>>) offsets(%dma_start3A_589 : memref<128xi32, #tpu.memory_space<vmem>>) semaphore(%arg14 : memref<!tpu.dma_semaphore, #tpu.memory_space<semaphore_mem>>) {add = true}
    %dma_start3A_593 = arith.constant 70 : i32
    %dma_start3A_594 = arith.constant 0 : i32
    %dma_start3A_595 = tpu.memref_slice %arg9[%dma_start3A_593, %dma_start3A_594] : memref<80x128xi32, #tpu.memory_space<vmem>> -> memref<1x128xi32, #tpu.memory_space<vmem>>
    %dma_start3A_596 = tpu.memref_squeeze %dma_start3A_595 : memref<1x128xi32, #tpu.memory_space<vmem>> -> memref<128xi32, #tpu.memory_space<vmem>>
    %dma_start3A_597 = arith.constant 0 : i32
    %dma_start3A_598 = arith.constant 0 : i32
    %dma_start3A_599 = tpu.memref_slice %arg13[%dma_start3A_597, %dma_start3A_598] : memref<10240x128xf32, #tpu.memory_space<vmem_shared>> -> memref<10240x128xf32, #tpu.memory_space<vmem_shared>>
    tpu.enqueue_indirect_dma source(%arg11 : memref<128x128xf32, #tpu.memory_space<vmem>>) target(%dma_start3A_599 : memref<10240x128xf32, #tpu.memory_space<vmem_shared>>) offsets(%dma_start3A_596 : memref<128xi32, #tpu.memory_space<vmem>>) semaphore(%arg14 : memref<!tpu.dma_semaphore, #tpu.memory_space<semaphore_mem>>) {add = true}
    %dma_start3A_600 = arith.constant 71 : i32
    %dma_start3A_601 = arith.constant 0 : i32
    %dma_start3A_602 = tpu.memref_slice %arg9[%dma_start3A_600, %dma_start3A_601] : memref<80x128xi32, #tpu.memory_space<vmem>> -> memref<1x128xi32, #tpu.memory_space<vmem>>
    %dma_start3A_603 = tpu.memref_squeeze %dma_start3A_602 : memref<1x128xi32, #tpu.memory_space<vmem>> -> memref<128xi32, #tpu.memory_space<vmem>>
    %dma_start3A_604 = arith.constant 0 : i32
    %dma_start3A_605 = arith.constant 0 : i32
    %dma_start3A_606 = tpu.memref_slice %arg13[%dma_start3A_604, %dma_start3A_605] : memref<10240x128xf32, #tpu.memory_space<vmem_shared>> -> memref<10240x128xf32, #tpu.memory_space<vmem_shared>>
    tpu.enqueue_indirect_dma source(%arg11 : memref<128x128xf32, #tpu.memory_space<vmem>>) target(%dma_start3A_606 : memref<10240x128xf32, #tpu.memory_space<vmem_shared>>) offsets(%dma_start3A_603 : memref<128xi32, #tpu.memory_space<vmem>>) semaphore(%arg14 : memref<!tpu.dma_semaphore, #tpu.memory_space<semaphore_mem>>) {add = true}
    tpu.wait_dma2 semaphore(%arg14 : memref<!tpu.dma_semaphore, #tpu.memory_space<semaphore_mem>>) src(%arg5 : memref<128x128xf32, #tpu.memory_space<hbm>>) dst(%arg11 : memref<128x128xf32, #tpu.memory_space<vmem>>)
    tpu.wait_dma2 semaphore(%arg14 : memref<!tpu.dma_semaphore, #tpu.memory_space<semaphore_mem>>) src(%arg5 : memref<128x128xf32, #tpu.memory_space<hbm>>) dst(%arg11 : memref<128x128xf32, #tpu.memory_space<vmem>>)
    tpu.wait_dma2 semaphore(%arg14 : memref<!tpu.dma_semaphore, #tpu.memory_space<semaphore_mem>>) src(%arg5 : memref<128x128xf32, #tpu.memory_space<hbm>>) dst(%arg11 : memref<128x128xf32, #tpu.memory_space<vmem>>)
    tpu.wait_dma2 semaphore(%arg14 : memref<!tpu.dma_semaphore, #tpu.memory_space<semaphore_mem>>) src(%arg5 : memref<128x128xf32, #tpu.memory_space<hbm>>) dst(%arg11 : memref<128x128xf32, #tpu.memory_space<vmem>>)
    tpu.wait_dma2 semaphore(%arg14 : memref<!tpu.dma_semaphore, #tpu.memory_space<semaphore_mem>>) src(%arg5 : memref<128x128xf32, #tpu.memory_space<hbm>>) dst(%arg11 : memref<128x128xf32, #tpu.memory_space<vmem>>)
    tpu.wait_dma2 semaphore(%arg14 : memref<!tpu.dma_semaphore, #tpu.memory_space<semaphore_mem>>) src(%arg5 : memref<128x128xf32, #tpu.memory_space<hbm>>) dst(%arg11 : memref<128x128xf32, #tpu.memory_space<vmem>>)
    tpu.wait_dma2 semaphore(%arg14 : memref<!tpu.dma_semaphore, #tpu.memory_space<semaphore_mem>>) src(%arg5 : memref<128x128xf32, #tpu.memory_space<hbm>>) dst(%arg11 : memref<128x128xf32, #tpu.memory_space<vmem>>)
    tpu.wait_dma2 semaphore(%arg14 : memref<!tpu.dma_semaphore, #tpu.memory_space<semaphore_mem>>) src(%arg5 : memref<128x128xf32, #tpu.memory_space<hbm>>) dst(%arg11 : memref<128x128xf32, #tpu.memory_space<vmem>>)
    %dma_start3A_607 = arith.constant 72 : i32
    %dma_start3A_608 = arith.constant 0 : i32
    %dma_start3A_609 = tpu.memref_slice %arg9[%dma_start3A_607, %dma_start3A_608] : memref<80x128xi32, #tpu.memory_space<vmem>> -> memref<1x128xi32, #tpu.memory_space<vmem>>
    %dma_start3A_610 = tpu.memref_squeeze %dma_start3A_609 : memref<1x128xi32, #tpu.memory_space<vmem>> -> memref<128xi32, #tpu.memory_space<vmem>>
    %dma_start3A_611 = arith.constant 0 : i32
    %dma_start3A_612 = arith.constant 0 : i32
    %dma_start3A_613 = tpu.memref_slice %arg13[%dma_start3A_611, %dma_start3A_612] : memref<10240x128xf32, #tpu.memory_space<vmem_shared>> -> memref<10240x128xf32, #tpu.memory_space<vmem_shared>>
    tpu.enqueue_indirect_dma source(%arg11 : memref<128x128xf32, #tpu.memory_space<vmem>>) target(%dma_start3A_613 : memref<10240x128xf32, #tpu.memory_space<vmem_shared>>) offsets(%dma_start3A_610 : memref<128xi32, #tpu.memory_space<vmem>>) semaphore(%arg14 : memref<!tpu.dma_semaphore, #tpu.memory_space<semaphore_mem>>) {add = true}
    %dma_start3A_614 = arith.constant 73 : i32
    %dma_start3A_615 = arith.constant 0 : i32
    %dma_start3A_616 = tpu.memref_slice %arg9[%dma_start3A_614, %dma_start3A_615] : memref<80x128xi32, #tpu.memory_space<vmem>> -> memref<1x128xi32, #tpu.memory_space<vmem>>
    %dma_start3A_617 = tpu.memref_squeeze %dma_start3A_616 : memref<1x128xi32, #tpu.memory_space<vmem>> -> memref<128xi32, #tpu.memory_space<vmem>>
    %dma_start3A_618 = arith.constant 0 : i32
    %dma_start3A_619 = arith.constant 0 : i32
    %dma_start3A_620 = tpu.memref_slice %arg13[%dma_start3A_618, %dma_start3A_619] : memref<10240x128xf32, #tpu.memory_space<vmem_shared>> -> memref<10240x128xf32, #tpu.memory_space<vmem_shared>>
    tpu.enqueue_indirect_dma source(%arg11 : memref<128x128xf32, #tpu.memory_space<vmem>>) target(%dma_start3A_620 : memref<10240x128xf32, #tpu.memory_space<vmem_shared>>) offsets(%dma_start3A_617 : memref<128xi32, #tpu.memory_space<vmem>>) semaphore(%arg14 : memref<!tpu.dma_semaphore, #tpu.memory_space<semaphore_mem>>) {add = true}
    %dma_start3A_621 = arith.constant 74 : i32
    %dma_start3A_622 = arith.constant 0 : i32
    %dma_start3A_623 = tpu.memref_slice %arg9[%dma_start3A_621, %dma_start3A_622] : memref<80x128xi32, #tpu.memory_space<vmem>> -> memref<1x128xi32, #tpu.memory_space<vmem>>
    %dma_start3A_624 = tpu.memref_squeeze %dma_start3A_623 : memref<1x128xi32, #tpu.memory_space<vmem>> -> memref<128xi32, #tpu.memory_space<vmem>>
    %dma_start3A_625 = arith.constant 0 : i32
    %dma_start3A_626 = arith.constant 0 : i32
    %dma_start3A_627 = tpu.memref_slice %arg13[%dma_start3A_625, %dma_start3A_626] : memref<10240x128xf32, #tpu.memory_space<vmem_shared>> -> memref<10240x128xf32, #tpu.memory_space<vmem_shared>>
    tpu.enqueue_indirect_dma source(%arg11 : memref<128x128xf32, #tpu.memory_space<vmem>>) target(%dma_start3A_627 : memref<10240x128xf32, #tpu.memory_space<vmem_shared>>) offsets(%dma_start3A_624 : memref<128xi32, #tpu.memory_space<vmem>>) semaphore(%arg14 : memref<!tpu.dma_semaphore, #tpu.memory_space<semaphore_mem>>) {add = true}
    %dma_start3A_628 = arith.constant 75 : i32
    %dma_start3A_629 = arith.constant 0 : i32
    %dma_start3A_630 = tpu.memref_slice %arg9[%dma_start3A_628, %dma_start3A_629] : memref<80x128xi32, #tpu.memory_space<vmem>> -> memref<1x128xi32, #tpu.memory_space<vmem>>
    %dma_start3A_631 = tpu.memref_squeeze %dma_start3A_630 : memref<1x128xi32, #tpu.memory_space<vmem>> -> memref<128xi32, #tpu.memory_space<vmem>>
    %dma_start3A_632 = arith.constant 0 : i32
    %dma_start3A_633 = arith.constant 0 : i32
    %dma_start3A_634 = tpu.memref_slice %arg13[%dma_start3A_632, %dma_start3A_633] : memref<10240x128xf32, #tpu.memory_space<vmem_shared>> -> memref<10240x128xf32, #tpu.memory_space<vmem_shared>>
    tpu.enqueue_indirect_dma source(%arg11 : memref<128x128xf32, #tpu.memory_space<vmem>>) target(%dma_start3A_634 : memref<10240x128xf32, #tpu.memory_space<vmem_shared>>) offsets(%dma_start3A_631 : memref<128xi32, #tpu.memory_space<vmem>>) semaphore(%arg14 : memref<!tpu.dma_semaphore, #tpu.memory_space<semaphore_mem>>) {add = true}
    %dma_start3A_635 = arith.constant 76 : i32
    %dma_start3A_636 = arith.constant 0 : i32
    %dma_start3A_637 = tpu.memref_slice %arg9[%dma_start3A_635, %dma_start3A_636] : memref<80x128xi32, #tpu.memory_space<vmem>> -> memref<1x128xi32, #tpu.memory_space<vmem>>
    %dma_start3A_638 = tpu.memref_squeeze %dma_start3A_637 : memref<1x128xi32, #tpu.memory_space<vmem>> -> memref<128xi32, #tpu.memory_space<vmem>>
    %dma_start3A_639 = arith.constant 0 : i32
    %dma_start3A_640 = arith.constant 0 : i32
    %dma_start3A_641 = tpu.memref_slice %arg13[%dma_start3A_639, %dma_start3A_640] : memref<10240x128xf32, #tpu.memory_space<vmem_shared>> -> memref<10240x128xf32, #tpu.memory_space<vmem_shared>>
    tpu.enqueue_indirect_dma source(%arg11 : memref<128x128xf32, #tpu.memory_space<vmem>>) target(%dma_start3A_641 : memref<10240x128xf32, #tpu.memory_space<vmem_shared>>) offsets(%dma_start3A_638 : memref<128xi32, #tpu.memory_space<vmem>>) semaphore(%arg14 : memref<!tpu.dma_semaphore, #tpu.memory_space<semaphore_mem>>) {add = true}
    %dma_start3A_642 = arith.constant 77 : i32
    %dma_start3A_643 = arith.constant 0 : i32
    %dma_start3A_644 = tpu.memref_slice %arg9[%dma_start3A_642, %dma_start3A_643] : memref<80x128xi32, #tpu.memory_space<vmem>> -> memref<1x128xi32, #tpu.memory_space<vmem>>
    %dma_start3A_645 = tpu.memref_squeeze %dma_start3A_644 : memref<1x128xi32, #tpu.memory_space<vmem>> -> memref<128xi32, #tpu.memory_space<vmem>>
    %dma_start3A_646 = arith.constant 0 : i32
    %dma_start3A_647 = arith.constant 0 : i32
    %dma_start3A_648 = tpu.memref_slice %arg13[%dma_start3A_646, %dma_start3A_647] : memref<10240x128xf32, #tpu.memory_space<vmem_shared>> -> memref<10240x128xf32, #tpu.memory_space<vmem_shared>>
    tpu.enqueue_indirect_dma source(%arg11 : memref<128x128xf32, #tpu.memory_space<vmem>>) target(%dma_start3A_648 : memref<10240x128xf32, #tpu.memory_space<vmem_shared>>) offsets(%dma_start3A_645 : memref<128xi32, #tpu.memory_space<vmem>>) semaphore(%arg14 : memref<!tpu.dma_semaphore, #tpu.memory_space<semaphore_mem>>) {add = true}
    %dma_start3A_649 = arith.constant 78 : i32
    %dma_start3A_650 = arith.constant 0 : i32
    %dma_start3A_651 = tpu.memref_slice %arg9[%dma_start3A_649, %dma_start3A_650] : memref<80x128xi32, #tpu.memory_space<vmem>> -> memref<1x128xi32, #tpu.memory_space<vmem>>
    %dma_start3A_652 = tpu.memref_squeeze %dma_start3A_651 : memref<1x128xi32, #tpu.memory_space<vmem>> -> memref<128xi32, #tpu.memory_space<vmem>>
    %dma_start3A_653 = arith.constant 0 : i32
    %dma_start3A_654 = arith.constant 0 : i32
    %dma_start3A_655 = tpu.memref_slice %arg13[%dma_start3A_653, %dma_start3A_654] : memref<10240x128xf32, #tpu.memory_space<vmem_shared>> -> memref<10240x128xf32, #tpu.memory_space<vmem_shared>>
    tpu.enqueue_indirect_dma source(%arg11 : memref<128x128xf32, #tpu.memory_space<vmem>>) target(%dma_start3A_655 : memref<10240x128xf32, #tpu.memory_space<vmem_shared>>) offsets(%dma_start3A_652 : memref<128xi32, #tpu.memory_space<vmem>>) semaphore(%arg14 : memref<!tpu.dma_semaphore, #tpu.memory_space<semaphore_mem>>) {add = true}
    %dma_start3A_656 = arith.constant 79 : i32
    %dma_start3A_657 = arith.constant 0 : i32
    %dma_start3A_658 = tpu.memref_slice %arg9[%dma_start3A_656, %dma_start3A_657] : memref<80x128xi32, #tpu.memory_space<vmem>> -> memref<1x128xi32, #tpu.memory_space<vmem>>
    %dma_start3A_659 = tpu.memref_squeeze %dma_start3A_658 : memref<1x128xi32, #tpu.memory_space<vmem>> -> memref<128xi32, #tpu.memory_space<vmem>>
    %dma_start3A_660 = arith.constant 0 : i32
    %dma_start3A_661 = arith.constant 0 : i32
    %dma_start3A_662 = tpu.memref_slice %arg13[%dma_start3A_660, %dma_start3A_661] : memref<10240x128xf32, #tpu.memory_space<vmem_shared>> -> memref<10240x128xf32, #tpu.memory_space<vmem_shared>>
    tpu.enqueue_indirect_dma source(%arg11 : memref<128x128xf32, #tpu.memory_space<vmem>>) target(%dma_start3A_662 : memref<10240x128xf32, #tpu.memory_space<vmem_shared>>) offsets(%dma_start3A_659 : memref<128xi32, #tpu.memory_space<vmem>>) semaphore(%arg14 : memref<!tpu.dma_semaphore, #tpu.memory_space<semaphore_mem>>) {add = true}
    tpu.wait_dma2 semaphore(%arg14 : memref<!tpu.dma_semaphore, #tpu.memory_space<semaphore_mem>>) src(%arg5 : memref<128x128xf32, #tpu.memory_space<hbm>>) dst(%arg11 : memref<128x128xf32, #tpu.memory_space<vmem>>)
    tpu.wait_dma2 semaphore(%arg14 : memref<!tpu.dma_semaphore, #tpu.memory_space<semaphore_mem>>) src(%arg5 : memref<128x128xf32, #tpu.memory_space<hbm>>) dst(%arg11 : memref<128x128xf32, #tpu.memory_space<vmem>>)
    tpu.wait_dma2 semaphore(%arg14 : memref<!tpu.dma_semaphore, #tpu.memory_space<semaphore_mem>>) src(%arg5 : memref<128x128xf32, #tpu.memory_space<hbm>>) dst(%arg11 : memref<128x128xf32, #tpu.memory_space<vmem>>)
    tpu.wait_dma2 semaphore(%arg14 : memref<!tpu.dma_semaphore, #tpu.memory_space<semaphore_mem>>) src(%arg5 : memref<128x128xf32, #tpu.memory_space<hbm>>) dst(%arg11 : memref<128x128xf32, #tpu.memory_space<vmem>>)
    tpu.wait_dma2 semaphore(%arg14 : memref<!tpu.dma_semaphore, #tpu.memory_space<semaphore_mem>>) src(%arg5 : memref<128x128xf32, #tpu.memory_space<hbm>>) dst(%arg11 : memref<128x128xf32, #tpu.memory_space<vmem>>)
    tpu.wait_dma2 semaphore(%arg14 : memref<!tpu.dma_semaphore, #tpu.memory_space<semaphore_mem>>) src(%arg5 : memref<128x128xf32, #tpu.memory_space<hbm>>) dst(%arg11 : memref<128x128xf32, #tpu.memory_space<vmem>>)
    tpu.wait_dma2 semaphore(%arg14 : memref<!tpu.dma_semaphore, #tpu.memory_space<semaphore_mem>>) src(%arg5 : memref<128x128xf32, #tpu.memory_space<hbm>>) dst(%arg11 : memref<128x128xf32, #tpu.memory_space<vmem>>)
    tpu.wait_dma2 semaphore(%arg14 : memref<!tpu.dma_semaphore, #tpu.memory_space<semaphore_mem>>) src(%arg5 : memref<128x128xf32, #tpu.memory_space<hbm>>) dst(%arg11 : memref<128x128xf32, #tpu.memory_space<vmem>>)
    %barrier3A_663 = arith.constant 0 : index
    tpu.barrier barrier_id(%barrier3A_663)
    %mul3A_664 = arith.constant 640 : i32
    %mul3A_665 = arith.muli %arg1, %mul3A_664 : i32
    %mul3A_666 = arith.constant 640 : i32
    %mul3A_667 = arith.muli %arg1, %mul3A_666 : i32
    "tpu.region"() ({
      %run_scoped3A = tpu.sem_alloc : memref<!tpu.dma_semaphore, #tpu.memory_space<semaphore_mem>>
      %dma_start3A_668 = arith.constant 0 : i32
      %dma_start3A_669 = tpu.memref_slice %arg7[%arg0, %mul3A_667, %dma_start3A_668] : memref<2x10240x128xf32, #tpu.memory_space<hbm>> -> memref<1x640x128xf32, #tpu.memory_space<hbm>>
      %dma_start3A_670 = tpu.memref_squeeze %dma_start3A_669 : memref<1x640x128xf32, #tpu.memory_space<hbm>> -> memref<640x128xf32, #tpu.memory_space<hbm>>
      %dma_start3A_671 = arith.constant 0 : i32
      %dma_start3A_672 = tpu.memref_slice %arg13[%mul3A_665, %dma_start3A_671] : memref<10240x128xf32, #tpu.memory_space<vmem_shared>> -> memref<640x128xf32, #tpu.memory_space<vmem_shared>>
      tpu.enqueue_dma source(%dma_start3A_672 : memref<640x128xf32, #tpu.memory_space<vmem_shared>>) target(%dma_start3A_670 : memref<640x128xf32, #tpu.memory_space<hbm>>) target_semaphore(%run_scoped3A : memref<!tpu.dma_semaphore, #tpu.memory_space<semaphore_mem>>)
      %dma_wait3A_673 = arith.constant 0 : i32
      %dma_wait3A_674 = tpu.memref_slice %arg7[%arg0, %mul3A_667, %dma_wait3A_673] : memref<2x10240x128xf32, #tpu.memory_space<hbm>> -> memref<1x640x128xf32, #tpu.memory_space<hbm>>
      %dma_wait3A_675 = tpu.memref_squeeze %dma_wait3A_674 : memref<1x640x128xf32, #tpu.memory_space<hbm>> -> memref<640x128xf32, #tpu.memory_space<hbm>>
      %dma_wait3A_676 = arith.constant 0 : i32
      %dma_wait3A_677 = tpu.memref_slice %arg13[%mul3A_665, %dma_wait3A_676] : memref<10240x128xf32, #tpu.memory_space<vmem_shared>> -> memref<640x128xf32, #tpu.memory_space<vmem_shared>>
      tpu.wait_dma2 semaphore(%run_scoped3A : memref<!tpu.dma_semaphore, #tpu.memory_space<semaphore_mem>>) src(%dma_wait3A_677 : memref<640x128xf32, #tpu.memory_space<vmem_shared>>) dst(%dma_wait3A_675 : memref<640x128xf32, #tpu.memory_space<hbm>>)
      tpu.yield
    }) : () -> ()
    return
  }
}

#map = affine_map<(d0, d1) -> (0, 0, 0, 0)>
#map1 = affine_map<(d0, d1) -> (0, 0, 0)>
module attributes {stable_mosaic.version = 14 : i64} {
  func.func @_sc_agg1(%arg0: i32, %arg1: i32, %arg2: memref<16x4x40x128xi32, #tpu.memory_space<hbm>>, %arg3: memref<16x4x40x128xi32, #tpu.memory_space<hbm>>, %arg4: memref<2x10240x128xf32, #tpu.memory_space<hbm>>, %arg5: memref<2x10240x128xf32, #tpu.memory_space<hbm>>, %arg6: memref<40x128xi32, #tpu.memory_space<vmem>>, %arg7: memref<40x128xi32, #tpu.memory_space<vmem>>, %arg8: memref<128x128xf32, #tpu.memory_space<vmem>>, %arg9: memref<128x128xf32, #tpu.memory_space<vmem>>, %arg10: memref<10240x128xf32, #tpu.memory_space<vmem_shared>>, %arg11: memref<!tpu.dma_semaphore, #tpu.memory_space<semaphore_mem>>, %arg12: memref<!tpu.dma_semaphore, #tpu.memory_space<semaphore_mem>>) attributes {dimension_semantics = [#tpu.dimension_semantics<core_parallel>, #tpu.dimension_semantics<subcore_parallel>], iteration_bounds = array<i64: 2, 16>, scalar_prefetch = 0 : i64, scratch_operands = 7 : i64, tpu.core_type = #tpu.core_type<sc_vector_subcore>, window_params = [{transform_indices = #map}, {transform_indices = #map}, {transform_indices = #map1}, {transform_indices = #map1}]} {
    %mul3A = arith.constant 640 : i32
    %mul3A_0 = arith.muli %arg1, %mul3A : i32
    %mul3A_1 = arith.constant 640 : i32
    %mul3A_2 = arith.muli %arg1, %mul3A_1 : i32
    "tpu.region"() ({
      %run_scoped3A_108 = tpu.sem_alloc : memref<!tpu.dma_semaphore, #tpu.memory_space<semaphore_mem>>
      %dma_start3A_109 = arith.constant 0 : i32
      %dma_start3A_110 = tpu.memref_slice %arg10[%mul3A_2, %dma_start3A_109] : memref<10240x128xf32, #tpu.memory_space<vmem_shared>> -> memref<640x128xf32, #tpu.memory_space<vmem_shared>>
      %dma_start3A_111 = arith.constant 0 : i32
      %dma_start3A_112 = tpu.memref_slice %arg4[%arg0, %mul3A_0, %dma_start3A_111] : memref<2x10240x128xf32, #tpu.memory_space<hbm>> -> memref<1x640x128xf32, #tpu.memory_space<hbm>>
      %dma_start3A_113 = tpu.memref_squeeze %dma_start3A_112 : memref<1x640x128xf32, #tpu.memory_space<hbm>> -> memref<640x128xf32, #tpu.memory_space<hbm>>
      tpu.enqueue_dma source(%dma_start3A_113 : memref<640x128xf32, #tpu.memory_space<hbm>>) target(%dma_start3A_110 : memref<640x128xf32, #tpu.memory_space<vmem_shared>>) target_semaphore(%run_scoped3A_108 : memref<!tpu.dma_semaphore, #tpu.memory_space<semaphore_mem>>)
      %dma_wait3A_114 = arith.constant 0 : i32
      %dma_wait3A_115 = tpu.memref_slice %arg10[%mul3A_2, %dma_wait3A_114] : memref<10240x128xf32, #tpu.memory_space<vmem_shared>> -> memref<640x128xf32, #tpu.memory_space<vmem_shared>>
      %dma_wait3A_116 = arith.constant 0 : i32
      %dma_wait3A_117 = tpu.memref_slice %arg4[%arg0, %mul3A_0, %dma_wait3A_116] : memref<2x10240x128xf32, #tpu.memory_space<hbm>> -> memref<1x640x128xf32, #tpu.memory_space<hbm>>
      %dma_wait3A_118 = tpu.memref_squeeze %dma_wait3A_117 : memref<1x640x128xf32, #tpu.memory_space<hbm>> -> memref<640x128xf32, #tpu.memory_space<hbm>>
      tpu.wait_dma2 semaphore(%run_scoped3A_108 : memref<!tpu.dma_semaphore, #tpu.memory_space<semaphore_mem>>) src(%dma_wait3A_118 : memref<640x128xf32, #tpu.memory_space<hbm>>) dst(%dma_wait3A_115 : memref<640x128xf32, #tpu.memory_space<vmem_shared>>)
      tpu.yield
    }) : () -> ()
    %barrier3A = arith.constant 0 : index
    tpu.barrier barrier_id(%barrier3A)
    %run_scoped3A = arith.constant 0 : i32
    "tpu.region"() ({
      %run_scoped3A_108 = tpu.sem_alloc : memref<!tpu.dma_semaphore, #tpu.memory_space<semaphore_mem>>
      %dma_start3A_109 = arith.constant 0 : i32
      %dma_start3A_110 = arith.constant 0 : i32
      %dma_start3A_111 = tpu.memref_slice %arg2[%arg1, %run_scoped3A, %dma_start3A_109, %dma_start3A_110] : memref<16x4x40x128xi32, #tpu.memory_space<hbm>> -> memref<1x1x40x128xi32, #tpu.memory_space<hbm>>
      %dma_start3A_112 = tpu.memref_squeeze %dma_start3A_111 : memref<1x1x40x128xi32, #tpu.memory_space<hbm>> -> memref<40x128xi32, #tpu.memory_space<hbm>>
      %dma_start3A_113 = arith.constant 0 : i32
      %dma_start3A_114 = arith.constant 0 : i32
      %dma_start3A_115 = tpu.memref_slice %arg2[%arg1, %run_scoped3A, %dma_start3A_113, %dma_start3A_114] : memref<16x4x40x128xi32, #tpu.memory_space<hbm>> -> memref<1x1x40x128xi32, #tpu.memory_space<hbm>>
      %dma_start3A_116 = tpu.memref_squeeze %dma_start3A_115 : memref<1x1x40x128xi32, #tpu.memory_space<hbm>> -> memref<40x128xi32, #tpu.memory_space<hbm>>
      tpu.enqueue_dma source(%dma_start3A_116 : memref<40x128xi32, #tpu.memory_space<hbm>>) target(%arg6 : memref<40x128xi32, #tpu.memory_space<vmem>>) target_semaphore(%run_scoped3A_108 : memref<!tpu.dma_semaphore, #tpu.memory_space<semaphore_mem>>)
      %dma_wait3A_117 = arith.constant 0 : i32
      %dma_wait3A_118 = arith.constant 0 : i32
      %dma_wait3A_119 = tpu.memref_slice %arg2[%arg1, %run_scoped3A, %dma_wait3A_117, %dma_wait3A_118] : memref<16x4x40x128xi32, #tpu.memory_space<hbm>> -> memref<1x1x40x128xi32, #tpu.memory_space<hbm>>
      %dma_wait3A_120 = tpu.memref_squeeze %dma_wait3A_119 : memref<1x1x40x128xi32, #tpu.memory_space<hbm>> -> memref<40x128xi32, #tpu.memory_space<hbm>>
      %dma_wait3A_121 = arith.constant 0 : i32
      %dma_wait3A_122 = arith.constant 0 : i32
      %dma_wait3A_123 = tpu.memref_slice %arg2[%arg1, %run_scoped3A, %dma_wait3A_121, %dma_wait3A_122] : memref<16x4x40x128xi32, #tpu.memory_space<hbm>> -> memref<1x1x40x128xi32, #tpu.memory_space<hbm>>
      %dma_wait3A_124 = tpu.memref_squeeze %dma_wait3A_123 : memref<1x1x40x128xi32, #tpu.memory_space<hbm>> -> memref<40x128xi32, #tpu.memory_space<hbm>>
      tpu.wait_dma2 semaphore(%run_scoped3A_108 : memref<!tpu.dma_semaphore, #tpu.memory_space<semaphore_mem>>) src(%dma_wait3A_124 : memref<40x128xi32, #tpu.memory_space<hbm>>) dst(%arg6 : memref<40x128xi32, #tpu.memory_space<vmem>>)
      tpu.yield
    }) : () -> ()
    %run_scoped3A_3 = arith.constant 0 : i32
    "tpu.region"() ({
      %run_scoped3A_108 = tpu.sem_alloc : memref<!tpu.dma_semaphore, #tpu.memory_space<semaphore_mem>>
      %dma_start3A_109 = arith.constant 0 : i32
      %dma_start3A_110 = arith.constant 0 : i32
      %dma_start3A_111 = tpu.memref_slice %arg3[%arg1, %run_scoped3A_3, %dma_start3A_109, %dma_start3A_110] : memref<16x4x40x128xi32, #tpu.memory_space<hbm>> -> memref<1x1x40x128xi32, #tpu.memory_space<hbm>>
      %dma_start3A_112 = tpu.memref_squeeze %dma_start3A_111 : memref<1x1x40x128xi32, #tpu.memory_space<hbm>> -> memref<40x128xi32, #tpu.memory_space<hbm>>
      %dma_start3A_113 = arith.constant 0 : i32
      %dma_start3A_114 = arith.constant 0 : i32
      %dma_start3A_115 = tpu.memref_slice %arg3[%arg1, %run_scoped3A_3, %dma_start3A_113, %dma_start3A_114] : memref<16x4x40x128xi32, #tpu.memory_space<hbm>> -> memref<1x1x40x128xi32, #tpu.memory_space<hbm>>
      %dma_start3A_116 = tpu.memref_squeeze %dma_start3A_115 : memref<1x1x40x128xi32, #tpu.memory_space<hbm>> -> memref<40x128xi32, #tpu.memory_space<hbm>>
      tpu.enqueue_dma source(%dma_start3A_116 : memref<40x128xi32, #tpu.memory_space<hbm>>) target(%arg7 : memref<40x128xi32, #tpu.memory_space<vmem>>) target_semaphore(%run_scoped3A_108 : memref<!tpu.dma_semaphore, #tpu.memory_space<semaphore_mem>>)
      %dma_wait3A_117 = arith.constant 0 : i32
      %dma_wait3A_118 = arith.constant 0 : i32
      %dma_wait3A_119 = tpu.memref_slice %arg3[%arg1, %run_scoped3A_3, %dma_wait3A_117, %dma_wait3A_118] : memref<16x4x40x128xi32, #tpu.memory_space<hbm>> -> memref<1x1x40x128xi32, #tpu.memory_space<hbm>>
      %dma_wait3A_120 = tpu.memref_squeeze %dma_wait3A_119 : memref<1x1x40x128xi32, #tpu.memory_space<hbm>> -> memref<40x128xi32, #tpu.memory_space<hbm>>
      %dma_wait3A_121 = arith.constant 0 : i32
      %dma_wait3A_122 = arith.constant 0 : i32
      %dma_wait3A_123 = tpu.memref_slice %arg3[%arg1, %run_scoped3A_3, %dma_wait3A_121, %dma_wait3A_122] : memref<16x4x40x128xi32, #tpu.memory_space<hbm>> -> memref<1x1x40x128xi32, #tpu.memory_space<hbm>>
      %dma_wait3A_124 = tpu.memref_squeeze %dma_wait3A_123 : memref<1x1x40x128xi32, #tpu.memory_space<hbm>> -> memref<40x128xi32, #tpu.memory_space<hbm>>
      tpu.wait_dma2 semaphore(%run_scoped3A_108 : memref<!tpu.dma_semaphore, #tpu.memory_space<semaphore_mem>>) src(%dma_wait3A_124 : memref<40x128xi32, #tpu.memory_space<hbm>>) dst(%arg7 : memref<40x128xi32, #tpu.memory_space<vmem>>)
      tpu.yield
    }) : () -> ()
    %dma_start3A = arith.constant 0 : i32
    %dma_start3A_4 = arith.constant 0 : i32
    %dma_start3A_5 = tpu.memref_slice %arg6[%dma_start3A, %dma_start3A_4] : memref<40x128xi32, #tpu.memory_space<vmem>> -> memref<1x128xi32, #tpu.memory_space<vmem>>
    %dma_start3A_6 = tpu.memref_squeeze %dma_start3A_5 : memref<1x128xi32, #tpu.memory_space<vmem>> -> memref<128xi32, #tpu.memory_space<vmem>>
    %dma_start3A_7 = arith.constant 0 : i32
    %dma_start3A_8 = arith.constant 0 : i32
    %dma_start3A_9 = tpu.memref_slice %arg4[%arg0, %dma_start3A_7, %dma_start3A_8] : memref<2x10240x128xf32, #tpu.memory_space<hbm>> -> memref<1x10240x128xf32, #tpu.memory_space<hbm>>
    %dma_start3A_10 = tpu.memref_squeeze %dma_start3A_9 : memref<1x10240x128xf32, #tpu.memory_space<hbm>> -> memref<10240x128xf32, #tpu.memory_space<hbm>>
    %dma_start3A_11 = arith.constant 0 : i32
    %dma_start3A_12 = arith.constant 0 : i32
    %dma_start3A_13 = tpu.memref_slice %dma_start3A_10[%dma_start3A_11, %dma_start3A_12] : memref<10240x128xf32, #tpu.memory_space<hbm>> -> memref<10240x128xf32, #tpu.memory_space<hbm>>
    tpu.enqueue_indirect_dma source(%dma_start3A_13 : memref<10240x128xf32, #tpu.memory_space<hbm>>) target(%arg8 : memref<128x128xf32, #tpu.memory_space<vmem>>) offsets(%dma_start3A_6 : memref<128xi32, #tpu.memory_space<vmem>>) semaphore(%arg11 : memref<!tpu.dma_semaphore, #tpu.memory_space<semaphore_mem>>)
    %scan3A = arith.constant 0 : i32
    %scan3A_14 = arith.constant 20 : i32
    %scan3A_15 = arith.addi %scan3A, %scan3A_14 : i32
    %scan3A_16 = arith.constant 1 : i32
    scf.for %scan3A_108 = %scan3A to %scan3A_15 step %scan3A_16  : i32 {
      %mul3A_109 = arith.constant 2 : i32
      %mul3A_110 = arith.muli %scan3A_108, %mul3A_109 : i32
      %add3A = arith.constant 0 : i32
      %add3A_111 = arith.addi %add3A, %mul3A_110 : i32
      %add3A_112 = arith.constant 1 : i32
      %add3A_113 = arith.addi %add3A_111, %add3A_112 : i32
      %dma_start3A_114 = arith.constant 0 : i32
      %dma_start3A_115 = tpu.memref_slice %arg6[%add3A_113, %dma_start3A_114] : memref<40x128xi32, #tpu.memory_space<vmem>> -> memref<1x128xi32, #tpu.memory_space<vmem>>
      %dma_start3A_116 = tpu.memref_squeeze %dma_start3A_115 : memref<1x128xi32, #tpu.memory_space<vmem>> -> memref<128xi32, #tpu.memory_space<vmem>>
      %dma_start3A_117 = arith.constant 0 : i32
      %dma_start3A_118 = arith.constant 0 : i32
      %dma_start3A_119 = tpu.memref_slice %arg4[%arg0, %dma_start3A_117, %dma_start3A_118] : memref<2x10240x128xf32, #tpu.memory_space<hbm>> -> memref<1x10240x128xf32, #tpu.memory_space<hbm>>
      %dma_start3A_120 = tpu.memref_squeeze %dma_start3A_119 : memref<1x10240x128xf32, #tpu.memory_space<hbm>> -> memref<10240x128xf32, #tpu.memory_space<hbm>>
      %dma_start3A_121 = arith.constant 0 : i32
      %dma_start3A_122 = arith.constant 0 : i32
      %dma_start3A_123 = tpu.memref_slice %dma_start3A_120[%dma_start3A_121, %dma_start3A_122] : memref<10240x128xf32, #tpu.memory_space<hbm>> -> memref<10240x128xf32, #tpu.memory_space<hbm>>
      tpu.enqueue_indirect_dma source(%dma_start3A_123 : memref<10240x128xf32, #tpu.memory_space<hbm>>) target(%arg9 : memref<128x128xf32, #tpu.memory_space<vmem>>) offsets(%dma_start3A_116 : memref<128xi32, #tpu.memory_space<vmem>>) semaphore(%arg12 : memref<!tpu.dma_semaphore, #tpu.memory_space<semaphore_mem>>)
      %dma_wait3A_124 = arith.constant 0 : i32
      %dma_wait3A_125 = arith.constant 0 : i32
      %dma_wait3A_126 = tpu.memref_slice %arg4[%arg0, %dma_wait3A_124, %dma_wait3A_125] : memref<2x10240x128xf32, #tpu.memory_space<hbm>> -> memref<1x128x128xf32, #tpu.memory_space<hbm>>
      %dma_wait3A_127 = tpu.memref_squeeze %dma_wait3A_126 : memref<1x128x128xf32, #tpu.memory_space<hbm>> -> memref<128x128xf32, #tpu.memory_space<hbm>>
      %dma_wait3A_128 = arith.constant 0 : i32
      %dma_wait3A_129 = arith.constant 0 : i32
      %dma_wait3A_130 = tpu.memref_slice %arg4[%arg0, %dma_wait3A_128, %dma_wait3A_129] : memref<2x10240x128xf32, #tpu.memory_space<hbm>> -> memref<1x128x128xf32, #tpu.memory_space<hbm>>
      %dma_wait3A_131 = tpu.memref_squeeze %dma_wait3A_130 : memref<1x128x128xf32, #tpu.memory_space<hbm>> -> memref<128x128xf32, #tpu.memory_space<hbm>>
      tpu.wait_dma2 semaphore(%arg11 : memref<!tpu.dma_semaphore, #tpu.memory_space<semaphore_mem>>) src(%dma_wait3A_131 : memref<128x128xf32, #tpu.memory_space<hbm>>) dst(%arg8 : memref<128x128xf32, #tpu.memory_space<vmem>>)
      "tpu.region"() ({
        %run_scoped3A_155 = tpu.sem_alloc : memref<!tpu.dma_semaphore, #tpu.memory_space<semaphore_mem>>
        %dma_start3A_156 = arith.constant 0 : i32
        %dma_start3A_157 = tpu.memref_slice %arg7[%add3A_111, %dma_start3A_156] : memref<40x128xi32, #tpu.memory_space<vmem>> -> memref<1x128xi32, #tpu.memory_space<vmem>>
        %dma_start3A_158 = tpu.memref_squeeze %dma_start3A_157 : memref<1x128xi32, #tpu.memory_space<vmem>> -> memref<128xi32, #tpu.memory_space<vmem>>
        %dma_start3A_159 = arith.constant 0 : i32
        %dma_start3A_160 = arith.constant 0 : i32
        %dma_start3A_161 = tpu.memref_slice %arg10[%dma_start3A_159, %dma_start3A_160] : memref<10240x128xf32, #tpu.memory_space<vmem_shared>> -> memref<10240x128xf32, #tpu.memory_space<vmem_shared>>
        tpu.enqueue_indirect_dma source(%arg8 : memref<128x128xf32, #tpu.memory_space<vmem>>) target(%dma_start3A_161 : memref<10240x128xf32, #tpu.memory_space<vmem_shared>>) offsets(%dma_start3A_158 : memref<128xi32, #tpu.memory_space<vmem>>) semaphore(%run_scoped3A_155 : memref<!tpu.dma_semaphore, #tpu.memory_space<semaphore_mem>>) {add = true}
        %dma_wait3A_162 = arith.constant 0 : i32
        %dma_wait3A_163 = tpu.memref_slice %arg7[%add3A_111, %dma_wait3A_162] : memref<40x128xi32, #tpu.memory_space<vmem>> -> memref<1x128xi32, #tpu.memory_space<vmem>>
        %dma_wait3A_164 = tpu.memref_squeeze %dma_wait3A_163 : memref<1x128xi32, #tpu.memory_space<vmem>> -> memref<128xi32, #tpu.memory_space<vmem>>
        %dma_wait3A_165 = arith.constant 0 : i32
        %dma_wait3A_166 = arith.constant 0 : i32
        %dma_wait3A_167 = tpu.memref_slice %arg10[%dma_wait3A_165, %dma_wait3A_166] : memref<10240x128xf32, #tpu.memory_space<vmem_shared>> -> memref<10240x128xf32, #tpu.memory_space<vmem_shared>>
        tpu.wait_indirect_dma semaphore(%run_scoped3A_155 : memref<!tpu.dma_semaphore, #tpu.memory_space<semaphore_mem>>) src(%arg8 : memref<128x128xf32, #tpu.memory_space<vmem>>) dst(%dma_wait3A_167 : memref<10240x128xf32, #tpu.memory_space<vmem_shared>>)
        tpu.yield
      }) : () -> ()
      %add3A_132 = arith.constant 2 : i32
      %add3A_133 = arith.addi %add3A_111, %add3A_132 : i32
      %min3A = arith.constant 39 : i32
      %min3A_134 = arith.minsi %add3A_133, %min3A : i32
      %dma_start3A_135 = arith.constant 0 : i32
      %dma_start3A_136 = tpu.memref_slice %arg6[%min3A_134, %dma_start3A_135] : memref<40x128xi32, #tpu.memory_space<vmem>> -> memref<1x128xi32, #tpu.memory_space<vmem>>
      %dma_start3A_137 = tpu.memref_squeeze %dma_start3A_136 : memref<1x128xi32, #tpu.memory_space<vmem>> -> memref<128xi32, #tpu.memory_space<vmem>>
      %dma_start3A_138 = arith.constant 0 : i32
      %dma_start3A_139 = arith.constant 0 : i32
      %dma_start3A_140 = tpu.memref_slice %arg4[%arg0, %dma_start3A_138, %dma_start3A_139] : memref<2x10240x128xf32, #tpu.memory_space<hbm>> -> memref<1x10240x128xf32, #tpu.memory_space<hbm>>
      %dma_start3A_141 = tpu.memref_squeeze %dma_start3A_140 : memref<1x10240x128xf32, #tpu.memory_space<hbm>> -> memref<10240x128xf32, #tpu.memory_space<hbm>>
      %dma_start3A_142 = arith.constant 0 : i32
      %dma_start3A_143 = arith.constant 0 : i32
      %dma_start3A_144 = tpu.memref_slice %dma_start3A_141[%dma_start3A_142, %dma_start3A_143] : memref<10240x128xf32, #tpu.memory_space<hbm>> -> memref<10240x128xf32, #tpu.memory_space<hbm>>
      tpu.enqueue_indirect_dma source(%dma_start3A_144 : memref<10240x128xf32, #tpu.memory_space<hbm>>) target(%arg8 : memref<128x128xf32, #tpu.memory_space<vmem>>) offsets(%dma_start3A_137 : memref<128xi32, #tpu.memory_space<vmem>>) semaphore(%arg11 : memref<!tpu.dma_semaphore, #tpu.memory_space<semaphore_mem>>)
      %dma_wait3A_145 = arith.constant 0 : i32
      %dma_wait3A_146 = arith.constant 0 : i32
      %dma_wait3A_147 = tpu.memref_slice %arg4[%arg0, %dma_wait3A_145, %dma_wait3A_146] : memref<2x10240x128xf32, #tpu.memory_space<hbm>> -> memref<1x128x128xf32, #tpu.memory_space<hbm>>
      %dma_wait3A_148 = tpu.memref_squeeze %dma_wait3A_147 : memref<1x128x128xf32, #tpu.memory_space<hbm>> -> memref<128x128xf32, #tpu.memory_space<hbm>>
      %dma_wait3A_149 = arith.constant 0 : i32
      %dma_wait3A_150 = arith.constant 0 : i32
      %dma_wait3A_151 = tpu.memref_slice %arg4[%arg0, %dma_wait3A_149, %dma_wait3A_150] : memref<2x10240x128xf32, #tpu.memory_space<hbm>> -> memref<1x128x128xf32, #tpu.memory_space<hbm>>
      %dma_wait3A_152 = tpu.memref_squeeze %dma_wait3A_151 : memref<1x128x128xf32, #tpu.memory_space<hbm>> -> memref<128x128xf32, #tpu.memory_space<hbm>>
      tpu.wait_dma2 semaphore(%arg12 : memref<!tpu.dma_semaphore, #tpu.memory_space<semaphore_mem>>) src(%dma_wait3A_152 : memref<128x128xf32, #tpu.memory_space<hbm>>) dst(%arg9 : memref<128x128xf32, #tpu.memory_space<vmem>>)
      %add3A_153 = arith.constant 1 : i32
      %add3A_154 = arith.addi %add3A_111, %add3A_153 : i32
      "tpu.region"() ({
        %run_scoped3A_155 = tpu.sem_alloc : memref<!tpu.dma_semaphore, #tpu.memory_space<semaphore_mem>>
        %dma_start3A_156 = arith.constant 0 : i32
        %dma_start3A_157 = tpu.memref_slice %arg7[%add3A_154, %dma_start3A_156] : memref<40x128xi32, #tpu.memory_space<vmem>> -> memref<1x128xi32, #tpu.memory_space<vmem>>
        %dma_start3A_158 = tpu.memref_squeeze %dma_start3A_157 : memref<1x128xi32, #tpu.memory_space<vmem>> -> memref<128xi32, #tpu.memory_space<vmem>>
        %dma_start3A_159 = arith.constant 0 : i32
        %dma_start3A_160 = arith.constant 0 : i32
        %dma_start3A_161 = tpu.memref_slice %arg10[%dma_start3A_159, %dma_start3A_160] : memref<10240x128xf32, #tpu.memory_space<vmem_shared>> -> memref<10240x128xf32, #tpu.memory_space<vmem_shared>>
        tpu.enqueue_indirect_dma source(%arg9 : memref<128x128xf32, #tpu.memory_space<vmem>>) target(%dma_start3A_161 : memref<10240x128xf32, #tpu.memory_space<vmem_shared>>) offsets(%dma_start3A_158 : memref<128xi32, #tpu.memory_space<vmem>>) semaphore(%run_scoped3A_155 : memref<!tpu.dma_semaphore, #tpu.memory_space<semaphore_mem>>) {add = true}
        %dma_wait3A_162 = arith.constant 0 : i32
        %dma_wait3A_163 = tpu.memref_slice %arg7[%add3A_154, %dma_wait3A_162] : memref<40x128xi32, #tpu.memory_space<vmem>> -> memref<1x128xi32, #tpu.memory_space<vmem>>
        %dma_wait3A_164 = tpu.memref_squeeze %dma_wait3A_163 : memref<1x128xi32, #tpu.memory_space<vmem>> -> memref<128xi32, #tpu.memory_space<vmem>>
        %dma_wait3A_165 = arith.constant 0 : i32
        %dma_wait3A_166 = arith.constant 0 : i32
        %dma_wait3A_167 = tpu.memref_slice %arg10[%dma_wait3A_165, %dma_wait3A_166] : memref<10240x128xf32, #tpu.memory_space<vmem_shared>> -> memref<10240x128xf32, #tpu.memory_space<vmem_shared>>
        tpu.wait_indirect_dma semaphore(%run_scoped3A_155 : memref<!tpu.dma_semaphore, #tpu.memory_space<semaphore_mem>>) src(%arg9 : memref<128x128xf32, #tpu.memory_space<vmem>>) dst(%dma_wait3A_167 : memref<10240x128xf32, #tpu.memory_space<vmem_shared>>)
        tpu.yield
      }) : () -> ()
    }
    %scan3A_17 = arith.constant 20 : i32
    %dma_wait3A = arith.constant 0 : i32
    %dma_wait3A_18 = arith.constant 0 : i32
    %dma_wait3A_19 = tpu.memref_slice %arg4[%arg0, %dma_wait3A, %dma_wait3A_18] : memref<2x10240x128xf32, #tpu.memory_space<hbm>> -> memref<1x128x128xf32, #tpu.memory_space<hbm>>
    %dma_wait3A_20 = tpu.memref_squeeze %dma_wait3A_19 : memref<1x128x128xf32, #tpu.memory_space<hbm>> -> memref<128x128xf32, #tpu.memory_space<hbm>>
    %dma_wait3A_21 = arith.constant 0 : i32
    %dma_wait3A_22 = arith.constant 0 : i32
    %dma_wait3A_23 = tpu.memref_slice %arg4[%arg0, %dma_wait3A_21, %dma_wait3A_22] : memref<2x10240x128xf32, #tpu.memory_space<hbm>> -> memref<1x128x128xf32, #tpu.memory_space<hbm>>
    %dma_wait3A_24 = tpu.memref_squeeze %dma_wait3A_23 : memref<1x128x128xf32, #tpu.memory_space<hbm>> -> memref<128x128xf32, #tpu.memory_space<hbm>>
    tpu.wait_dma2 semaphore(%arg11 : memref<!tpu.dma_semaphore, #tpu.memory_space<semaphore_mem>>) src(%dma_wait3A_24 : memref<128x128xf32, #tpu.memory_space<hbm>>) dst(%arg8 : memref<128x128xf32, #tpu.memory_space<vmem>>)
    %run_scoped3A_25 = arith.constant 1 : i32
    "tpu.region"() ({
      %run_scoped3A_108 = tpu.sem_alloc : memref<!tpu.dma_semaphore, #tpu.memory_space<semaphore_mem>>
      %dma_start3A_109 = arith.constant 0 : i32
      %dma_start3A_110 = arith.constant 0 : i32
      %dma_start3A_111 = tpu.memref_slice %arg2[%arg1, %run_scoped3A_25, %dma_start3A_109, %dma_start3A_110] : memref<16x4x40x128xi32, #tpu.memory_space<hbm>> -> memref<1x1x40x128xi32, #tpu.memory_space<hbm>>
      %dma_start3A_112 = tpu.memref_squeeze %dma_start3A_111 : memref<1x1x40x128xi32, #tpu.memory_space<hbm>> -> memref<40x128xi32, #tpu.memory_space<hbm>>
      %dma_start3A_113 = arith.constant 0 : i32
      %dma_start3A_114 = arith.constant 0 : i32
      %dma_start3A_115 = tpu.memref_slice %arg2[%arg1, %run_scoped3A_25, %dma_start3A_113, %dma_start3A_114] : memref<16x4x40x128xi32, #tpu.memory_space<hbm>> -> memref<1x1x40x128xi32, #tpu.memory_space<hbm>>
      %dma_start3A_116 = tpu.memref_squeeze %dma_start3A_115 : memref<1x1x40x128xi32, #tpu.memory_space<hbm>> -> memref<40x128xi32, #tpu.memory_space<hbm>>
      tpu.enqueue_dma source(%dma_start3A_116 : memref<40x128xi32, #tpu.memory_space<hbm>>) target(%arg6 : memref<40x128xi32, #tpu.memory_space<vmem>>) target_semaphore(%run_scoped3A_108 : memref<!tpu.dma_semaphore, #tpu.memory_space<semaphore_mem>>)
      %dma_wait3A_117 = arith.constant 0 : i32
      %dma_wait3A_118 = arith.constant 0 : i32
      %dma_wait3A_119 = tpu.memref_slice %arg2[%arg1, %run_scoped3A_25, %dma_wait3A_117, %dma_wait3A_118] : memref<16x4x40x128xi32, #tpu.memory_space<hbm>> -> memref<1x1x40x128xi32, #tpu.memory_space<hbm>>
      %dma_wait3A_120 = tpu.memref_squeeze %dma_wait3A_119 : memref<1x1x40x128xi32, #tpu.memory_space<hbm>> -> memref<40x128xi32, #tpu.memory_space<hbm>>
      %dma_wait3A_121 = arith.constant 0 : i32
      %dma_wait3A_122 = arith.constant 0 : i32
      %dma_wait3A_123 = tpu.memref_slice %arg2[%arg1, %run_scoped3A_25, %dma_wait3A_121, %dma_wait3A_122] : memref<16x4x40x128xi32, #tpu.memory_space<hbm>> -> memref<1x1x40x128xi32, #tpu.memory_space<hbm>>
      %dma_wait3A_124 = tpu.memref_squeeze %dma_wait3A_123 : memref<1x1x40x128xi32, #tpu.memory_space<hbm>> -> memref<40x128xi32, #tpu.memory_space<hbm>>
      tpu.wait_dma2 semaphore(%run_scoped3A_108 : memref<!tpu.dma_semaphore, #tpu.memory_space<semaphore_mem>>) src(%dma_wait3A_124 : memref<40x128xi32, #tpu.memory_space<hbm>>) dst(%arg6 : memref<40x128xi32, #tpu.memory_space<vmem>>)
      tpu.yield
    }) : () -> ()
    %run_scoped3A_26 = arith.constant 1 : i32
    "tpu.region"() ({
      %run_scoped3A_108 = tpu.sem_alloc : memref<!tpu.dma_semaphore, #tpu.memory_space<semaphore_mem>>
      %dma_start3A_109 = arith.constant 0 : i32
      %dma_start3A_110 = arith.constant 0 : i32
      %dma_start3A_111 = tpu.memref_slice %arg3[%arg1, %run_scoped3A_26, %dma_start3A_109, %dma_start3A_110] : memref<16x4x40x128xi32, #tpu.memory_space<hbm>> -> memref<1x1x40x128xi32, #tpu.memory_space<hbm>>
      %dma_start3A_112 = tpu.memref_squeeze %dma_start3A_111 : memref<1x1x40x128xi32, #tpu.memory_space<hbm>> -> memref<40x128xi32, #tpu.memory_space<hbm>>
      %dma_start3A_113 = arith.constant 0 : i32
      %dma_start3A_114 = arith.constant 0 : i32
      %dma_start3A_115 = tpu.memref_slice %arg3[%arg1, %run_scoped3A_26, %dma_start3A_113, %dma_start3A_114] : memref<16x4x40x128xi32, #tpu.memory_space<hbm>> -> memref<1x1x40x128xi32, #tpu.memory_space<hbm>>
      %dma_start3A_116 = tpu.memref_squeeze %dma_start3A_115 : memref<1x1x40x128xi32, #tpu.memory_space<hbm>> -> memref<40x128xi32, #tpu.memory_space<hbm>>
      tpu.enqueue_dma source(%dma_start3A_116 : memref<40x128xi32, #tpu.memory_space<hbm>>) target(%arg7 : memref<40x128xi32, #tpu.memory_space<vmem>>) target_semaphore(%run_scoped3A_108 : memref<!tpu.dma_semaphore, #tpu.memory_space<semaphore_mem>>)
      %dma_wait3A_117 = arith.constant 0 : i32
      %dma_wait3A_118 = arith.constant 0 : i32
      %dma_wait3A_119 = tpu.memref_slice %arg3[%arg1, %run_scoped3A_26, %dma_wait3A_117, %dma_wait3A_118] : memref<16x4x40x128xi32, #tpu.memory_space<hbm>> -> memref<1x1x40x128xi32, #tpu.memory_space<hbm>>
      %dma_wait3A_120 = tpu.memref_squeeze %dma_wait3A_119 : memref<1x1x40x128xi32, #tpu.memory_space<hbm>> -> memref<40x128xi32, #tpu.memory_space<hbm>>
      %dma_wait3A_121 = arith.constant 0 : i32
      %dma_wait3A_122 = arith.constant 0 : i32
      %dma_wait3A_123 = tpu.memref_slice %arg3[%arg1, %run_scoped3A_26, %dma_wait3A_121, %dma_wait3A_122] : memref<16x4x40x128xi32, #tpu.memory_space<hbm>> -> memref<1x1x40x128xi32, #tpu.memory_space<hbm>>
      %dma_wait3A_124 = tpu.memref_squeeze %dma_wait3A_123 : memref<1x1x40x128xi32, #tpu.memory_space<hbm>> -> memref<40x128xi32, #tpu.memory_space<hbm>>
      tpu.wait_dma2 semaphore(%run_scoped3A_108 : memref<!tpu.dma_semaphore, #tpu.memory_space<semaphore_mem>>) src(%dma_wait3A_124 : memref<40x128xi32, #tpu.memory_space<hbm>>) dst(%arg7 : memref<40x128xi32, #tpu.memory_space<vmem>>)
      tpu.yield
    }) : () -> ()
    %dma_start3A_27 = arith.constant 0 : i32
    %dma_start3A_28 = arith.constant 0 : i32
    %dma_start3A_29 = tpu.memref_slice %arg6[%dma_start3A_27, %dma_start3A_28] : memref<40x128xi32, #tpu.memory_space<vmem>> -> memref<1x128xi32, #tpu.memory_space<vmem>>
    %dma_start3A_30 = tpu.memref_squeeze %dma_start3A_29 : memref<1x128xi32, #tpu.memory_space<vmem>> -> memref<128xi32, #tpu.memory_space<vmem>>
    %dma_start3A_31 = arith.constant 0 : i32
    %dma_start3A_32 = arith.constant 0 : i32
    %dma_start3A_33 = tpu.memref_slice %arg4[%arg0, %dma_start3A_31, %dma_start3A_32] : memref<2x10240x128xf32, #tpu.memory_space<hbm>> -> memref<1x10240x128xf32, #tpu.memory_space<hbm>>
    %dma_start3A_34 = tpu.memref_squeeze %dma_start3A_33 : memref<1x10240x128xf32, #tpu.memory_space<hbm>> -> memref<10240x128xf32, #tpu.memory_space<hbm>>
    %dma_start3A_35 = arith.constant 0 : i32
    %dma_start3A_36 = arith.constant 0 : i32
    %dma_start3A_37 = tpu.memref_slice %dma_start3A_34[%dma_start3A_35, %dma_start3A_36] : memref<10240x128xf32, #tpu.memory_space<hbm>> -> memref<10240x128xf32, #tpu.memory_space<hbm>>
    tpu.enqueue_indirect_dma source(%dma_start3A_37 : memref<10240x128xf32, #tpu.memory_space<hbm>>) target(%arg8 : memref<128x128xf32, #tpu.memory_space<vmem>>) offsets(%dma_start3A_30 : memref<128xi32, #tpu.memory_space<vmem>>) semaphore(%arg11 : memref<!tpu.dma_semaphore, #tpu.memory_space<semaphore_mem>>)
    %scan3A_38 = arith.constant 0 : i32
    %scan3A_39 = arith.constant 20 : i32
    %scan3A_40 = arith.addi %scan3A_38, %scan3A_39 : i32
    %scan3A_41 = arith.constant 1 : i32
    scf.for %scan3A_108 = %scan3A_38 to %scan3A_40 step %scan3A_41  : i32 {
      %mul3A_109 = arith.constant 2 : i32
      %mul3A_110 = arith.muli %scan3A_108, %mul3A_109 : i32
      %add3A = arith.constant 0 : i32
      %add3A_111 = arith.addi %add3A, %mul3A_110 : i32
      %add3A_112 = arith.constant 1 : i32
      %add3A_113 = arith.addi %add3A_111, %add3A_112 : i32
      %dma_start3A_114 = arith.constant 0 : i32
      %dma_start3A_115 = tpu.memref_slice %arg6[%add3A_113, %dma_start3A_114] : memref<40x128xi32, #tpu.memory_space<vmem>> -> memref<1x128xi32, #tpu.memory_space<vmem>>
      %dma_start3A_116 = tpu.memref_squeeze %dma_start3A_115 : memref<1x128xi32, #tpu.memory_space<vmem>> -> memref<128xi32, #tpu.memory_space<vmem>>
      %dma_start3A_117 = arith.constant 0 : i32
      %dma_start3A_118 = arith.constant 0 : i32
      %dma_start3A_119 = tpu.memref_slice %arg4[%arg0, %dma_start3A_117, %dma_start3A_118] : memref<2x10240x128xf32, #tpu.memory_space<hbm>> -> memref<1x10240x128xf32, #tpu.memory_space<hbm>>
      %dma_start3A_120 = tpu.memref_squeeze %dma_start3A_119 : memref<1x10240x128xf32, #tpu.memory_space<hbm>> -> memref<10240x128xf32, #tpu.memory_space<hbm>>
      %dma_start3A_121 = arith.constant 0 : i32
      %dma_start3A_122 = arith.constant 0 : i32
      %dma_start3A_123 = tpu.memref_slice %dma_start3A_120[%dma_start3A_121, %dma_start3A_122] : memref<10240x128xf32, #tpu.memory_space<hbm>> -> memref<10240x128xf32, #tpu.memory_space<hbm>>
      tpu.enqueue_indirect_dma source(%dma_start3A_123 : memref<10240x128xf32, #tpu.memory_space<hbm>>) target(%arg9 : memref<128x128xf32, #tpu.memory_space<vmem>>) offsets(%dma_start3A_116 : memref<128xi32, #tpu.memory_space<vmem>>) semaphore(%arg12 : memref<!tpu.dma_semaphore, #tpu.memory_space<semaphore_mem>>)
      %dma_wait3A_124 = arith.constant 0 : i32
      %dma_wait3A_125 = arith.constant 0 : i32
      %dma_wait3A_126 = tpu.memref_slice %arg4[%arg0, %dma_wait3A_124, %dma_wait3A_125] : memref<2x10240x128xf32, #tpu.memory_space<hbm>> -> memref<1x128x128xf32, #tpu.memory_space<hbm>>
      %dma_wait3A_127 = tpu.memref_squeeze %dma_wait3A_126 : memref<1x128x128xf32, #tpu.memory_space<hbm>> -> memref<128x128xf32, #tpu.memory_space<hbm>>
      %dma_wait3A_128 = arith.constant 0 : i32
      %dma_wait3A_129 = arith.constant 0 : i32
      %dma_wait3A_130 = tpu.memref_slice %arg4[%arg0, %dma_wait3A_128, %dma_wait3A_129] : memref<2x10240x128xf32, #tpu.memory_space<hbm>> -> memref<1x128x128xf32, #tpu.memory_space<hbm>>
      %dma_wait3A_131 = tpu.memref_squeeze %dma_wait3A_130 : memref<1x128x128xf32, #tpu.memory_space<hbm>> -> memref<128x128xf32, #tpu.memory_space<hbm>>
      tpu.wait_dma2 semaphore(%arg11 : memref<!tpu.dma_semaphore, #tpu.memory_space<semaphore_mem>>) src(%dma_wait3A_131 : memref<128x128xf32, #tpu.memory_space<hbm>>) dst(%arg8 : memref<128x128xf32, #tpu.memory_space<vmem>>)
      "tpu.region"() ({
        %run_scoped3A_155 = tpu.sem_alloc : memref<!tpu.dma_semaphore, #tpu.memory_space<semaphore_mem>>
        %dma_start3A_156 = arith.constant 0 : i32
        %dma_start3A_157 = tpu.memref_slice %arg7[%add3A_111, %dma_start3A_156] : memref<40x128xi32, #tpu.memory_space<vmem>> -> memref<1x128xi32, #tpu.memory_space<vmem>>
        %dma_start3A_158 = tpu.memref_squeeze %dma_start3A_157 : memref<1x128xi32, #tpu.memory_space<vmem>> -> memref<128xi32, #tpu.memory_space<vmem>>
        %dma_start3A_159 = arith.constant 0 : i32
        %dma_start3A_160 = arith.constant 0 : i32
        %dma_start3A_161 = tpu.memref_slice %arg10[%dma_start3A_159, %dma_start3A_160] : memref<10240x128xf32, #tpu.memory_space<vmem_shared>> -> memref<10240x128xf32, #tpu.memory_space<vmem_shared>>
        tpu.enqueue_indirect_dma source(%arg8 : memref<128x128xf32, #tpu.memory_space<vmem>>) target(%dma_start3A_161 : memref<10240x128xf32, #tpu.memory_space<vmem_shared>>) offsets(%dma_start3A_158 : memref<128xi32, #tpu.memory_space<vmem>>) semaphore(%run_scoped3A_155 : memref<!tpu.dma_semaphore, #tpu.memory_space<semaphore_mem>>) {add = true}
        %dma_wait3A_162 = arith.constant 0 : i32
        %dma_wait3A_163 = tpu.memref_slice %arg7[%add3A_111, %dma_wait3A_162] : memref<40x128xi32, #tpu.memory_space<vmem>> -> memref<1x128xi32, #tpu.memory_space<vmem>>
        %dma_wait3A_164 = tpu.memref_squeeze %dma_wait3A_163 : memref<1x128xi32, #tpu.memory_space<vmem>> -> memref<128xi32, #tpu.memory_space<vmem>>
        %dma_wait3A_165 = arith.constant 0 : i32
        %dma_wait3A_166 = arith.constant 0 : i32
        %dma_wait3A_167 = tpu.memref_slice %arg10[%dma_wait3A_165, %dma_wait3A_166] : memref<10240x128xf32, #tpu.memory_space<vmem_shared>> -> memref<10240x128xf32, #tpu.memory_space<vmem_shared>>
        tpu.wait_indirect_dma semaphore(%run_scoped3A_155 : memref<!tpu.dma_semaphore, #tpu.memory_space<semaphore_mem>>) src(%arg8 : memref<128x128xf32, #tpu.memory_space<vmem>>) dst(%dma_wait3A_167 : memref<10240x128xf32, #tpu.memory_space<vmem_shared>>)
        tpu.yield
      }) : () -> ()
      %add3A_132 = arith.constant 2 : i32
      %add3A_133 = arith.addi %add3A_111, %add3A_132 : i32
      %min3A = arith.constant 39 : i32
      %min3A_134 = arith.minsi %add3A_133, %min3A : i32
      %dma_start3A_135 = arith.constant 0 : i32
      %dma_start3A_136 = tpu.memref_slice %arg6[%min3A_134, %dma_start3A_135] : memref<40x128xi32, #tpu.memory_space<vmem>> -> memref<1x128xi32, #tpu.memory_space<vmem>>
      %dma_start3A_137 = tpu.memref_squeeze %dma_start3A_136 : memref<1x128xi32, #tpu.memory_space<vmem>> -> memref<128xi32, #tpu.memory_space<vmem>>
      %dma_start3A_138 = arith.constant 0 : i32
      %dma_start3A_139 = arith.constant 0 : i32
      %dma_start3A_140 = tpu.memref_slice %arg4[%arg0, %dma_start3A_138, %dma_start3A_139] : memref<2x10240x128xf32, #tpu.memory_space<hbm>> -> memref<1x10240x128xf32, #tpu.memory_space<hbm>>
      %dma_start3A_141 = tpu.memref_squeeze %dma_start3A_140 : memref<1x10240x128xf32, #tpu.memory_space<hbm>> -> memref<10240x128xf32, #tpu.memory_space<hbm>>
      %dma_start3A_142 = arith.constant 0 : i32
      %dma_start3A_143 = arith.constant 0 : i32
      %dma_start3A_144 = tpu.memref_slice %dma_start3A_141[%dma_start3A_142, %dma_start3A_143] : memref<10240x128xf32, #tpu.memory_space<hbm>> -> memref<10240x128xf32, #tpu.memory_space<hbm>>
      tpu.enqueue_indirect_dma source(%dma_start3A_144 : memref<10240x128xf32, #tpu.memory_space<hbm>>) target(%arg8 : memref<128x128xf32, #tpu.memory_space<vmem>>) offsets(%dma_start3A_137 : memref<128xi32, #tpu.memory_space<vmem>>) semaphore(%arg11 : memref<!tpu.dma_semaphore, #tpu.memory_space<semaphore_mem>>)
      %dma_wait3A_145 = arith.constant 0 : i32
      %dma_wait3A_146 = arith.constant 0 : i32
      %dma_wait3A_147 = tpu.memref_slice %arg4[%arg0, %dma_wait3A_145, %dma_wait3A_146] : memref<2x10240x128xf32, #tpu.memory_space<hbm>> -> memref<1x128x128xf32, #tpu.memory_space<hbm>>
      %dma_wait3A_148 = tpu.memref_squeeze %dma_wait3A_147 : memref<1x128x128xf32, #tpu.memory_space<hbm>> -> memref<128x128xf32, #tpu.memory_space<hbm>>
      %dma_wait3A_149 = arith.constant 0 : i32
      %dma_wait3A_150 = arith.constant 0 : i32
      %dma_wait3A_151 = tpu.memref_slice %arg4[%arg0, %dma_wait3A_149, %dma_wait3A_150] : memref<2x10240x128xf32, #tpu.memory_space<hbm>> -> memref<1x128x128xf32, #tpu.memory_space<hbm>>
      %dma_wait3A_152 = tpu.memref_squeeze %dma_wait3A_151 : memref<1x128x128xf32, #tpu.memory_space<hbm>> -> memref<128x128xf32, #tpu.memory_space<hbm>>
      tpu.wait_dma2 semaphore(%arg12 : memref<!tpu.dma_semaphore, #tpu.memory_space<semaphore_mem>>) src(%dma_wait3A_152 : memref<128x128xf32, #tpu.memory_space<hbm>>) dst(%arg9 : memref<128x128xf32, #tpu.memory_space<vmem>>)
      %add3A_153 = arith.constant 1 : i32
      %add3A_154 = arith.addi %add3A_111, %add3A_153 : i32
      "tpu.region"() ({
        %run_scoped3A_155 = tpu.sem_alloc : memref<!tpu.dma_semaphore, #tpu.memory_space<semaphore_mem>>
        %dma_start3A_156 = arith.constant 0 : i32
        %dma_start3A_157 = tpu.memref_slice %arg7[%add3A_154, %dma_start3A_156] : memref<40x128xi32, #tpu.memory_space<vmem>> -> memref<1x128xi32, #tpu.memory_space<vmem>>
        %dma_start3A_158 = tpu.memref_squeeze %dma_start3A_157 : memref<1x128xi32, #tpu.memory_space<vmem>> -> memref<128xi32, #tpu.memory_space<vmem>>
        %dma_start3A_159 = arith.constant 0 : i32
        %dma_start3A_160 = arith.constant 0 : i32
        %dma_start3A_161 = tpu.memref_slice %arg10[%dma_start3A_159, %dma_start3A_160] : memref<10240x128xf32, #tpu.memory_space<vmem_shared>> -> memref<10240x128xf32, #tpu.memory_space<vmem_shared>>
        tpu.enqueue_indirect_dma source(%arg9 : memref<128x128xf32, #tpu.memory_space<vmem>>) target(%dma_start3A_161 : memref<10240x128xf32, #tpu.memory_space<vmem_shared>>) offsets(%dma_start3A_158 : memref<128xi32, #tpu.memory_space<vmem>>) semaphore(%run_scoped3A_155 : memref<!tpu.dma_semaphore, #tpu.memory_space<semaphore_mem>>) {add = true}
        %dma_wait3A_162 = arith.constant 0 : i32
        %dma_wait3A_163 = tpu.memref_slice %arg7[%add3A_154, %dma_wait3A_162] : memref<40x128xi32, #tpu.memory_space<vmem>> -> memref<1x128xi32, #tpu.memory_space<vmem>>
        %dma_wait3A_164 = tpu.memref_squeeze %dma_wait3A_163 : memref<1x128xi32, #tpu.memory_space<vmem>> -> memref<128xi32, #tpu.memory_space<vmem>>
        %dma_wait3A_165 = arith.constant 0 : i32
        %dma_wait3A_166 = arith.constant 0 : i32
        %dma_wait3A_167 = tpu.memref_slice %arg10[%dma_wait3A_165, %dma_wait3A_166] : memref<10240x128xf32, #tpu.memory_space<vmem_shared>> -> memref<10240x128xf32, #tpu.memory_space<vmem_shared>>
        tpu.wait_indirect_dma semaphore(%run_scoped3A_155 : memref<!tpu.dma_semaphore, #tpu.memory_space<semaphore_mem>>) src(%arg9 : memref<128x128xf32, #tpu.memory_space<vmem>>) dst(%dma_wait3A_167 : memref<10240x128xf32, #tpu.memory_space<vmem_shared>>)
        tpu.yield
      }) : () -> ()
    }
    %scan3A_42 = arith.constant 20 : i32
    %dma_wait3A_43 = arith.constant 0 : i32
    %dma_wait3A_44 = arith.constant 0 : i32
    %dma_wait3A_45 = tpu.memref_slice %arg4[%arg0, %dma_wait3A_43, %dma_wait3A_44] : memref<2x10240x128xf32, #tpu.memory_space<hbm>> -> memref<1x128x128xf32, #tpu.memory_space<hbm>>
    %dma_wait3A_46 = tpu.memref_squeeze %dma_wait3A_45 : memref<1x128x128xf32, #tpu.memory_space<hbm>> -> memref<128x128xf32, #tpu.memory_space<hbm>>
    %dma_wait3A_47 = arith.constant 0 : i32
    %dma_wait3A_48 = arith.constant 0 : i32
    %dma_wait3A_49 = tpu.memref_slice %arg4[%arg0, %dma_wait3A_47, %dma_wait3A_48] : memref<2x10240x128xf32, #tpu.memory_space<hbm>> -> memref<1x128x128xf32, #tpu.memory_space<hbm>>
    %dma_wait3A_50 = tpu.memref_squeeze %dma_wait3A_49 : memref<1x128x128xf32, #tpu.memory_space<hbm>> -> memref<128x128xf32, #tpu.memory_space<hbm>>
    tpu.wait_dma2 semaphore(%arg11 : memref<!tpu.dma_semaphore, #tpu.memory_space<semaphore_mem>>) src(%dma_wait3A_50 : memref<128x128xf32, #tpu.memory_space<hbm>>) dst(%arg8 : memref<128x128xf32, #tpu.memory_space<vmem>>)
    %run_scoped3A_51 = arith.constant 2 : i32
    "tpu.region"() ({
      %run_scoped3A_108 = tpu.sem_alloc : memref<!tpu.dma_semaphore, #tpu.memory_space<semaphore_mem>>
      %dma_start3A_109 = arith.constant 0 : i32
      %dma_start3A_110 = arith.constant 0 : i32
      %dma_start3A_111 = tpu.memref_slice %arg2[%arg1, %run_scoped3A_51, %dma_start3A_109, %dma_start3A_110] : memref<16x4x40x128xi32, #tpu.memory_space<hbm>> -> memref<1x1x40x128xi32, #tpu.memory_space<hbm>>
      %dma_start3A_112 = tpu.memref_squeeze %dma_start3A_111 : memref<1x1x40x128xi32, #tpu.memory_space<hbm>> -> memref<40x128xi32, #tpu.memory_space<hbm>>
      %dma_start3A_113 = arith.constant 0 : i32
      %dma_start3A_114 = arith.constant 0 : i32
      %dma_start3A_115 = tpu.memref_slice %arg2[%arg1, %run_scoped3A_51, %dma_start3A_113, %dma_start3A_114] : memref<16x4x40x128xi32, #tpu.memory_space<hbm>> -> memref<1x1x40x128xi32, #tpu.memory_space<hbm>>
      %dma_start3A_116 = tpu.memref_squeeze %dma_start3A_115 : memref<1x1x40x128xi32, #tpu.memory_space<hbm>> -> memref<40x128xi32, #tpu.memory_space<hbm>>
      tpu.enqueue_dma source(%dma_start3A_116 : memref<40x128xi32, #tpu.memory_space<hbm>>) target(%arg6 : memref<40x128xi32, #tpu.memory_space<vmem>>) target_semaphore(%run_scoped3A_108 : memref<!tpu.dma_semaphore, #tpu.memory_space<semaphore_mem>>)
      %dma_wait3A_117 = arith.constant 0 : i32
      %dma_wait3A_118 = arith.constant 0 : i32
      %dma_wait3A_119 = tpu.memref_slice %arg2[%arg1, %run_scoped3A_51, %dma_wait3A_117, %dma_wait3A_118] : memref<16x4x40x128xi32, #tpu.memory_space<hbm>> -> memref<1x1x40x128xi32, #tpu.memory_space<hbm>>
      %dma_wait3A_120 = tpu.memref_squeeze %dma_wait3A_119 : memref<1x1x40x128xi32, #tpu.memory_space<hbm>> -> memref<40x128xi32, #tpu.memory_space<hbm>>
      %dma_wait3A_121 = arith.constant 0 : i32
      %dma_wait3A_122 = arith.constant 0 : i32
      %dma_wait3A_123 = tpu.memref_slice %arg2[%arg1, %run_scoped3A_51, %dma_wait3A_121, %dma_wait3A_122] : memref<16x4x40x128xi32, #tpu.memory_space<hbm>> -> memref<1x1x40x128xi32, #tpu.memory_space<hbm>>
      %dma_wait3A_124 = tpu.memref_squeeze %dma_wait3A_123 : memref<1x1x40x128xi32, #tpu.memory_space<hbm>> -> memref<40x128xi32, #tpu.memory_space<hbm>>
      tpu.wait_dma2 semaphore(%run_scoped3A_108 : memref<!tpu.dma_semaphore, #tpu.memory_space<semaphore_mem>>) src(%dma_wait3A_124 : memref<40x128xi32, #tpu.memory_space<hbm>>) dst(%arg6 : memref<40x128xi32, #tpu.memory_space<vmem>>)
      tpu.yield
    }) : () -> ()
    %run_scoped3A_52 = arith.constant 2 : i32
    "tpu.region"() ({
      %run_scoped3A_108 = tpu.sem_alloc : memref<!tpu.dma_semaphore, #tpu.memory_space<semaphore_mem>>
      %dma_start3A_109 = arith.constant 0 : i32
      %dma_start3A_110 = arith.constant 0 : i32
      %dma_start3A_111 = tpu.memref_slice %arg3[%arg1, %run_scoped3A_52, %dma_start3A_109, %dma_start3A_110] : memref<16x4x40x128xi32, #tpu.memory_space<hbm>> -> memref<1x1x40x128xi32, #tpu.memory_space<hbm>>
      %dma_start3A_112 = tpu.memref_squeeze %dma_start3A_111 : memref<1x1x40x128xi32, #tpu.memory_space<hbm>> -> memref<40x128xi32, #tpu.memory_space<hbm>>
      %dma_start3A_113 = arith.constant 0 : i32
      %dma_start3A_114 = arith.constant 0 : i32
      %dma_start3A_115 = tpu.memref_slice %arg3[%arg1, %run_scoped3A_52, %dma_start3A_113, %dma_start3A_114] : memref<16x4x40x128xi32, #tpu.memory_space<hbm>> -> memref<1x1x40x128xi32, #tpu.memory_space<hbm>>
      %dma_start3A_116 = tpu.memref_squeeze %dma_start3A_115 : memref<1x1x40x128xi32, #tpu.memory_space<hbm>> -> memref<40x128xi32, #tpu.memory_space<hbm>>
      tpu.enqueue_dma source(%dma_start3A_116 : memref<40x128xi32, #tpu.memory_space<hbm>>) target(%arg7 : memref<40x128xi32, #tpu.memory_space<vmem>>) target_semaphore(%run_scoped3A_108 : memref<!tpu.dma_semaphore, #tpu.memory_space<semaphore_mem>>)
      %dma_wait3A_117 = arith.constant 0 : i32
      %dma_wait3A_118 = arith.constant 0 : i32
      %dma_wait3A_119 = tpu.memref_slice %arg3[%arg1, %run_scoped3A_52, %dma_wait3A_117, %dma_wait3A_118] : memref<16x4x40x128xi32, #tpu.memory_space<hbm>> -> memref<1x1x40x128xi32, #tpu.memory_space<hbm>>
      %dma_wait3A_120 = tpu.memref_squeeze %dma_wait3A_119 : memref<1x1x40x128xi32, #tpu.memory_space<hbm>> -> memref<40x128xi32, #tpu.memory_space<hbm>>
      %dma_wait3A_121 = arith.constant 0 : i32
      %dma_wait3A_122 = arith.constant 0 : i32
      %dma_wait3A_123 = tpu.memref_slice %arg3[%arg1, %run_scoped3A_52, %dma_wait3A_121, %dma_wait3A_122] : memref<16x4x40x128xi32, #tpu.memory_space<hbm>> -> memref<1x1x40x128xi32, #tpu.memory_space<hbm>>
      %dma_wait3A_124 = tpu.memref_squeeze %dma_wait3A_123 : memref<1x1x40x128xi32, #tpu.memory_space<hbm>> -> memref<40x128xi32, #tpu.memory_space<hbm>>
      tpu.wait_dma2 semaphore(%run_scoped3A_108 : memref<!tpu.dma_semaphore, #tpu.memory_space<semaphore_mem>>) src(%dma_wait3A_124 : memref<40x128xi32, #tpu.memory_space<hbm>>) dst(%arg7 : memref<40x128xi32, #tpu.memory_space<vmem>>)
      tpu.yield
    }) : () -> ()
    %dma_start3A_53 = arith.constant 0 : i32
    %dma_start3A_54 = arith.constant 0 : i32
    %dma_start3A_55 = tpu.memref_slice %arg6[%dma_start3A_53, %dma_start3A_54] : memref<40x128xi32, #tpu.memory_space<vmem>> -> memref<1x128xi32, #tpu.memory_space<vmem>>
    %dma_start3A_56 = tpu.memref_squeeze %dma_start3A_55 : memref<1x128xi32, #tpu.memory_space<vmem>> -> memref<128xi32, #tpu.memory_space<vmem>>
    %dma_start3A_57 = arith.constant 0 : i32
    %dma_start3A_58 = arith.constant 0 : i32
    %dma_start3A_59 = tpu.memref_slice %arg4[%arg0, %dma_start3A_57, %dma_start3A_58] : memref<2x10240x128xf32, #tpu.memory_space<hbm>> -> memref<1x10240x128xf32, #tpu.memory_space<hbm>>
    %dma_start3A_60 = tpu.memref_squeeze %dma_start3A_59 : memref<1x10240x128xf32, #tpu.memory_space<hbm>> -> memref<10240x128xf32, #tpu.memory_space<hbm>>
    %dma_start3A_61 = arith.constant 0 : i32
    %dma_start3A_62 = arith.constant 0 : i32
    %dma_start3A_63 = tpu.memref_slice %dma_start3A_60[%dma_start3A_61, %dma_start3A_62] : memref<10240x128xf32, #tpu.memory_space<hbm>> -> memref<10240x128xf32, #tpu.memory_space<hbm>>
    tpu.enqueue_indirect_dma source(%dma_start3A_63 : memref<10240x128xf32, #tpu.memory_space<hbm>>) target(%arg8 : memref<128x128xf32, #tpu.memory_space<vmem>>) offsets(%dma_start3A_56 : memref<128xi32, #tpu.memory_space<vmem>>) semaphore(%arg11 : memref<!tpu.dma_semaphore, #tpu.memory_space<semaphore_mem>>)
    %scan3A_64 = arith.constant 0 : i32
    %scan3A_65 = arith.constant 20 : i32
    %scan3A_66 = arith.addi %scan3A_64, %scan3A_65 : i32
    %scan3A_67 = arith.constant 1 : i32
    scf.for %scan3A_108 = %scan3A_64 to %scan3A_66 step %scan3A_67  : i32 {
      %mul3A_109 = arith.constant 2 : i32
      %mul3A_110 = arith.muli %scan3A_108, %mul3A_109 : i32
      %add3A = arith.constant 0 : i32
      %add3A_111 = arith.addi %add3A, %mul3A_110 : i32
      %add3A_112 = arith.constant 1 : i32
      %add3A_113 = arith.addi %add3A_111, %add3A_112 : i32
      %dma_start3A_114 = arith.constant 0 : i32
      %dma_start3A_115 = tpu.memref_slice %arg6[%add3A_113, %dma_start3A_114] : memref<40x128xi32, #tpu.memory_space<vmem>> -> memref<1x128xi32, #tpu.memory_space<vmem>>
      %dma_start3A_116 = tpu.memref_squeeze %dma_start3A_115 : memref<1x128xi32, #tpu.memory_space<vmem>> -> memref<128xi32, #tpu.memory_space<vmem>>
      %dma_start3A_117 = arith.constant 0 : i32
      %dma_start3A_118 = arith.constant 0 : i32
      %dma_start3A_119 = tpu.memref_slice %arg4[%arg0, %dma_start3A_117, %dma_start3A_118] : memref<2x10240x128xf32, #tpu.memory_space<hbm>> -> memref<1x10240x128xf32, #tpu.memory_space<hbm>>
      %dma_start3A_120 = tpu.memref_squeeze %dma_start3A_119 : memref<1x10240x128xf32, #tpu.memory_space<hbm>> -> memref<10240x128xf32, #tpu.memory_space<hbm>>
      %dma_start3A_121 = arith.constant 0 : i32
      %dma_start3A_122 = arith.constant 0 : i32
      %dma_start3A_123 = tpu.memref_slice %dma_start3A_120[%dma_start3A_121, %dma_start3A_122] : memref<10240x128xf32, #tpu.memory_space<hbm>> -> memref<10240x128xf32, #tpu.memory_space<hbm>>
      tpu.enqueue_indirect_dma source(%dma_start3A_123 : memref<10240x128xf32, #tpu.memory_space<hbm>>) target(%arg9 : memref<128x128xf32, #tpu.memory_space<vmem>>) offsets(%dma_start3A_116 : memref<128xi32, #tpu.memory_space<vmem>>) semaphore(%arg12 : memref<!tpu.dma_semaphore, #tpu.memory_space<semaphore_mem>>)
      %dma_wait3A_124 = arith.constant 0 : i32
      %dma_wait3A_125 = arith.constant 0 : i32
      %dma_wait3A_126 = tpu.memref_slice %arg4[%arg0, %dma_wait3A_124, %dma_wait3A_125] : memref<2x10240x128xf32, #tpu.memory_space<hbm>> -> memref<1x128x128xf32, #tpu.memory_space<hbm>>
      %dma_wait3A_127 = tpu.memref_squeeze %dma_wait3A_126 : memref<1x128x128xf32, #tpu.memory_space<hbm>> -> memref<128x128xf32, #tpu.memory_space<hbm>>
      %dma_wait3A_128 = arith.constant 0 : i32
      %dma_wait3A_129 = arith.constant 0 : i32
      %dma_wait3A_130 = tpu.memref_slice %arg4[%arg0, %dma_wait3A_128, %dma_wait3A_129] : memref<2x10240x128xf32, #tpu.memory_space<hbm>> -> memref<1x128x128xf32, #tpu.memory_space<hbm>>
      %dma_wait3A_131 = tpu.memref_squeeze %dma_wait3A_130 : memref<1x128x128xf32, #tpu.memory_space<hbm>> -> memref<128x128xf32, #tpu.memory_space<hbm>>
      tpu.wait_dma2 semaphore(%arg11 : memref<!tpu.dma_semaphore, #tpu.memory_space<semaphore_mem>>) src(%dma_wait3A_131 : memref<128x128xf32, #tpu.memory_space<hbm>>) dst(%arg8 : memref<128x128xf32, #tpu.memory_space<vmem>>)
      "tpu.region"() ({
        %run_scoped3A_155 = tpu.sem_alloc : memref<!tpu.dma_semaphore, #tpu.memory_space<semaphore_mem>>
        %dma_start3A_156 = arith.constant 0 : i32
        %dma_start3A_157 = tpu.memref_slice %arg7[%add3A_111, %dma_start3A_156] : memref<40x128xi32, #tpu.memory_space<vmem>> -> memref<1x128xi32, #tpu.memory_space<vmem>>
        %dma_start3A_158 = tpu.memref_squeeze %dma_start3A_157 : memref<1x128xi32, #tpu.memory_space<vmem>> -> memref<128xi32, #tpu.memory_space<vmem>>
        %dma_start3A_159 = arith.constant 0 : i32
        %dma_start3A_160 = arith.constant 0 : i32
        %dma_start3A_161 = tpu.memref_slice %arg10[%dma_start3A_159, %dma_start3A_160] : memref<10240x128xf32, #tpu.memory_space<vmem_shared>> -> memref<10240x128xf32, #tpu.memory_space<vmem_shared>>
        tpu.enqueue_indirect_dma source(%arg8 : memref<128x128xf32, #tpu.memory_space<vmem>>) target(%dma_start3A_161 : memref<10240x128xf32, #tpu.memory_space<vmem_shared>>) offsets(%dma_start3A_158 : memref<128xi32, #tpu.memory_space<vmem>>) semaphore(%run_scoped3A_155 : memref<!tpu.dma_semaphore, #tpu.memory_space<semaphore_mem>>) {add = true}
        %dma_wait3A_162 = arith.constant 0 : i32
        %dma_wait3A_163 = tpu.memref_slice %arg7[%add3A_111, %dma_wait3A_162] : memref<40x128xi32, #tpu.memory_space<vmem>> -> memref<1x128xi32, #tpu.memory_space<vmem>>
        %dma_wait3A_164 = tpu.memref_squeeze %dma_wait3A_163 : memref<1x128xi32, #tpu.memory_space<vmem>> -> memref<128xi32, #tpu.memory_space<vmem>>
        %dma_wait3A_165 = arith.constant 0 : i32
        %dma_wait3A_166 = arith.constant 0 : i32
        %dma_wait3A_167 = tpu.memref_slice %arg10[%dma_wait3A_165, %dma_wait3A_166] : memref<10240x128xf32, #tpu.memory_space<vmem_shared>> -> memref<10240x128xf32, #tpu.memory_space<vmem_shared>>
        tpu.wait_indirect_dma semaphore(%run_scoped3A_155 : memref<!tpu.dma_semaphore, #tpu.memory_space<semaphore_mem>>) src(%arg8 : memref<128x128xf32, #tpu.memory_space<vmem>>) dst(%dma_wait3A_167 : memref<10240x128xf32, #tpu.memory_space<vmem_shared>>)
        tpu.yield
      }) : () -> ()
      %add3A_132 = arith.constant 2 : i32
      %add3A_133 = arith.addi %add3A_111, %add3A_132 : i32
      %min3A = arith.constant 39 : i32
      %min3A_134 = arith.minsi %add3A_133, %min3A : i32
      %dma_start3A_135 = arith.constant 0 : i32
      %dma_start3A_136 = tpu.memref_slice %arg6[%min3A_134, %dma_start3A_135] : memref<40x128xi32, #tpu.memory_space<vmem>> -> memref<1x128xi32, #tpu.memory_space<vmem>>
      %dma_start3A_137 = tpu.memref_squeeze %dma_start3A_136 : memref<1x128xi32, #tpu.memory_space<vmem>> -> memref<128xi32, #tpu.memory_space<vmem>>
      %dma_start3A_138 = arith.constant 0 : i32
      %dma_start3A_139 = arith.constant 0 : i32
      %dma_start3A_140 = tpu.memref_slice %arg4[%arg0, %dma_start3A_138, %dma_start3A_139] : memref<2x10240x128xf32, #tpu.memory_space<hbm>> -> memref<1x10240x128xf32, #tpu.memory_space<hbm>>
      %dma_start3A_141 = tpu.memref_squeeze %dma_start3A_140 : memref<1x10240x128xf32, #tpu.memory_space<hbm>> -> memref<10240x128xf32, #tpu.memory_space<hbm>>
      %dma_start3A_142 = arith.constant 0 : i32
      %dma_start3A_143 = arith.constant 0 : i32
      %dma_start3A_144 = tpu.memref_slice %dma_start3A_141[%dma_start3A_142, %dma_start3A_143] : memref<10240x128xf32, #tpu.memory_space<hbm>> -> memref<10240x128xf32, #tpu.memory_space<hbm>>
      tpu.enqueue_indirect_dma source(%dma_start3A_144 : memref<10240x128xf32, #tpu.memory_space<hbm>>) target(%arg8 : memref<128x128xf32, #tpu.memory_space<vmem>>) offsets(%dma_start3A_137 : memref<128xi32, #tpu.memory_space<vmem>>) semaphore(%arg11 : memref<!tpu.dma_semaphore, #tpu.memory_space<semaphore_mem>>)
      %dma_wait3A_145 = arith.constant 0 : i32
      %dma_wait3A_146 = arith.constant 0 : i32
      %dma_wait3A_147 = tpu.memref_slice %arg4[%arg0, %dma_wait3A_145, %dma_wait3A_146] : memref<2x10240x128xf32, #tpu.memory_space<hbm>> -> memref<1x128x128xf32, #tpu.memory_space<hbm>>
      %dma_wait3A_148 = tpu.memref_squeeze %dma_wait3A_147 : memref<1x128x128xf32, #tpu.memory_space<hbm>> -> memref<128x128xf32, #tpu.memory_space<hbm>>
      %dma_wait3A_149 = arith.constant 0 : i32
      %dma_wait3A_150 = arith.constant 0 : i32
      %dma_wait3A_151 = tpu.memref_slice %arg4[%arg0, %dma_wait3A_149, %dma_wait3A_150] : memref<2x10240x128xf32, #tpu.memory_space<hbm>> -> memref<1x128x128xf32, #tpu.memory_space<hbm>>
      %dma_wait3A_152 = tpu.memref_squeeze %dma_wait3A_151 : memref<1x128x128xf32, #tpu.memory_space<hbm>> -> memref<128x128xf32, #tpu.memory_space<hbm>>
      tpu.wait_dma2 semaphore(%arg12 : memref<!tpu.dma_semaphore, #tpu.memory_space<semaphore_mem>>) src(%dma_wait3A_152 : memref<128x128xf32, #tpu.memory_space<hbm>>) dst(%arg9 : memref<128x128xf32, #tpu.memory_space<vmem>>)
      %add3A_153 = arith.constant 1 : i32
      %add3A_154 = arith.addi %add3A_111, %add3A_153 : i32
      "tpu.region"() ({
        %run_scoped3A_155 = tpu.sem_alloc : memref<!tpu.dma_semaphore, #tpu.memory_space<semaphore_mem>>
        %dma_start3A_156 = arith.constant 0 : i32
        %dma_start3A_157 = tpu.memref_slice %arg7[%add3A_154, %dma_start3A_156] : memref<40x128xi32, #tpu.memory_space<vmem>> -> memref<1x128xi32, #tpu.memory_space<vmem>>
        %dma_start3A_158 = tpu.memref_squeeze %dma_start3A_157 : memref<1x128xi32, #tpu.memory_space<vmem>> -> memref<128xi32, #tpu.memory_space<vmem>>
        %dma_start3A_159 = arith.constant 0 : i32
        %dma_start3A_160 = arith.constant 0 : i32
        %dma_start3A_161 = tpu.memref_slice %arg10[%dma_start3A_159, %dma_start3A_160] : memref<10240x128xf32, #tpu.memory_space<vmem_shared>> -> memref<10240x128xf32, #tpu.memory_space<vmem_shared>>
        tpu.enqueue_indirect_dma source(%arg9 : memref<128x128xf32, #tpu.memory_space<vmem>>) target(%dma_start3A_161 : memref<10240x128xf32, #tpu.memory_space<vmem_shared>>) offsets(%dma_start3A_158 : memref<128xi32, #tpu.memory_space<vmem>>) semaphore(%run_scoped3A_155 : memref<!tpu.dma_semaphore, #tpu.memory_space<semaphore_mem>>) {add = true}
        %dma_wait3A_162 = arith.constant 0 : i32
        %dma_wait3A_163 = tpu.memref_slice %arg7[%add3A_154, %dma_wait3A_162] : memref<40x128xi32, #tpu.memory_space<vmem>> -> memref<1x128xi32, #tpu.memory_space<vmem>>
        %dma_wait3A_164 = tpu.memref_squeeze %dma_wait3A_163 : memref<1x128xi32, #tpu.memory_space<vmem>> -> memref<128xi32, #tpu.memory_space<vmem>>
        %dma_wait3A_165 = arith.constant 0 : i32
        %dma_wait3A_166 = arith.constant 0 : i32
        %dma_wait3A_167 = tpu.memref_slice %arg10[%dma_wait3A_165, %dma_wait3A_166] : memref<10240x128xf32, #tpu.memory_space<vmem_shared>> -> memref<10240x128xf32, #tpu.memory_space<vmem_shared>>
        tpu.wait_indirect_dma semaphore(%run_scoped3A_155 : memref<!tpu.dma_semaphore, #tpu.memory_space<semaphore_mem>>) src(%arg9 : memref<128x128xf32, #tpu.memory_space<vmem>>) dst(%dma_wait3A_167 : memref<10240x128xf32, #tpu.memory_space<vmem_shared>>)
        tpu.yield
      }) : () -> ()
    }
    %scan3A_68 = arith.constant 20 : i32
    %dma_wait3A_69 = arith.constant 0 : i32
    %dma_wait3A_70 = arith.constant 0 : i32
    %dma_wait3A_71 = tpu.memref_slice %arg4[%arg0, %dma_wait3A_69, %dma_wait3A_70] : memref<2x10240x128xf32, #tpu.memory_space<hbm>> -> memref<1x128x128xf32, #tpu.memory_space<hbm>>
    %dma_wait3A_72 = tpu.memref_squeeze %dma_wait3A_71 : memref<1x128x128xf32, #tpu.memory_space<hbm>> -> memref<128x128xf32, #tpu.memory_space<hbm>>
    %dma_wait3A_73 = arith.constant 0 : i32
    %dma_wait3A_74 = arith.constant 0 : i32
    %dma_wait3A_75 = tpu.memref_slice %arg4[%arg0, %dma_wait3A_73, %dma_wait3A_74] : memref<2x10240x128xf32, #tpu.memory_space<hbm>> -> memref<1x128x128xf32, #tpu.memory_space<hbm>>
    %dma_wait3A_76 = tpu.memref_squeeze %dma_wait3A_75 : memref<1x128x128xf32, #tpu.memory_space<hbm>> -> memref<128x128xf32, #tpu.memory_space<hbm>>
    tpu.wait_dma2 semaphore(%arg11 : memref<!tpu.dma_semaphore, #tpu.memory_space<semaphore_mem>>) src(%dma_wait3A_76 : memref<128x128xf32, #tpu.memory_space<hbm>>) dst(%arg8 : memref<128x128xf32, #tpu.memory_space<vmem>>)
    %run_scoped3A_77 = arith.constant 3 : i32
    "tpu.region"() ({
      %run_scoped3A_108 = tpu.sem_alloc : memref<!tpu.dma_semaphore, #tpu.memory_space<semaphore_mem>>
      %dma_start3A_109 = arith.constant 0 : i32
      %dma_start3A_110 = arith.constant 0 : i32
      %dma_start3A_111 = tpu.memref_slice %arg2[%arg1, %run_scoped3A_77, %dma_start3A_109, %dma_start3A_110] : memref<16x4x40x128xi32, #tpu.memory_space<hbm>> -> memref<1x1x40x128xi32, #tpu.memory_space<hbm>>
      %dma_start3A_112 = tpu.memref_squeeze %dma_start3A_111 : memref<1x1x40x128xi32, #tpu.memory_space<hbm>> -> memref<40x128xi32, #tpu.memory_space<hbm>>
      %dma_start3A_113 = arith.constant 0 : i32
      %dma_start3A_114 = arith.constant 0 : i32
      %dma_start3A_115 = tpu.memref_slice %arg2[%arg1, %run_scoped3A_77, %dma_start3A_113, %dma_start3A_114] : memref<16x4x40x128xi32, #tpu.memory_space<hbm>> -> memref<1x1x40x128xi32, #tpu.memory_space<hbm>>
      %dma_start3A_116 = tpu.memref_squeeze %dma_start3A_115 : memref<1x1x40x128xi32, #tpu.memory_space<hbm>> -> memref<40x128xi32, #tpu.memory_space<hbm>>
      tpu.enqueue_dma source(%dma_start3A_116 : memref<40x128xi32, #tpu.memory_space<hbm>>) target(%arg6 : memref<40x128xi32, #tpu.memory_space<vmem>>) target_semaphore(%run_scoped3A_108 : memref<!tpu.dma_semaphore, #tpu.memory_space<semaphore_mem>>)
      %dma_wait3A_117 = arith.constant 0 : i32
      %dma_wait3A_118 = arith.constant 0 : i32
      %dma_wait3A_119 = tpu.memref_slice %arg2[%arg1, %run_scoped3A_77, %dma_wait3A_117, %dma_wait3A_118] : memref<16x4x40x128xi32, #tpu.memory_space<hbm>> -> memref<1x1x40x128xi32, #tpu.memory_space<hbm>>
      %dma_wait3A_120 = tpu.memref_squeeze %dma_wait3A_119 : memref<1x1x40x128xi32, #tpu.memory_space<hbm>> -> memref<40x128xi32, #tpu.memory_space<hbm>>
      %dma_wait3A_121 = arith.constant 0 : i32
      %dma_wait3A_122 = arith.constant 0 : i32
      %dma_wait3A_123 = tpu.memref_slice %arg2[%arg1, %run_scoped3A_77, %dma_wait3A_121, %dma_wait3A_122] : memref<16x4x40x128xi32, #tpu.memory_space<hbm>> -> memref<1x1x40x128xi32, #tpu.memory_space<hbm>>
      %dma_wait3A_124 = tpu.memref_squeeze %dma_wait3A_123 : memref<1x1x40x128xi32, #tpu.memory_space<hbm>> -> memref<40x128xi32, #tpu.memory_space<hbm>>
      tpu.wait_dma2 semaphore(%run_scoped3A_108 : memref<!tpu.dma_semaphore, #tpu.memory_space<semaphore_mem>>) src(%dma_wait3A_124 : memref<40x128xi32, #tpu.memory_space<hbm>>) dst(%arg6 : memref<40x128xi32, #tpu.memory_space<vmem>>)
      tpu.yield
    }) : () -> ()
    %run_scoped3A_78 = arith.constant 3 : i32
    "tpu.region"() ({
      %run_scoped3A_108 = tpu.sem_alloc : memref<!tpu.dma_semaphore, #tpu.memory_space<semaphore_mem>>
      %dma_start3A_109 = arith.constant 0 : i32
      %dma_start3A_110 = arith.constant 0 : i32
      %dma_start3A_111 = tpu.memref_slice %arg3[%arg1, %run_scoped3A_78, %dma_start3A_109, %dma_start3A_110] : memref<16x4x40x128xi32, #tpu.memory_space<hbm>> -> memref<1x1x40x128xi32, #tpu.memory_space<hbm>>
      %dma_start3A_112 = tpu.memref_squeeze %dma_start3A_111 : memref<1x1x40x128xi32, #tpu.memory_space<hbm>> -> memref<40x128xi32, #tpu.memory_space<hbm>>
      %dma_start3A_113 = arith.constant 0 : i32
      %dma_start3A_114 = arith.constant 0 : i32
      %dma_start3A_115 = tpu.memref_slice %arg3[%arg1, %run_scoped3A_78, %dma_start3A_113, %dma_start3A_114] : memref<16x4x40x128xi32, #tpu.memory_space<hbm>> -> memref<1x1x40x128xi32, #tpu.memory_space<hbm>>
      %dma_start3A_116 = tpu.memref_squeeze %dma_start3A_115 : memref<1x1x40x128xi32, #tpu.memory_space<hbm>> -> memref<40x128xi32, #tpu.memory_space<hbm>>
      tpu.enqueue_dma source(%dma_start3A_116 : memref<40x128xi32, #tpu.memory_space<hbm>>) target(%arg7 : memref<40x128xi32, #tpu.memory_space<vmem>>) target_semaphore(%run_scoped3A_108 : memref<!tpu.dma_semaphore, #tpu.memory_space<semaphore_mem>>)
      %dma_wait3A_117 = arith.constant 0 : i32
      %dma_wait3A_118 = arith.constant 0 : i32
      %dma_wait3A_119 = tpu.memref_slice %arg3[%arg1, %run_scoped3A_78, %dma_wait3A_117, %dma_wait3A_118] : memref<16x4x40x128xi32, #tpu.memory_space<hbm>> -> memref<1x1x40x128xi32, #tpu.memory_space<hbm>>
      %dma_wait3A_120 = tpu.memref_squeeze %dma_wait3A_119 : memref<1x1x40x128xi32, #tpu.memory_space<hbm>> -> memref<40x128xi32, #tpu.memory_space<hbm>>
      %dma_wait3A_121 = arith.constant 0 : i32
      %dma_wait3A_122 = arith.constant 0 : i32
      %dma_wait3A_123 = tpu.memref_slice %arg3[%arg1, %run_scoped3A_78, %dma_wait3A_121, %dma_wait3A_122] : memref<16x4x40x128xi32, #tpu.memory_space<hbm>> -> memref<1x1x40x128xi32, #tpu.memory_space<hbm>>
      %dma_wait3A_124 = tpu.memref_squeeze %dma_wait3A_123 : memref<1x1x40x128xi32, #tpu.memory_space<hbm>> -> memref<40x128xi32, #tpu.memory_space<hbm>>
      tpu.wait_dma2 semaphore(%run_scoped3A_108 : memref<!tpu.dma_semaphore, #tpu.memory_space<semaphore_mem>>) src(%dma_wait3A_124 : memref<40x128xi32, #tpu.memory_space<hbm>>) dst(%arg7 : memref<40x128xi32, #tpu.memory_space<vmem>>)
      tpu.yield
    }) : () -> ()
    %dma_start3A_79 = arith.constant 0 : i32
    %dma_start3A_80 = arith.constant 0 : i32
    %dma_start3A_81 = tpu.memref_slice %arg6[%dma_start3A_79, %dma_start3A_80] : memref<40x128xi32, #tpu.memory_space<vmem>> -> memref<1x128xi32, #tpu.memory_space<vmem>>
    %dma_start3A_82 = tpu.memref_squeeze %dma_start3A_81 : memref<1x128xi32, #tpu.memory_space<vmem>> -> memref<128xi32, #tpu.memory_space<vmem>>
    %dma_start3A_83 = arith.constant 0 : i32
    %dma_start3A_84 = arith.constant 0 : i32
    %dma_start3A_85 = tpu.memref_slice %arg4[%arg0, %dma_start3A_83, %dma_start3A_84] : memref<2x10240x128xf32, #tpu.memory_space<hbm>> -> memref<1x10240x128xf32, #tpu.memory_space<hbm>>
    %dma_start3A_86 = tpu.memref_squeeze %dma_start3A_85 : memref<1x10240x128xf32, #tpu.memory_space<hbm>> -> memref<10240x128xf32, #tpu.memory_space<hbm>>
    %dma_start3A_87 = arith.constant 0 : i32
    %dma_start3A_88 = arith.constant 0 : i32
    %dma_start3A_89 = tpu.memref_slice %dma_start3A_86[%dma_start3A_87, %dma_start3A_88] : memref<10240x128xf32, #tpu.memory_space<hbm>> -> memref<10240x128xf32, #tpu.memory_space<hbm>>
    tpu.enqueue_indirect_dma source(%dma_start3A_89 : memref<10240x128xf32, #tpu.memory_space<hbm>>) target(%arg8 : memref<128x128xf32, #tpu.memory_space<vmem>>) offsets(%dma_start3A_82 : memref<128xi32, #tpu.memory_space<vmem>>) semaphore(%arg11 : memref<!tpu.dma_semaphore, #tpu.memory_space<semaphore_mem>>)
    %scan3A_90 = arith.constant 0 : i32
    %scan3A_91 = arith.constant 20 : i32
    %scan3A_92 = arith.addi %scan3A_90, %scan3A_91 : i32
    %scan3A_93 = arith.constant 1 : i32
    scf.for %scan3A_108 = %scan3A_90 to %scan3A_92 step %scan3A_93  : i32 {
      %mul3A_109 = arith.constant 2 : i32
      %mul3A_110 = arith.muli %scan3A_108, %mul3A_109 : i32
      %add3A = arith.constant 0 : i32
      %add3A_111 = arith.addi %add3A, %mul3A_110 : i32
      %add3A_112 = arith.constant 1 : i32
      %add3A_113 = arith.addi %add3A_111, %add3A_112 : i32
      %dma_start3A_114 = arith.constant 0 : i32
      %dma_start3A_115 = tpu.memref_slice %arg6[%add3A_113, %dma_start3A_114] : memref<40x128xi32, #tpu.memory_space<vmem>> -> memref<1x128xi32, #tpu.memory_space<vmem>>
      %dma_start3A_116 = tpu.memref_squeeze %dma_start3A_115 : memref<1x128xi32, #tpu.memory_space<vmem>> -> memref<128xi32, #tpu.memory_space<vmem>>
      %dma_start3A_117 = arith.constant 0 : i32
      %dma_start3A_118 = arith.constant 0 : i32
      %dma_start3A_119 = tpu.memref_slice %arg4[%arg0, %dma_start3A_117, %dma_start3A_118] : memref<2x10240x128xf32, #tpu.memory_space<hbm>> -> memref<1x10240x128xf32, #tpu.memory_space<hbm>>
      %dma_start3A_120 = tpu.memref_squeeze %dma_start3A_119 : memref<1x10240x128xf32, #tpu.memory_space<hbm>> -> memref<10240x128xf32, #tpu.memory_space<hbm>>
      %dma_start3A_121 = arith.constant 0 : i32
      %dma_start3A_122 = arith.constant 0 : i32
      %dma_start3A_123 = tpu.memref_slice %dma_start3A_120[%dma_start3A_121, %dma_start3A_122] : memref<10240x128xf32, #tpu.memory_space<hbm>> -> memref<10240x128xf32, #tpu.memory_space<hbm>>
      tpu.enqueue_indirect_dma source(%dma_start3A_123 : memref<10240x128xf32, #tpu.memory_space<hbm>>) target(%arg9 : memref<128x128xf32, #tpu.memory_space<vmem>>) offsets(%dma_start3A_116 : memref<128xi32, #tpu.memory_space<vmem>>) semaphore(%arg12 : memref<!tpu.dma_semaphore, #tpu.memory_space<semaphore_mem>>)
      %dma_wait3A_124 = arith.constant 0 : i32
      %dma_wait3A_125 = arith.constant 0 : i32
      %dma_wait3A_126 = tpu.memref_slice %arg4[%arg0, %dma_wait3A_124, %dma_wait3A_125] : memref<2x10240x128xf32, #tpu.memory_space<hbm>> -> memref<1x128x128xf32, #tpu.memory_space<hbm>>
      %dma_wait3A_127 = tpu.memref_squeeze %dma_wait3A_126 : memref<1x128x128xf32, #tpu.memory_space<hbm>> -> memref<128x128xf32, #tpu.memory_space<hbm>>
      %dma_wait3A_128 = arith.constant 0 : i32
      %dma_wait3A_129 = arith.constant 0 : i32
      %dma_wait3A_130 = tpu.memref_slice %arg4[%arg0, %dma_wait3A_128, %dma_wait3A_129] : memref<2x10240x128xf32, #tpu.memory_space<hbm>> -> memref<1x128x128xf32, #tpu.memory_space<hbm>>
      %dma_wait3A_131 = tpu.memref_squeeze %dma_wait3A_130 : memref<1x128x128xf32, #tpu.memory_space<hbm>> -> memref<128x128xf32, #tpu.memory_space<hbm>>
      tpu.wait_dma2 semaphore(%arg11 : memref<!tpu.dma_semaphore, #tpu.memory_space<semaphore_mem>>) src(%dma_wait3A_131 : memref<128x128xf32, #tpu.memory_space<hbm>>) dst(%arg8 : memref<128x128xf32, #tpu.memory_space<vmem>>)
      "tpu.region"() ({
        %run_scoped3A_155 = tpu.sem_alloc : memref<!tpu.dma_semaphore, #tpu.memory_space<semaphore_mem>>
        %dma_start3A_156 = arith.constant 0 : i32
        %dma_start3A_157 = tpu.memref_slice %arg7[%add3A_111, %dma_start3A_156] : memref<40x128xi32, #tpu.memory_space<vmem>> -> memref<1x128xi32, #tpu.memory_space<vmem>>
        %dma_start3A_158 = tpu.memref_squeeze %dma_start3A_157 : memref<1x128xi32, #tpu.memory_space<vmem>> -> memref<128xi32, #tpu.memory_space<vmem>>
        %dma_start3A_159 = arith.constant 0 : i32
        %dma_start3A_160 = arith.constant 0 : i32
        %dma_start3A_161 = tpu.memref_slice %arg10[%dma_start3A_159, %dma_start3A_160] : memref<10240x128xf32, #tpu.memory_space<vmem_shared>> -> memref<10240x128xf32, #tpu.memory_space<vmem_shared>>
        tpu.enqueue_indirect_dma source(%arg8 : memref<128x128xf32, #tpu.memory_space<vmem>>) target(%dma_start3A_161 : memref<10240x128xf32, #tpu.memory_space<vmem_shared>>) offsets(%dma_start3A_158 : memref<128xi32, #tpu.memory_space<vmem>>) semaphore(%run_scoped3A_155 : memref<!tpu.dma_semaphore, #tpu.memory_space<semaphore_mem>>) {add = true}
        %dma_wait3A_162 = arith.constant 0 : i32
        %dma_wait3A_163 = tpu.memref_slice %arg7[%add3A_111, %dma_wait3A_162] : memref<40x128xi32, #tpu.memory_space<vmem>> -> memref<1x128xi32, #tpu.memory_space<vmem>>
        %dma_wait3A_164 = tpu.memref_squeeze %dma_wait3A_163 : memref<1x128xi32, #tpu.memory_space<vmem>> -> memref<128xi32, #tpu.memory_space<vmem>>
        %dma_wait3A_165 = arith.constant 0 : i32
        %dma_wait3A_166 = arith.constant 0 : i32
        %dma_wait3A_167 = tpu.memref_slice %arg10[%dma_wait3A_165, %dma_wait3A_166] : memref<10240x128xf32, #tpu.memory_space<vmem_shared>> -> memref<10240x128xf32, #tpu.memory_space<vmem_shared>>
        tpu.wait_indirect_dma semaphore(%run_scoped3A_155 : memref<!tpu.dma_semaphore, #tpu.memory_space<semaphore_mem>>) src(%arg8 : memref<128x128xf32, #tpu.memory_space<vmem>>) dst(%dma_wait3A_167 : memref<10240x128xf32, #tpu.memory_space<vmem_shared>>)
        tpu.yield
      }) : () -> ()
      %add3A_132 = arith.constant 2 : i32
      %add3A_133 = arith.addi %add3A_111, %add3A_132 : i32
      %min3A = arith.constant 39 : i32
      %min3A_134 = arith.minsi %add3A_133, %min3A : i32
      %dma_start3A_135 = arith.constant 0 : i32
      %dma_start3A_136 = tpu.memref_slice %arg6[%min3A_134, %dma_start3A_135] : memref<40x128xi32, #tpu.memory_space<vmem>> -> memref<1x128xi32, #tpu.memory_space<vmem>>
      %dma_start3A_137 = tpu.memref_squeeze %dma_start3A_136 : memref<1x128xi32, #tpu.memory_space<vmem>> -> memref<128xi32, #tpu.memory_space<vmem>>
      %dma_start3A_138 = arith.constant 0 : i32
      %dma_start3A_139 = arith.constant 0 : i32
      %dma_start3A_140 = tpu.memref_slice %arg4[%arg0, %dma_start3A_138, %dma_start3A_139] : memref<2x10240x128xf32, #tpu.memory_space<hbm>> -> memref<1x10240x128xf32, #tpu.memory_space<hbm>>
      %dma_start3A_141 = tpu.memref_squeeze %dma_start3A_140 : memref<1x10240x128xf32, #tpu.memory_space<hbm>> -> memref<10240x128xf32, #tpu.memory_space<hbm>>
      %dma_start3A_142 = arith.constant 0 : i32
      %dma_start3A_143 = arith.constant 0 : i32
      %dma_start3A_144 = tpu.memref_slice %dma_start3A_141[%dma_start3A_142, %dma_start3A_143] : memref<10240x128xf32, #tpu.memory_space<hbm>> -> memref<10240x128xf32, #tpu.memory_space<hbm>>
      tpu.enqueue_indirect_dma source(%dma_start3A_144 : memref<10240x128xf32, #tpu.memory_space<hbm>>) target(%arg8 : memref<128x128xf32, #tpu.memory_space<vmem>>) offsets(%dma_start3A_137 : memref<128xi32, #tpu.memory_space<vmem>>) semaphore(%arg11 : memref<!tpu.dma_semaphore, #tpu.memory_space<semaphore_mem>>)
      %dma_wait3A_145 = arith.constant 0 : i32
      %dma_wait3A_146 = arith.constant 0 : i32
      %dma_wait3A_147 = tpu.memref_slice %arg4[%arg0, %dma_wait3A_145, %dma_wait3A_146] : memref<2x10240x128xf32, #tpu.memory_space<hbm>> -> memref<1x128x128xf32, #tpu.memory_space<hbm>>
      %dma_wait3A_148 = tpu.memref_squeeze %dma_wait3A_147 : memref<1x128x128xf32, #tpu.memory_space<hbm>> -> memref<128x128xf32, #tpu.memory_space<hbm>>
      %dma_wait3A_149 = arith.constant 0 : i32
      %dma_wait3A_150 = arith.constant 0 : i32
      %dma_wait3A_151 = tpu.memref_slice %arg4[%arg0, %dma_wait3A_149, %dma_wait3A_150] : memref<2x10240x128xf32, #tpu.memory_space<hbm>> -> memref<1x128x128xf32, #tpu.memory_space<hbm>>
      %dma_wait3A_152 = tpu.memref_squeeze %dma_wait3A_151 : memref<1x128x128xf32, #tpu.memory_space<hbm>> -> memref<128x128xf32, #tpu.memory_space<hbm>>
      tpu.wait_dma2 semaphore(%arg12 : memref<!tpu.dma_semaphore, #tpu.memory_space<semaphore_mem>>) src(%dma_wait3A_152 : memref<128x128xf32, #tpu.memory_space<hbm>>) dst(%arg9 : memref<128x128xf32, #tpu.memory_space<vmem>>)
      %add3A_153 = arith.constant 1 : i32
      %add3A_154 = arith.addi %add3A_111, %add3A_153 : i32
      "tpu.region"() ({
        %run_scoped3A_155 = tpu.sem_alloc : memref<!tpu.dma_semaphore, #tpu.memory_space<semaphore_mem>>
        %dma_start3A_156 = arith.constant 0 : i32
        %dma_start3A_157 = tpu.memref_slice %arg7[%add3A_154, %dma_start3A_156] : memref<40x128xi32, #tpu.memory_space<vmem>> -> memref<1x128xi32, #tpu.memory_space<vmem>>
        %dma_start3A_158 = tpu.memref_squeeze %dma_start3A_157 : memref<1x128xi32, #tpu.memory_space<vmem>> -> memref<128xi32, #tpu.memory_space<vmem>>
        %dma_start3A_159 = arith.constant 0 : i32
        %dma_start3A_160 = arith.constant 0 : i32
        %dma_start3A_161 = tpu.memref_slice %arg10[%dma_start3A_159, %dma_start3A_160] : memref<10240x128xf32, #tpu.memory_space<vmem_shared>> -> memref<10240x128xf32, #tpu.memory_space<vmem_shared>>
        tpu.enqueue_indirect_dma source(%arg9 : memref<128x128xf32, #tpu.memory_space<vmem>>) target(%dma_start3A_161 : memref<10240x128xf32, #tpu.memory_space<vmem_shared>>) offsets(%dma_start3A_158 : memref<128xi32, #tpu.memory_space<vmem>>) semaphore(%run_scoped3A_155 : memref<!tpu.dma_semaphore, #tpu.memory_space<semaphore_mem>>) {add = true}
        %dma_wait3A_162 = arith.constant 0 : i32
        %dma_wait3A_163 = tpu.memref_slice %arg7[%add3A_154, %dma_wait3A_162] : memref<40x128xi32, #tpu.memory_space<vmem>> -> memref<1x128xi32, #tpu.memory_space<vmem>>
        %dma_wait3A_164 = tpu.memref_squeeze %dma_wait3A_163 : memref<1x128xi32, #tpu.memory_space<vmem>> -> memref<128xi32, #tpu.memory_space<vmem>>
        %dma_wait3A_165 = arith.constant 0 : i32
        %dma_wait3A_166 = arith.constant 0 : i32
        %dma_wait3A_167 = tpu.memref_slice %arg10[%dma_wait3A_165, %dma_wait3A_166] : memref<10240x128xf32, #tpu.memory_space<vmem_shared>> -> memref<10240x128xf32, #tpu.memory_space<vmem_shared>>
        tpu.wait_indirect_dma semaphore(%run_scoped3A_155 : memref<!tpu.dma_semaphore, #tpu.memory_space<semaphore_mem>>) src(%arg9 : memref<128x128xf32, #tpu.memory_space<vmem>>) dst(%dma_wait3A_167 : memref<10240x128xf32, #tpu.memory_space<vmem_shared>>)
        tpu.yield
      }) : () -> ()
    }
    %scan3A_94 = arith.constant 20 : i32
    %dma_wait3A_95 = arith.constant 0 : i32
    %dma_wait3A_96 = arith.constant 0 : i32
    %dma_wait3A_97 = tpu.memref_slice %arg4[%arg0, %dma_wait3A_95, %dma_wait3A_96] : memref<2x10240x128xf32, #tpu.memory_space<hbm>> -> memref<1x128x128xf32, #tpu.memory_space<hbm>>
    %dma_wait3A_98 = tpu.memref_squeeze %dma_wait3A_97 : memref<1x128x128xf32, #tpu.memory_space<hbm>> -> memref<128x128xf32, #tpu.memory_space<hbm>>
    %dma_wait3A_99 = arith.constant 0 : i32
    %dma_wait3A_100 = arith.constant 0 : i32
    %dma_wait3A_101 = tpu.memref_slice %arg4[%arg0, %dma_wait3A_99, %dma_wait3A_100] : memref<2x10240x128xf32, #tpu.memory_space<hbm>> -> memref<1x128x128xf32, #tpu.memory_space<hbm>>
    %dma_wait3A_102 = tpu.memref_squeeze %dma_wait3A_101 : memref<1x128x128xf32, #tpu.memory_space<hbm>> -> memref<128x128xf32, #tpu.memory_space<hbm>>
    tpu.wait_dma2 semaphore(%arg11 : memref<!tpu.dma_semaphore, #tpu.memory_space<semaphore_mem>>) src(%dma_wait3A_102 : memref<128x128xf32, #tpu.memory_space<hbm>>) dst(%arg8 : memref<128x128xf32, #tpu.memory_space<vmem>>)
    %barrier3A_103 = arith.constant 0 : index
    tpu.barrier barrier_id(%barrier3A_103)
    %mul3A_104 = arith.constant 640 : i32
    %mul3A_105 = arith.muli %arg1, %mul3A_104 : i32
    %mul3A_106 = arith.constant 640 : i32
    %mul3A_107 = arith.muli %arg1, %mul3A_106 : i32
    "tpu.region"() ({
      %run_scoped3A_108 = tpu.sem_alloc : memref<!tpu.dma_semaphore, #tpu.memory_space<semaphore_mem>>
      %dma_start3A_109 = arith.constant 0 : i32
      %dma_start3A_110 = tpu.memref_slice %arg5[%arg0, %mul3A_107, %dma_start3A_109] : memref<2x10240x128xf32, #tpu.memory_space<hbm>> -> memref<1x640x128xf32, #tpu.memory_space<hbm>>
      %dma_start3A_111 = tpu.memref_squeeze %dma_start3A_110 : memref<1x640x128xf32, #tpu.memory_space<hbm>> -> memref<640x128xf32, #tpu.memory_space<hbm>>
      %dma_start3A_112 = arith.constant 0 : i32
      %dma_start3A_113 = tpu.memref_slice %arg10[%mul3A_105, %dma_start3A_112] : memref<10240x128xf32, #tpu.memory_space<vmem_shared>> -> memref<640x128xf32, #tpu.memory_space<vmem_shared>>
      tpu.enqueue_dma source(%dma_start3A_113 : memref<640x128xf32, #tpu.memory_space<vmem_shared>>) target(%dma_start3A_111 : memref<640x128xf32, #tpu.memory_space<hbm>>) target_semaphore(%run_scoped3A_108 : memref<!tpu.dma_semaphore, #tpu.memory_space<semaphore_mem>>)
      %dma_wait3A_114 = arith.constant 0 : i32
      %dma_wait3A_115 = tpu.memref_slice %arg5[%arg0, %mul3A_107, %dma_wait3A_114] : memref<2x10240x128xf32, #tpu.memory_space<hbm>> -> memref<1x640x128xf32, #tpu.memory_space<hbm>>
      %dma_wait3A_116 = tpu.memref_squeeze %dma_wait3A_115 : memref<1x640x128xf32, #tpu.memory_space<hbm>> -> memref<640x128xf32, #tpu.memory_space<hbm>>
      %dma_wait3A_117 = arith.constant 0 : i32
      %dma_wait3A_118 = tpu.memref_slice %arg10[%mul3A_105, %dma_wait3A_117] : memref<10240x128xf32, #tpu.memory_space<vmem_shared>> -> memref<640x128xf32, #tpu.memory_space<vmem_shared>>
      tpu.wait_dma2 semaphore(%run_scoped3A_108 : memref<!tpu.dma_semaphore, #tpu.memory_space<semaphore_mem>>) src(%dma_wait3A_118 : memref<640x128xf32, #tpu.memory_space<vmem_shared>>) dst(%dma_wait3A_116 : memref<640x128xf32, #tpu.memory_space<hbm>>)
      tpu.yield
    }) : () -> ()
    return
  }
}

module attributes {stable_mosaic.version = 14 : i64} {
  func.func @_tc_embw1_body(%arg0: memref<4096x128xf32, #tpu.memory_space<vmem>>, %arg1: memref<128x256xf32, #tpu.memory_space<vmem>>, %arg2: memref<4096x256xf32, #tpu.memory_space<vmem>>) attributes {dimension_semantics = [], scalar_prefetch = 0 : i64, scratch_operands = 0 : i64, tpu.core_type = #tpu.core_type<tc>} {
    %get3A = arith.constant 0 : index
    %get3A_0 = arith.constant 0 : index
    %get3A_1 = vector.load %arg0[%get3A, %get3A_0] : memref<4096x128xf32, #tpu.memory_space<vmem>>, vector<4096x128xf32>
    %get3A_2 = arith.constant 0 : index
    %get3A_3 = arith.constant 0 : index
    %get3A_4 = vector.load %arg1[%get3A_2, %get3A_3] : memref<128x256xf32, #tpu.memory_space<vmem>>, vector<128x256xf32>
    %dot_general3A = arith.constant dense<0.000000e+00> : vector<4096x256xf32>
    %dot_general3A_5 = tpu.matmul %get3A_1, %get3A_4, %dot_general3A {dimension_numbers = #tpu.dot_dimension_numbers<[1], [0], [0], [1], [0, 0, 1, 1], [], []>, transpose_lhs_hint = false} : vector<4096x128xf32>, vector<128x256xf32>, vector<4096x256xf32> -> vector<4096x256xf32>
    %swap3A = arith.constant 0 : index
    %swap3A_6 = arith.constant 0 : index
    %swap3A_7 = vector.load %arg2[%swap3A, %swap3A_6] : memref<4096x256xf32, #tpu.memory_space<vmem>>, vector<4096x256xf32>
    tpu.vector_store %arg2[%swap3A, %swap3A_6], %dot_general3A_5 {strides = array<i32>} : memref<4096x256xf32, #tpu.memory_space<vmem>>, vector<4096x256xf32>,
    return
  }
}

module attributes {stable_mosaic.version = 14 : i64} {
  func.func @_tc_norm1_body(%arg0: i32, %arg1: memref<2x512x128xf32, #tpu.memory_space<vmem>>, %arg2: memref<512x256xf32, #tpu.memory_space<vmem>>, %arg3: memref<512x16xf32, #tpu.memory_space<vmem>>, %arg4: memref<2x512x128xf32, #tpu.memory_space<vmem>>) attributes {dimension_semantics = [#tpu.dimension_semantics<arbitrary>], iteration_bounds = array<i64: 20>, scalar_prefetch = 0 : i64, scratch_operands = 0 : i64, tpu.core_type = #tpu.core_type<tc>, window_params = [{transform_indices = @transform_0, window_bounds = array<i64: 2, 512, 128>}, {transform_indices = @transform_1, window_bounds = array<i64: 512, 256>}, {transform_indices = @transform_2, window_bounds = array<i64: 512, 16>}, {transform_indices = @transform_3, window_bounds = array<i64: 2, 512, 128>}]} {
    %get3A = arith.constant 0 : index
    %get3A_0 = arith.constant 0 : index
    %get3A_1 = arith.constant 0 : index
    %get3A_2 = vector.load %arg1[%get3A, %get3A_0, %get3A_1] : memref<2x512x128xf32, #tpu.memory_space<vmem>>, vector<1x512x128xf32>
    %get3A_3 = vector.shape_cast %get3A_2 : vector<1x512x128xf32> to vector<512x128xf32>
    %slice3A = vector.extract_strided_slice %get3A_3 {offsets = [0, 0], sizes = [512, 16], strides = [1, 1]} : vector<512x128xf32> to vector<512x16xf32>
    %get3A_4 = arith.constant 1 : index
    %get3A_5 = arith.constant 0 : index
    %get3A_6 = arith.constant 0 : index
    %get3A_7 = vector.load %arg1[%get3A_4, %get3A_5, %get3A_6] : memref<2x512x128xf32, #tpu.memory_space<vmem>>, vector<1x512x128xf32>
    %get3A_8 = vector.shape_cast %get3A_7 : vector<1x512x128xf32> to vector<512x128xf32>
    %slice3A_9 = vector.extract_strided_slice %get3A_8 {offsets = [0, 0], sizes = [512, 16], strides = [1, 1]} : vector<512x128xf32> to vector<512x16xf32>
    %add3A = arith.addf %slice3A, %slice3A_9 : vector<512x16xf32>
    %add3A_10 = arith.constant 1.000000e+00 : f32
    %add3A_11 = vector.broadcast %add3A_10 : f32 to vector<512x16xf32>
    %add3A_12 = arith.addf %add3A, %add3A_11 : vector<512x16xf32>
    %rsqrt3A = math.rsqrt %add3A_12 : vector<512x16xf32>
    %swap3A = arith.constant 0 : index
    %swap3A_13 = arith.constant 0 : index
    %swap3A_14 = vector.load %arg3[%swap3A, %swap3A_13] : memref<512x16xf32, #tpu.memory_space<vmem>>, vector<512x16xf32>
    tpu.vector_store %arg3[%swap3A, %swap3A_13], %rsqrt3A {strides = array<i32>} : memref<512x16xf32, #tpu.memory_space<vmem>>, vector<512x16xf32>,
    %get3A_15 = arith.constant 0 : index
    %get3A_16 = arith.constant 0 : index
    %get3A_17 = vector.load %arg2[%get3A_15, %get3A_16] : memref<512x256xf32, #tpu.memory_space<vmem>>, vector<512x256xf32>
    %slice3A_18 = vector.extract_strided_slice %rsqrt3A {offsets = [0, 0], sizes = [512, 1], strides = [1, 1]} : vector<512x16xf32> to vector<512x1xf32>
    %mul3A = vector.broadcast %slice3A_18 : vector<512x1xf32> to vector<512x256xf32>
    %mul3A_19 = arith.mulf %get3A_17, %mul3A : vector<512x256xf32>
    %slice3A_20 = vector.extract_strided_slice %mul3A_19 {offsets = [0, 0], sizes = [512, 128], strides = [1, 1]} : vector<512x256xf32> to vector<512x128xf32>
    %slice3A_21 = vector.extract_strided_slice %mul3A_19 {offsets = [0, 128], sizes = [512, 128], strides = [1, 1]} : vector<512x256xf32> to vector<512x128xf32>
    %stack3A = vector.shape_cast %slice3A_20 : vector<512x128xf32> to vector<1x512x128xf32>
    %stack3A_22 = vector.shape_cast %slice3A_21 : vector<512x128xf32> to vector<1x512x128xf32>
    %stack3A_23 = tpu.concatenate %stack3A, %stack3A_22 in 0 : vector<1x512x128xf32>, vector<1x512x128xf32> -> vector<2x512x128xf32>
    %swap3A_24 = arith.constant 0 : index
    %swap3A_25 = arith.constant 0 : index
    %swap3A_26 = arith.constant 0 : index
    %swap3A_27 = vector.load %arg4[%swap3A_24, %swap3A_25, %swap3A_26] : memref<2x512x128xf32, #tpu.memory_space<vmem>>, vector<2x512x128xf32>
    tpu.vector_store %arg4[%swap3A_24, %swap3A_25, %swap3A_26], %stack3A_23 {strides = array<i32>} : memref<2x512x128xf32, #tpu.memory_space<vmem>>, vector<2x512x128xf32>,
    return
  }
  func.func @transform_0(%arg0: i32) -> (i32, i32, i32) {
    %c0_i32 = arith.constant 0 : i32
    %c0_i32_0 = arith.constant 0 : i32
    %c0_i32_1 = arith.constant 0 : i32
    return %c0_i32, %arg0, %c0_i32_0 : i32, i32, i32
  }
  func.func @transform_1(%arg0: i32) -> (i32, i32) {
    %c0_i32 = arith.constant 0 : i32
    %c0_i32_0 = arith.constant 0 : i32
    return %arg0, %c0_i32 : i32, i32
  }
  func.func @transform_2(%arg0: i32) -> (i32, i32) {
    %c0_i32 = arith.constant 0 : i32
    %c0_i32_0 = arith.constant 0 : i32
    return %arg0, %c0_i32 : i32, i32
  }
  func.func @transform_3(%arg0: i32) -> (i32, i32, i32) {
    %c0_i32 = arith.constant 0 : i32
    %c0_i32_0 = arith.constant 0 : i32
    %c0_i32_1 = arith.constant 0 : i32
    return %c0_i32, %arg0, %c0_i32_0 : i32, i32, i32
  }
}

module attributes {stable_mosaic.version = 14 : i64} {
  func.func @_tc_layer2_body(%arg0: i32, %arg1: memref<2x512x128xf32, #tpu.memory_space<vmem>>, %arg2: memref<512x16xf32, #tpu.memory_space<vmem>>, %arg3: memref<1x256xf32, #tpu.memory_space<vmem>>, %arg4: memref<256x128xf32, #tpu.memory_space<vmem>>, %arg5: memref<2x512x128xf32, #tpu.memory_space<vmem>>) attributes {dimension_semantics = [#tpu.dimension_semantics<arbitrary>], iteration_bounds = array<i64: 20>, scalar_prefetch = 0 : i64, scratch_operands = 0 : i64, tpu.core_type = #tpu.core_type<tc>, window_params = [{transform_indices = @transform_0, window_bounds = array<i64: 2, 512, 128>}, {transform_indices = @transform_1, window_bounds = array<i64: 512, 16>}, {pipeline_mode = #tpu.pipeline_mode<synchronous>, transform_indices = @transform_2, window_bounds = array<i64: 1, 256>}, {pipeline_mode = #tpu.pipeline_mode<synchronous>, transform_indices = @transform_3, window_bounds = array<i64: 256, 128>}, {transform_indices = @transform_4, window_bounds = array<i64: 2, 512, 128>}]} {
    %get3A = arith.constant 0 : index
    %get3A_0 = arith.constant 0 : index
    %get3A_1 = vector.load %arg2[%get3A, %get3A_0] : memref<512x16xf32, #tpu.memory_space<vmem>>, vector<512x16xf32>
    %slice3A = vector.extract_strided_slice %get3A_1 {offsets = [0, 0], sizes = [512, 1], strides = [1, 1]} : vector<512x16xf32> to vector<512x1xf32>
    %get3A_2 = arith.constant 0 : index
    %get3A_3 = arith.constant 0 : index
    %get3A_4 = arith.constant 0 : index
    %get3A_5 = vector.load %arg1[%get3A_2, %get3A_3, %get3A_4] : memref<2x512x128xf32, #tpu.memory_space<vmem>>, vector<1x512x128xf32>
    %get3A_6 = vector.shape_cast %get3A_5 : vector<1x512x128xf32> to vector<512x128xf32>
    %get3A_7 = arith.constant 1 : index
    %get3A_8 = arith.constant 0 : index
    %get3A_9 = arith.constant 0 : index
    %get3A_10 = vector.load %arg1[%get3A_7, %get3A_8, %get3A_9] : memref<2x512x128xf32, #tpu.memory_space<vmem>>, vector<1x512x128xf32>
    %get3A_11 = vector.shape_cast %get3A_10 : vector<1x512x128xf32> to vector<512x128xf32>
    %concatenate3A = tpu.concatenate %get3A_6, %get3A_11 in 1 : vector<512x128xf32>, vector<512x128xf32> -> vector<512x256xf32>
    %mul3A = vector.broadcast %slice3A : vector<512x1xf32> to vector<512x256xf32>
    %mul3A_12 = arith.mulf %mul3A, %concatenate3A : vector<512x256xf32>
    %get3A_13 = arith.constant 0 : index
    %get3A_14 = arith.constant 0 : index
    %get3A_15 = vector.load %arg3[%get3A_13, %get3A_14] : memref<1x256xf32, #tpu.memory_space<vmem>>, vector<1x256xf32>
    %add3A = vector.broadcast %get3A_15 : vector<1x256xf32> to vector<512x256xf32>
    %add3A_16 = arith.addf %mul3A_12, %add3A : vector<512x256xf32>
    %max3A = arith.constant 0.000000e+00 : f32
    %max3A_17 = vector.broadcast %max3A : f32 to vector<512x256xf32>
    %max3A_18 = arith.maximumf %add3A_16, %max3A_17 : vector<512x256xf32>
    %get3A_19 = arith.constant 0 : index
    %get3A_20 = arith.constant 0 : index
    %get3A_21 = vector.load %arg4[%get3A_19, %get3A_20] : memref<256x128xf32, #tpu.memory_space<vmem>>, vector<256x128xf32>
    %dot_general3A = arith.constant dense<0.000000e+00> : vector<512x128xf32>
    %dot_general3A_22 = tpu.matmul %max3A_18, %get3A_21, %dot_general3A {dimension_numbers = #tpu.dot_dimension_numbers<[1], [0], [0], [1], [0, 0, 1, 1], [], []>, transpose_lhs_hint = false} : vector<512x256xf32>, vector<256x128xf32>, vector<512x128xf32> -> vector<512x128xf32>
    %mul3A_23 = vector.broadcast %slice3A : vector<512x1xf32> to vector<512x128xf32>
    %mul3A_24 = arith.mulf %dot_general3A_22, %mul3A_23 : vector<512x128xf32>
    %broadcast_in_dim3A = arith.constant 0.000000e+00 : f32
    %broadcast_in_dim3A_25 = vector.broadcast %broadcast_in_dim3A : f32 to vector<512x128xf32>
    %stack3A = vector.shape_cast %mul3A_24 : vector<512x128xf32> to vector<1x512x128xf32>
    %stack3A_26 = vector.shape_cast %broadcast_in_dim3A_25 : vector<512x128xf32> to vector<1x512x128xf32>
    %stack3A_27 = tpu.concatenate %stack3A, %stack3A_26 in 0 : vector<1x512x128xf32>, vector<1x512x128xf32> -> vector<2x512x128xf32>
    %swap3A = arith.constant 0 : index
    %swap3A_28 = arith.constant 0 : index
    %swap3A_29 = arith.constant 0 : index
    %swap3A_30 = vector.load %arg5[%swap3A, %swap3A_28, %swap3A_29] : memref<2x512x128xf32, #tpu.memory_space<vmem>>, vector<2x512x128xf32>
    tpu.vector_store %arg5[%swap3A, %swap3A_28, %swap3A_29], %stack3A_27 {strides = array<i32>} : memref<2x512x128xf32, #tpu.memory_space<vmem>>, vector<2x512x128xf32>,
    return
  }
  func.func @transform_0(%arg0: i32) -> (i32, i32, i32) {
    %c0_i32 = arith.constant 0 : i32
    %c0_i32_0 = arith.constant 0 : i32
    %c0_i32_1 = arith.constant 0 : i32
    return %c0_i32, %arg0, %c0_i32_0 : i32, i32, i32
  }
  func.func @transform_1(%arg0: i32) -> (i32, i32) {
    %c0_i32 = arith.constant 0 : i32
    %c0_i32_0 = arith.constant 0 : i32
    return %arg0, %c0_i32 : i32, i32
  }
  func.func @transform_2(%arg0: i32) -> (i32, i32) {
    %c0_i32 = arith.constant 0 : i32
    %c0_i32_0 = arith.constant 0 : i32
    %c0_i32_1 = arith.constant 0 : i32
    return %c0_i32, %c0_i32_0 : i32, i32
  }
  func.func @transform_3(%arg0: i32) -> (i32, i32) {
    %c0_i32 = arith.constant 0 : i32
    %c0_i32_0 = arith.constant 0 : i32
    %c0_i32_1 = arith.constant 0 : i32
    return %c0_i32, %c0_i32_0 : i32, i32
  }
  func.func @transform_4(%arg0: i32) -> (i32, i32, i32) {
    %c0_i32 = arith.constant 0 : i32
    %c0_i32_0 = arith.constant 0 : i32
    %c0_i32_1 = arith.constant 0 : i32
    return %c0_i32, %arg0, %c0_i32_0 : i32, i32, i32
  }
}

module attributes {stable_mosaic.version = 14 : i64} {
  func.func @_tc_head_body(%arg0: i32, %arg1: i32, %arg2: memref<2x1000x128xf32, #tpu.memory_space<vmem>>, %arg3: memref<1000x16xf32, #tpu.memory_space<vmem>>, %arg4: memref<1x128xf32, #tpu.memory_space<vmem>>, %arg5: memref<128x512xf32, #tpu.memory_space<vmem>>, %arg6: memref<1x512xf32, #tpu.memory_space<vmem>>, %arg7: memref<1000x512xf32, #tpu.memory_space<vmem>>) attributes {dimension_semantics = [#tpu.dimension_semantics<arbitrary>, #tpu.dimension_semantics<arbitrary>], iteration_bounds = array<i64: 10, 8>, scalar_prefetch = 0 : i64, scratch_operands = 0 : i64, tpu.core_type = #tpu.core_type<tc>, window_params = [{transform_indices = @transform_0, window_bounds = array<i64: 2, 1000, 128>}, {transform_indices = @transform_1, window_bounds = array<i64: 1000, 16>}, {pipeline_mode = #tpu.pipeline_mode<synchronous>, transform_indices = @transform_2, window_bounds = array<i64: 1, 128>}, {transform_indices = @transform_3, window_bounds = array<i64: 128, 512>}, {transform_indices = @transform_4, window_bounds = array<i64: 1, 512>}, {transform_indices = @transform_5, window_bounds = array<i64: 1000, 512>}]} {
    %get3A = arith.constant 0 : index
    %get3A_0 = arith.constant 0 : index
    %get3A_1 = vector.load %arg3[%get3A, %get3A_0] : memref<1000x16xf32, #tpu.memory_space<vmem>>, vector<1000x16xf32>
    %slice3A = vector.extract_strided_slice %get3A_1 {offsets = [0, 0], sizes = [1000, 1], strides = [1, 1]} : vector<1000x16xf32> to vector<1000x1xf32>
    %get3A_2 = arith.constant 0 : index
    %get3A_3 = arith.constant 0 : index
    %get3A_4 = arith.constant 0 : index
    %get3A_5 = vector.load %arg2[%get3A_2, %get3A_3, %get3A_4] : memref<2x1000x128xf32, #tpu.memory_space<vmem>>, vector<1x1000x128xf32>
    %get3A_6 = vector.shape_cast %get3A_5 : vector<1x1000x128xf32> to vector<1000x128xf32>
    %get3A_7 = arith.constant 1 : index
    %get3A_8 = arith.constant 0 : index
    %get3A_9 = arith.constant 0 : index
    %get3A_10 = vector.load %arg2[%get3A_7, %get3A_8, %get3A_9] : memref<2x1000x128xf32, #tpu.memory_space<vmem>>, vector<1x1000x128xf32>
    %get3A_11 = vector.shape_cast %get3A_10 : vector<1x1000x128xf32> to vector<1000x128xf32>
    %add3A = arith.addf %get3A_6, %get3A_11 : vector<1000x128xf32>
    %mul3A = vector.broadcast %slice3A : vector<1000x1xf32> to vector<1000x128xf32>
    %mul3A_12 = arith.mulf %mul3A, %add3A : vector<1000x128xf32>
    %get3A_13 = arith.constant 0 : index
    %get3A_14 = arith.constant 0 : index
    %get3A_15 = vector.load %arg4[%get3A_13, %get3A_14] : memref<1x128xf32, #tpu.memory_space<vmem>>, vector<1x128xf32>
    %add3A_16 = vector.broadcast %get3A_15 : vector<1x128xf32> to vector<1000x128xf32>
    %add3A_17 = arith.addf %mul3A_12, %add3A_16 : vector<1000x128xf32>
    %max3A = arith.constant 0.000000e+00 : f32
    %max3A_18 = vector.broadcast %max3A : f32 to vector<1000x128xf32>
    %max3A_19 = arith.maximumf %add3A_17, %max3A_18 : vector<1000x128xf32>
    %get3A_20 = arith.constant 0 : index
    %get3A_21 = arith.constant 0 : index
    %get3A_22 = vector.load %arg5[%get3A_20, %get3A_21] : memref<128x512xf32, #tpu.memory_space<vmem>>, vector<128x512xf32>
    %dot_general3A = arith.constant dense<0.000000e+00> : vector<1000x512xf32>
    %dot_general3A_23 = tpu.matmul %max3A_19, %get3A_22, %dot_general3A {dimension_numbers = #tpu.dot_dimension_numbers<[1], [0], [0], [1], [0, 0, 1, 1], [], []>, transpose_lhs_hint = false} : vector<1000x128xf32>, vector<128x512xf32>, vector<1000x512xf32> -> vector<1000x512xf32>
    %get3A_24 = arith.constant 0 : index
    %get3A_25 = arith.constant 0 : index
    %get3A_26 = vector.load %arg6[%get3A_24, %get3A_25] : memref<1x512xf32, #tpu.memory_space<vmem>>, vector<1x512xf32>
    %add3A_27 = vector.broadcast %get3A_26 : vector<1x512xf32> to vector<1000x512xf32>
    %add3A_28 = arith.addf %dot_general3A_23, %add3A_27 : vector<1000x512xf32>
    %swap3A = arith.constant 0 : index
    %swap3A_29 = arith.constant 0 : index
    %swap3A_30 = vector.load %arg7[%swap3A, %swap3A_29] : memref<1000x512xf32, #tpu.memory_space<vmem>>, vector<1000x512xf32>
    tpu.vector_store %arg7[%swap3A, %swap3A_29], %add3A_28 {strides = array<i32>} : memref<1000x512xf32, #tpu.memory_space<vmem>>, vector<1000x512xf32>,
    return
  }
  func.func @transform_0(%arg0: i32, %arg1: i32) -> (i32, i32, i32) {
    %c0_i32 = arith.constant 0 : i32
    %c0_i32_0 = arith.constant 0 : i32
    %c0_i32_1 = arith.constant 0 : i32
    return %c0_i32, %arg0, %c0_i32_0 : i32, i32, i32
  }
  func.func @transform_1(%arg0: i32, %arg1: i32) -> (i32, i32) {
    %c0_i32 = arith.constant 0 : i32
    %c0_i32_0 = arith.constant 0 : i32
    return %arg0, %c0_i32 : i32, i32
  }
  func.func @transform_2(%arg0: i32, %arg1: i32) -> (i32, i32) {
    %c0_i32 = arith.constant 0 : i32
    %c0_i32_0 = arith.constant 0 : i32
    %c0_i32_1 = arith.constant 0 : i32
    return %c0_i32, %c0_i32_0 : i32, i32
  }
  func.func @transform_3(%arg0: i32, %arg1: i32) -> (i32, i32) {
    %c0_i32 = arith.constant 0 : i32
    %c0_i32_0 = arith.constant 0 : i32
    return %c0_i32, %arg1 : i32, i32
  }
  func.func @transform_4(%arg0: i32, %arg1: i32) -> (i32, i32) {
    %c0_i32 = arith.constant 0 : i32
    %c0_i32_0 = arith.constant 0 : i32
    return %c0_i32, %arg1 : i32, i32
  }
  func.func @transform_5(%arg0: i32, %arg1: i32) -> (i32, i32) {
    %c0_i32 = arith.constant 0 : i32
    return %arg0, %arg1 : i32, i32
  }
}

</mosaic_0001>

<sc_bundles>
// kernel: kernel.12.cloned.1.call-start
scs
__scs_entry_jumppad:
0x0: {  	(pc) =	sbr.rel $0x88, $3  }
0x1: {  	(tag) =	ssettag $0x0;
	lr =	simm.s32 $0x1  }
0x2: {  	[smem:$0x3F98] =	sst lr;
	_ =	strace $0xD0000000  }
0x3: {  	_ = 	snop  }
0x4: {  	_ = 	snop  }
0x5: {  	_ = 	snop  }
0x6: {  	_ = 	snop  }
0x7: {  	_ = 	snop  }
__scs_overlays_trampoline_lowered:
0x8: {  	[smem:$0x3FA7] =	sst s0  }
0x9: {  	[smem:$0x3FA8] =	sst s1  }
0xa: {  	[smem:$0x3FA9] =	sst s2  }
0xb: {  	[smem:$0x3FAA] =	sst s3  }
0xc: {  	[smem:$0x3FAB] =	sst s4  }
0xd: {  	[smem:$0x3FAC] =	sst s5  }
0xe: {  	[smem:$0x3FAD] =	sst s6  }
0xf: {  	[smem:$0x3FAE] =	sst s7  }
0x10: {  	[smem:$0x3FAF] =	sst s8  }
0x11: {  	[smem:$0x3FB0] =	sst s9;
	s0 =	simm.s32 @!p0 $0x0  }
0x12: {  	s1 =	sld [smem:$0x3F96];
	s0 =	simm.s32 @p0 $0x1  }
0x13: {  	[smem:$0x3FB1] =	sst s0;
	s0 =	simm.s32 @!p1 $0x0  }
0x14: {  	s2 =	sld [smem:$0x3F95];
	s0 =	simm.s32 @p1 $0x1  }
0x15: {  	[smem:$0x3FB2] =	sst s0;
	s0 =	simm.s32 @!p2 $0x0  }
0x16: {  	s3 =	sld [smem:$0x3FDB];
	s0 =	simm.s32 @p2 $0x1  }
0x17: {  	s4 =	simm.s32 $0x1BF5;
	[smem:$0x3FB4] =	sst s0  }
0x18: {  	s0 =	sld [smem:$0x3F97];
	_ =	swait.ge [sflag:s4], $0x0  }
0x19: {  	s7 =	sld [smem:$0x3F98]  }
0x1a: {  	s8 =	sadd.s32 $0xFFFFE003, lr  }
0x1b: {  	s9 =	sadd.s32 $0xFFFFFEF7, lr;
	s5 =	simm.s32 $0xFFFFFFFF;
	p2 =	slt.u32 s8, $0xFFFFF086  }
0x1c: {  	p1 =	slt.u32 s9, $0xF7A;
	s5 =	simm.s32 @!p2 $0x0  }
0x1d: {  	s5 =	simm.s32 @p1 $0x1;
	p0 =	seq.s32 s7, s2  }
0x1e: {  	s7 =	smul.u32 @!p0 $0xF7A, s2;
	p2 =	seq.s32 @!p0 s5, $0x0  }
0x1f: {  	s9 =	smul.u32 $0xF7A, s1;
	s8 =	simm.s32 @!p0 $0x1BF5;
	p2 =	por !p2, p0  }
0x20: {  	[sflag:s8] =	ssyncset.s32 @!p0 $0xFFFFF086;
	s6 =	sadd.s32 @!p0 s3, s7;
	s7 =	simm.s32 @!p0 $0x108  }
0x21: {  	s3 =	sadd.s32 s3, s9;
	s6 =	sadd.s32 @!p0 $0x88, s6;
	s7 =	simm.s32 @p2 $0x1082  }
0x22: {  	[simem:s7], [sflag:s8] =	dma.local @!p0 [hbm:s6], $0xF7A  }
0x23: {  	s9 =	sor.u32 $0xD0000000, s2;
	s6 =	simm.s32 $0x108;
	_ =	swait.ge @!p0 [sflag:s8], $0x0  }
0x24: {  	s3 =	sadd.s32 $0x88, s3;
	s6 =	simm.s32 @!p1 $0x1082;
	[sflag:s4] =	ssyncset.s32 $0xFFFFF086  }
0x25: {  	[simem:s6], [sflag:s4] =	dma.local [hbm:s3], $0xF7A  }
0x26: {  	[smem:$0x3F98] =	sst s1;
	(tag) =	ssettag s2;
	_ =	strace s9  }
0x27: {  	s1 =	sld [smem:$0x3FA8]  }
0x28: {  	s2 =	sld [smem:$0x3FA9]  }
0x29: {  	s4 =	sld [smem:$0x3FAB]  }
0x2a: {  	p0 =	seq.s32 s5, $0x0;
	s5 =	sld [smem:$0x3FAC]  }
0x2b: {  	s6 =	sld [smem:$0x3FAD]  }
0x2c: {  	s7 =	sld [smem:$0x3FAE]  }
0x2d: {  	s3 =	simm.s32 $0x108;
	s8 =	sld [smem:$0x3FAF]  }
0x2e: {  	s3 =	simm.s32 @!p0 $0x1082;
	s9 =	sld [smem:$0x3FB0]  }
0x2f: {  	lr =	sadd.s32 s0, s3;
	s0 =	sld [smem:$0x3FA7]  }
0x30: {  	s3 =	sld [smem:$0x3FAA]  }
0x31: {  	[smem:$0x3FB3] =	sst s10  }
0x32: {  	s10 =	sld [smem:$0x3FB1];
	_ =	sdelay $0x3  }
0x33: {  	p0 =	seq.s32 s10, $0x1;
	s10 =	sld [smem:$0x3FB3];
	_ =	sdelay $0x3  }
0x34: {  	[smem:$0x3FB3] =	sst s10  }
0x35: {  	s10 =	sld [smem:$0x3FB2];
	_ =	sdelay $0x3  }
0x36: {  	p1 =	seq.s32 s10, $0x1;
	s10 =	sld [smem:$0x3FB3];
	_ =	sdelay $0x3  }
0x37: {  	[smem:$0x3FB3] =	sst s10  }
0x38: {  	s10 =	sld [smem:$0x3FB4]  }
0x39: {  	_ = 	snop;
	(pc) =	sbr.ind lr, $3  }
0x3a: {  	_ = 	snop  }
0x3b: {  	_ = 	snop  }
0x3c: {  	p2 =	seq.s32 s10, $0x1;
	s10 =	sld [smem:$0x3FB3]  }
0x3d: {  	_ =	shalt  }
0x3e: {  	_ =	shalt  }
0x3f: {  	_ =	shalt  }
0x40: {  	_ =	shalt  }
0x41: {  	_ =	shalt  }
0x42: {  	_ =	shalt  }
0x43: {  	_ =	shalt  }
0x44: {  	_ =	shalt  }
0x45: {  	_ =	shalt  }
0x46: {  	_ =	shalt  }
0x47: {  	_ =	shalt  }
0x48: {  	_ =	shalt  }
0x49: {  	_ =	shalt  }
0x4a: {  	_ =	shalt  }
0x4b: {  	_ =	shalt  }
0x4c: {  	_ =	shalt  }
0x4d: {  	_ =	shalt  }
0x4e: {  	_ =	shalt  }
0x4f: {  	_ =	shalt  }
0x50: {  	_ =	shalt  }
0x51: {  	_ =	shalt  }
0x52: {  	_ =	shalt  }
0x53: {  	_ =	shalt  }
0x54: {  	_ =	shalt  }
0x55: {  	_ =	shalt  }
0x56: {  	_ =	shalt  }
0x57: {  	_ =	shalt  }
0x58: {  	_ =	shalt  }
0x59: {  	_ =	shalt  }
0x5a: {  	_ =	shalt  }
0x5b: {  	_ =	shalt  }
0x5c: {  	_ =	shalt  }
0x5d: {  	_ =	shalt  }
0x5e: {  	_ =	shalt  }
0x5f: {  	_ =	shalt  }
0x60: {  	_ =	shalt  }
0x61: {  	_ =	shalt  }
0x62: {  	_ =	shalt  }
0x63: {  	_ =	shalt  }
0x64: {  	_ =	shalt  }
0x65: {  	_ =	shalt  }
0x66: {  	_ =	shalt  }
0x67: {  	_ =	shalt  }
0x68: {  	_ =	shalt  }
0x69: {  	_ =	shalt  }
0x6a: {  	_ =	shalt  }
0x6b: {  	_ =	shalt  }
0x6c: {  	_ =	shalt  }
0x6d: {  	_ =	shalt  }
0x6e: {  	_ =	shalt  }
0x6f: {  	_ =	shalt  }
0x70: {  	_ =	shalt  }
0x71: {  	_ =	shalt  }
0x72: {  	_ =	shalt  }
0x73: {  	_ =	shalt  }
0x74: {  	_ =	shalt  }
0x75: {  	_ =	shalt  }
0x76: {  	_ =	shalt  }
0x77: {  	_ =	shalt  }
0x78: {  	_ =	shalt  }
0x79: {  	_ =	shalt  }
0x7a: {  	_ =	shalt  }
0x7b: {  	_ =	shalt  }
0x7c: {  	_ =	shalt  }
0x7d: {  	_ =	shalt  }
0x7e: {  	_ =	shalt  }
0x7f: {  	_ =	shalt  }
0x80: {  	_ =	shalt  }
0x81: {  	_ =	shalt  }
0x82: {  	_ =	shalt  }
0x83: {  	_ =	shalt  }
0x84: {  	_ =	shalt  }
0x85: {  	_ =	shalt  }
0x86: {  	_ =	shalt  }
0x87: {  	_ =	shalt  }
.Lfunc_end0:
.L_simem_size_0:
called_computation.1_lowered:
.L_overlay_start_0:
0x88: {  	s2 =	sld [smem:$0x3FD9]  }
0x89: {  	s3 =	sld [smem:$0x3FFE];
	_ =	sdelay $0x1  }
0x8a: {  	s1 =	srdreg.scid  }
0x8b: {  	s0 =	sand.u32 $0x1, s1  }
0x8c: {  	s17 =	sshll.u32 s0, $0xA;
	s2 =	sadd.s32 s3, s2  }
0x8d: {  	s2 =	sadd.s32 s2, s17  }
0x8e: {  	[smem:$0x3FBF] =	sst s2  }
0x8f: {  	_ = 	snop  }
0x90: {  	s2 =	sld [smem:$0x3FD0];
	(tm) =	ssettm $0x1  }
0x91: {  	s18 =	sld [smem:$0x3FFB];
	_ =	sdelay $0x3  }
0x92: {  	_ =	strace s18  }
0x93: {  	s3 =	sld [smem:$0x3FFC];
	_ =	sdelay $0x3  }
0x94: {  	_ =	strace s3  }
0x95: {  	s3 =	sld [smem:$0x3FFD];
	_ =	sdelay $0x3  }
0x96: {  	_ =	strace s3  }
0x97: {  	_ =	strace $0x8FFFFFFF  }
0x98: {  	s19 =	sld [smem:$0x3FDB];
	_ =	sdelay $0x1  }
0x99: {  	s4 =	simm.s32 $_scs_section_size  }
0x9a: {  	s5 =	simm.s32 $_size__tile_overlayer_lowered;
	s6 =	simm.s32 $_tile_overlayer_lowered  }
0x9b: {  	s22 =	simm.s32 $0x1BFF;
	s21 =	sshll.u32 s6, $0x1;
	s3 =	sadd.s32 s4, s19  }
0x9c: {  	s7 =	simm.s32 $0x0;
	s20 =	sshll.u32 s5, $0x1;
	s5 =	sadd.s32 s21, s3  }
0x9d: {  	[timem:s7], [sflag:s22] =	dma.local [hbm:s5], s20  }
0x9e: {  	_ =	swait.ge [sflag:s22], s20  }
0x9f: {  	s4 =	ssub.s32 $0x0, s20;
	[sflag:s22] =	ssyncset.done $0x0  }
0xa0: {  	[sflag:s22] =	ssyncadd.s32 s4;
	_ =	sdelay $0x1  }
0xa1: {  	s23 =	simm.s32 $0x1B8B  }
0xa2: {  	_ =	swait.ge [sflag:s23], $0x1  }
0xa3: {  	[sflag:s23] =	ssyncset.done $0x0  }
0xa4: {  	s25 =	simm.s32 $0x1B8E;
	s24 =	sld [smem:$0x3FFE];
	[sflag:s23] =	ssyncadd.s32 $0xFFFFFFFF  }
0xa5: {  	s26 =	simm.s32 $execute0_lowered;
	[smem:$0x3FD2] =	sst s25  }
0xa6: {  	s5 =	sshll.u32 s26, $0x1;
	_ =	strace $0x80000049;
	[dreg:$0x1] =	wrdreg $0xFFFFFFFF  }
0xa7: {  	s28 =	simm.s32 $_size_execute0_lowered;
	s3 =	sadd.s32 s3, s5;
	[dreg:$0x0] =	wrdreg $0x0  }
0xa8: {  	s5 =	sshll.u32 s28, $0x1;
	[dreg:$0x2] =	wrdreg s3  }
0xa9: {  	[dreg:$0x3] =	wrdreg s5  }
0xaa: {  	[dreg:$0x4] =	wrdreg $0xC0  }
0xab: {  	_ =	task [dreg:s7], $0x5FFFF  }
0xac: {  	[dreg:$0x1] =	wrdreg $0xFFFFFFFF  }
0xad: {  	[dreg:$0x0] =	wrdreg $0x60  }
0xae: {  	[dreg:$0x2] =	wrdreg s24  }
0xaf: {  	[dreg:$0x3] =	wrdreg s2  }
0xb0: {  	[dreg:$0x4] =	wrdreg $0xA8000  }
0xb1: {  	[dreg:$0x5] =	wrdreg $0x9  }
0xb2: {  	_ =	task.clear_ibuf [dreg:s7], $0x6FFFF;
	_ =	strace $0x90000049  }
0xb3: {  	s29 =	simm.s32 $0x9;
	_ =	strace $0x8000004B  }
0xb4: {  	_ =	swait.ge [sflag:s29], $0x1  }
0xb5: {  	[sflag:s29] =	ssyncadd.s32 $0xFFFFFFFF  }
0xb6: {  	_ =	strace $0x9000004B  }
0xb7: {  	_ =	sfence  }
0xb8: {  	s30 =	sld [smem:$0x0];
	_ =	sdelay $0x2  }
0xb9: {  	s31 =	sshll.u32 s1, $0xD;
	s1 =	sshrl.u32 s1, $0x2  }
0xba: {  	s3 =	sand.u32 $0x4000, s31;
	s1 =	sadd.s32 s1, s30  }
0xbb: {  	s0 =	sor.u32 s3, s0;
	s1 =	sshll.u32 s1, $0x11  }
0xbc: {  	s0 =	sor.u32 s1, s0  }
0xbd: {  	s0 =	sadd.s32 $0x8F2B, s0  }
0xbe: {  	[sflag:s0] =	ssyncadd.remote.s32 $0x1  }
0xbf: {  	_ =	sfence.sel $0xFFFF  }
0xc0: {  	[dreg:$0x0] =	wrdreg $0xFFFFFFFF;
	(pc) =	sbr.abs _section_cstart, $3  }
0xc1: {  	[dreg:$0x1] =	wrdreg $0xFFFFFFFF  }
0xc2: {  	_ =	task.clear_ibuf [dreg:s7], $0x2FFFF;
	_ =	strace $0x9FFFFFFF  }
0xc3: {  	(tm) =	ssettm $0x7FFFFFFF  }
tec
execute0_lowered:
.L_overlay_start_1:
0x0: {  	(tag) =	ssettag $0x1  }
0x1: {  	s4 =	rddreg [dreg:$0x0]  }
0x2: {  	s8 =	rddreg [dreg:$0x1]  }
0x3: {  	s0 =	srdreg.scid;
	s2 =	rddreg [dreg:$0x2]  }
0x4: {  	s24 =	stileid.u32;
	s3 =	simm.s32 $0x0;
	s19 =	simm.s32 $0x1400  }
0x5: {  	s20 =	simm.s32 $0x80;
	s21 =	simm.s32 $0x2800;
	s22 =	simm.s32 $0x6800  }
0x6: {  	s23 =	simm.s32 $0x1;
	s28 =	simm.s32 $0x2780;
	s29 =	simm.s32 $0x0  }
0x7: {  	s5 =	sand.u32 $0x1, s0;
	s6 =	smul.u32 $0x14000, s24;
	[smem:$0x7FF] =	sst s3  }
0x8: {  	s13 =	sadd.s32 $0x23200, s4;
	s9 =	smul.u32 $0x50000, s24;
	s14 =	sadd.s32 $0x2D200, s4  }
0x9: {  	s10 =	smul.u32 $0x5000, s24;
	s26 =	sshll.u32 s24, $0x6;
	s24 =	simm.s32 $0x2  }
0xa: {  	s7 =	smul.u32 $0x140000, s5;
	_ =	strace $0x8000004A;
	s25 =	ssub.s32 $0x2, s5  }
0xb: {  	s5 =	sshrl.u32 s25, $0x1;
	s9 =	sshrl.u32 s9, $0x2;
	s11 =	sshrl.u32 s10, $0x3  }
0xc: {  	s6 =	sadd.s32 s6, s7;
	s16 =	ssub.s32 s25, s5;
	s17 =	sadd.s32 s9, s2  }
0xd: {  	s5 =	sor.u32 $0x1C03, s26;
	s31 =	sshrl.u32 s7, $0x3;
	s10 =	sadd.s32 $0x280, s11  }
0xe: {  	s7 =	sadd.s32 s14, s11;
	s12 =	sadd.s32 $0x500, s11;
	s18 =	sadd.s32 $0x780, s11  }
0xf: {  	s25 =	simm.s32 $0x1380;
	s26 =	simm.s32 $0x2700;
	s6 =	sshrl.u32 s6, $0x3  }
0x10: {  	s9 =	sadd.s32 s13, s10;
	s10 =	sadd.s32 s14, s10;
	s16 =	smax.u32 s16, $0x1  }
0x11: {  	s17 =	sshrl.u32 s17, $0x3;
	s15 =	sadd.s32 s6, s4;
	s30 =	sadd.s32 s8, s6  }
0x12: {  	s6 =	sadd.s32 s13, s11;
	s8 =	sadd.s32 s8, s31;
	s11 =	sadd.s32 s13, s12  }
0x13: {  	s12 =	sadd.s32 s14, s12;
	s13 =	sadd.s32 s13, s18;
	s14 =	sadd.s32 s14, s18  }
0x14: {  	s18 =	simm.s32 $0x3;
	[dreg:$0x4] =	wrdreg s30;
	s15 =	sadd.s32 $0x37200, s15  }
.LBB2_1:
0x15: {  	s0 =	rddreg [dreg:$0x4]  }
0x16: {  	[spmem:s17], [sflag:s5] =	dma.local [hbm:s0], $0x2800  }
0x17: {  	_ =	swait.ge [sflag:s18], $0x2800  }
0x18: {  	[sflag:s18] =	ssyncset.done $0x0  }
0x19: {  	[sflag:s18] =	ssyncadd.s32 $0xFFFFD800  }
0x1a: {  	[bflag:$0x0] =	sbarrier.arrive $0xFFFF  }
0x1b: {  	[tilespmem:s3], [sflag:$0x3] =	stream.linear.gather [hbm4b:s6+s3], $0x1400, $0x38;
	[tilespmem:$0x1E800] =	vst v63  }
0x1c: {  	_ =	swait.ge [sflag:s18], $0x1400  }
0x1d: {  	[sflag:s18] =	ssyncset.done $0x0  }
0x1e: {  	[sflag:s18] =	ssyncadd.s32 $0xFFFFEC00  }
0x1f: {  	[tilespmem:s19], [sflag:$0x3] =	stream.linear.gather [hbm4b:s7+s3], $0x1400, $0x38;
	[tilespmem:$0x1E800] =	vst v63  }
0x20: {  	_ =	swait.ge [sflag:s18], $0x1400  }
0x21: {  	[sflag:s18] =	ssyncset.done $0x0  }
0x22: {  	[sflag:s18] =	ssyncadd.s32 $0xFFFFEC00  }
0x23: {  	[tilespmem:s21], [sflag:$0x1] =	stream.indirect.gather [hbm4b:s8+s20], $0x80, s3, s20, $0xb8;
	[tilespmem:$0x1E800] =	vst v63  }
0x24: {  	s30 =	simm.s32 $0x80  }
0x25: {  	[tilespmem:s22], [sflag:$0x2] =	stream.indirect.gather [hbm4b:s8+s20], $0x80, s30, s20, $0xb8;
	[tilespmem:$0x1E800] =	vst v63  }
0x26: {  	_ =	swait.ge [sflag:s23], $0x4000  }
0x27: {  	[sflag:s23] =	ssyncset.done $0x0  }
0x28: {  	s30 =	simm.s32 $0x1400;
	[sflag:s23] =	ssyncadd.s32 $0xFFFFC000  }
0x29: {  	[spmem:s2] =	stream.indirect.scatter.add.f32 [tilespmem:s21], [sflag:$0x3], $0x80, s30, s20, $0xb8;
	[tilespmem:$0x1E800] =	vst v63  }
0x2a: {  	_ =	swait.ge [sflag:s18], $0x4000  }
0x2b: {  	[sflag:s18] =	ssyncset.done $0x0  }
0x2c: {  	s30 =	simm.s32 $0x100;
	[sflag:s18] =	ssyncadd.s32 $0xFFFFC000  }
0x2d: {  	[tilespmem:s21], [sflag:$0x1] =	stream.indirect.gather [hbm4b:s8+s20], $0x80, s30, s20, $0xb8;
	[tilespmem:$0x1E800] =	vst v63  }
0x2e: {  	_ =	swait.ge [sflag:s24], $0x4000  }
0x2f: {  	[sflag:s24] =	ssyncset.done $0x0  }
0x30: {  	s30 =	simm.s32 $0x1480;
	[sflag:s24] =	ssyncadd.s32 $0xFFFFC000  }
0x31: {  	[spmem:s2] =	stream.indirect.scatter.add.f32 [tilespmem:s22], [sflag:$0x3], $0x80, s30, s20, $0xb8;
	[tilespmem:$0x1E800] =	vst v63  }
0x32: {  	_ =	swait.ge [sflag:s18], $0x4000  }
0x33: {  	s31 =	simm.s32 $0x800;
	s30 =	simm.s32 $0x100;
	[sflag:s18] =	ssyncset.done $0x0  }
.LBB2_2:
0x34: {  	s0 =	sadd.s32 $0x80, s30  }
0x35: {  	[sflag:s18] =	ssyncadd.s32 $0xFFFFC000;
	s1 =	smov.u32 s31;
	s4 =	sadd.s32 $0x400, s31  }
0x36: {  	[tilespmem:s22], [sflag:$0x2] =	stream.indirect.gather [hbm4b:s8+s20], $0x80, s0, s20, $0xb8;
	[tilespmem:$0x1E800] =	vst v63  }
0x37: {  	p0 =	sne.s32 s31, $0x4800;
	_ =	swait.ge [sflag:s23], $0x4000  }
0x38: {  	[sflag:s23] =	ssyncset.done $0x0  }
0x39: {  	s0 =	sadd.s32 $0x1400, s30;
	[sflag:s23] =	ssyncadd.s32 $0xFFFFC000  }
0x3a: {  	[spmem:s2] =	stream.indirect.scatter.add.f32 [tilespmem:s21], [sflag:$0x3], $0x80, s0, s20, $0xb8;
	[tilespmem:$0x1E800] =	vst v63  }
0x3b: {  	_ =	swait.ge [sflag:s18], $0x4000  }
0x3c: {  	[sflag:s18] =	ssyncset.done $0x0  }
0x3d: {  	s0 =	sadd.s32 $0x100, s30;
	[sflag:s18] =	ssyncadd.s32 $0xFFFFC000  }
0x3e: {  	[tilespmem:s21], [sflag:$0x1] =	stream.indirect.gather [hbm4b:s8+s20], $0x80, s0, s20, $0xb8;
	[tilespmem:$0x1E800] =	vst v63  }
0x3f: {  	_ =	swait.ge [sflag:s24], $0x4000  }
.Ltmp0:
0x40: {  	[sflag:s24] =	ssyncset.done $0x0;
	(pc) =	sbr.rel @p0 .LBB2_2-.Ltmp0, $4  }
0x41: {  	s0 =	sadd.s32 $0x1480, s30;
	[sflag:s24] =	ssyncadd.s32 $0xFFFFC000  }
0x42: {  	[spmem:s2] =	stream.indirect.scatter.add.f32 [tilespmem:s22], [sflag:$0x3], $0x80, s0, s20, $0xb8;
	[tilespmem:$0x1E800] =	vst v63  }
0x43: {  	_ =	swait.ge [sflag:s18], $0x4000  }
0x44: {  	s31 =	smov.u32 s4;
	s30 =	sshra.s32 s1, $0x2;
	[sflag:s18] =	ssyncset.done $0x0  }
0x45: {  	s0 =	sadd.s32 $0x80, s30;
	[sflag:s18] =	ssyncadd.s32 $0xFFFFC000  }
0x46: {  	[tilespmem:s22], [sflag:$0x2] =	stream.indirect.gather [hbm4b:s8+s20], $0x80, s0, s20, $0xb8;
	[tilespmem:$0x1E800] =	vst v63  }
0x47: {  	_ =	swait.ge [sflag:s23], $0x4000  }
0x48: {  	[sflag:s23] =	ssyncset.done $0x0  }
0x49: {  	s1 =	sadd.s32 $0x1400, s30;
	[sflag:s23] =	ssyncadd.s32 $0xFFFFC000  }
0x4a: {  	[spmem:s2] =	stream.indirect.scatter.add.f32 [tilespmem:s21], [sflag:$0x3], $0x80, s1, s20, $0xb8;
	[tilespmem:$0x1E800] =	vst v63  }
0x4b: {  	_ =	swait.ge [sflag:s18], $0x4000  }
0x4c: {  	[sflag:s18] =	ssyncset.done $0x0  }
0x4d: {  	s4 =	sadd.s32 $0x100, s30;
	[sflag:s18] =	ssyncadd.s32 $0xFFFFC000  }
0x4e: {  	[tilespmem:s21], [sflag:$0x1] =	stream.indirect.gather [hbm4b:s8+s20], $0x80, s4, s20, $0xb8;
	[tilespmem:$0x1E800] =	vst v63  }
0x4f: {  	_ =	swait.ge [sflag:s24], $0x4000  }
0x50: {  	[sflag:s24] =	ssyncset.done $0x0  }
0x51: {  	s1 =	sadd.s32 $0x1480, s30;
	[sflag:s24] =	ssyncadd.s32 $0xFFFFC000  }
0x52: {  	[spmem:s2] =	stream.indirect.scatter.add.f32 [tilespmem:s22], [sflag:$0x3], $0x80, s1, s20, $0xb8;
	[tilespmem:$0x1E800] =	vst v63  }
0x53: {  	_ =	swait.ge [sflag:s18], $0x4000  }
0x54: {  	[sflag:s18] =	ssyncset.done $0x0  }
0x55: {  	[sflag:s18] =	ssyncadd.s32 $0xFFFFC000  }
0x56: {  	[tilespmem:s22], [sflag:$0x2] =	stream.indirect.gather [hbm4b:s8+s20], $0x80, s25, s20, $0xb8;
	[tilespmem:$0x1E800] =	vst v63  }
0x57: {  	_ =	swait.ge [sflag:s23], $0x4000  }
0x58: {  	[sflag:s23] =	ssyncset.done $0x0  }
0x59: {  	[sflag:s23] =	ssyncadd.s32 $0xFFFFC000  }
0x5a: {  	[spmem:s2] =	stream.indirect.scatter.add.f32 [tilespmem:s21], [sflag:$0x3], $0x80, s26, s20, $0xb8;
	[tilespmem:$0x1E800] =	vst v63  }
0x5b: {  	_ =	swait.ge [sflag:s18], $0x4000  }
0x5c: {  	[sflag:s18] =	ssyncset.done $0x0  }
0x5d: {  	[sflag:s18] =	ssyncadd.s32 $0xFFFFC000  }
0x5e: {  	[tilespmem:s21], [sflag:$0x1] =	stream.indirect.gather [hbm4b:s8+s20], $0x80, s25, s20, $0xb8;
	[tilespmem:$0x1E800] =	vst v63  }
0x5f: {  	_ =	swait.ge [sflag:s24], $0x4000  }
0x60: {  	[sflag:s24] =	ssyncset.done $0x0  }
0x61: {  	[sflag:s24] =	ssyncadd.s32 $0xFFFFC000  }
0x62: {  	[spmem:s2] =	stream.indirect.scatter.add.f32 [tilespmem:s22], [sflag:$0x3], $0x80, s28, s20, $0xb8;
	[tilespmem:$0x1E800] =	vst v63  }
0x63: {  	_ =	swait.ge [sflag:s18], $0x4000  }
0x64: {  	[sflag:s18] =	ssyncset.done $0x0  }
0x65: {  	[sflag:s18] =	ssyncadd.s32 $0xFFFFC000  }
0x66: {  	_ =	swait.ge [sflag:s23], $0x4000  }
0x67: {  	[sflag:s23] =	ssyncset.done $0x0  }
0x68: {  	s4 =	simm.s32 $0x0;
	[sflag:s23] =	ssyncadd.s32 $0xFFFFC000  }
0x69: {  	[tilespmem:s4], [sflag:$0x3] =	stream.linear.gather [hbm4b:s9+s4], $0x1400, $0x38;
	[tilespmem:$0x1E800] =	vst v63  }
0x6a: {  	_ =	swait.ge [sflag:s18], $0x1400  }
0x6b: {  	[sflag:s18] =	ssyncset.done $0x0  }
0x6c: {  	[sflag:s18] =	ssyncadd.s32 $0xFFFFEC00  }
0x6d: {  	[tilespmem:s19], [sflag:$0x3] =	stream.linear.gather [hbm4b:s10+s4], $0x1400, $0x38;
	[tilespmem:$0x1E800] =	vst v63  }
0x6e: {  	_ =	swait.ge [sflag:s18], $0x1400  }
0x6f: {  	[sflag:s18] =	ssyncset.done $0x0  }
0x70: {  	[sflag:s18] =	ssyncadd.s32 $0xFFFFEC00  }
0x71: {  	[tilespmem:s21], [sflag:$0x1] =	stream.indirect.gather [hbm4b:s8+s20], $0x80, s4, s20, $0xb8;
	[tilespmem:$0x1E800] =	vst v63  }
0x72: {  	s1 =	simm.s32 $0x80  }
0x73: {  	[tilespmem:s22], [sflag:$0x2] =	stream.indirect.gather [hbm4b:s8+s20], $0x80, s1, s20, $0xb8;
	[tilespmem:$0x1E800] =	vst v63  }
0x74: {  	_ =	swait.ge [sflag:s23], $0x4000  }
0x75: {  	[sflag:s23] =	ssyncset.done $0x0  }
0x76: {  	s4 =	simm.s32 $0x1400;
	[sflag:s23] =	ssyncadd.s32 $0xFFFFC000  }
0x77: {  	[spmem:s2] =	stream.indirect.scatter.add.f32 [tilespmem:s21], [sflag:$0x3], $0x80, s4, s20, $0xb8;
	[tilespmem:$0x1E800] =	vst v63  }
0x78: {  	_ =	swait.ge [sflag:s18], $0x4000  }
0x79: {  	[sflag:s18] =	ssyncset.done $0x0  }
0x7a: {  	s1 =	simm.s32 $0x100;
	[sflag:s18] =	ssyncadd.s32 $0xFFFFC000  }
0x7b: {  	[tilespmem:s21], [sflag:$0x1] =	stream.indirect.gather [hbm4b:s8+s20], $0x80, s1, s20, $0xb8;
	[tilespmem:$0x1E800] =	vst v63  }
0x7c: {  	_ =	swait.ge [sflag:s24], $0x4000  }
0x7d: {  	[sflag:s24] =	ssyncset.done $0x0  }
0x7e: {  	s4 =	simm.s32 $0x1480;
	[sflag:s24] =	ssyncadd.s32 $0xFFFFC000  }
0x7f: {  	[spmem:s2] =	stream.indirect.scatter.add.f32 [tilespmem:s22], [sflag:$0x3], $0x80, s4, s20, $0xb8;
	[tilespmem:$0x1E800] =	vst v63  }
0x80: {  	_ =	swait.ge [sflag:s18], $0x4000  }
0x81: {  	s31 =	simm.s32 $0x800;
	s30 =	simm.s32 $0x100;
	[sflag:s18] =	ssyncset.done $0x0  }
.LBB2_4:
0x82: {  	s0 =	sadd.s32 $0x80, s30  }
0x83: {  	[sflag:s18] =	ssyncadd.s32 $0xFFFFC000;
	s1 =	smov.u32 s31;
	s4 =	sadd.s32 $0x400, s31  }
0x84: {  	[tilespmem:s22], [sflag:$0x2] =	stream.indirect.gather [hbm4b:s8+s20], $0x80, s0, s20, $0xb8;
	[tilespmem:$0x1E800] =	vst v63  }
0x85: {  	p0 =	sne.s32 s31, $0x4800;
	_ =	swait.ge [sflag:s23], $0x4000  }
0x86: {  	[sflag:s23] =	ssyncset.done $0x0  }
0x87: {  	s0 =	sadd.s32 $0x1400, s30;
	[sflag:s23] =	ssyncadd.s32 $0xFFFFC000  }
0x88: {  	[spmem:s2] =	stream.indirect.scatter.add.f32 [tilespmem:s21], [sflag:$0x3], $0x80, s0, s20, $0xb8;
	[tilespmem:$0x1E800] =	vst v63  }
0x89: {  	_ =	swait.ge [sflag:s18], $0x4000  }
0x8a: {  	[sflag:s18] =	ssyncset.done $0x0  }
0x8b: {  	s0 =	sadd.s32 $0x100, s30;
	[sflag:s18] =	ssyncadd.s32 $0xFFFFC000  }
0x8c: {  	[tilespmem:s21], [sflag:$0x1] =	stream.indirect.gather [hbm4b:s8+s20], $0x80, s0, s20, $0xb8;
	[tilespmem:$0x1E800] =	vst v63  }
0x8d: {  	_ =	swait.ge [sflag:s24], $0x4000  }
.Ltmp1:
0x8e: {  	[sflag:s24] =	ssyncset.done $0x0;
	(pc) =	sbr.rel @p0 .LBB2_4-.Ltmp1, $4  }
0x8f: {  	s0 =	sadd.s32 $0x1480, s30;
	[sflag:s24] =	ssyncadd.s32 $0xFFFFC000  }
0x90: {  	[spmem:s2] =	stream.indirect.scatter.add.f32 [tilespmem:s22], [sflag:$0x3], $0x80, s0, s20, $0xb8;
	[tilespmem:$0x1E800] =	vst v63  }
0x91: {  	_ =	swait.ge [sflag:s18], $0x4000  }
0x92: {  	s31 =	smov.u32 s4;
	s30 =	sshra.s32 s1, $0x2;
	[sflag:s18] =	ssyncset.done $0x0  }
0x93: {  	s0 =	sadd.s32 $0x80, s30;
	[sflag:s18] =	ssyncadd.s32 $0xFFFFC000  }
0x94: {  	[tilespmem:s22], [sflag:$0x2] =	stream.indirect.gather [hbm4b:s8+s20], $0x80, s0, s20, $0xb8;
	[tilespmem:$0x1E800] =	vst v63  }
0x95: {  	_ =	swait.ge [sflag:s23], $0x4000  }
0x96: {  	[sflag:s23] =	ssyncset.done $0x0  }
0x97: {  	s1 =	sadd.s32 $0x1400, s30;
	[sflag:s23] =	ssyncadd.s32 $0xFFFFC000  }
0x98: {  	[spmem:s2] =	stream.indirect.scatter.add.f32 [tilespmem:s21], [sflag:$0x3], $0x80, s1, s20, $0xb8;
	[tilespmem:$0x1E800] =	vst v63  }
0x99: {  	_ =	swait.ge [sflag:s18], $0x4000  }
0x9a: {  	[sflag:s18] =	ssyncset.done $0x0  }
0x9b: {  	s4 =	sadd.s32 $0x100, s30;
	[sflag:s18] =	ssyncadd.s32 $0xFFFFC000  }
0x9c: {  	[tilespmem:s21], [sflag:$0x1] =	stream.indirect.gather [hbm4b:s8+s20], $0x80, s4, s20, $0xb8;
	[tilespmem:$0x1E800] =	vst v63  }
0x9d: {  	_ =	swait.ge [sflag:s24], $0x4000  }
0x9e: {  	[sflag:s24] =	ssyncset.done $0x0  }
0x9f: {  	s1 =	sadd.s32 $0x1480, s30;
	[sflag:s24] =	ssyncadd.s32 $0xFFFFC000  }
0xa0: {  	[spmem:s2] =	stream.indirect.scatter.add.f32 [tilespmem:s22], [sflag:$0x3], $0x80, s1, s20, $0xb8;
	[tilespmem:$0x1E800] =	vst v63  }
0xa1: {  	_ =	swait.ge [sflag:s18], $0x4000  }
0xa2: {  	[sflag:s18] =	ssyncset.done $0x0  }
0xa3: {  	[sflag:s18] =	ssyncadd.s32 $0xFFFFC000  }
0xa4: {  	[tilespmem:s22], [sflag:$0x2] =	stream.indirect.gather [hbm4b:s8+s20], $0x80, s25, s20, $0xb8;
	[tilespmem:$0x1E800] =	vst v63  }
0xa5: {  	_ =	swait.ge [sflag:s23], $0x4000  }
0xa6: {  	[sflag:s23] =	ssyncset.done $0x0  }
0xa7: {  	[sflag:s23] =	ssyncadd.s32 $0xFFFFC000  }
0xa8: {  	[spmem:s2] =	stream.indirect.scatter.add.f32 [tilespmem:s21], [sflag:$0x3], $0x80, s26, s20, $0xb8;
	[tilespmem:$0x1E800] =	vst v63  }
0xa9: {  	_ =	swait.ge [sflag:s18], $0x4000  }
0xaa: {  	[sflag:s18] =	ssyncset.done $0x0  }
0xab: {  	[sflag:s18] =	ssyncadd.s32 $0xFFFFC000  }
0xac: {  	[tilespmem:s21], [sflag:$0x1] =	stream.indirect.gather [hbm4b:s8+s20], $0x80, s25, s20, $0xb8;
	[tilespmem:$0x1E800] =	vst v63  }
0xad: {  	_ =	swait.ge [sflag:s24], $0x4000  }
0xae: {  	[sflag:s24] =	ssyncset.done $0x0  }
0xaf: {  	[sflag:s24] =	ssyncadd.s32 $0xFFFFC000  }
0xb0: {  	[spmem:s2] =	stream.indirect.scatter.add.f32 [tilespmem:s22], [sflag:$0x3], $0x80, s28, s20, $0xb8;
	[tilespmem:$0x1E800] =	vst v63  }
0xb1: {  	_ =	swait.ge [sflag:s18], $0x4000  }
0xb2: {  	[sflag:s18] =	ssyncset.done $0x0  }
0xb3: {  	[sflag:s18] =	ssyncadd.s32 $0xFFFFC000  }
0xb4: {  	_ =	swait.ge [sflag:s23], $0x4000  }
0xb5: {  	[sflag:s23] =	ssyncset.done $0x0  }
0xb6: {  	s4 =	simm.s32 $0x0;
	[sflag:s23] =	ssyncadd.s32 $0xFFFFC000  }
0xb7: {  	[tilespmem:s4], [sflag:$0x3] =	stream.linear.gather [hbm4b:s11+s4], $0x1400, $0x38;
	[tilespmem:$0x1E800] =	vst v63  }
0xb8: {  	_ =	swait.ge [sflag:s18], $0x1400  }
0xb9: {  	[sflag:s18] =	ssyncset.done $0x0  }
0xba: {  	[sflag:s18] =	ssyncadd.s32 $0xFFFFEC00  }
0xbb: {  	[tilespmem:s19], [sflag:$0x3] =	stream.linear.gather [hbm4b:s12+s4], $0x1400, $0x38;
	[tilespmem:$0x1E800] =	vst v63  }
0xbc: {  	_ =	swait.ge [sflag:s18], $0x1400  }
0xbd: {  	[sflag:s18] =	ssyncset.done $0x0  }
0xbe: {  	[sflag:s18] =	ssyncadd.s32 $0xFFFFEC00  }
0xbf: {  	[tilespmem:s21], [sflag:$0x1] =	stream.indirect.gather [hbm4b:s8+s20], $0x80, s4, s20, $0xb8;
	[tilespmem:$0x1E800] =	vst v63  }
0xc0: {  	s1 =	simm.s32 $0x80  }
0xc1: {  	[tilespmem:s22], [sflag:$0x2] =	stream.indirect.gather [hbm4b:s8+s20], $0x80, s1, s20, $0xb8;
	[tilespmem:$0x1E800] =	vst v63  }
0xc2: {  	_ =	swait.ge [sflag:s23], $0x4000  }
0xc3: {  	[sflag:s23] =	ssyncset.done $0x0  }
0xc4: {  	s4 =	simm.s32 $0x1400;
	[sflag:s23] =	ssyncadd.s32 $0xFFFFC000  }
0xc5: {  	[spmem:s2] =	stream.indirect.scatter.add.f32 [tilespmem:s21], [sflag:$0x3], $0x80, s4, s20, $0xb8;
	[tilespmem:$0x1E800] =	vst v63  }
0xc6: {  	_ =	swait.ge [sflag:s18], $0x4000  }
0xc7: {  	[sflag:s18] =	ssyncset.done $0x0  }
0xc8: {  	s1 =	simm.s32 $0x100;
	[sflag:s18] =	ssyncadd.s32 $0xFFFFC000  }
0xc9: {  	[tilespmem:s21], [sflag:$0x1] =	stream.indirect.gather [hbm4b:s8+s20], $0x80, s1, s20, $0xb8;
	[tilespmem:$0x1E800] =	vst v63  }
0xca: {  	_ =	swait.ge [sflag:s24], $0x4000  }
0xcb: {  	[sflag:s24] =	ssyncset.done $0x0  }
0xcc: {  	s4 =	simm.s32 $0x1480;
	[sflag:s24] =	ssyncadd.s32 $0xFFFFC000  }
0xcd: {  	[spmem:s2] =	stream.indirect.scatter.add.f32 [tilespmem:s22], [sflag:$0x3], $0x80, s4, s20, $0xb8;
	[tilespmem:$0x1E800] =	vst v63  }
0xce: {  	_ =	swait.ge [sflag:s18], $0x4000  }
0xcf: {  	s31 =	simm.s32 $0x800;
	s30 =	simm.s32 $0x100;
	[sflag:s18] =	ssyncset.done $0x0  }
.LBB2_6:
0xd0: {  	s0 =	sadd.s32 $0x80, s30  }
0xd1: {  	[sflag:s18] =	ssyncadd.s32 $0xFFFFC000;
	s1 =	smov.u32 s31;
	s4 =	sadd.s32 $0x400, s31  }
0xd2: {  	[tilespmem:s22], [sflag:$0x2] =	stream.indirect.gather [hbm4b:s8+s20], $0x80, s0, s20, $0xb8;
	[tilespmem:$0x1E800] =	vst v63  }
0xd3: {  	p0 =	sne.s32 s31, $0x4800;
	_ =	swait.ge [sflag:s23], $0x4000  }
0xd4: {  	[sflag:s23] =	ssyncset.done $0x0  }
0xd5: {  	s0 =	sadd.s32 $0x1400, s30;
	[sflag:s23] =	ssyncadd.s32 $0xFFFFC000  }
0xd6: {  	[spmem:s2] =	stream.indirect.scatter.add.f32 [tilespmem:s21], [sflag:$0x3], $0x80, s0, s20, $0xb8;
	[tilespmem:$0x1E800] =	vst v63  }
0xd7: {  	_ =	swait.ge [sflag:s18], $0x4000  }
0xd8: {  	[sflag:s18] =	ssyncset.done $0x0  }
0xd9: {  	s0 =	sadd.s32 $0x100, s30;
	[sflag:s18] =	ssyncadd.s32 $0xFFFFC000  }
0xda: {  	[tilespmem:s21], [sflag:$0x1] =	stream.indirect.gather [hbm4b:s8+s20], $0x80, s0, s20, $0xb8;
	[tilespmem:$0x1E800] =	vst v63  }
0xdb: {  	_ =	swait.ge [sflag:s24], $0x4000  }
.Ltmp2:
0xdc: {  	[sflag:s24] =	ssyncset.done $0x0;
	(pc) =	sbr.rel @p0 .LBB2_6-.Ltmp2, $4  }
0xdd: {  	s0 =	sadd.s32 $0x1480, s30;
	[sflag:s24] =	ssyncadd.s32 $0xFFFFC000  }
0xde: {  	[spmem:s2] =	stream.indirect.scatter.add.f32 [tilespmem:s22], [sflag:$0x3], $0x80, s0, s20, $0xb8;
	[tilespmem:$0x1E800] =	vst v63  }
0xdf: {  	_ =	swait.ge [sflag:s18], $0x4000  }
0xe0: {  	s31 =	smov.u32 s4;
	s30 =	sshra.s32 s1, $0x2;
	[sflag:s18] =	ssyncset.done $0x0  }
0xe1: {  	s0 =	sadd.s32 $0x80, s30;
	[sflag:s18] =	ssyncadd.s32 $0xFFFFC000  }
0xe2: {  	[tilespmem:s22], [sflag:$0x2] =	stream.indirect.gather [hbm4b:s8+s20], $0x80, s0, s20, $0xb8;
	[tilespmem:$0x1E800] =	vst v63  }
0xe3: {  	_ =	swait.ge [sflag:s23], $0x4000  }
0xe4: {  	[sflag:s23] =	ssyncset.done $0x0  }
0xe5: {  	s1 =	sadd.s32 $0x1400, s30;
	[sflag:s23] =	ssyncadd.s32 $0xFFFFC000  }
0xe6: {  	[spmem:s2] =	stream.indirect.scatter.add.f32 [tilespmem:s21], [sflag:$0x3], $0x80, s1, s20, $0xb8;
	[tilespmem:$0x1E800] =	vst v63  }
0xe7: {  	_ =	swait.ge [sflag:s18], $0x4000  }
0xe8: {  	[sflag:s18] =	ssyncset.done $0x0  }
0xe9: {  	s4 =	sadd.s32 $0x100, s30;
	[sflag:s18] =	ssyncadd.s32 $0xFFFFC000  }
0xea: {  	[tilespmem:s21], [sflag:$0x1] =	stream.indirect.gather [hbm4b:s8+s20], $0x80, s4, s20, $0xb8;
	[tilespmem:$0x1E800] =	vst v63  }
0xeb: {  	_ =	swait.ge [sflag:s24], $0x4000  }
0xec: {  	[sflag:s24] =	ssyncset.done $0x0  }
0xed: {  	s1 =	sadd.s32 $0x1480, s30;
	[sflag:s24] =	ssyncadd.s32 $0xFFFFC000  }
0xee: {  	[spmem:s2] =	stream.indirect.scatter.add.f32 [tilespmem:s22], [sflag:$0x3], $0x80, s1, s20, $0xb8;
	[tilespmem:$0x1E800] =	vst v63  }
0xef: {  	_ =	swait.ge [sflag:s18], $0x4000  }
0xf0: {  	[sflag:s18] =	ssyncset.done $0x0  }
0xf1: {  	[sflag:s18] =	ssyncadd.s32 $0xFFFFC000  }
0xf2: {  	[tilespmem:s22], [sflag:$0x2] =	stream.indirect.gather [hbm4b:s8+s20], $0x80, s25, s20, $0xb8;
	[tilespmem:$0x1E800] =	vst v63  }
0xf3: {  	_ =	swait.ge [sflag:s23], $0x4000  }
0xf4: {  	[sflag:s23] =	ssyncset.done $0x0  }
0xf5: {  	[sflag:s23] =	ssyncadd.s32 $0xFFFFC000  }
0xf6: {  	[spmem:s2] =	stream.indirect.scatter.add.f32 [tilespmem:s21], [sflag:$0x3], $0x80, s26, s20, $0xb8;
	[tilespmem:$0x1E800] =	vst v63  }
0xf7: {  	_ =	swait.ge [sflag:s18], $0x4000  }
0xf8: {  	[sflag:s18] =	ssyncset.done $0x0  }
0xf9: {  	[sflag:s18] =	ssyncadd.s32 $0xFFFFC000  }
0xfa: {  	[tilespmem:s21], [sflag:$0x1] =	stream.indirect.gather [hbm4b:s8+s20], $0x80, s25, s20, $0xb8;
	[tilespmem:$0x1E800] =	vst v63  }
0xfb: {  	_ =	swait.ge [sflag:s24], $0x4000  }
0xfc: {  	[sflag:s24] =	ssyncset.done $0x0  }
0xfd: {  	[sflag:s24] =	ssyncadd.s32 $0xFFFFC000  }
0xfe: {  	[spmem:s2] =	stream.indirect.scatter.add.f32 [tilespmem:s22], [sflag:$0x3], $0x80, s28, s20, $0xb8;
	[tilespmem:$0x1E800] =	vst v63  }
0xff: {  	_ =	swait.ge [sflag:s18], $0x4000  }
0x100: {  	[sflag:s18] =	ssyncset.done $0x0  }
0x101: {  	[sflag:s18] =	ssyncadd.s32 $0xFFFFC000  }
0x102: {  	_ =	swait.ge [sflag:s23], $0x4000  }
0x103: {  	[sflag:s23] =	ssyncset.done $0x0  }
0x104: {  	s4 =	simm.s32 $0x0;
	[sflag:s23] =	ssyncadd.s32 $0xFFFFC000  }
0x105: {  	[tilespmem:s4], [sflag:$0x3] =	stream.linear.gather [hbm4b:s13+s4], $0x1400, $0x38;
	[tilespmem:$0x1E800] =	vst v63  }
0x106: {  	_ =	swait.ge [sflag:s18], $0x1400  }
0x107: {  	[sflag:s18] =	ssyncset.done $0x0  }
0x108: {  	[sflag:s18] =	ssyncadd.s32 $0xFFFFEC00  }
0x109: {  	[tilespmem:s19], [sflag:$0x3] =	stream.linear.gather [hbm4b:s14+s4], $0x1400, $0x38;
	[tilespmem:$0x1E800] =	vst v63  }
0x10a: {  	_ =	swait.ge [sflag:s18], $0x1400  }
0x10b: {  	[sflag:s18] =	ssyncset.done $0x0  }
0x10c: {  	[sflag:s18] =	ssyncadd.s32 $0xFFFFEC00  }
0x10d: {  	[tilespmem:s21], [sflag:$0x1] =	stream.indirect.gather [hbm4b:s8+s20], $0x80, s4, s20, $0xb8;
	[tilespmem:$0x1E800] =	vst v63  }
0x10e: {  	s1 =	simm.s32 $0x80  }
0x10f: {  	[tilespmem:s22], [sflag:$0x2] =	stream.indirect.gather [hbm4b:s8+s20], $0x80, s1, s20, $0xb8;
	[tilespmem:$0x1E800] =	vst v63  }
0x110: {  	_ =	swait.ge [sflag:s23], $0x4000  }
0x111: {  	[sflag:s23] =	ssyncset.done $0x0  }
0x112: {  	s4 =	simm.s32 $0x1400;
	[sflag:s23] =	ssyncadd.s32 $0xFFFFC000  }
0x113: {  	[spmem:s2] =	stream.indirect.scatter.add.f32 [tilespmem:s21], [sflag:$0x3], $0x80, s4, s20, $0xb8;
	[tilespmem:$0x1E800] =	vst v63  }
0x114: {  	_ =	swait.ge [sflag:s18], $0x4000  }
0x115: {  	[sflag:s18] =	ssyncset.done $0x0  }
0x116: {  	s1 =	simm.s32 $0x100;
	[sflag:s18] =	ssyncadd.s32 $0xFFFFC000  }
0x117: {  	[tilespmem:s21], [sflag:$0x1] =	stream.indirect.gather [hbm4b:s8+s20], $0x80, s1, s20, $0xb8;
	[tilespmem:$0x1E800] =	vst v63  }
0x118: {  	_ =	swait.ge [sflag:s24], $0x4000  }
0x119: {  	[sflag:s24] =	ssyncset.done $0x0  }
0x11a: {  	s4 =	simm.s32 $0x1480;
	[sflag:s24] =	ssyncadd.s32 $0xFFFFC000  }
0x11b: {  	[spmem:s2] =	stream.indirect.scatter.add.f32 [tilespmem:s22], [sflag:$0x3], $0x80, s4, s20, $0xb8;
	[tilespmem:$0x1E800] =	vst v63  }
0x11c: {  	_ =	swait.ge [sflag:s18], $0x4000  }
0x11d: {  	s31 =	simm.s32 $0x800;
	s30 =	simm.s32 $0x100;
	[sflag:s18] =	ssyncset.done $0x0  }
.LBB2_8:
0x11e: {  	s0 =	sadd.s32 $0x80, s30  }
0x11f: {  	[sflag:s18] =	ssyncadd.s32 $0xFFFFC000;
	s1 =	smov.u32 s31;
	s4 =	sadd.s32 $0x400, s31  }
0x120: {  	[tilespmem:s22], [sflag:$0x2] =	stream.indirect.gather [hbm4b:s8+s20], $0x80, s0, s20, $0xb8;
	[tilespmem:$0x1E800] =	vst v63  }
0x121: {  	p0 =	sne.s32 s31, $0x4800;
	_ =	swait.ge [sflag:s23], $0x4000  }
0x122: {  	[sflag:s23] =	ssyncset.done $0x0  }
0x123: {  	s0 =	sadd.s32 $0x1400, s30;
	[sflag:s23] =	ssyncadd.s32 $0xFFFFC000  }
0x124: {  	[spmem:s2] =	stream.indirect.scatter.add.f32 [tilespmem:s21], [sflag:$0x3], $0x80, s0, s20, $0xb8;
	[tilespmem:$0x1E800] =	vst v63  }
0x125: {  	_ =	swait.ge [sflag:s18], $0x4000  }
0x126: {  	[sflag:s18] =	ssyncset.done $0x0  }
0x127: {  	s0 =	sadd.s32 $0x100, s30;
	[sflag:s18] =	ssyncadd.s32 $0xFFFFC000  }
0x128: {  	[tilespmem:s21], [sflag:$0x1] =	stream.indirect.gather [hbm4b:s8+s20], $0x80, s0, s20, $0xb8;
	[tilespmem:$0x1E800] =	vst v63  }
0x129: {  	_ =	swait.ge [sflag:s24], $0x4000  }
.Ltmp3:
0x12a: {  	[sflag:s24] =	ssyncset.done $0x0;
	(pc) =	sbr.rel @p0 .LBB2_8-.Ltmp3, $4  }
0x12b: {  	s0 =	sadd.s32 $0x1480, s30;
	[sflag:s24] =	ssyncadd.s32 $0xFFFFC000  }
0x12c: {  	[spmem:s2] =	stream.indirect.scatter.add.f32 [tilespmem:s22], [sflag:$0x3], $0x80, s0, s20, $0xb8;
	[tilespmem:$0x1E800] =	vst v63  }
0x12d: {  	_ =	swait.ge [sflag:s18], $0x4000  }
0x12e: {  	s31 =	smov.u32 s4;
	s30 =	sshra.s32 s1, $0x2;
	[sflag:s18] =	ssyncset.done $0x0  }
0x12f: {  	s0 =	sadd.s32 $0x80, s30;
	[sflag:s18] =	ssyncadd.s32 $0xFFFFC000  }
0x130: {  	[tilespmem:s22], [sflag:$0x2] =	stream.indirect.gather [hbm4b:s8+s20], $0x80, s0, s20, $0xb8;
	[tilespmem:$0x1E800] =	vst v63  }
0x131: {  	_ =	swait.ge [sflag:s23], $0x4000  }
0x132: {  	[sflag:s23] =	ssyncset.done $0x0  }
0x133: {  	s1 =	sadd.s32 $0x1400, s30;
	[sflag:s23] =	ssyncadd.s32 $0xFFFFC000  }
0x134: {  	[spmem:s2] =	stream.indirect.scatter.add.f32 [tilespmem:s21], [sflag:$0x3], $0x80, s1, s20, $0xb8;
	[tilespmem:$0x1E800] =	vst v63  }
0x135: {  	_ =	swait.ge [sflag:s18], $0x4000  }
0x136: {  	[sflag:s18] =	ssyncset.done $0x0  }
0x137: {  	s4 =	sadd.s32 $0x100, s30;
	[sflag:s18] =	ssyncadd.s32 $0xFFFFC000  }
0x138: {  	[tilespmem:s21], [sflag:$0x1] =	stream.indirect.gather [hbm4b:s8+s20], $0x80, s4, s20, $0xb8;
	[tilespmem:$0x1E800] =	vst v63  }
0x139: {  	_ =	swait.ge [sflag:s24], $0x4000  }
0x13a: {  	[sflag:s24] =	ssyncset.done $0x0  }
0x13b: {  	s31 =	sadd.s32 $0x1480, s30;
	[sflag:s24] =	ssyncadd.s32 $0xFFFFC000  }
0x13c: {  	[spmem:s2] =	stream.indirect.scatter.add.f32 [tilespmem:s22], [sflag:$0x3], $0x80, s31, s20, $0xb8;
	[tilespmem:$0x1E800] =	vst v63  }
0x13d: {  	_ =	swait.ge [sflag:s18], $0x4000  }
0x13e: {  	[sflag:s18] =	ssyncset.done $0x0  }
0x13f: {  	[sflag:s18] =	ssyncadd.s32 $0xFFFFC000  }
0x140: {  	[tilespmem:s22], [sflag:$0x2] =	stream.indirect.gather [hbm4b:s8+s20], $0x80, s25, s20, $0xb8;
	[tilespmem:$0x1E800] =	vst v63  }
0x141: {  	_ =	swait.ge [sflag:s23], $0x4000  }
0x142: {  	[sflag:s23] =	ssyncset.done $0x0  }
0x143: {  	[sflag:s23] =	ssyncadd.s32 $0xFFFFC000  }
0x144: {  	[spmem:s2] =	stream.indirect.scatter.add.f32 [tilespmem:s21], [sflag:$0x3], $0x80, s26, s20, $0xb8;
	[tilespmem:$0x1E800] =	vst v63  }
0x145: {  	_ =	swait.ge [sflag:s18], $0x4000  }
0x146: {  	[sflag:s18] =	ssyncset.done $0x0  }
0x147: {  	[sflag:s18] =	ssyncadd.s32 $0xFFFFC000  }
0x148: {  	[tilespmem:s21], [sflag:$0x1] =	stream.indirect.gather [hbm4b:s8+s20], $0x80, s25, s20, $0xb8;
	[tilespmem:$0x1E800] =	vst v63  }
0x149: {  	_ =	swait.ge [sflag:s24], $0x4000  }
0x14a: {  	[sflag:s24] =	ssyncset.done $0x0  }
0x14b: {  	[sflag:s24] =	ssyncadd.s32 $0xFFFFC000  }
0x14c: {  	[spmem:s2] =	stream.indirect.scatter.add.f32 [tilespmem:s22], [sflag:$0x3], $0x80, s28, s20, $0xb8;
	[tilespmem:$0x1E800] =	vst v63  }
0x14d: {  	_ =	swait.ge [sflag:s18], $0x4000  }
0x14e: {  	[sflag:s18] =	ssyncset.done $0x0  }
0x14f: {  	[sflag:s18] =	ssyncadd.s32 $0xFFFFC000  }
0x150: {  	_ =	swait.ge [sflag:s23], $0x4000  }
0x151: {  	s29 =	sadd.s32 $0x1, s29;
	[sflag:s23] =	ssyncset.done $0x0  }
0x152: {  	p0 =	sne.s32 s29, s16;
	[sflag:s23] =	ssyncadd.s32 $0xFFFFC000  }
.Ltmp4:
0x153: {  	[bflag:$0x0] =	sbarrier.arrive $0xFFFF;
	(pc) =	sbr.rel @p0 .LBB2_1-.Ltmp4, $4  }
0x154: {  	[hbm:s15], [sflag:s5] =	dma.local [spmem:s17], $0x2800  }
0x155: {  	_ =	swait.ge [sflag:s18], $0x2800  }
0x156: {  	[sflag:s18] =	ssyncset.done $0x0  }
0x157: {  	[sflag:s18] =	ssyncadd.s32 $0xFFFFD800  }
0x158: {  	_ =	sfence.sel $0x180000  }
0x159: {  	[bflag:$0x0] =	sbarrier.arrive $0xFFFF  }
0x15a: {  	_ =	strace $0x9000004A  }
0x15b: {  	s0 =	stileid.u32;
	[bflag:$0x2] =	sbarrier.arrive $0xFFFF  }
0x15c: {  	p0 =	sne.s32 s0, $0x0;
	s0 =	rddreg [dreg:$0x3]  }
0x15d: {  	s0 =	sadd.s32 @!p0 $0x100000, s0  }
0x15e: {  	[sflag:s0] =	ssyncadd.tile.s32 @!p0 $0x1;
	_ =	shalt  }
.Lfunc_end2:
_tile_overlayer_lowered:
.L_overlay_start_2:
0x15f: {  	(tag) =	ssettag $0x2  }
0x160: {  	s0 =	rddreg [dreg:$0x0];
	s2 =	stileid.u32  }
0x161: {  	s1 =	rddreg [dreg:$0x1];
	p0 =	sne.s32 s2, $0x0  }
0x162: {  	s3 =	rddreg [dreg:$0x2];
	[bflag:$0x3] =	sbarrier.arrive $0xFFFF;
	s2 =	simm.s32 @!p0 $0x1C03  }
0x163: {  	[timem:s3], [sflag:s2] =	dma.local @!p0 [hbm:s0], s1  }
0x164: {  	s0 =	simm.s32 @!p0 $0x3  }
0x165: {  	_ =	swait.ge @!p0 [sflag:s0], s1  }
0x166: {  	s1 =	ssub.s32 @!p0 $0x0, s1;
	[sflag:s0] =	ssyncset.done @!p0 $0x0  }
0x167: {  	[sflag:s0] =	ssyncadd.s32 @!p0 s1  }
0x168: {  	[bflag:$0x3] =	sbarrier.arrive $0xFFFF  }
0x169: {  	_ =	shalt  }

// kernel: kernel.15.cloned.1.call-start
scs
__scs_entry_jumppad:
0x0: {  	(pc) =	sbr.rel $0x88, $3  }
0x1: {  	(tag) =	ssettag $0x0;
	lr =	simm.s32 $0x1  }
0x2: {  	[smem:$0x3F98] =	sst lr;
	_ =	strace $0xD0000000  }
0x3: {  	_ = 	snop  }
0x4: {  	_ = 	snop  }
0x5: {  	_ = 	snop  }
0x6: {  	_ = 	snop  }
0x7: {  	_ = 	snop  }
__scs_overlays_trampoline_lowered:
0x8: {  	[smem:$0x3FA7] =	sst s0  }
0x9: {  	[smem:$0x3FA8] =	sst s1  }
0xa: {  	[smem:$0x3FA9] =	sst s2  }
0xb: {  	[smem:$0x3FAA] =	sst s3  }
0xc: {  	[smem:$0x3FAB] =	sst s4  }
0xd: {  	[smem:$0x3FAC] =	sst s5  }
0xe: {  	[smem:$0x3FAD] =	sst s6  }
0xf: {  	[smem:$0x3FAE] =	sst s7  }
0x10: {  	[smem:$0x3FAF] =	sst s8  }
0x11: {  	[smem:$0x3FB0] =	sst s9;
	s0 =	simm.s32 @!p0 $0x0  }
0x12: {  	s1 =	sld [smem:$0x3F96];
	s0 =	simm.s32 @p0 $0x1  }
0x13: {  	[smem:$0x3FB1] =	sst s0;
	s0 =	simm.s32 @!p1 $0x0  }
0x14: {  	s2 =	sld [smem:$0x3F95];
	s0 =	simm.s32 @p1 $0x1  }
0x15: {  	[smem:$0x3FB2] =	sst s0;
	s0 =	simm.s32 @!p2 $0x0  }
0x16: {  	s3 =	sld [smem:$0x3FDB];
	s0 =	simm.s32 @p2 $0x1  }
0x17: {  	s4 =	simm.s32 $0x1BF5;
	[smem:$0x3FB4] =	sst s0  }
0x18: {  	s0 =	sld [smem:$0x3F97];
	_ =	swait.ge [sflag:s4], $0x0  }
0x19: {  	s7 =	sld [smem:$0x3F98]  }
0x1a: {  	s8 =	sadd.s32 $0xFFFFE003, lr  }
0x1b: {  	s9 =	sadd.s32 $0xFFFFFEF7, lr;
	s5 =	simm.s32 $0xFFFFFFFF;
	p2 =	slt.u32 s8, $0xFFFFF086  }
0x1c: {  	p1 =	slt.u32 s9, $0xF7A;
	s5 =	simm.s32 @!p2 $0x0  }
0x1d: {  	s5 =	simm.s32 @p1 $0x1;
	p0 =	seq.s32 s7, s2  }
0x1e: {  	s7 =	smul.u32 @!p0 $0xF7A, s2;
	p2 =	seq.s32 @!p0 s5, $0x0  }
0x1f: {  	s9 =	smul.u32 $0xF7A, s1;
	s8 =	simm.s32 @!p0 $0x1BF5;
	p2 =	por !p2, p0  }
0x20: {  	[sflag:s8] =	ssyncset.s32 @!p0 $0xFFFFF086;
	s6 =	sadd.s32 @!p0 s3, s7;
	s7 =	simm.s32 @!p0 $0x108  }
0x21: {  	s3 =	sadd.s32 s3, s9;
	s6 =	sadd.s32 @!p0 $0x88, s6;
	s7 =	simm.s32 @p2 $0x1082  }
0x22: {  	[simem:s7], [sflag:s8] =	dma.local @!p0 [hbm:s6], $0xF7A  }
0x23: {  	s9 =	sor.u32 $0xD0000000, s2;
	s6 =	simm.s32 $0x108;
	_ =	swait.ge @!p0 [sflag:s8], $0x0  }
0x24: {  	s3 =	sadd.s32 $0x88, s3;
	s6 =	simm.s32 @!p1 $0x1082;
	[sflag:s4] =	ssyncset.s32 $0xFFFFF086  }
0x25: {  	[simem:s6], [sflag:s4] =	dma.local [hbm:s3], $0xF7A  }
0x26: {  	[smem:$0x3F98] =	sst s1;
	(tag) =	ssettag s2;
	_ =	strace s9  }
0x27: {  	s1 =	sld [smem:$0x3FA8]  }
0x28: {  	s2 =	sld [smem:$0x3FA9]  }
0x29: {  	s4 =	sld [smem:$0x3FAB]  }
0x2a: {  	p0 =	seq.s32 s5, $0x0;
	s5 =	sld [smem:$0x3FAC]  }
0x2b: {  	s6 =	sld [smem:$0x3FAD]  }
0x2c: {  	s7 =	sld [smem:$0x3FAE]  }
0x2d: {  	s3 =	simm.s32 $0x108;
	s8 =	sld [smem:$0x3FAF]  }
0x2e: {  	s3 =	simm.s32 @!p0 $0x1082;
	s9 =	sld [smem:$0x3FB0]  }
0x2f: {  	lr =	sadd.s32 s0, s3;
	s0 =	sld [smem:$0x3FA7]  }
0x30: {  	s3 =	sld [smem:$0x3FAA]  }
0x31: {  	[smem:$0x3FB3] =	sst s10  }
0x32: {  	s10 =	sld [smem:$0x3FB1];
	_ =	sdelay $0x3  }
0x33: {  	p0 =	seq.s32 s10, $0x1;
	s10 =	sld [smem:$0x3FB3];
	_ =	sdelay $0x3  }
0x34: {  	[smem:$0x3FB3] =	sst s10  }
0x35: {  	s10 =	sld [smem:$0x3FB2];
	_ =	sdelay $0x3  }
0x36: {  	p1 =	seq.s32 s10, $0x1;
	s10 =	sld [smem:$0x3FB3];
	_ =	sdelay $0x3  }
0x37: {  	[smem:$0x3FB3] =	sst s10  }
0x38: {  	s10 =	sld [smem:$0x3FB4]  }
0x39: {  	_ = 	snop;
	(pc) =	sbr.ind lr, $3  }
0x3a: {  	_ = 	snop  }
0x3b: {  	_ = 	snop  }
0x3c: {  	p2 =	seq.s32 s10, $0x1;
	s10 =	sld [smem:$0x3FB3]  }
0x3d: {  	_ =	shalt  }
0x3e: {  	_ =	shalt  }
0x3f: {  	_ =	shalt  }
0x40: {  	_ =	shalt  }
0x41: {  	_ =	shalt  }
0x42: {  	_ =	shalt  }
0x43: {  	_ =	shalt  }
0x44: {  	_ =	shalt  }
0x45: {  	_ =	shalt  }
0x46: {  	_ =	shalt  }
0x47: {  	_ =	shalt  }
0x48: {  	_ =	shalt  }
0x49: {  	_ =	shalt  }
0x4a: {  	_ =	shalt  }
0x4b: {  	_ =	shalt  }
0x4c: {  	_ =	shalt  }
0x4d: {  	_ =	shalt  }
0x4e: {  	_ =	shalt  }
0x4f: {  	_ =	shalt  }
0x50: {  	_ =	shalt  }
0x51: {  	_ =	shalt  }
0x52: {  	_ =	shalt  }
0x53: {  	_ =	shalt  }
0x54: {  	_ =	shalt  }
0x55: {  	_ =	shalt  }
0x56: {  	_ =	shalt  }
0x57: {  	_ =	shalt  }
0x58: {  	_ =	shalt  }
0x59: {  	_ =	shalt  }
0x5a: {  	_ =	shalt  }
0x5b: {  	_ =	shalt  }
0x5c: {  	_ =	shalt  }
0x5d: {  	_ =	shalt  }
0x5e: {  	_ =	shalt  }
0x5f: {  	_ =	shalt  }
0x60: {  	_ =	shalt  }
0x61: {  	_ =	shalt  }
0x62: {  	_ =	shalt  }
0x63: {  	_ =	shalt  }
0x64: {  	_ =	shalt  }
0x65: {  	_ =	shalt  }
0x66: {  	_ =	shalt  }
0x67: {  	_ =	shalt  }
0x68: {  	_ =	shalt  }
0x69: {  	_ =	shalt  }
0x6a: {  	_ =	shalt  }
0x6b: {  	_ =	shalt  }
0x6c: {  	_ =	shalt  }
0x6d: {  	_ =	shalt  }
0x6e: {  	_ =	shalt  }
0x6f: {  	_ =	shalt  }
0x70: {  	_ =	shalt  }
0x71: {  	_ =	shalt  }
0x72: {  	_ =	shalt  }
0x73: {  	_ =	shalt  }
0x74: {  	_ =	shalt  }
0x75: {  	_ =	shalt  }
0x76: {  	_ =	shalt  }
0x77: {  	_ =	shalt  }
0x78: {  	_ =	shalt  }
0x79: {  	_ =	shalt  }
0x7a: {  	_ =	shalt  }
0x7b: {  	_ =	shalt  }
0x7c: {  	_ =	shalt  }
0x7d: {  	_ =	shalt  }
0x7e: {  	_ =	shalt  }
0x7f: {  	_ =	shalt  }
0x80: {  	_ =	shalt  }
0x81: {  	_ =	shalt  }
0x82: {  	_ =	shalt  }
0x83: {  	_ =	shalt  }
0x84: {  	_ =	shalt  }
0x85: {  	_ =	shalt  }
0x86: {  	_ =	shalt  }
0x87: {  	_ =	shalt  }
.Lfunc_end0:
.L_simem_size_0:
called_computation.2_lowered:
.L_overlay_start_0:
0x88: {  	s2 =	sld [smem:$0x3FD9]  }
0x89: {  	s3 =	sld [smem:$0x3FFE];
	_ =	sdelay $0x1  }
0x8a: {  	s1 =	srdreg.scid  }
0x8b: {  	s0 =	sand.u32 $0x1, s1  }
0x8c: {  	s17 =	sshll.u32 s0, $0xA;
	s2 =	sadd.s32 s3, s2  }
0x8d: {  	s2 =	sadd.s32 s2, s17  }
0x8e: {  	[smem:$0x3FBF] =	sst s2  }
0x8f: {  	_ = 	snop  }
0x90: {  	s2 =	sld [smem:$0x3FD0];
	(tm) =	ssettm $0x1  }
0x91: {  	s18 =	sld [smem:$0x3FFB];
	_ =	sdelay $0x3  }
0x92: {  	_ =	strace s18  }
0x93: {  	s3 =	sld [smem:$0x3FFC];
	_ =	sdelay $0x3  }
0x94: {  	_ =	strace s3  }
0x95: {  	s3 =	sld [smem:$0x3FFD];
	_ =	sdelay $0x3  }
0x96: {  	_ =	strace s3  }
0x97: {  	_ =	strace $0x8FFFFFFF  }
0x98: {  	s19 =	sld [smem:$0x3FDB];
	_ =	sdelay $0x1  }
0x99: {  	s4 =	simm.s32 $_scs_section_size  }
0x9a: {  	s5 =	simm.s32 $_size__tile_overlayer_lowered;
	s6 =	simm.s32 $_tile_overlayer_lowered  }
0x9b: {  	s22 =	simm.s32 $0x1BFF;
	s21 =	sshll.u32 s6, $0x1;
	s3 =	sadd.s32 s4, s19  }
0x9c: {  	s7 =	simm.s32 $0x0;
	s20 =	sshll.u32 s5, $0x1;
	s5 =	sadd.s32 s21, s3  }
0x9d: {  	[timem:s7], [sflag:s22] =	dma.local [hbm:s5], s20  }
0x9e: {  	_ =	swait.ge [sflag:s22], s20  }
0x9f: {  	s4 =	ssub.s32 $0x0, s20;
	[sflag:s22] =	ssyncset.done $0x0  }
0xa0: {  	[sflag:s22] =	ssyncadd.s32 s4;
	_ =	sdelay $0x1  }
0xa1: {  	s23 =	simm.s32 $0x1B8B  }
0xa2: {  	_ =	swait.ge [sflag:s23], $0x1  }
0xa3: {  	[sflag:s23] =	ssyncset.done $0x0  }
0xa4: {  	s25 =	simm.s32 $0x1B8E;
	s24 =	sld [smem:$0x3FFE];
	[sflag:s23] =	ssyncadd.s32 $0xFFFFFFFF  }
0xa5: {  	s26 =	simm.s32 $execute0_lowered;
	[smem:$0x3FD2] =	sst s25  }
0xa6: {  	s5 =	sshll.u32 s26, $0x1;
	_ =	strace $0x8000004C;
	[dreg:$0x1] =	wrdreg $0xFFFFFFFF  }
0xa7: {  	s28 =	simm.s32 $_size_execute0_lowered;
	s3 =	sadd.s32 s3, s5;
	[dreg:$0x0] =	wrdreg $0x0  }
0xa8: {  	s5 =	sshll.u32 s28, $0x1;
	[dreg:$0x2] =	wrdreg s3  }
0xa9: {  	[dreg:$0x3] =	wrdreg s5  }
0xaa: {  	[dreg:$0x4] =	wrdreg $0xC0  }
0xab: {  	_ =	task [dreg:s7], $0x5FFFF  }
0xac: {  	[dreg:$0x1] =	wrdreg $0xFFFFFFFF  }
0xad: {  	[dreg:$0x0] =	wrdreg $0x60  }
0xae: {  	[dreg:$0x2] =	wrdreg s24  }
0xaf: {  	[dreg:$0x3] =	wrdreg s2  }
0xb0: {  	[dreg:$0x4] =	wrdreg $0xA8000  }
0xb1: {  	[dreg:$0x5] =	wrdreg $0x9  }
0xb2: {  	_ =	task.clear_ibuf [dreg:s7], $0x6FFFF;
	_ =	strace $0x9000004C  }
0xb3: {  	s29 =	simm.s32 $0x9;
	_ =	strace $0x8000004E  }
0xb4: {  	_ =	swait.ge [sflag:s29], $0x1  }
0xb5: {  	[sflag:s29] =	ssyncadd.s32 $0xFFFFFFFF  }
0xb6: {  	_ =	strace $0x9000004E  }
0xb7: {  	_ =	sfence  }
0xb8: {  	s30 =	sld [smem:$0x0];
	_ =	sdelay $0x2  }
0xb9: {  	s31 =	sshll.u32 s1, $0xD;
	s1 =	sshrl.u32 s1, $0x2  }
0xba: {  	s3 =	sand.u32 $0x4000, s31;
	s1 =	sadd.s32 s1, s30  }
0xbb: {  	s0 =	sor.u32 s3, s0;
	s1 =	sshll.u32 s1, $0x11  }
0xbc: {  	s0 =	sor.u32 s1, s0  }
0xbd: {  	s0 =	sadd.s32 $0x8F2B, s0  }
0xbe: {  	[sflag:s0] =	ssyncadd.remote.s32 $0x1  }
0xbf: {  	_ =	sfence.sel $0xFFFF  }
0xc0: {  	[dreg:$0x0] =	wrdreg $0xFFFFFFFF;
	(pc) =	sbr.abs _section_cstart, $3  }
0xc1: {  	[dreg:$0x1] =	wrdreg $0xFFFFFFFF  }
0xc2: {  	_ =	task.clear_ibuf [dreg:s7], $0x2FFFF;
	_ =	strace $0x9FFFFFFF  }
0xc3: {  	(tm) =	ssettm $0x7FFFFFFF  }
tec
execute0_lowered:
.L_overlay_start_1:
0x0: {  	(tag) =	ssettag $0x1  }
0x1: {  	s5 =	rddreg [dreg:$0x0]  }
0x2: {  	s1 =	rddreg [dreg:$0x1]  }
0x3: {  	s2 =	rddreg [dreg:$0x2];
	s3 =	srdreg.scid  }
0x4: {  	s0 =	rddreg [dreg:$0x3];
	s4 =	simm.s32 $0x0;
	s16 =	simm.s32 $0x80  }
0x5: {  	s17 =	simm.s32 $0x2800;
	s18 =	simm.s32 $0x6800;
	s19 =	simm.s32 $0x1  }
0x6: {  	s20 =	simm.s32 $0x2;
	s21 =	simm.s32 $0x1380;
	s22 =	simm.s32 $0x2700  }
0x7: {  	s23 =	simm.s32 $0x2780;
	s6 =	sand.u32 $0x1, s3;
	s3 =	stileid.u32  }
0x8: {  	s24 =	simm.s32 $0x0;
	[smem:$0x7FF] =	sst s4;
	s7 =	smul.u32 $0x140000, s6  }
0x9: {  	s9 =	sadd.s32 $0x23200, s5;
	s10 =	sadd.s32 $0x2D200, s5;
	s8 =	smul.u32 $0x14000, s3  }
0xa: {  	_ =	strace $0x8000004D;
	s25 =	sshll.u32 s3, $0x1;
	s11 =	ssub.s32 $0x2, s6  }
0xb: {  	s12 =	smul.u32 $0x50000, s3;
	s29 =	sshll.u32 s3, $0x6;
	s6 =	sor.u32 s6, s25  }
0xc: {  	s26 =	sshrl.u32 s11, $0x1;
	s7 =	sadd.s32 s8, s7;
	s6 =	smul.u32 $0x2800, s6  }
0xd: {  	s14 =	ssub.s32 s11, s26;
	s28 =	sshrl.u32 s12, $0x2;
	s7 =	sshrl.u32 s7, $0x3  }
0xe: {  	s15 =	sadd.s32 s28, s2;
	s12 =	smax.u32 s14, $0x1;
	s14 =	simm.s32 $0x3  }
0xf: {  	s13 =	sadd.s32 s7, s5;
	s30 =	sshrl.u32 s6, $0x3;
	s5 =	sadd.s32 s1, s7  }
0x10: {  	s6 =	sor.u32 $0x1C03, s29;
	s31 =	sadd.s32 $0x280, s30;
	s7 =	sadd.s32 s9, s30  }
0x11: {  	s8 =	sadd.s32 s10, s30;
	s11 =	sadd.s32 $0x37200, s13;
	s13 =	sshrl.u32 s15, $0x3  }
0x12: {  	s15 =	simm.s32 $0x1400;
	s9 =	sadd.s32 s9, s31;
	s10 =	sadd.s32 s10, s31  }
.LBB2_1:
0x13: {  	[spmem:s13], [sflag:s6] =	dma.local [hbm:s5], $0x2800  }
0x14: {  	_ =	swait.ge [sflag:s14], $0x2800  }
0x15: {  	[sflag:s14] =	ssyncset.done $0x0  }
0x16: {  	[sflag:s14] =	ssyncadd.s32 $0xFFFFD800  }
0x17: {  	[bflag:$0x0] =	sbarrier.arrive $0xFFFF  }
0x18: {  	[tilespmem:s4], [sflag:$0x3] =	stream.linear.gather [hbm4b:s7+s4], $0x1400, $0x38;
	[tilespmem:$0x1E800] =	vst v63  }
0x19: {  	_ =	swait.ge [sflag:s14], $0x1400  }
0x1a: {  	[sflag:s14] =	ssyncset.done $0x0  }
0x1b: {  	[sflag:s14] =	ssyncadd.s32 $0xFFFFEC00  }
0x1c: {  	[tilespmem:s15], [sflag:$0x3] =	stream.linear.gather [hbm4b:s8+s4], $0x1400, $0x38;
	[tilespmem:$0x1E800] =	vst v63  }
0x1d: {  	_ =	swait.ge [sflag:s14], $0x1400  }
0x1e: {  	[sflag:s14] =	ssyncset.done $0x0  }
0x1f: {  	[sflag:s14] =	ssyncadd.s32 $0xFFFFEC00  }
0x20: {  	[tilespmem:s17], [sflag:$0x1] =	stream.indirect.gather [hbm4b:s1+s16], $0x80, s4, s16, $0xb8;
	[tilespmem:$0x1E800] =	vst v63  }
0x21: {  	s25 =	simm.s32 $0x80  }
0x22: {  	[tilespmem:s18], [sflag:$0x2] =	stream.indirect.gather [hbm4b:s1+s16], $0x80, s25, s16, $0xb8;
	[tilespmem:$0x1E800] =	vst v63  }
0x23: {  	_ =	swait.ge [sflag:s19], $0x4000  }
0x24: {  	[sflag:s19] =	ssyncset.done $0x0  }
0x25: {  	s29 =	simm.s32 $0x1400;
	[sflag:s19] =	ssyncadd.s32 $0xFFFFC000  }
0x26: {  	[spmem:s2] =	stream.indirect.scatter.add.f32 [tilespmem:s17], [sflag:$0x3], $0x80, s29, s16, $0xb8;
	[tilespmem:$0x1E800] =	vst v63  }
0x27: {  	_ =	swait.ge [sflag:s14], $0x4000  }
0x28: {  	[sflag:s14] =	ssyncset.done $0x0  }
0x29: {  	s30 =	simm.s32 $0x100;
	[sflag:s14] =	ssyncadd.s32 $0xFFFFC000  }
0x2a: {  	[tilespmem:s17], [sflag:$0x1] =	stream.indirect.gather [hbm4b:s1+s16], $0x80, s30, s16, $0xb8;
	[tilespmem:$0x1E800] =	vst v63  }
0x2b: {  	_ =	swait.ge [sflag:s20], $0x4000  }
0x2c: {  	[sflag:s20] =	ssyncset.done $0x0  }
0x2d: {  	s31 =	simm.s32 $0x1480;
	[sflag:s20] =	ssyncadd.s32 $0xFFFFC000  }
0x2e: {  	[spmem:s2] =	stream.indirect.scatter.add.f32 [tilespmem:s18], [sflag:$0x3], $0x80, s31, s16, $0xb8;
	[tilespmem:$0x1E800] =	vst v63  }
0x2f: {  	_ =	swait.ge [sflag:s14], $0x4000  }
0x30: {  	s26 =	simm.s32 $0x800;
	s25 =	simm.s32 $0x100;
	[sflag:s14] =	ssyncset.done $0x0  }
.LBB2_2:
0x31: {  	s28 =	sadd.s32 $0x80, s25  }
0x32: {  	[sflag:s14] =	ssyncadd.s32 $0xFFFFC000;
	s29 =	smov.u32 s26;
	s30 =	sadd.s32 $0x400, s26  }
0x33: {  	[tilespmem:s18], [sflag:$0x2] =	stream.indirect.gather [hbm4b:s1+s16], $0x80, s28, s16, $0xb8;
	[tilespmem:$0x1E800] =	vst v63  }
0x34: {  	p0 =	sne.s32 s26, $0x4800;
	_ =	swait.ge [sflag:s19], $0x4000  }
0x35: {  	[sflag:s19] =	ssyncset.done $0x0  }
0x36: {  	s26 =	sadd.s32 $0x1400, s25;
	[sflag:s19] =	ssyncadd.s32 $0xFFFFC000  }
0x37: {  	[spmem:s2] =	stream.indirect.scatter.add.f32 [tilespmem:s17], [sflag:$0x3], $0x80, s26, s16, $0xb8;
	[tilespmem:$0x1E800] =	vst v63  }
0x38: {  	_ =	swait.ge [sflag:s14], $0x4000  }
0x39: {  	[sflag:s14] =	ssyncset.done $0x0  }
0x3a: {  	s26 =	sadd.s32 $0x100, s25;
	[sflag:s14] =	ssyncadd.s32 $0xFFFFC000  }
0x3b: {  	[tilespmem:s17], [sflag:$0x1] =	stream.indirect.gather [hbm4b:s1+s16], $0x80, s26, s16, $0xb8;
	[tilespmem:$0x1E800] =	vst v63  }
0x3c: {  	_ =	swait.ge [sflag:s20], $0x4000  }
.Ltmp0:
0x3d: {  	[sflag:s20] =	ssyncset.done $0x0;
	(pc) =	sbr.rel @p0 .LBB2_2-.Ltmp0, $4  }
0x3e: {  	s25 =	sadd.s32 $0x1480, s25;
	[sflag:s20] =	ssyncadd.s32 $0xFFFFC000  }
0x3f: {  	[spmem:s2] =	stream.indirect.scatter.add.f32 [tilespmem:s18], [sflag:$0x3], $0x80, s25, s16, $0xb8;
	[tilespmem:$0x1E800] =	vst v63  }
0x40: {  	_ =	swait.ge [sflag:s14], $0x4000  }
0x41: {  	s26 =	smov.u32 s30;
	s25 =	sshra.s32 s29, $0x2;
	[sflag:s14] =	ssyncset.done $0x0  }
0x42: {  	s26 =	sadd.s32 $0x80, s25;
	[sflag:s14] =	ssyncadd.s32 $0xFFFFC000  }
0x43: {  	[tilespmem:s18], [sflag:$0x2] =	stream.indirect.gather [hbm4b:s1+s16], $0x80, s26, s16, $0xb8;
	[tilespmem:$0x1E800] =	vst v63  }
0x44: {  	_ =	swait.ge [sflag:s19], $0x4000  }
0x45: {  	[sflag:s19] =	ssyncset.done $0x0  }
0x46: {  	s29 =	sadd.s32 $0x1400, s25;
	[sflag:s19] =	ssyncadd.s32 $0xFFFFC000  }
0x47: {  	[spmem:s2] =	stream.indirect.scatter.add.f32 [tilespmem:s17], [sflag:$0x3], $0x80, s29, s16, $0xb8;
	[tilespmem:$0x1E800] =	vst v63  }
0x48: {  	_ =	swait.ge [sflag:s14], $0x4000  }
0x49: {  	[sflag:s14] =	ssyncset.done $0x0  }
0x4a: {  	s30 =	sadd.s32 $0x100, s25;
	[sflag:s14] =	ssyncadd.s32 $0xFFFFC000  }
0x4b: {  	[tilespmem:s17], [sflag:$0x1] =	stream.indirect.gather [hbm4b:s1+s16], $0x80, s30, s16, $0xb8;
	[tilespmem:$0x1E800] =	vst v63  }
0x4c: {  	_ =	swait.ge [sflag:s20], $0x4000  }
0x4d: {  	[sflag:s20] =	ssyncset.done $0x0  }
0x4e: {  	s31 =	sadd.s32 $0x1480, s25;
	[sflag:s20] =	ssyncadd.s32 $0xFFFFC000  }
0x4f: {  	[spmem:s2] =	stream.indirect.scatter.add.f32 [tilespmem:s18], [sflag:$0x3], $0x80, s31, s16, $0xb8;
	[tilespmem:$0x1E800] =	vst v63  }
0x50: {  	_ =	swait.ge [sflag:s14], $0x4000  }
0x51: {  	[sflag:s14] =	ssyncset.done $0x0  }
0x52: {  	[sflag:s14] =	ssyncadd.s32 $0xFFFFC000  }
0x53: {  	[tilespmem:s18], [sflag:$0x2] =	stream.indirect.gather [hbm4b:s1+s16], $0x80, s21, s16, $0xb8;
	[tilespmem:$0x1E800] =	vst v63  }
0x54: {  	_ =	swait.ge [sflag:s19], $0x4000  }
0x55: {  	[sflag:s19] =	ssyncset.done $0x0  }
0x56: {  	[sflag:s19] =	ssyncadd.s32 $0xFFFFC000  }
0x57: {  	[spmem:s2] =	stream.indirect.scatter.add.f32 [tilespmem:s17], [sflag:$0x3], $0x80, s22, s16, $0xb8;
	[tilespmem:$0x1E800] =	vst v63  }
0x58: {  	_ =	swait.ge [sflag:s14], $0x4000  }
0x59: {  	[sflag:s14] =	ssyncset.done $0x0  }
0x5a: {  	[sflag:s14] =	ssyncadd.s32 $0xFFFFC000  }
0x5b: {  	[tilespmem:s17], [sflag:$0x1] =	stream.indirect.gather [hbm4b:s1+s16], $0x80, s21, s16, $0xb8;
	[tilespmem:$0x1E800] =	vst v63  }
0x5c: {  	_ =	swait.ge [sflag:s20], $0x4000  }
0x5d: {  	[sflag:s20] =	ssyncset.done $0x0  }
0x5e: {  	[sflag:s20] =	ssyncadd.s32 $0xFFFFC000  }
0x5f: {  	[spmem:s2] =	stream.indirect.scatter.add.f32 [tilespmem:s18], [sflag:$0x3], $0x80, s23, s16, $0xb8;
	[tilespmem:$0x1E800] =	vst v63  }
0x60: {  	_ =	swait.ge [sflag:s14], $0x4000  }
0x61: {  	[sflag:s14] =	ssyncset.done $0x0  }
0x62: {  	[sflag:s14] =	ssyncadd.s32 $0xFFFFC000  }
0x63: {  	_ =	swait.ge [sflag:s19], $0x4000  }
0x64: {  	[sflag:s19] =	ssyncset.done $0x0  }
0x65: {  	s26 =	simm.s32 $0x0;
	[sflag:s19] =	ssyncadd.s32 $0xFFFFC000  }
0x66: {  	[tilespmem:s26], [sflag:$0x3] =	stream.linear.gather [hbm4b:s9+s26], $0x1400, $0x38;
	[tilespmem:$0x1E800] =	vst v63  }
0x67: {  	_ =	swait.ge [sflag:s14], $0x1400  }
0x68: {  	[sflag:s14] =	ssyncset.done $0x0  }
0x69: {  	[sflag:s14] =	ssyncadd.s32 $0xFFFFEC00  }
0x6a: {  	[tilespmem:s15], [sflag:$0x3] =	stream.linear.gather [hbm4b:s10+s26], $0x1400, $0x38;
	[tilespmem:$0x1E800] =	vst v63  }
0x6b: {  	_ =	swait.ge [sflag:s14], $0x1400  }
0x6c: {  	[sflag:s14] =	ssyncset.done $0x0  }
0x6d: {  	[sflag:s14] =	ssyncadd.s32 $0xFFFFEC00  }
0x6e: {  	[tilespmem:s17], [sflag:$0x1] =	stream.indirect.gather [hbm4b:s1+s16], $0x80, s26, s16, $0xb8;
	[tilespmem:$0x1E800] =	vst v63  }
0x6f: {  	s28 =	simm.s32 $0x80  }
0x70: {  	[tilespmem:s18], [sflag:$0x2] =	stream.indirect.gather [hbm4b:s1+s16], $0x80, s28, s16, $0xb8;
	[tilespmem:$0x1E800] =	vst v63  }
0x71: {  	_ =	swait.ge [sflag:s19], $0x4000  }
0x72: {  	[sflag:s19] =	ssyncset.done $0x0  }
0x73: {  	s29 =	simm.s32 $0x1400;
	[sflag:s19] =	ssyncadd.s32 $0xFFFFC000  }
0x74: {  	[spmem:s2] =	stream.indirect.scatter.add.f32 [tilespmem:s17], [sflag:$0x3], $0x80, s29, s16, $0xb8;
	[tilespmem:$0x1E800] =	vst v63  }
0x75: {  	_ =	swait.ge [sflag:s14], $0x4000  }
0x76: {  	[sflag:s14] =	ssyncset.done $0x0  }
0x77: {  	s30 =	simm.s32 $0x100;
	[sflag:s14] =	ssyncadd.s32 $0xFFFFC000  }
0x78: {  	[tilespmem:s17], [sflag:$0x1] =	stream.indirect.gather [hbm4b:s1+s16], $0x80, s30, s16, $0xb8;
	[tilespmem:$0x1E800] =	vst v63  }
0x79: {  	_ =	swait.ge [sflag:s20], $0x4000  }
0x7a: {  	[sflag:s20] =	ssyncset.done $0x0  }
0x7b: {  	s31 =	simm.s32 $0x1480;
	[sflag:s20] =	ssyncadd.s32 $0xFFFFC000  }
0x7c: {  	[spmem:s2] =	stream.indirect.scatter.add.f32 [tilespmem:s18], [sflag:$0x3], $0x80, s31, s16, $0xb8;
	[tilespmem:$0x1E800] =	vst v63  }
0x7d: {  	_ =	swait.ge [sflag:s14], $0x4000  }
0x7e: {  	s25 =	simm.s32 $0x100;
	s26 =	simm.s32 $0x800;
	[sflag:s14] =	ssyncset.done $0x0  }
.LBB2_4:
0x7f: {  	s28 =	sadd.s32 $0x80, s25  }
0x80: {  	[sflag:s14] =	ssyncadd.s32 $0xFFFFC000;
	s29 =	smov.u32 s26;
	s30 =	sadd.s32 $0x400, s26  }
0x81: {  	[tilespmem:s18], [sflag:$0x2] =	stream.indirect.gather [hbm4b:s1+s16], $0x80, s28, s16, $0xb8;
	[tilespmem:$0x1E800] =	vst v63  }
0x82: {  	p0 =	sne.s32 s26, $0x4800;
	_ =	swait.ge [sflag:s19], $0x4000  }
0x83: {  	[sflag:s19] =	ssyncset.done $0x0  }
0x84: {  	s26 =	sadd.s32 $0x1400, s25;
	[sflag:s19] =	ssyncadd.s32 $0xFFFFC000  }
0x85: {  	[spmem:s2] =	stream.indirect.scatter.add.f32 [tilespmem:s17], [sflag:$0x3], $0x80, s26, s16, $0xb8;
	[tilespmem:$0x1E800] =	vst v63  }
0x86: {  	_ =	swait.ge [sflag:s14], $0x4000  }
0x87: {  	[sflag:s14] =	ssyncset.done $0x0  }
0x88: {  	s26 =	sadd.s32 $0x100, s25;
	[sflag:s14] =	ssyncadd.s32 $0xFFFFC000  }
0x89: {  	[tilespmem:s17], [sflag:$0x1] =	stream.indirect.gather [hbm4b:s1+s16], $0x80, s26, s16, $0xb8;
	[tilespmem:$0x1E800] =	vst v63  }
0x8a: {  	_ =	swait.ge [sflag:s20], $0x4000  }
.Ltmp1:
0x8b: {  	[sflag:s20] =	ssyncset.done $0x0;
	(pc) =	sbr.rel @p0 .LBB2_4-.Ltmp1, $4  }
0x8c: {  	s25 =	sadd.s32 $0x1480, s25;
	[sflag:s20] =	ssyncadd.s32 $0xFFFFC000  }
0x8d: {  	[spmem:s2] =	stream.indirect.scatter.add.f32 [tilespmem:s18], [sflag:$0x3], $0x80, s25, s16, $0xb8;
	[tilespmem:$0x1E800] =	vst v63  }
0x8e: {  	_ =	swait.ge [sflag:s14], $0x4000  }
0x8f: {  	s26 =	smov.u32 s30;
	s25 =	sshra.s32 s29, $0x2;
	[sflag:s14] =	ssyncset.done $0x0  }
0x90: {  	s26 =	sadd.s32 $0x80, s25;
	[sflag:s14] =	ssyncadd.s32 $0xFFFFC000  }
0x91: {  	[tilespmem:s18], [sflag:$0x2] =	stream.indirect.gather [hbm4b:s1+s16], $0x80, s26, s16, $0xb8;
	[tilespmem:$0x1E800] =	vst v63  }
0x92: {  	_ =	swait.ge [sflag:s19], $0x4000  }
0x93: {  	[sflag:s19] =	ssyncset.done $0x0  }
0x94: {  	s29 =	sadd.s32 $0x1400, s25;
	[sflag:s19] =	ssyncadd.s32 $0xFFFFC000  }
0x95: {  	[spmem:s2] =	stream.indirect.scatter.add.f32 [tilespmem:s17], [sflag:$0x3], $0x80, s29, s16, $0xb8;
	[tilespmem:$0x1E800] =	vst v63  }
0x96: {  	_ =	swait.ge [sflag:s14], $0x4000  }
0x97: {  	[sflag:s14] =	ssyncset.done $0x0  }
0x98: {  	s30 =	sadd.s32 $0x100, s25;
	[sflag:s14] =	ssyncadd.s32 $0xFFFFC000  }
0x99: {  	[tilespmem:s17], [sflag:$0x1] =	stream.indirect.gather [hbm4b:s1+s16], $0x80, s30, s16, $0xb8;
	[tilespmem:$0x1E800] =	vst v63  }
0x9a: {  	_ =	swait.ge [sflag:s20], $0x4000  }
0x9b: {  	[sflag:s20] =	ssyncset.done $0x0  }
0x9c: {  	s31 =	sadd.s32 $0x1480, s25;
	[sflag:s20] =	ssyncadd.s32 $0xFFFFC000  }
0x9d: {  	[spmem:s2] =	stream.indirect.scatter.add.f32 [tilespmem:s18], [sflag:$0x3], $0x80, s31, s16, $0xb8;
	[tilespmem:$0x1E800] =	vst v63  }
0x9e: {  	_ =	swait.ge [sflag:s14], $0x4000  }
0x9f: {  	[sflag:s14] =	ssyncset.done $0x0  }
0xa0: {  	[sflag:s14] =	ssyncadd.s32 $0xFFFFC000  }
0xa1: {  	[tilespmem:s18], [sflag:$0x2] =	stream.indirect.gather [hbm4b:s1+s16], $0x80, s21, s16, $0xb8;
	[tilespmem:$0x1E800] =	vst v63  }
0xa2: {  	_ =	swait.ge [sflag:s19], $0x4000  }
0xa3: {  	[sflag:s19] =	ssyncset.done $0x0  }
0xa4: {  	[sflag:s19] =	ssyncadd.s32 $0xFFFFC000  }
0xa5: {  	[spmem:s2] =	stream.indirect.scatter.add.f32 [tilespmem:s17], [sflag:$0x3], $0x80, s22, s16, $0xb8;
	[tilespmem:$0x1E800] =	vst v63  }
0xa6: {  	_ =	swait.ge [sflag:s14], $0x4000  }
0xa7: {  	[sflag:s14] =	ssyncset.done $0x0  }
0xa8: {  	[sflag:s14] =	ssyncadd.s32 $0xFFFFC000  }
0xa9: {  	[tilespmem:s17], [sflag:$0x1] =	stream.indirect.gather [hbm4b:s1+s16], $0x80, s21, s16, $0xb8;
	[tilespmem:$0x1E800] =	vst v63  }
0xaa: {  	_ =	swait.ge [sflag:s20], $0x4000  }
0xab: {  	[sflag:s20] =	ssyncset.done $0x0  }
0xac: {  	[sflag:s20] =	ssyncadd.s32 $0xFFFFC000  }
0xad: {  	[spmem:s2] =	stream.indirect.scatter.add.f32 [tilespmem:s18], [sflag:$0x3], $0x80, s23, s16, $0xb8;
	[tilespmem:$0x1E800] =	vst v63  }
0xae: {  	_ =	swait.ge [sflag:s14], $0x4000  }
0xaf: {  	[sflag:s14] =	ssyncset.done $0x0  }
0xb0: {  	[sflag:s14] =	ssyncadd.s32 $0xFFFFC000  }
0xb1: {  	_ =	swait.ge [sflag:s19], $0x4000  }
0xb2: {  	s24 =	sadd.s32 $0x1, s24;
	[sflag:s19] =	ssyncset.done $0x0  }
0xb3: {  	p0 =	sne.s32 s24, s12;
	[sflag:s19] =	ssyncadd.s32 $0xFFFFC000  }
.Ltmp2:
0xb4: {  	[bflag:$0x0] =	sbarrier.arrive $0xFFFF;
	(pc) =	sbr.rel @p0 .LBB2_1-.Ltmp2, $4  }
0xb5: {  	[hbm:s11], [sflag:s6] =	dma.local [spmem:s13], $0x2800  }
0xb6: {  	_ =	swait.ge [sflag:s14], $0x2800  }
0xb7: {  	[sflag:s14] =	ssyncset.done $0x0  }
0xb8: {  	[sflag:s14] =	ssyncadd.s32 $0xFFFFD800  }
0xb9: {  	_ =	sfence.sel $0x180000  }
0xba: {  	[bflag:$0x0] =	sbarrier.arrive $0xFFFF  }
0xbb: {  	p0 =	sne.s32 s3, $0x0;
	_ =	strace $0x9000004D  }
0xbc: {  	s0 =	sadd.s32 @!p0 $0x100000, s0;
	[bflag:$0x2] =	sbarrier.arrive $0xFFFF  }
0xbd: {  	[sflag:s0] =	ssyncadd.tile.s32 @!p0 $0x1;
	_ =	shalt  }
.Lfunc_end2:
_tile_overlayer_lowered:
.L_overlay_start_2:
0xbe: {  	(tag) =	ssettag $0x2  }
0xbf: {  	s0 =	rddreg [dreg:$0x0];
	s2 =	stileid.u32  }
0xc0: {  	s1 =	rddreg [dreg:$0x1];
	p0 =	sne.s32 s2, $0x0  }
0xc1: {  	s3 =	rddreg [dreg:$0x2];
	[bflag:$0x3] =	sbarrier.arrive $0xFFFF;
	s2 =	simm.s32 @!p0 $0x1C03  }
0xc2: {  	[timem:s3], [sflag:s2] =	dma.local @!p0 [hbm:s0], s1  }
0xc3: {  	s0 =	simm.s32 @!p0 $0x3  }
0xc4: {  	_ =	swait.ge @!p0 [sflag:s0], s1  }
0xc5: {  	s1 =	ssub.s32 @!p0 $0x0, s1;
	[sflag:s0] =	ssyncset.done @!p0 $0x0  }
0xc6: {  	[sflag:s0] =	ssyncadd.s32 @!p0 s1  }
0xc7: {  	[bflag:$0x3] =	sbarrier.arrive $0xFFFF  }
0xc8: {  	_ =	shalt  }

// kernel: kernel.9.cloned.1.call-start
scs
__scs_entry_jumppad:
0x0: {  	(pc) =	sbr.rel $0x88, $3  }
0x1: {  	(tag) =	ssettag $0x0;
	lr =	simm.s32 $0x1  }
0x2: {  	[smem:$0x3F98] =	sst lr;
	_ =	strace $0xD0000000  }
0x3: {  	_ = 	snop  }
0x4: {  	_ = 	snop  }
0x5: {  	_ = 	snop  }
0x6: {  	_ = 	snop  }
0x7: {  	_ = 	snop  }
__scs_overlays_trampoline_lowered:
0x8: {  	[smem:$0x3FA7] =	sst s0  }
0x9: {  	[smem:$0x3FA8] =	sst s1  }
0xa: {  	[smem:$0x3FA9] =	sst s2  }
0xb: {  	[smem:$0x3FAA] =	sst s3  }
0xc: {  	[smem:$0x3FAB] =	sst s4  }
0xd: {  	[smem:$0x3FAC] =	sst s5  }
0xe: {  	[smem:$0x3FAD] =	sst s6  }
0xf: {  	[smem:$0x3FAE] =	sst s7  }
0x10: {  	[smem:$0x3FAF] =	sst s8  }
0x11: {  	[smem:$0x3FB0] =	sst s9;
	s0 =	simm.s32 @!p0 $0x0  }
0x12: {  	s1 =	sld [smem:$0x3F96];
	s0 =	simm.s32 @p0 $0x1  }
0x13: {  	[smem:$0x3FB1] =	sst s0;
	s0 =	simm.s32 @!p1 $0x0  }
0x14: {  	s2 =	sld [smem:$0x3F95];
	s0 =	simm.s32 @p1 $0x1  }
0x15: {  	[smem:$0x3FB2] =	sst s0;
	s0 =	simm.s32 @!p2 $0x0  }
0x16: {  	s3 =	sld [smem:$0x3FDB];
	s0 =	simm.s32 @p2 $0x1  }
0x17: {  	s4 =	simm.s32 $0x1BF5;
	[smem:$0x3FB4] =	sst s0  }
0x18: {  	s0 =	sld [smem:$0x3F97];
	_ =	swait.ge [sflag:s4], $0x0  }
0x19: {  	s7 =	sld [smem:$0x3F98]  }
0x1a: {  	s8 =	sadd.s32 $0xFFFFE003, lr  }
0x1b: {  	s9 =	sadd.s32 $0xFFFFFEF7, lr;
	s5 =	simm.s32 $0xFFFFFFFF;
	p2 =	slt.u32 s8, $0xFFFFF086  }
0x1c: {  	p1 =	slt.u32 s9, $0xF7A;
	s5 =	simm.s32 @!p2 $0x0  }
0x1d: {  	s5 =	simm.s32 @p1 $0x1;
	p0 =	seq.s32 s7, s2  }
0x1e: {  	s7 =	smul.u32 @!p0 $0xF7A, s2;
	p2 =	seq.s32 @!p0 s5, $0x0  }
0x1f: {  	s9 =	smul.u32 $0xF7A, s1;
	s8 =	simm.s32 @!p0 $0x1BF5;
	p2 =	por !p2, p0  }
0x20: {  	[sflag:s8] =	ssyncset.s32 @!p0 $0xFFFFF086;
	s6 =	sadd.s32 @!p0 s3, s7;
	s7 =	simm.s32 @!p0 $0x108  }
0x21: {  	s3 =	sadd.s32 s3, s9;
	s6 =	sadd.s32 @!p0 $0x88, s6;
	s7 =	simm.s32 @p2 $0x1082  }
0x22: {  	[simem:s7], [sflag:s8] =	dma.local @!p0 [hbm:s6], $0xF7A  }
0x23: {  	s9 =	sor.u32 $0xD0000000, s2;
	s6 =	simm.s32 $0x108;
	_ =	swait.ge @!p0 [sflag:s8], $0x0  }
0x24: {  	s3 =	sadd.s32 $0x88, s3;
	s6 =	simm.s32 @!p1 $0x1082;
	[sflag:s4] =	ssyncset.s32 $0xFFFFF086  }
0x25: {  	[simem:s6], [sflag:s4] =	dma.local [hbm:s3], $0xF7A  }
0x26: {  	[smem:$0x3F98] =	sst s1;
	(tag) =	ssettag s2;
	_ =	strace s9  }
0x27: {  	s1 =	sld [smem:$0x3FA8]  }
0x28: {  	s2 =	sld [smem:$0x3FA9]  }
0x29: {  	s4 =	sld [smem:$0x3FAB]  }
0x2a: {  	p0 =	seq.s32 s5, $0x0;
	s5 =	sld [smem:$0x3FAC]  }
0x2b: {  	s6 =	sld [smem:$0x3FAD]  }
0x2c: {  	s7 =	sld [smem:$0x3FAE]  }
0x2d: {  	s3 =	simm.s32 $0x108;
	s8 =	sld [smem:$0x3FAF]  }
0x2e: {  	s3 =	simm.s32 @!p0 $0x1082;
	s9 =	sld [smem:$0x3FB0]  }
0x2f: {  	lr =	sadd.s32 s0, s3;
	s0 =	sld [smem:$0x3FA7]  }
0x30: {  	s3 =	sld [smem:$0x3FAA]  }
0x31: {  	[smem:$0x3FB3] =	sst s10  }
0x32: {  	s10 =	sld [smem:$0x3FB1];
	_ =	sdelay $0x3  }
0x33: {  	p0 =	seq.s32 s10, $0x1;
	s10 =	sld [smem:$0x3FB3];
	_ =	sdelay $0x3  }
0x34: {  	[smem:$0x3FB3] =	sst s10  }
0x35: {  	s10 =	sld [smem:$0x3FB2];
	_ =	sdelay $0x3  }
0x36: {  	p1 =	seq.s32 s10, $0x1;
	s10 =	sld [smem:$0x3FB3];
	_ =	sdelay $0x3  }
0x37: {  	[smem:$0x3FB3] =	sst s10  }
0x38: {  	s10 =	sld [smem:$0x3FB4]  }
0x39: {  	_ = 	snop;
	(pc) =	sbr.ind lr, $3  }
0x3a: {  	_ = 	snop  }
0x3b: {  	_ = 	snop  }
0x3c: {  	p2 =	seq.s32 s10, $0x1;
	s10 =	sld [smem:$0x3FB3]  }
0x3d: {  	_ =	shalt  }
0x3e: {  	_ =	shalt  }
0x3f: {  	_ =	shalt  }
0x40: {  	_ =	shalt  }
0x41: {  	_ =	shalt  }
0x42: {  	_ =	shalt  }
0x43: {  	_ =	shalt  }
0x44: {  	_ =	shalt  }
0x45: {  	_ =	shalt  }
0x46: {  	_ =	shalt  }
0x47: {  	_ =	shalt  }
0x48: {  	_ =	shalt  }
0x49: {  	_ =	shalt  }
0x4a: {  	_ =	shalt  }
0x4b: {  	_ =	shalt  }
0x4c: {  	_ =	shalt  }
0x4d: {  	_ =	shalt  }
0x4e: {  	_ =	shalt  }
0x4f: {  	_ =	shalt  }
0x50: {  	_ =	shalt  }
0x51: {  	_ =	shalt  }
0x52: {  	_ =	shalt  }
0x53: {  	_ =	shalt  }
0x54: {  	_ =	shalt  }
0x55: {  	_ =	shalt  }
0x56: {  	_ =	shalt  }
0x57: {  	_ =	shalt  }
0x58: {  	_ =	shalt  }
0x59: {  	_ =	shalt  }
0x5a: {  	_ =	shalt  }
0x5b: {  	_ =	shalt  }
0x5c: {  	_ =	shalt  }
0x5d: {  	_ =	shalt  }
0x5e: {  	_ =	shalt  }
0x5f: {  	_ =	shalt  }
0x60: {  	_ =	shalt  }
0x61: {  	_ =	shalt  }
0x62: {  	_ =	shalt  }
0x63: {  	_ =	shalt  }
0x64: {  	_ =	shalt  }
0x65: {  	_ =	shalt  }
0x66: {  	_ =	shalt  }
0x67: {  	_ =	shalt  }
0x68: {  	_ =	shalt  }
0x69: {  	_ =	shalt  }
0x6a: {  	_ =	shalt  }
0x6b: {  	_ =	shalt  }
0x6c: {  	_ =	shalt  }
0x6d: {  	_ =	shalt  }
0x6e: {  	_ =	shalt  }
0x6f: {  	_ =	shalt  }
0x70: {  	_ =	shalt  }
0x71: {  	_ =	shalt  }
0x72: {  	_ =	shalt  }
0x73: {  	_ =	shalt  }
0x74: {  	_ =	shalt  }
0x75: {  	_ =	shalt  }
0x76: {  	_ =	shalt  }
0x77: {  	_ =	shalt  }
0x78: {  	_ =	shalt  }
0x79: {  	_ =	shalt  }
0x7a: {  	_ =	shalt  }
0x7b: {  	_ =	shalt  }
0x7c: {  	_ =	shalt  }
0x7d: {  	_ =	shalt  }
0x7e: {  	_ =	shalt  }
0x7f: {  	_ =	shalt  }
0x80: {  	_ =	shalt  }
0x81: {  	_ =	shalt  }
0x82: {  	_ =	shalt  }
0x83: {  	_ =	shalt  }
0x84: {  	_ =	shalt  }
0x85: {  	_ =	shalt  }
0x86: {  	_ =	shalt  }
0x87: {  	_ =	shalt  }
.Lfunc_end0:
.L_simem_size_0:
called_computation_lowered:
.L_overlay_start_0:
0x88: {  	s2 =	sld [smem:$0x3FD9]  }
0x89: {  	s3 =	sld [smem:$0x3FFE];
	_ =	sdelay $0x1  }
0x8a: {  	s1 =	srdreg.scid  }
0x8b: {  	s0 =	sand.u32 $0x1, s1  }
0x8c: {  	s17 =	sshll.u32 s0, $0xA;
	s2 =	sadd.s32 s3, s2  }
0x8d: {  	s2 =	sadd.s32 s2, s17  }
0x8e: {  	[smem:$0x3FBF] =	sst s2  }
0x8f: {  	_ = 	snop  }
0x90: {  	s2 =	sld [smem:$0x3FD0];
	(tm) =	ssettm $0x1  }
0x91: {  	s18 =	sld [smem:$0x3FFB];
	_ =	sdelay $0x3  }
0x92: {  	_ =	strace s18  }
0x93: {  	s3 =	sld [smem:$0x3FFC];
	_ =	sdelay $0x3  }
0x94: {  	_ =	strace s3  }
0x95: {  	s3 =	sld [smem:$0x3FFD];
	_ =	sdelay $0x3  }
0x96: {  	_ =	strace s3  }
0x97: {  	_ =	strace $0x8FFFFFFF  }
0x98: {  	s19 =	sld [smem:$0x3FDB];
	_ =	sdelay $0x1  }
0x99: {  	s4 =	simm.s32 $_scs_section_size  }
0x9a: {  	s5 =	simm.s32 $_size__tile_overlayer_lowered;
	s6 =	simm.s32 $_tile_overlayer_lowered  }
0x9b: {  	s22 =	simm.s32 $0x1BFF;
	s21 =	sshll.u32 s6, $0x1;
	s3 =	sadd.s32 s4, s19  }
0x9c: {  	s7 =	simm.s32 $0x0;
	s20 =	sshll.u32 s5, $0x1;
	s5 =	sadd.s32 s21, s3  }
0x9d: {  	[timem:s7], [sflag:s22] =	dma.local [hbm:s5], s20  }
0x9e: {  	_ =	swait.ge [sflag:s22], s20  }
0x9f: {  	s4 =	ssub.s32 $0x0, s20;
	[sflag:s22] =	ssyncset.done $0x0  }
0xa0: {  	[sflag:s22] =	ssyncadd.s32 s4;
	_ =	sdelay $0x1  }
0xa1: {  	s23 =	simm.s32 $0x1B8B  }
0xa2: {  	_ =	swait.ge [sflag:s23], $0x1  }
0xa3: {  	[sflag:s23] =	ssyncset.done $0x0  }
0xa4: {  	s25 =	simm.s32 $0x1B8E;
	s24 =	sld [smem:$0x3FFE];
	[sflag:s23] =	ssyncadd.s32 $0xFFFFFFFF  }
0xa5: {  	s26 =	simm.s32 $execute0_lowered;
	[smem:$0x3FD2] =	sst s25  }
0xa6: {  	s5 =	sshll.u32 s26, $0x1;
	_ =	strace $0x80000046;
	[dreg:$0x1] =	wrdreg $0xFFFFFFFF  }
0xa7: {  	s28 =	simm.s32 $_size_execute0_lowered;
	s3 =	sadd.s32 s3, s5;
	[dreg:$0x0] =	wrdreg $0x0  }
0xa8: {  	s5 =	sshll.u32 s28, $0x1;
	[dreg:$0x2] =	wrdreg s3  }
0xa9: {  	[dreg:$0x3] =	wrdreg s5  }
0xaa: {  	[dreg:$0x4] =	wrdreg $0xC0  }
0xab: {  	_ =	task [dreg:s7], $0x5FFFF  }
0xac: {  	[dreg:$0x1] =	wrdreg $0xFFFFFFFF  }
0xad: {  	[dreg:$0x0] =	wrdreg $0x60  }
0xae: {  	[dreg:$0x2] =	wrdreg s24  }
0xaf: {  	[dreg:$0x3] =	wrdreg s2  }
0xb0: {  	[dreg:$0x4] =	wrdreg $0xAC000  }
0xb1: {  	[dreg:$0x5] =	wrdreg $0x9  }
0xb2: {  	_ =	task.clear_ibuf [dreg:s7], $0x6FFFF;
	_ =	strace $0x90000046  }
0xb3: {  	s29 =	simm.s32 $0x9;
	_ =	strace $0x80000048  }
0xb4: {  	_ =	swait.ge [sflag:s29], $0x1  }
0xb5: {  	[sflag:s29] =	ssyncadd.s32 $0xFFFFFFFF  }
0xb6: {  	_ =	strace $0x90000048  }
0xb7: {  	_ =	sfence  }
0xb8: {  	s30 =	sld [smem:$0x0];
	_ =	sdelay $0x2  }
0xb9: {  	s31 =	sshll.u32 s1, $0xD;
	s1 =	sshrl.u32 s1, $0x2  }
0xba: {  	s3 =	sand.u32 $0x4000, s31;
	s1 =	sadd.s32 s1, s30  }
0xbb: {  	s0 =	sor.u32 s3, s0;
	s1 =	sshll.u32 s1, $0x11  }
0xbc: {  	s0 =	sor.u32 s1, s0  }
0xbd: {  	s0 =	sadd.s32 $0x8F2B, s0  }
0xbe: {  	[sflag:s0] =	ssyncadd.remote.s32 $0x1  }
0xbf: {  	_ =	sfence.sel $0xFFFF  }
0xc0: {  	[dreg:$0x0] =	wrdreg $0xFFFFFFFF;
	(pc) =	sbr.abs _section_cstart, $3  }
0xc1: {  	[dreg:$0x1] =	wrdreg $0xFFFFFFFF  }
0xc2: {  	_ =	task.clear_ibuf [dreg:s7], $0x2FFFF;
	_ =	strace $0x9FFFFFFF  }
0xc3: {  	(tm) =	ssettm $0x7FFFFFFF  }
tec
execute0_lowered:
.L_overlay_start_1:
0x0: {  	(tag) =	ssettag $0x1  }
0x1: {  	s1 =	rddreg [dreg:$0x0]  }
0x2: {  	s2 =	srdreg.scid;
	s0 =	stileid.u32  }
0x3: {  	s4 =	rddreg [dreg:$0x1];
	s5 =	sand.u32 $0x1, s2;
	s3 =	sshll.u32 s0, $0x1  }
0x4: {  	s2 =	rddreg [dreg:$0x2];
	s6 =	sor.u32 s5, s3;
	s3 =	simm.s32 $0x0  }
0x5: {  	s11 =	sadd.s32 $0x37200, s1;
	[smem:$0x7FF] =	sst s3  }
0x6: {  	s16 =	simm.s32 $0x2800;
	_ =	strace $0x80000047;
	[dreg:$0x4] =	wrdreg s11  }
0x7: {  	s17 =	simm.s32 $0x100;
	[dreg:$0xe] =	wrdreg s16  }
0x8: {  	s18 =	simm.s32 $0x180;
	[dreg:$0xf] =	wrdreg s17  }
0x9: {  	s19 =	simm.s32 $0x200;
	[dreg:$0x10] =	wrdreg s18  }
0xa: {  	s20 =	simm.s32 $0x280;
	[dreg:$0x11] =	wrdreg s19  }
0xb: {  	s21 =	simm.s32 $0x300;
	[dreg:$0x12] =	wrdreg s20  }
0xc: {  	s22 =	simm.s32 $0x380;
	[dreg:$0x13] =	wrdreg s21  }
0xd: {  	s8 =	smul.u32 $0x14000, s0;
	[dreg:$0x14] =	wrdreg s22;
	s16 =	simm.s32 $0xB00  }
0xe: {  	s7 =	smul.u32 $0x500, s6;
	s17 =	simm.s32 $0xB80;
	[smem:$0x7CF] =	sst s16  }
0xf: {  	s9 =	sshll.u32 s6, $0x7;
	s18 =	simm.s32 $0xC00;
	[smem:$0x7D0] =	sst s17  }
0x10: {  	s10 =	sshrl.u32 s8, $0x3;
	s19 =	simm.s32 $0xC80;
	[smem:$0x7D1] =	sst s18  }
0x11: {  	s12 =	smul.u32 $0x14000, s6;
	s20 =	simm.s32 $0xD00;
	[smem:$0x7D2] =	sst s19  }
0x12: {  	s6 =	smul.u32 $0x2800, s6;
	s21 =	simm.s32 $0xD80;
	[smem:$0x7D3] =	sst s20  }
0x13: {  	s10 =	sadd.s32 s10, s1;
	s22 =	simm.s32 $0xE00;
	[smem:$0x7D4] =	sst s21  }
0x14: {  	s9 =	sadd.s32 s9, s1;
	s10 =	sadd.s32 $0x37A00, s10;
	[smem:$0x7D5] =	sst s22  }
0x15: {  	s23 =	sadd.s32 $0x5FA00, s1;
	s24 =	sadd.s32 $0x2200, s9;
	[dreg:$0x5] =	wrdreg s10  }
0x16: {  	s6 =	sadd.s32 s23, s6;
	[dreg:$0x7] =	wrdreg s24  }
0x17: {  	s9 =	simm.s32 $0x780;
	[dreg:$0x8] =	wrdreg s6  }
0x18: {  	s16 =	simm.s32 $0x1580;
	[dreg:$0x1c] =	wrdreg s9  }
0x19: {  	s17 =	simm.s32 $0x1600;
	[smem:$0x7E4] =	sst s16  }
0x1a: {  	s18 =	simm.s32 $0x1680;
	[smem:$0x7E5] =	sst s17  }
0x1b: {  	s19 =	simm.s32 $0x1700;
	[smem:$0x7E6] =	sst s18  }
0x1c: {  	s7 =	sadd.s32 s7, s1;
	s21 =	simm.s32 $0x1780;
	[smem:$0x7E7] =	sst s19  }
0x1d: {  	s25 =	sshrl.u32 s12, $0x3;
	s7 =	sadd.s32 $0x2D200, s7;
	[smem:$0x7E8] =	sst s21  }
0x1e: {  	s26 =	sadd.s32 s23, s25;
	s23 =	simm.s32 $0x400;
	[dreg:$0x6] =	wrdreg s7  }
0x1f: {  	s24 =	simm.s32 $0x480;
	[dreg:$0x15] =	wrdreg s23  }
0x20: {  	s11 =	smul.u32 $0x140000, s5;
	s25 =	simm.s32 $0x500;
	[dreg:$0x16] =	wrdreg s24  }
0x21: {  	s6 =	simm.s32 $0x600;
	[dreg:$0x17] =	wrdreg s25  }
0x22: {  	s8 =	sadd.s32 s8, s11;
	s11 =	simm.s32 $0x880;
	[dreg:$0x19] =	wrdreg s6  }
0x23: {  	s9 =	simm.s32 $0x1200;
	[dreg:$0x1e] =	wrdreg s11  }
0x24: {  	s16 =	simm.s32 $0x1D00;
	[smem:$0x7DD] =	sst s9  }
0x25: {  	s17 =	simm.s32 $0x1D80;
	[smem:$0x7F3] =	sst s16  }
0x26: {  	s18 =	simm.s32 $0x1E00;
	[smem:$0x7F4] =	sst s17  }
0x27: {  	s19 =	simm.s32 $0x1E80;
	[smem:$0x7F5] =	sst s18  }
0x28: {  	s21 =	simm.s32 $0x1F80;
	[smem:$0x7F6] =	sst s19  }
0x29: {  	s10 =	sadd.s32 $0x800, s26;
	[smem:$0x7F8] =	sst s21  }
0x2a: {  	s12 =	sadd.s32 $0x1000, s26;
	[dreg:$0x9] =	wrdreg s10  }
0x2b: {  	s13 =	sadd.s32 $0x1800, s26;
	[dreg:$0xa] =	wrdreg s12  }
0x2c: {  	s14 =	sadd.s32 $0x2000, s26;
	[dreg:$0xb] =	wrdreg s13  }
0x2d: {  	s26 =	simm.s32 $0x580;
	[dreg:$0xc] =	wrdreg s14  }
0x2e: {  	s7 =	simm.s32 $0x680;
	[dreg:$0x18] =	wrdreg s26  }
0x2f: {  	s15 =	sshrl.u32 s8, $0x3;
	s8 =	simm.s32 $0x700;
	[dreg:$0x1a] =	wrdreg s7  }
0x30: {  	s23 =	simm.s32 $0xE80;
	[dreg:$0x1b] =	wrdreg s8  }
0x31: {  	s24 =	simm.s32 $0xF00;
	[smem:$0x7D6] =	sst s23  }
0x32: {  	s25 =	simm.s32 $0xF80;
	[smem:$0x7D7] =	sst s24  }
0x33: {  	s6 =	simm.s32 $0x1080;
	[smem:$0x7D8] =	sst s25  }
0x34: {  	s11 =	simm.s32 $0x1300;
	[smem:$0x7DA] =	sst s6  }
0x35: {  	s4 =	sadd.s32 s4, s15;
	[smem:$0x7DF] =	sst s11  }
0x36: {  	s28 =	simm.s32 $0x2580;
	s10 =	simm.s32 $0x800;
	[dreg:$0xd] =	wrdreg s4  }
0x37: {  	s29 =	simm.s32 $0x2600;
	s12 =	simm.s32 $0x900;
	[dreg:$0x1d] =	wrdreg s10  }
0x38: {  	s30 =	simm.s32 $0x2680;
	s13 =	simm.s32 $0x980;
	[dreg:$0x1f] =	wrdreg s12  }
0x39: {  	s31 =	simm.s32 $0x2700;
	s14 =	simm.s32 $0xA00;
	[smem:$0x7CC] =	sst s13  }
0x3a: {  	s5 =	ssub.s32 $0x2, s5;
	s15 =	simm.s32 $0xA80;
	[smem:$0x7CD] =	sst s14  }
0x3b: {  	s20 =	sshrl.u32 s5, $0x1;
	s26 =	simm.s32 $0x1000;
	[smem:$0x7CE] =	sst s15  }
0x3c: {  	s22 =	smul.u32 $0x50000, s0;
	s7 =	simm.s32 $0x1100;
	[smem:$0x7D9] =	sst s26  }
0x3d: {  	s9 =	sshll.u32 s0, $0x6;
	s8 =	simm.s32 $0x1180;
	[smem:$0x7DB] =	sst s7  }
0x3e: {  	s16 =	simm.s32 $0x9400;
	s23 =	simm.s32 $0x1800;
	[smem:$0x7DC] =	sst s8  }
0x3f: {  	s17 =	simm.s32 $0x9C00;
	s24 =	simm.s32 $0x1880;
	[smem:$0x7E9] =	sst s23  }
0x40: {  	s18 =	simm.s32 $0xA400;
	s11 =	simm.s32 $0x1A80;
	[smem:$0x7EA] =	sst s24  }
0x41: {  	s6 =	ssub.s32 s5, s20;
	s20 =	simm.s32 $0x1F00;
	[smem:$0x7EE] =	sst s11  }
0x42: {  	s25 =	sshrl.u32 s22, $0x2;
	s22 =	simm.s32 $0x2000;
	[smem:$0x7F7] =	sst s20  }
0x43: {  	s19 =	simm.s32 $0x2;
	s10 =	simm.s32 $0x1280;
	[smem:$0x7F9] =	sst s22  }
0x44: {  	s5 =	sor.u32 $0x1C03, s9;
	s12 =	simm.s32 $0x1380;
	[smem:$0x7DE] =	sst s10  }
0x45: {  	s9 =	simm.s32 $0x2C00;
	s13 =	simm.s32 $0x1400;
	[smem:$0x7E0] =	sst s12  }
0x46: {  	s14 =	simm.s32 $0x1480;
	s15 =	simm.s32 $0x1500;
	[smem:$0x7E1] =	sst s13  }
0x47: {  	s4 =	sadd.s32 $0x3200, s1;
	s26 =	simm.s32 $0x1900;
	[smem:$0x7E2] =	sst s14  }
0x48: {  	s7 =	sadd.s32 s25, s2;
	s8 =	simm.s32 $0x1980;
	[smem:$0x7E3] =	sst s15  }
0x49: {  	s6 =	smax.u32 s6, $0x1;
	s11 =	simm.s32 $0x6C00;
	[smem:$0x7EB] =	sst s26  }
0x4a: {  	s23 =	simm.s32 $0x2080;
	s24 =	simm.s32 $0x2100;
	[smem:$0x7EC] =	sst s8  }
0x4b: {  	s25 =	simm.s32 $0x2180;
	s20 =	simm.s32 $0x1;
	[smem:$0x7FA] =	sst s23  }
0x4c: {  	s22 =	simm.s32 $0x2300;
	s1 =	simm.s32 $0x2780;
	[smem:$0x7FB] =	sst s24  }
0x4d: {  	s10 =	simm.s32 $0x1A00;
	s12 =	simm.s32 $0x1B00;
	[smem:$0x7FC] =	sst s25  }
0x4e: {  	s7 =	sshrl.u32 s7, $0x3;
	s13 =	simm.s32 $0x1B80;
	[smem:$0x7ED] =	sst s10  }
0x4f: {  	s8 =	simm.s32 $0x3;
	s14 =	simm.s32 $0x1C00;
	[smem:$0x7EF] =	sst s12  }
0x50: {  	s15 =	simm.s32 $0x1C80;
	s26 =	simm.s32 $0x2200;
	[smem:$0x7F0] =	sst s13  }
0x51: {  	s23 =	simm.s32 $0x2380;
	s24 =	simm.s32 $0x2400;
	[smem:$0x7F1] =	sst s14  }
0x52: {  	v2 =	vlaneseq.u32;
	s25 =	simm.s32 $0x2480;
	s10 =	simm.s32 $0x80;
	[smem:$0x7F2] =	sst s15  }
0x53: {  	vm0 =	vmmov $0xffff;
	v1 =	vshrl.u32 v2, $0x3;
	s12 =	simm.s32 $0x7400;
	s13 =	simm.s32 $0x7C00;
	s14 =	simm.s32 $0x8400  }
0x54: {  	v0 =	vand.u32 $0x7, v2;
	v2 =	vor.u32 $0x8, v2;
	v1 =	vmul.u32 $0x8, v1;
	s15 =	simm.s32 $0x8C00;
	[smem:$0x7FD] =	sst s26;
	s26 =	simm.s32 $0x2500  }
.LBB2_1:
0x55: {  	s0 =	rddreg [dreg:$0x5]  }
0x56: {  	[spmem:s7], [sflag:s5] =	dma.local [hbm:s0], $0x2800  }
0x57: {  	_ =	swait.ge [sflag:s8], $0x2800  }
0x58: {  	[sflag:s8] =	ssyncset.done $0x0  }
0x59: {  	s21 =	rddreg [dreg:$0x4];
	[sflag:s8] =	ssyncadd.s32 $0xFFFFD800  }
0x5a: {  	[tilespmem:s9], [sflag:$0x3] =	stream.linear.gather [hbm4b:s21+s3], $0x4000, $0x38;
	[tilespmem:$0x1EC00] =	vst v63  }
0x5b: {  	_ =	swait.ge [sflag:s8], $0x4000  }
0x5c: {  	[sflag:s8] =	ssyncset.done $0x0  }
0x5d: {  	s21 =	rddreg [dreg:$0x6];
	[sflag:s8] =	ssyncadd.s32 $0xFFFFC000  }
0x5e: {  	[tilespmem:s3], [sflag:$0x3] =	stream.linear.gather [hbm4b:s21+s3], $0x2800, $0x38;
	[tilespmem:$0x1EC00] =	vst v63  }
0x5f: {  	_ =	swait.ge [sflag:s8], $0x2800  }
0x60: {  	s0 =	rddreg [dreg:$0x7];
	[sflag:s8] =	ssyncset.done $0x0  }
0x61: {  	s21 =	rddreg [dreg:$0xe];
	[sflag:s8] =	ssyncadd.s32 $0xFFFFD800  }
0x62: {  	[tilespmem:s21], [sflag:$0x3] =	stream.linear.gather [hbm4b:s0+s3], $0x280, $0x38;
	[tilespmem:$0x1EC00] =	vst v63  }
0x63: {  	_ =	swait.ge [sflag:s8], $0x280  }
0x64: {  	[sflag:s8] =	ssyncset.done $0x0  }
0x65: {  	[sflag:s8] =	ssyncadd.s32 $0xFFFFFD80  }
0x66: {  	[bflag:$0x0] =	sbarrier.arrive $0xFFFF  }
0x67: {  	[spmem:s2] =	stream.indirect.scatter.add.f32 [tilespmem:s9], [sflag:$0x1], $0x80, s3, s10, $0xb8;
	[tilespmem:$0x1EC00] =	vst v63  }
0x68: {  	_ = 	snop  }
0x69: {  	[spmem:s2] =	stream.indirect.scatter.add.f32 [tilespmem:s9], [sflag:$0x1], $0x80, s10, s10, $0xb8;
	[tilespmem:$0x1EC00] =	vst v63  }
0x6a: {  	s0 =	rddreg [dreg:$0xf]  }
0x6b: {  	[spmem:s2] =	stream.indirect.scatter.add.f32 [tilespmem:s9], [sflag:$0x1], $0x80, s0, s10, $0xb8;
	[tilespmem:$0x1EC00] =	vst v63  }
0x6c: {  	s21 =	rddreg [dreg:$0x10]  }
0x6d: {  	[spmem:s2] =	stream.indirect.scatter.add.f32 [tilespmem:s9], [sflag:$0x1], $0x80, s21, s10, $0xb8;
	[tilespmem:$0x1EC00] =	vst v63  }
0x6e: {  	s0 =	rddreg [dreg:$0x11]  }
0x6f: {  	[spmem:s2] =	stream.indirect.scatter.add.f32 [tilespmem:s9], [sflag:$0x1], $0x80, s0, s10, $0xb8;
	[tilespmem:$0x1EC00] =	vst v63  }
0x70: {  	s21 =	rddreg [dreg:$0x12]  }
0x71: {  	[spmem:s2] =	stream.indirect.scatter.add.f32 [tilespmem:s9], [sflag:$0x1], $0x80, s21, s10, $0xb8;
	[tilespmem:$0x1EC00] =	vst v63  }
0x72: {  	s0 =	rddreg [dreg:$0x13]  }
0x73: {  	[spmem:s2] =	stream.indirect.scatter.add.f32 [tilespmem:s9], [sflag:$0x1], $0x80, s0, s10, $0xb8;
	[tilespmem:$0x1EC00] =	vst v63  }
0x74: {  	s21 =	rddreg [dreg:$0x14]  }
0x75: {  	[spmem:s2] =	stream.indirect.scatter.add.f32 [tilespmem:s9], [sflag:$0x1], $0x80, s21, s10, $0xb8;
	[tilespmem:$0x1EC00] =	vst v63  }
0x76: {  	v3 =	vld [tilespmem:$0x2800];
	_ =	sdelay $0x4  }
0x77: {  	v4 =	vshll.u32 v3, $0x1  }
0x78: {  	v3 =	vand.u32 $0x7, v3;
	v4 =	vand.u32 $0xFFFFFFF0, v4  }
0x79: {  	v3 =	vor.u32 v3, v4  }
0x7a: {  	v4 =	vperm.xlane v3, v0;
	_ =	sdelay $0x1  }
0x7b: {  	v3 =	vperm.xlane v3, v2;
	v4 =	vadd.s32 v1, v4;
	_ =	sdelay $0x1  }
0x7c: {  	v3 =	vadd.s32 v1, v3;
	_ =	sdelay $0x2  }
0x7d: {  	[tilespmem:s11], [sflag:$0x2] =	stream.indirect_vreg.gather [hbm4b:s4+s3], $0x80, v4, vm0, $0xb8;
	[tilespmem:$0x1EC00] =	vst v63  }
0x7e: {  	_ = 	snop  }
0x7f: {  	[tilespmem:s12], [sflag:$0x2] =	stream.indirect_vreg.gather [hbm4b:s4+s3], $0x80, v3, vm0, $0xb8;
	[tilespmem:$0x1EC00] =	vst v63  }
0x80: {  	v3 =	vld [tilespmem:$0x2810];
	_ =	sdelay $0x4  }
0x81: {  	v45 =	vshll.u32 v3, $0x1  }
0x82: {  	v3 =	vand.u32 $0x7, v3;
	v4 =	vand.u32 $0xFFFFFFF0, v45  }
0x83: {  	v3 =	vor.u32 v3, v4  }
0x84: {  	v4 =	vperm.xlane v3, v0;
	_ =	sdelay $0x1  }
0x85: {  	v3 =	vperm.xlane v3, v2;
	v4 =	vadd.s32 v1, v4;
	_ =	sdelay $0x1  }
0x86: {  	v3 =	vadd.s32 v1, v3;
	_ =	sdelay $0x2  }
0x87: {  	[tilespmem:s13], [sflag:$0x2] =	stream.indirect_vreg.gather [hbm4b:s4+s3], $0x80, v4, vm0, $0xb8;
	[tilespmem:$0x1EC00] =	vst v63  }
0x88: {  	_ = 	snop  }
0x89: {  	[tilespmem:s14], [sflag:$0x2] =	stream.indirect_vreg.gather [hbm4b:s4+s3], $0x80, v3, vm0, $0xb8;
	[tilespmem:$0x1EC00] =	vst v63  }
0x8a: {  	v3 =	vld [tilespmem:$0x2820];
	_ =	sdelay $0x4  }
0x8b: {  	v46 =	vshll.u32 v3, $0x1  }
0x8c: {  	v3 =	vand.u32 $0x7, v3;
	v4 =	vand.u32 $0xFFFFFFF0, v46  }
0x8d: {  	v3 =	vor.u32 v3, v4  }
0x8e: {  	v4 =	vperm.xlane v3, v0;
	_ =	sdelay $0x1  }
0x8f: {  	v3 =	vperm.xlane v3, v2;
	v4 =	vadd.s32 v1, v4;
	_ =	sdelay $0x1  }
0x90: {  	v3 =	vadd.s32 v1, v3;
	_ =	sdelay $0x2  }
0x91: {  	[tilespmem:s15], [sflag:$0x2] =	stream.indirect_vreg.gather [hbm4b:s4+s3], $0x80, v4, vm0, $0xb8;
	[tilespmem:$0x1EC00] =	vst v63  }
0x92: {  	_ = 	snop  }
0x93: {  	[tilespmem:s16], [sflag:$0x2] =	stream.indirect_vreg.gather [hbm4b:s4+s3], $0x80, v3, vm0, $0xb8;
	[tilespmem:$0x1EC00] =	vst v63  }
0x94: {  	v3 =	vld [tilespmem:$0x2830];
	_ =	sdelay $0x4  }
0x95: {  	v47 =	vshll.u32 v3, $0x1  }
0x96: {  	v3 =	vand.u32 $0x7, v3;
	v4 =	vand.u32 $0xFFFFFFF0, v47  }
0x97: {  	v3 =	vor.u32 v3, v4  }
0x98: {  	v4 =	vperm.xlane v3, v0;
	_ =	sdelay $0x1  }
0x99: {  	v3 =	vperm.xlane v3, v2;
	v4 =	vadd.s32 v1, v4;
	_ =	sdelay $0x1  }
0x9a: {  	v3 =	vadd.s32 v1, v3;
	_ =	sdelay $0x2  }
0x9b: {  	[tilespmem:s17], [sflag:$0x2] =	stream.indirect_vreg.gather [hbm4b:s4+s3], $0x80, v4, vm0, $0xb8;
	[tilespmem:$0x1EC00] =	vst v63  }
0x9c: {  	_ = 	snop  }
0x9d: {  	[tilespmem:s18], [sflag:$0x2] =	stream.indirect_vreg.gather [hbm4b:s4+s3], $0x80, v3, vm0, $0xb8;
	[tilespmem:$0x1EC00] =	vst v63  }
0x9e: {  	_ =	swait.ge [sflag:s19], $0x4000  }
0x9f: {  	[sflag:s19] =	ssyncset.done $0x0  }
0xa0: {  	s21 =	rddreg [dreg:$0x8];
	[sflag:s19] =	ssyncadd.s32 $0xFFFFC000  }
0xa1: {  	[hbm4b:s21+s3] =	stream.linear.scatter [tilespmem:s11], [sflag:$0x3], $0x4000, $0x38;
	[tilespmem:$0x1EC00] =	vst v63  }
0xa2: {  	_ =	swait.ge [sflag:s8], $0x4000  }
0xa3: {  	[sflag:s8] =	ssyncset.done $0x0  }
0xa4: {  	[sflag:s8] =	ssyncadd.s32 $0xFFFFC000  }
0xa5: {  	_ =	swait.ge [sflag:s20], $0x4000  }
0xa6: {  	[sflag:s20] =	ssyncset.done $0x0  }
0xa7: {  	[sflag:s20] =	ssyncadd.s32 $0xFFFFC000  }
0xa8: {  	_ =	swait.ge [sflag:s20], $0x4000  }
0xa9: {  	[sflag:s20] =	ssyncset.done $0x0  }
0xaa: {  	[sflag:s20] =	ssyncadd.s32 $0xFFFFC000  }
0xab: {  	_ =	swait.ge [sflag:s20], $0x4000  }
0xac: {  	[sflag:s20] =	ssyncset.done $0x0  }
0xad: {  	[sflag:s20] =	ssyncadd.s32 $0xFFFFC000  }
0xae: {  	_ =	swait.ge [sflag:s20], $0x4000  }
0xaf: {  	[sflag:s20] =	ssyncset.done $0x0  }
0xb0: {  	[sflag:s20] =	ssyncadd.s32 $0xFFFFC000  }
0xb1: {  	_ =	swait.ge [sflag:s20], $0x4000  }
0xb2: {  	[sflag:s20] =	ssyncset.done $0x0  }
0xb3: {  	[sflag:s20] =	ssyncadd.s32 $0xFFFFC000  }
0xb4: {  	_ =	swait.ge [sflag:s20], $0x4000  }
0xb5: {  	[sflag:s20] =	ssyncset.done $0x0  }
0xb6: {  	[sflag:s20] =	ssyncadd.s32 $0xFFFFC000  }
0xb7: {  	_ =	swait.ge [sflag:s20], $0x4000  }
0xb8: {  	[sflag:s20] =	ssyncset.done $0x0  }
0xb9: {  	[sflag:s20] =	ssyncadd.s32 $0xFFFFC000  }
0xba: {  	_ =	swait.ge [sflag:s20], $0x4000  }
0xbb: {  	[sflag:s20] =	ssyncset.done $0x0  }
0xbc: {  	s0 =	rddreg [dreg:$0x15];
	[sflag:s20] =	ssyncadd.s32 $0xFFFFC000  }
0xbd: {  	[spmem:s2] =	stream.indirect.scatter.add.f32 [tilespmem:s9], [sflag:$0x1], $0x80, s0, s10, $0xb8;
	[tilespmem:$0x1EC00] =	vst v63  }
0xbe: {  	s21 =	rddreg [dreg:$0x16]  }
0xbf: {  	[spmem:s2] =	stream.indirect.scatter.add.f32 [tilespmem:s9], [sflag:$0x1], $0x80, s21, s10, $0xb8;
	[tilespmem:$0x1EC00] =	vst v63  }
0xc0: {  	s0 =	rddreg [dreg:$0x17]  }
0xc1: {  	[spmem:s2] =	stream.indirect.scatter.add.f32 [tilespmem:s9], [sflag:$0x1], $0x80, s0, s10, $0xb8;
	[tilespmem:$0x1EC00] =	vst v63  }
0xc2: {  	s21 =	rddreg [dreg:$0x18]  }
0xc3: {  	[spmem:s2] =	stream.indirect.scatter.add.f32 [tilespmem:s9], [sflag:$0x1], $0x80, s21, s10, $0xb8;
	[tilespmem:$0x1EC00] =	vst v63  }
0xc4: {  	s0 =	rddreg [dreg:$0x19]  }
0xc5: {  	[spmem:s2] =	stream.indirect.scatter.add.f32 [tilespmem:s9], [sflag:$0x1], $0x80, s0, s10, $0xb8;
	[tilespmem:$0x1EC00] =	vst v63  }
0xc6: {  	s21 =	rddreg [dreg:$0x1a]  }
0xc7: {  	[spmem:s2] =	stream.indirect.scatter.add.f32 [tilespmem:s9], [sflag:$0x1], $0x80, s21, s10, $0xb8;
	[tilespmem:$0x1EC00] =	vst v63  }
0xc8: {  	s0 =	rddreg [dreg:$0x1b]  }
0xc9: {  	[spmem:s2] =	stream.indirect.scatter.add.f32 [tilespmem:s9], [sflag:$0x1], $0x80, s0, s10, $0xb8;
	[tilespmem:$0x1EC00] =	vst v63  }
0xca: {  	s21 =	rddreg [dreg:$0x1c]  }
0xcb: {  	[spmem:s2] =	stream.indirect.scatter.add.f32 [tilespmem:s9], [sflag:$0x1], $0x80, s21, s10, $0xb8;
	[tilespmem:$0x1EC00] =	vst v63  }
0xcc: {  	v3 =	vld [tilespmem:$0x2880];
	_ =	sdelay $0x4  }
0xcd: {  	v48 =	vshll.u32 v3, $0x1  }
0xce: {  	v3 =	vand.u32 $0x7, v3;
	v4 =	vand.u32 $0xFFFFFFF0, v48  }
0xcf: {  	v3 =	vor.u32 v3, v4  }
0xd0: {  	v4 =	vperm.xlane v3, v0;
	_ =	sdelay $0x1  }
0xd1: {  	v3 =	vperm.xlane v3, v2;
	v4 =	vadd.s32 v1, v4;
	_ =	sdelay $0x1  }
0xd2: {  	v3 =	vadd.s32 v1, v3;
	_ =	sdelay $0x2  }
0xd3: {  	[tilespmem:s11], [sflag:$0x2] =	stream.indirect_vreg.gather [hbm4b:s4+s3], $0x80, v4, vm0, $0xb8;
	[tilespmem:$0x1EC00] =	vst v63  }
0xd4: {  	_ = 	snop  }
0xd5: {  	[tilespmem:s12], [sflag:$0x2] =	stream.indirect_vreg.gather [hbm4b:s4+s3], $0x80, v3, vm0, $0xb8;
	[tilespmem:$0x1EC00] =	vst v63  }
0xd6: {  	v3 =	vld [tilespmem:$0x2890];
	_ =	sdelay $0x4  }
0xd7: {  	v49 =	vshll.u32 v3, $0x1  }
0xd8: {  	v3 =	vand.u32 $0x7, v3;
	v4 =	vand.u32 $0xFFFFFFF0, v49  }
0xd9: {  	v3 =	vor.u32 v3, v4  }
0xda: {  	v4 =	vperm.xlane v3, v0;
	_ =	sdelay $0x1  }
0xdb: {  	v3 =	vperm.xlane v3, v2;
	v4 =	vadd.s32 v1, v4;
	_ =	sdelay $0x1  }
0xdc: {  	v3 =	vadd.s32 v1, v3;
	_ =	sdelay $0x2  }
0xdd: {  	[tilespmem:s13], [sflag:$0x2] =	stream.indirect_vreg.gather [hbm4b:s4+s3], $0x80, v4, vm0, $0xb8;
	[tilespmem:$0x1EC00] =	vst v63  }
0xde: {  	_ = 	snop  }
0xdf: {  	[tilespmem:s14], [sflag:$0x2] =	stream.indirect_vreg.gather [hbm4b:s4+s3], $0x80, v3, vm0, $0xb8;
	[tilespmem:$0x1EC00] =	vst v63  }
0xe0: {  	v3 =	vld [tilespmem:$0x28A0];
	_ =	sdelay $0x4  }
0xe1: {  	v50 =	vshll.u32 v3, $0x1  }
0xe2: {  	v3 =	vand.u32 $0x7, v3;
	v4 =	vand.u32 $0xFFFFFFF0, v50  }
0xe3: {  	v3 =	vor.u32 v3, v4  }
0xe4: {  	v4 =	vperm.xlane v3, v0;
	_ =	sdelay $0x1  }
0xe5: {  	v3 =	vperm.xlane v3, v2;
	v4 =	vadd.s32 v1, v4;
	_ =	sdelay $0x1  }
0xe6: {  	v3 =	vadd.s32 v1, v3;
	_ =	sdelay $0x2  }
0xe7: {  	[tilespmem:s15], [sflag:$0x2] =	stream.indirect_vreg.gather [hbm4b:s4+s3], $0x80, v4, vm0, $0xb8;
	[tilespmem:$0x1EC00] =	vst v63  }
0xe8: {  	_ = 	snop  }
0xe9: {  	[tilespmem:s16], [sflag:$0x2] =	stream.indirect_vreg.gather [hbm4b:s4+s3], $0x80, v3, vm0, $0xb8;
	[tilespmem:$0x1EC00] =	vst v63  }
0xea: {  	v3 =	vld [tilespmem:$0x28B0];
	_ =	sdelay $0x4  }
0xeb: {  	v51 =	vshll.u32 v3, $0x1  }
0xec: {  	v3 =	vand.u32 $0x7, v3;
	v4 =	vand.u32 $0xFFFFFFF0, v51  }
0xed: {  	v3 =	vor.u32 v3, v4  }
0xee: {  	v4 =	vperm.xlane v3, v0;
	_ =	sdelay $0x1  }
0xef: {  	v3 =	vperm.xlane v3, v2;
	v4 =	vadd.s32 v1, v4;
	_ =	sdelay $0x1  }
0xf0: {  	v3 =	vadd.s32 v1, v3;
	_ =	sdelay $0x2  }
0xf1: {  	[tilespmem:s17], [sflag:$0x2] =	stream.indirect_vreg.gather [hbm4b:s4+s3], $0x80, v4, vm0, $0xb8;
	[tilespmem:$0x1EC00] =	vst v63  }
0xf2: {  	_ = 	snop  }
0xf3: {  	[tilespmem:s18], [sflag:$0x2] =	stream.indirect_vreg.gather [hbm4b:s4+s3], $0x80, v3, vm0, $0xb8;
	[tilespmem:$0x1EC00] =	vst v63  }
0xf4: {  	_ =	swait.ge [sflag:s19], $0x4000  }
0xf5: {  	[sflag:s19] =	ssyncset.done $0x0  }
0xf6: {  	s21 =	rddreg [dreg:$0x9];
	[sflag:s19] =	ssyncadd.s32 $0xFFFFC000  }
0xf7: {  	[hbm4b:s21+s3] =	stream.linear.scatter [tilespmem:s11], [sflag:$0x3], $0x4000, $0x38;
	[tilespmem:$0x1EC00] =	vst v63  }
0xf8: {  	_ =	swait.ge [sflag:s8], $0x4000  }
0xf9: {  	[sflag:s8] =	ssyncset.done $0x0  }
0xfa: {  	[sflag:s8] =	ssyncadd.s32 $0xFFFFC000  }
0xfb: {  	_ =	swait.ge [sflag:s20], $0x4000  }
0xfc: {  	[sflag:s20] =	ssyncset.done $0x0  }
0xfd: {  	[sflag:s20] =	ssyncadd.s32 $0xFFFFC000  }
0xfe: {  	_ =	swait.ge [sflag:s20], $0x4000  }
0xff: {  	[sflag:s20] =	ssyncset.done $0x0  }
0x100: {  	[sflag:s20] =	ssyncadd.s32 $0xFFFFC000  }
0x101: {  	_ =	swait.ge [sflag:s20], $0x4000  }
0x102: {  	[sflag:s20] =	ssyncset.done $0x0  }
0x103: {  	[sflag:s20] =	ssyncadd.s32 $0xFFFFC000  }
0x104: {  	_ =	swait.ge [sflag:s20], $0x4000  }
0x105: {  	[sflag:s20] =	ssyncset.done $0x0  }
0x106: {  	[sflag:s20] =	ssyncadd.s32 $0xFFFFC000  }
0x107: {  	_ =	swait.ge [sflag:s20], $0x4000  }
0x108: {  	[sflag:s20] =	ssyncset.done $0x0  }
0x109: {  	[sflag:s20] =	ssyncadd.s32 $0xFFFFC000  }
0x10a: {  	_ =	swait.ge [sflag:s20], $0x4000  }
0x10b: {  	[sflag:s20] =	ssyncset.done $0x0  }
0x10c: {  	[sflag:s20] =	ssyncadd.s32 $0xFFFFC000  }
0x10d: {  	_ =	swait.ge [sflag:s20], $0x4000  }
0x10e: {  	[sflag:s20] =	ssyncset.done $0x0  }
0x10f: {  	[sflag:s20] =	ssyncadd.s32 $0xFFFFC000  }
0x110: {  	_ =	swait.ge [sflag:s20], $0x4000  }
0x111: {  	s0 =	rddreg [dreg:$0x1d];
	[sflag:s20] =	ssyncset.done $0x0  }
0x112: {  	s21 =	rddreg [dreg:$0x1e];
	[sflag:s20] =	ssyncadd.s32 $0xFFFFC000  }
0x113: {  	[spmem:s2] =	stream.indirect.scatter.add.f32 [tilespmem:s9], [sflag:$0x1], $0x80, s0, s10, $0xb8;
	[tilespmem:$0x1EC00] =	vst v63  }
0x114: {  	s0 =	rddreg [dreg:$0x1f]  }
0x115: {  	[spmem:s2] =	stream.indirect.scatter.add.f32 [tilespmem:s9], [sflag:$0x1], $0x80, s21, s10, $0xb8;
	[tilespmem:$0x1EC00] =	vst v63  }
0x116: {  	s21 =	sld [smem:$0x7CC]  }
0x117: {  	[spmem:s2] =	stream.indirect.scatter.add.f32 [tilespmem:s9], [sflag:$0x1], $0x80, s0, s10, $0xb8;
	[tilespmem:$0x1EC00] =	vst v63  }
0x118: {  	s0 =	sld [smem:$0x7CD]  }
0x119: {  	[spmem:s2] =	stream.indirect.scatter.add.f32 [tilespmem:s9], [sflag:$0x1], $0x80, s21, s10, $0xb8;
	[tilespmem:$0x1EC00] =	vst v63  }
0x11a: {  	s21 =	sld [smem:$0x7CE]  }
0x11b: {  	[spmem:s2] =	stream.indirect.scatter.add.f32 [tilespmem:s9], [sflag:$0x1], $0x80, s0, s10, $0xb8;
	[tilespmem:$0x1EC00] =	vst v63  }
0x11c: {  	s0 =	sld [smem:$0x7CF]  }
0x11d: {  	[spmem:s2] =	stream.indirect.scatter.add.f32 [tilespmem:s9], [sflag:$0x1], $0x80, s21, s10, $0xb8;
	[tilespmem:$0x1EC00] =	vst v63  }
0x11e: {  	s21 =	sld [smem:$0x7D0]  }
0x11f: {  	[spmem:s2] =	stream.indirect.scatter.add.f32 [tilespmem:s9], [sflag:$0x1], $0x80, s0, s10, $0xb8;
	[tilespmem:$0x1EC00] =	vst v63  }
0x120: {  	_ = 	snop  }
0x121: {  	[spmem:s2] =	stream.indirect.scatter.add.f32 [tilespmem:s9], [sflag:$0x1], $0x80, s21, s10, $0xb8;
	[tilespmem:$0x1EC00] =	vst v63  }
0x122: {  	v3 =	vld [tilespmem:$0x2900];
	_ =	sdelay $0x4  }
0x123: {  	v52 =	vshll.u32 v3, $0x1  }
0x124: {  	v3 =	vand.u32 $0x7, v3;
	v4 =	vand.u32 $0xFFFFFFF0, v52  }
0x125: {  	v3 =	vor.u32 v3, v4  }
0x126: {  	v4 =	vperm.xlane v3, v0;
	_ =	sdelay $0x1  }
0x127: {  	v3 =	vperm.xlane v3, v2;
	v4 =	vadd.s32 v1, v4;
	_ =	sdelay $0x1  }
0x128: {  	v3 =	vadd.s32 v1, v3;
	_ =	sdelay $0x2  }
0x129: {  	[tilespmem:s11], [sflag:$0x2] =	stream.indirect_vreg.gather [hbm4b:s4+s3], $0x80, v4, vm0, $0xb8;
	[tilespmem:$0x1EC00] =	vst v63  }
0x12a: {  	_ = 	snop  }
0x12b: {  	[tilespmem:s12], [sflag:$0x2] =	stream.indirect_vreg.gather [hbm4b:s4+s3], $0x80, v3, vm0, $0xb8;
	[tilespmem:$0x1EC00] =	vst v63  }
0x12c: {  	v3 =	vld [tilespmem:$0x2910];
	_ =	sdelay $0x4  }
0x12d: {  	v53 =	vshll.u32 v3, $0x1  }
0x12e: {  	v3 =	vand.u32 $0x7, v3;
	v4 =	vand.u32 $0xFFFFFFF0, v53  }
0x12f: {  	v3 =	vor.u32 v3, v4  }
0x130: {  	v4 =	vperm.xlane v3, v0;
	_ =	sdelay $0x1  }
0x131: {  	v3 =	vperm.xlane v3, v2;
	v4 =	vadd.s32 v1, v4;
	_ =	sdelay $0x1  }
0x132: {  	v3 =	vadd.s32 v1, v3;
	_ =	sdelay $0x2  }
0x133: {  	[tilespmem:s13], [sflag:$0x2] =	stream.indirect_vreg.gather [hbm4b:s4+s3], $0x80, v4, vm0, $0xb8;
	[tilespmem:$0x1EC00] =	vst v63  }
0x134: {  	_ = 	snop  }
0x135: {  	[tilespmem:s14], [sflag:$0x2] =	stream.indirect_vreg.gather [hbm4b:s4+s3], $0x80, v3, vm0, $0xb8;
	[tilespmem:$0x1EC00] =	vst v63  }
0x136: {  	v3 =	vld [tilespmem:$0x2920];
	_ =	sdelay $0x4  }
0x137: {  	v54 =	vshll.u32 v3, $0x1  }
0x138: {  	v3 =	vand.u32 $0x7, v3;
	v4 =	vand.u32 $0xFFFFFFF0, v54  }
0x139: {  	v3 =	vor.u32 v3, v4  }
0x13a: {  	v4 =	vperm.xlane v3, v0;
	_ =	sdelay $0x1  }
0x13b: {  	v3 =	vperm.xlane v3, v2;
	v4 =	vadd.s32 v1, v4;
	_ =	sdelay $0x1  }
0x13c: {  	v3 =	vadd.s32 v1, v3;
	_ =	sdelay $0x2  }
0x13d: {  	[tilespmem:s15], [sflag:$0x2] =	stream.indirect_vreg.gather [hbm4b:s4+s3], $0x80, v4, vm0, $0xb8;
	[tilespmem:$0x1EC00] =	vst v63  }
0x13e: {  	_ = 	snop  }
0x13f: {  	[tilespmem:s16], [sflag:$0x2] =	stream.indirect_vreg.gather [hbm4b:s4+s3], $0x80, v3, vm0, $0xb8;
	[tilespmem:$0x1EC00] =	vst v63  }
0x140: {  	v3 =	vld [tilespmem:$0x2930];
	_ =	sdelay $0x4  }
0x141: {  	v55 =	vshll.u32 v3, $0x1  }
0x142: {  	v3 =	vand.u32 $0x7, v3;
	v4 =	vand.u32 $0xFFFFFFF0, v55  }
0x143: {  	v3 =	vor.u32 v3, v4  }
0x144: {  	v4 =	vperm.xlane v3, v0;
	_ =	sdelay $0x1  }
0x145: {  	v3 =	vperm.xlane v3, v2;
	v4 =	vadd.s32 v1, v4;
	_ =	sdelay $0x1  }
0x146: {  	v3 =	vadd.s32 v1, v3;
	_ =	sdelay $0x2  }
0x147: {  	[tilespmem:s17], [sflag:$0x2] =	stream.indirect_vreg.gather [hbm4b:s4+s3], $0x80, v4, vm0, $0xb8;
	[tilespmem:$0x1EC00] =	vst v63  }
0x148: {  	_ = 	snop  }
0x149: {  	[tilespmem:s18], [sflag:$0x2] =	stream.indirect_vreg.gather [hbm4b:s4+s3], $0x80, v3, vm0, $0xb8;
	[tilespmem:$0x1EC00] =	vst v63  }
0x14a: {  	_ =	swait.ge [sflag:s19], $0x4000  }
0x14b: {  	[sflag:s19] =	ssyncset.done $0x0  }
0x14c: {  	s21 =	rddreg [dreg:$0xa];
	[sflag:s19] =	ssyncadd.s32 $0xFFFFC000  }
0x14d: {  	[hbm4b:s21+s3] =	stream.linear.scatter [tilespmem:s11], [sflag:$0x3], $0x4000, $0x38;
	[tilespmem:$0x1EC00] =	vst v63  }
0x14e: {  	_ =	swait.ge [sflag:s8], $0x4000  }
0x14f: {  	[sflag:s8] =	ssyncset.done $0x0  }
0x150: {  	[sflag:s8] =	ssyncadd.s32 $0xFFFFC000  }
0x151: {  	_ =	swait.ge [sflag:s20], $0x4000  }
0x152: {  	[sflag:s20] =	ssyncset.done $0x0  }
0x153: {  	[sflag:s20] =	ssyncadd.s32 $0xFFFFC000  }
0x154: {  	_ =	swait.ge [sflag:s20], $0x4000  }
0x155: {  	[sflag:s20] =	ssyncset.done $0x0  }
0x156: {  	[sflag:s20] =	ssyncadd.s32 $0xFFFFC000  }
0x157: {  	_ =	swait.ge [sflag:s20], $0x4000  }
0x158: {  	[sflag:s20] =	ssyncset.done $0x0  }
0x159: {  	[sflag:s20] =	ssyncadd.s32 $0xFFFFC000  }
0x15a: {  	_ =	swait.ge [sflag:s20], $0x4000  }
0x15b: {  	[sflag:s20] =	ssyncset.done $0x0  }
0x15c: {  	[sflag:s20] =	ssyncadd.s32 $0xFFFFC000  }
0x15d: {  	_ =	swait.ge [sflag:s20], $0x4000  }
0x15e: {  	[sflag:s20] =	ssyncset.done $0x0  }
0x15f: {  	[sflag:s20] =	ssyncadd.s32 $0xFFFFC000  }
0x160: {  	_ =	swait.ge [sflag:s20], $0x4000  }
0x161: {  	[sflag:s20] =	ssyncset.done $0x0  }
0x162: {  	[sflag:s20] =	ssyncadd.s32 $0xFFFFC000  }
0x163: {  	_ =	swait.ge [sflag:s20], $0x4000  }
0x164: {  	[sflag:s20] =	ssyncset.done $0x0  }
0x165: {  	[sflag:s20] =	ssyncadd.s32 $0xFFFFC000  }
0x166: {  	_ =	swait.ge [sflag:s20], $0x4000  }
0x167: {  	s0 =	sld [smem:$0x7D1]  }
0x168: {  	[sflag:s20] =	ssyncset.done $0x0  }
0x169: {  	s21 =	sld [smem:$0x7D2];
	[sflag:s20] =	ssyncadd.s32 $0xFFFFC000  }
0x16a: {  	[spmem:s2] =	stream.indirect.scatter.add.f32 [tilespmem:s9], [sflag:$0x1], $0x80, s0, s10, $0xb8;
	[tilespmem:$0x1EC00] =	vst v63  }
0x16b: {  	s0 =	sld [smem:$0x7D3]  }
0x16c: {  	[spmem:s2] =	stream.indirect.scatter.add.f32 [tilespmem:s9], [sflag:$0x1], $0x80, s21, s10, $0xb8;
	[tilespmem:$0x1EC00] =	vst v63  }
0x16d: {  	s21 =	sld [smem:$0x7D4]  }
0x16e: {  	[spmem:s2] =	stream.indirect.scatter.add.f32 [tilespmem:s9], [sflag:$0x1], $0x80, s0, s10, $0xb8;
	[tilespmem:$0x1EC00] =	vst v63  }
0x16f: {  	s0 =	sld [smem:$0x7D5]  }
0x170: {  	[spmem:s2] =	stream.indirect.scatter.add.f32 [tilespmem:s9], [sflag:$0x1], $0x80, s21, s10, $0xb8;
	[tilespmem:$0x1EC00] =	vst v63  }
0x171: {  	s21 =	sld [smem:$0x7D6]  }
0x172: {  	[spmem:s2] =	stream.indirect.scatter.add.f32 [tilespmem:s9], [sflag:$0x1], $0x80, s0, s10, $0xb8;
	[tilespmem:$0x1EC00] =	vst v63  }
0x173: {  	s0 =	sld [smem:$0x7D7]  }
0x174: {  	[spmem:s2] =	stream.indirect.scatter.add.f32 [tilespmem:s9], [sflag:$0x1], $0x80, s21, s10, $0xb8;
	[tilespmem:$0x1EC00] =	vst v63  }
0x175: {  	s21 =	sld [smem:$0x7D8]  }
0x176: {  	[spmem:s2] =	stream.indirect.scatter.add.f32 [tilespmem:s9], [sflag:$0x1], $0x80, s0, s10, $0xb8;
	[tilespmem:$0x1EC00] =	vst v63  }
0x177: {  	_ = 	snop  }
0x178: {  	[spmem:s2] =	stream.indirect.scatter.add.f32 [tilespmem:s9], [sflag:$0x1], $0x80, s21, s10, $0xb8;
	[tilespmem:$0x1EC00] =	vst v63  }
0x179: {  	v3 =	vld [tilespmem:$0x2980];
	_ =	sdelay $0x4  }
0x17a: {  	v56 =	vshll.u32 v3, $0x1  }
0x17b: {  	v3 =	vand.u32 $0x7, v3;
	v4 =	vand.u32 $0xFFFFFFF0, v56  }
0x17c: {  	v3 =	vor.u32 v3, v4  }
0x17d: {  	v4 =	vperm.xlane v3, v0;
	_ =	sdelay $0x1  }
0x17e: {  	v3 =	vperm.xlane v3, v2;
	v4 =	vadd.s32 v1, v4;
	_ =	sdelay $0x1  }
0x17f: {  	v3 =	vadd.s32 v1, v3;
	_ =	sdelay $0x2  }
0x180: {  	[tilespmem:s11], [sflag:$0x2] =	stream.indirect_vreg.gather [hbm4b:s4+s3], $0x80, v4, vm0, $0xb8;
	[tilespmem:$0x1EC00] =	vst v63  }
0x181: {  	_ = 	snop  }
0x182: {  	[tilespmem:s12], [sflag:$0x2] =	stream.indirect_vreg.gather [hbm4b:s4+s3], $0x80, v3, vm0, $0xb8;
	[tilespmem:$0x1EC00] =	vst v63  }
0x183: {  	v3 =	vld [tilespmem:$0x2990];
	_ =	sdelay $0x4  }
0x184: {  	v57 =	vshll.u32 v3, $0x1  }
0x185: {  	v3 =	vand.u32 $0x7, v3;
	v4 =	vand.u32 $0xFFFFFFF0, v57  }
0x186: {  	v3 =	vor.u32 v3, v4  }
0x187: {  	v4 =	vperm.xlane v3, v0;
	_ =	sdelay $0x1  }
0x188: {  	v3 =	vperm.xlane v3, v2;
	v4 =	vadd.s32 v1, v4;
	_ =	sdelay $0x1  }
0x189: {  	v3 =	vadd.s32 v1, v3;
	_ =	sdelay $0x2  }
0x18a: {  	[tilespmem:s13], [sflag:$0x2] =	stream.indirect_vreg.gather [hbm4b:s4+s3], $0x80, v4, vm0, $0xb8;
	[tilespmem:$0x1EC00] =	vst v63  }
0x18b: {  	_ = 	snop  }
0x18c: {  	[tilespmem:s14], [sflag:$0x2] =	stream.indirect_vreg.gather [hbm4b:s4+s3], $0x80, v3, vm0, $0xb8;
	[tilespmem:$0x1EC00] =	vst v63  }
0x18d: {  	v3 =	vld [tilespmem:$0x29A0];
	_ =	sdelay $0x4  }
0x18e: {  	v58 =	vshll.u32 v3, $0x1  }
0x18f: {  	v3 =	vand.u32 $0x7, v3;
	v4 =	vand.u32 $0xFFFFFFF0, v58  }
0x190: {  	v3 =	vor.u32 v3, v4  }
0x191: {  	v4 =	vperm.xlane v3, v0;
	_ =	sdelay $0x1  }
0x192: {  	v3 =	vperm.xlane v3, v2;
	v4 =	vadd.s32 v1, v4;
	_ =	sdelay $0x1  }
0x193: {  	v3 =	vadd.s32 v1, v3;
	_ =	sdelay $0x2  }
0x194: {  	[tilespmem:s15], [sflag:$0x2] =	stream.indirect_vreg.gather [hbm4b:s4+s3], $0x80, v4, vm0, $0xb8;
	[tilespmem:$0x1EC00] =	vst v63  }
0x195: {  	_ = 	snop  }
0x196: {  	[tilespmem:s16], [sflag:$0x2] =	stream.indirect_vreg.gather [hbm4b:s4+s3], $0x80, v3, vm0, $0xb8;
	[tilespmem:$0x1EC00] =	vst v63  }
0x197: {  	v3 =	vld [tilespmem:$0x29B0];
	_ =	sdelay $0x4  }
0x198: {  	v59 =	vshll.u32 v3, $0x1  }
0x199: {  	v3 =	vand.u32 $0x7, v3;
	v4 =	vand.u32 $0xFFFFFFF0, v59  }
0x19a: {  	v3 =	vor.u32 v3, v4  }
0x19b: {  	v4 =	vperm.xlane v3, v0;
	_ =	sdelay $0x1  }
0x19c: {  	v3 =	vperm.xlane v3, v2;
	v4 =	vadd.s32 v1, v4;
	_ =	sdelay $0x1  }
0x19d: {  	v3 =	vadd.s32 v1, v3;
	_ =	sdelay $0x2  }
0x19e: {  	[tilespmem:s17], [sflag:$0x2] =	stream.indirect_vreg.gather [hbm4b:s4+s3], $0x80, v4, vm0, $0xb8;
	[tilespmem:$0x1EC00] =	vst v63  }
0x19f: {  	_ = 	snop  }
0x1a0: {  	[tilespmem:s18], [sflag:$0x2] =	stream.indirect_vreg.gather [hbm4b:s4+s3], $0x80, v3, vm0, $0xb8;
	[tilespmem:$0x1EC00] =	vst v63  }
0x1a1: {  	_ =	swait.ge [sflag:s19], $0x4000  }
0x1a2: {  	[sflag:s19] =	ssyncset.done $0x0  }
0x1a3: {  	s21 =	rddreg [dreg:$0xb];
	[sflag:s19] =	ssyncadd.s32 $0xFFFFC000  }
0x1a4: {  	[hbm4b:s21+s3] =	stream.linear.scatter [tilespmem:s11], [sflag:$0x3], $0x4000, $0x38;
	[tilespmem:$0x1EC00] =	vst v63  }
0x1a5: {  	_ =	swait.ge [sflag:s8], $0x4000  }
0x1a6: {  	[sflag:s8] =	ssyncset.done $0x0  }
0x1a7: {  	[sflag:s8] =	ssyncadd.s32 $0xFFFFC000  }
0x1a8: {  	_ =	swait.ge [sflag:s20], $0x4000  }
0x1a9: {  	[sflag:s20] =	ssyncset.done $0x0  }
0x1aa: {  	[sflag:s20] =	ssyncadd.s32 $0xFFFFC000  }
0x1ab: {  	_ =	swait.ge [sflag:s20], $0x4000  }
0x1ac: {  	[sflag:s20] =	ssyncset.done $0x0  }
0x1ad: {  	[sflag:s20] =	ssyncadd.s32 $0xFFFFC000  }
0x1ae: {  	_ =	swait.ge [sflag:s20], $0x4000  }
0x1af: {  	[sflag:s20] =	ssyncset.done $0x0  }
0x1b0: {  	[sflag:s20] =	ssyncadd.s32 $0xFFFFC000  }
0x1b1: {  	_ =	swait.ge [sflag:s20], $0x4000  }
0x1b2: {  	[sflag:s20] =	ssyncset.done $0x0  }
0x1b3: {  	[sflag:s20] =	ssyncadd.s32 $0xFFFFC000  }
0x1b4: {  	_ =	swait.ge [sflag:s20], $0x4000  }
0x1b5: {  	[sflag:s20] =	ssyncset.done $0x0  }
0x1b6: {  	[sflag:s20] =	ssyncadd.s32 $0xFFFFC000  }
0x1b7: {  	_ =	swait.ge [sflag:s20], $0x4000  }
0x1b8: {  	[sflag:s20] =	ssyncset.done $0x0  }
0x1b9: {  	[sflag:s20] =	ssyncadd.s32 $0xFFFFC000  }
0x1ba: {  	_ =	swait.ge [sflag:s20], $0x4000  }
0x1bb: {  	[sflag:s20] =	ssyncset.done $0x0  }
0x1bc: {  	[sflag:s20] =	ssyncadd.s32 $0xFFFFC000  }
0x1bd: {  	_ =	swait.ge [sflag:s20], $0x4000  }
0x1be: {  	s0 =	sld [smem:$0x7D9]  }
0x1bf: {  	[sflag:s20] =	ssyncset.done $0x0  }
0x1c0: {  	s21 =	sld [smem:$0x7DA];
	[sflag:s20] =	ssyncadd.s32 $0xFFFFC000  }
0x1c1: {  	[spmem:s2] =	stream.indirect.scatter.add.f32 [tilespmem:s9], [sflag:$0x1], $0x80, s0, s10, $0xb8;
	[tilespmem:$0x1EC00] =	vst v63  }
0x1c2: {  	s0 =	sld [smem:$0x7DB]  }
0x1c3: {  	[spmem:s2] =	stream.indirect.scatter.add.f32 [tilespmem:s9], [sflag:$0x1], $0x80, s21, s10, $0xb8;
	[tilespmem:$0x1EC00] =	vst v63  }
0x1c4: {  	s21 =	sld [smem:$0x7DC]  }
0x1c5: {  	[spmem:s2] =	stream.indirect.scatter.add.f32 [tilespmem:s9], [sflag:$0x1], $0x80, s0, s10, $0xb8;
	[tilespmem:$0x1EC00] =	vst v63  }
0x1c6: {  	s0 =	sld [smem:$0x7DD]  }
0x1c7: {  	[spmem:s2] =	stream.indirect.scatter.add.f32 [tilespmem:s9], [sflag:$0x1], $0x80, s21, s10, $0xb8;
	[tilespmem:$0x1EC00] =	vst v63  }
0x1c8: {  	s21 =	sld [smem:$0x7DE]  }
0x1c9: {  	[spmem:s2] =	stream.indirect.scatter.add.f32 [tilespmem:s9], [sflag:$0x1], $0x80, s0, s10, $0xb8;
	[tilespmem:$0x1EC00] =	vst v63  }
0x1ca: {  	s0 =	sld [smem:$0x7DF]  }
0x1cb: {  	[spmem:s2] =	stream.indirect.scatter.add.f32 [tilespmem:s9], [sflag:$0x1], $0x80, s21, s10, $0xb8;
	[tilespmem:$0x1EC00] =	vst v63  }
0x1cc: {  	s21 =	sld [smem:$0x7E0]  }
0x1cd: {  	[spmem:s2] =	stream.indirect.scatter.add.f32 [tilespmem:s9], [sflag:$0x1], $0x80, s0, s10, $0xb8;
	[tilespmem:$0x1EC00] =	vst v63  }
0x1ce: {  	_ = 	snop  }
0x1cf: {  	[spmem:s2] =	stream.indirect.scatter.add.f32 [tilespmem:s9], [sflag:$0x1], $0x80, s21, s10, $0xb8;
	[tilespmem:$0x1EC00] =	vst v63  }
0x1d0: {  	v3 =	vld [tilespmem:$0x2A00];
	_ =	sdelay $0x4  }
0x1d1: {  	v60 =	vshll.u32 v3, $0x1  }
0x1d2: {  	v3 =	vand.u32 $0x7, v3;
	v4 =	vand.u32 $0xFFFFFFF0, v60  }
0x1d3: {  	v3 =	vor.u32 v3, v4  }
0x1d4: {  	v4 =	vperm.xlane v3, v0;
	_ =	sdelay $0x1  }
0x1d5: {  	v3 =	vperm.xlane v3, v2;
	v4 =	vadd.s32 v1, v4;
	_ =	sdelay $0x1  }
0x1d6: {  	v3 =	vadd.s32 v1, v3;
	_ =	sdelay $0x2  }
0x1d7: {  	[tilespmem:s11], [sflag:$0x2] =	stream.indirect_vreg.gather [hbm4b:s4+s3], $0x80, v4, vm0, $0xb8;
	[tilespmem:$0x1EC00] =	vst v63  }
0x1d8: {  	_ = 	snop  }
0x1d9: {  	[tilespmem:s12], [sflag:$0x2] =	stream.indirect_vreg.gather [hbm4b:s4+s3], $0x80, v3, vm0, $0xb8;
	[tilespmem:$0x1EC00] =	vst v63  }
0x1da: {  	v3 =	vld [tilespmem:$0x2A10];
	_ =	sdelay $0x4  }
0x1db: {  	v61 =	vshll.u32 v3, $0x1  }
0x1dc: {  	v3 =	vand.u32 $0x7, v3;
	v4 =	vand.u32 $0xFFFFFFF0, v61  }
0x1dd: {  	v3 =	vor.u32 v3, v4  }
0x1de: {  	v4 =	vperm.xlane v3, v0;
	_ =	sdelay $0x1  }
0x1df: {  	v3 =	vperm.xlane v3, v2;
	v4 =	vadd.s32 v1, v4;
	_ =	sdelay $0x1  }
0x1e0: {  	v3 =	vadd.s32 v1, v3;
	_ =	sdelay $0x2  }
0x1e1: {  	[tilespmem:s13], [sflag:$0x2] =	stream.indirect_vreg.gather [hbm4b:s4+s3], $0x80, v4, vm0, $0xb8;
	[tilespmem:$0x1EC00] =	vst v63  }
0x1e2: {  	_ = 	snop  }
0x1e3: {  	[tilespmem:s14], [sflag:$0x2] =	stream.indirect_vreg.gather [hbm4b:s4+s3], $0x80, v3, vm0, $0xb8;
	[tilespmem:$0x1EC00] =	vst v63  }
0x1e4: {  	v3 =	vld [tilespmem:$0x2A20];
	_ =	sdelay $0x4  }
0x1e5: {  	v62 =	vshll.u32 v3, $0x1  }
0x1e6: {  	v3 =	vand.u32 $0x7, v3;
	v4 =	vand.u32 $0xFFFFFFF0, v62  }
0x1e7: {  	v3 =	vor.u32 v3, v4  }
0x1e8: {  	v4 =	vperm.xlane v3, v0;
	_ =	sdelay $0x1  }
0x1e9: {  	v3 =	vperm.xlane v3, v2;
	v4 =	vadd.s32 v1, v4;
	_ =	sdelay $0x1  }
0x1ea: {  	v3 =	vadd.s32 v1, v3;
	_ =	sdelay $0x2  }
0x1eb: {  	[tilespmem:s15], [sflag:$0x2] =	stream.indirect_vreg.gather [hbm4b:s4+s3], $0x80, v4, vm0, $0xb8;
	[tilespmem:$0x1EC00] =	vst v63  }
0x1ec: {  	_ = 	snop  }
0x1ed: {  	[tilespmem:s16], [sflag:$0x2] =	stream.indirect_vreg.gather [hbm4b:s4+s3], $0x80, v3, vm0, $0xb8;
	[tilespmem:$0x1EC00] =	vst v63  }
0x1ee: {  	v3 =	vld [tilespmem:$0x2A30];
	_ =	sdelay $0x4  }
0x1ef: {  	v63 =	vshll.u32 v3, $0x1  }
0x1f0: {  	v3 =	vand.u32 $0x7, v3;
	v4 =	vand.u32 $0xFFFFFFF0, v63  }
0x1f1: {  	v3 =	vor.u32 v3, v4  }
0x1f2: {  	v4 =	vperm.xlane v3, v0;
	_ =	sdelay $0x1  }
0x1f3: {  	v3 =	vperm.xlane v3, v2;
	v4 =	vadd.s32 v1, v4;
	_ =	sdelay $0x1  }
0x1f4: {  	v3 =	vadd.s32 v1, v3;
	_ =	sdelay $0x2  }
0x1f5: {  	[tilespmem:s17], [sflag:$0x2] =	stream.indirect_vreg.gather [hbm4b:s4+s3], $0x80, v4, vm0, $0xb8;
	[tilespmem:$0x1EC00] =	vst v63  }
0x1f6: {  	_ = 	snop  }
0x1f7: {  	[tilespmem:s18], [sflag:$0x2] =	stream.indirect_vreg.gather [hbm4b:s4+s3], $0x80, v3, vm0, $0xb8;
	[tilespmem:$0x1EC00] =	vst v63  }
0x1f8: {  	_ =	swait.ge [sflag:s19], $0x4000  }
0x1f9: {  	[sflag:s19] =	ssyncset.done $0x0  }
0x1fa: {  	s21 =	rddreg [dreg:$0xc];
	[sflag:s19] =	ssyncadd.s32 $0xFFFFC000  }
0x1fb: {  	[hbm4b:s21+s3] =	stream.linear.scatter [tilespmem:s11], [sflag:$0x3], $0x4000, $0x38;
	[tilespmem:$0x1EC00] =	vst v63  }
0x1fc: {  	_ =	swait.ge [sflag:s8], $0x4000  }
0x1fd: {  	[sflag:s8] =	ssyncset.done $0x0  }
0x1fe: {  	[sflag:s8] =	ssyncadd.s32 $0xFFFFC000  }
0x1ff: {  	_ =	swait.ge [sflag:s20], $0x4000  }
0x200: {  	[sflag:s20] =	ssyncset.done $0x0  }
0x201: {  	[sflag:s20] =	ssyncadd.s32 $0xFFFFC000  }
0x202: {  	_ =	swait.ge [sflag:s20], $0x4000  }
0x203: {  	[sflag:s20] =	ssyncset.done $0x0  }
0x204: {  	[sflag:s20] =	ssyncadd.s32 $0xFFFFC000  }
0x205: {  	_ =	swait.ge [sflag:s20], $0x4000  }
0x206: {  	[sflag:s20] =	ssyncset.done $0x0  }
0x207: {  	[sflag:s20] =	ssyncadd.s32 $0xFFFFC000  }
0x208: {  	_ =	swait.ge [sflag:s20], $0x4000  }
0x209: {  	[sflag:s20] =	ssyncset.done $0x0  }
0x20a: {  	[sflag:s20] =	ssyncadd.s32 $0xFFFFC000  }
0x20b: {  	_ =	swait.ge [sflag:s20], $0x4000  }
0x20c: {  	[sflag:s20] =	ssyncset.done $0x0  }
0x20d: {  	[sflag:s20] =	ssyncadd.s32 $0xFFFFC000  }
0x20e: {  	_ =	swait.ge [sflag:s20], $0x4000  }
0x20f: {  	[sflag:s20] =	ssyncset.done $0x0  }
0x210: {  	[sflag:s20] =	ssyncadd.s32 $0xFFFFC000  }
0x211: {  	_ =	swait.ge [sflag:s20], $0x4000  }
0x212: {  	[sflag:s20] =	ssyncset.done $0x0  }
0x213: {  	[sflag:s20] =	ssyncadd.s32 $0xFFFFC000  }
0x214: {  	_ =	swait.ge [sflag:s20], $0x4000  }
0x215: {  	s0 =	sld [smem:$0x7E1]  }
0x216: {  	[sflag:s20] =	ssyncset.done $0x0  }
0x217: {  	s21 =	sld [smem:$0x7E2];
	[sflag:s20] =	ssyncadd.s32 $0xFFFFC000  }
0x218: {  	[spmem:s2] =	stream.indirect.scatter.add.f32 [tilespmem:s9], [sflag:$0x1], $0x80, s0, s10, $0xb8;
	[tilespmem:$0x1EC00] =	vst v63  }
0x219: {  	s0 =	sld [smem:$0x7E3]  }
0x21a: {  	[spmem:s2] =	stream.indirect.scatter.add.f32 [tilespmem:s9], [sflag:$0x1], $0x80, s21, s10, $0xb8;
	[tilespmem:$0x1EC00] =	vst v63  }
0x21b: {  	s21 =	sld [smem:$0x7E4]  }
0x21c: {  	[spmem:s2] =	stream.indirect.scatter.add.f32 [tilespmem:s9], [sflag:$0x1], $0x80, s0, s10, $0xb8;
	[tilespmem:$0x1EC00] =	vst v63  }
0x21d: {  	s0 =	sld [smem:$0x7E5]  }
0x21e: {  	[spmem:s2] =	stream.indirect.scatter.add.f32 [tilespmem:s9], [sflag:$0x1], $0x80, s21, s10, $0xb8;
	[tilespmem:$0x1EC00] =	vst v63  }
0x21f: {  	s21 =	sld [smem:$0x7E6]  }
0x220: {  	[spmem:s2] =	stream.indirect.scatter.add.f32 [tilespmem:s9], [sflag:$0x1], $0x80, s0, s10, $0xb8;
	[tilespmem:$0x1EC00] =	vst v63  }
0x221: {  	s0 =	sld [smem:$0x7E7]  }
0x222: {  	[spmem:s2] =	stream.indirect.scatter.add.f32 [tilespmem:s9], [sflag:$0x1], $0x80, s21, s10, $0xb8;
	[tilespmem:$0x1EC00] =	vst v63  }
0x223: {  	s21 =	sld [smem:$0x7E8]  }
0x224: {  	[spmem:s2] =	stream.indirect.scatter.add.f32 [tilespmem:s9], [sflag:$0x1], $0x80, s0, s10, $0xb8;
	[tilespmem:$0x1EC00] =	vst v63  }
0x225: {  	_ = 	snop  }
0x226: {  	[spmem:s2] =	stream.indirect.scatter.add.f32 [tilespmem:s9], [sflag:$0x1], $0x80, s21, s10, $0xb8;
	[tilespmem:$0x1EC00] =	vst v63  }
0x227: {  	_ =	swait.ge [sflag:s20], $0x4000  }
0x228: {  	[sflag:s20] =	ssyncset.done $0x0  }
0x229: {  	[sflag:s20] =	ssyncadd.s32 $0xFFFFC000  }
0x22a: {  	_ =	swait.ge [sflag:s20], $0x4000  }
0x22b: {  	[sflag:s20] =	ssyncset.done $0x0  }
0x22c: {  	[sflag:s20] =	ssyncadd.s32 $0xFFFFC000  }
0x22d: {  	_ =	swait.ge [sflag:s20], $0x4000  }
0x22e: {  	[sflag:s20] =	ssyncset.done $0x0  }
0x22f: {  	[sflag:s20] =	ssyncadd.s32 $0xFFFFC000  }
0x230: {  	_ =	swait.ge [sflag:s20], $0x4000  }
0x231: {  	[sflag:s20] =	ssyncset.done $0x0  }
0x232: {  	[sflag:s20] =	ssyncadd.s32 $0xFFFFC000  }
0x233: {  	_ =	swait.ge [sflag:s20], $0x4000  }
0x234: {  	[sflag:s20] =	ssyncset.done $0x0  }
0x235: {  	[sflag:s20] =	ssyncadd.s32 $0xFFFFC000  }
0x236: {  	_ =	swait.ge [sflag:s20], $0x4000  }
0x237: {  	[sflag:s20] =	ssyncset.done $0x0  }
0x238: {  	[sflag:s20] =	ssyncadd.s32 $0xFFFFC000  }
0x239: {  	_ =	swait.ge [sflag:s20], $0x4000  }
0x23a: {  	[sflag:s20] =	ssyncset.done $0x0  }
0x23b: {  	[sflag:s20] =	ssyncadd.s32 $0xFFFFC000  }
0x23c: {  	_ =	swait.ge [sflag:s20], $0x4000  }
0x23d: {  	s0 =	sld [smem:$0x7E9]  }
0x23e: {  	[sflag:s20] =	ssyncset.done $0x0  }
0x23f: {  	s21 =	sld [smem:$0x7EA];
	[sflag:s20] =	ssyncadd.s32 $0xFFFFC000  }
0x240: {  	[spmem:s2] =	stream.indirect.scatter.add.f32 [tilespmem:s9], [sflag:$0x1], $0x80, s0, s10, $0xb8;
	[tilespmem:$0x1EC00] =	vst v63  }
0x241: {  	s0 =	sld [smem:$0x7EB]  }
0x242: {  	[spmem:s2] =	stream.indirect.scatter.add.f32 [tilespmem:s9], [sflag:$0x1], $0x80, s21, s10, $0xb8;
	[tilespmem:$0x1EC00] =	vst v63  }
0x243: {  	s21 =	sld [smem:$0x7EC]  }
0x244: {  	[spmem:s2] =	stream.indirect.scatter.add.f32 [tilespmem:s9], [sflag:$0x1], $0x80, s0, s10, $0xb8;
	[tilespmem:$0x1EC00] =	vst v63  }
0x245: {  	s0 =	sld [smem:$0x7ED]  }
0x246: {  	[spmem:s2] =	stream.indirect.scatter.add.f32 [tilespmem:s9], [sflag:$0x1], $0x80, s21, s10, $0xb8;
	[tilespmem:$0x1EC00] =	vst v63  }
0x247: {  	s21 =	sld [smem:$0x7EE]  }
0x248: {  	[spmem:s2] =	stream.indirect.scatter.add.f32 [tilespmem:s9], [sflag:$0x1], $0x80, s0, s10, $0xb8;
	[tilespmem:$0x1EC00] =	vst v63  }
0x249: {  	s0 =	sld [smem:$0x7EF]  }
0x24a: {  	[spmem:s2] =	stream.indirect.scatter.add.f32 [tilespmem:s9], [sflag:$0x1], $0x80, s21, s10, $0xb8;
	[tilespmem:$0x1EC00] =	vst v63  }
0x24b: {  	s21 =	sld [smem:$0x7F0]  }
0x24c: {  	[spmem:s2] =	stream.indirect.scatter.add.f32 [tilespmem:s9], [sflag:$0x1], $0x80, s0, s10, $0xb8;
	[tilespmem:$0x1EC00] =	vst v63  }
0x24d: {  	_ = 	snop  }
0x24e: {  	[spmem:s2] =	stream.indirect.scatter.add.f32 [tilespmem:s9], [sflag:$0x1], $0x80, s21, s10, $0xb8;
	[tilespmem:$0x1EC00] =	vst v63  }
0x24f: {  	_ =	swait.ge [sflag:s20], $0x4000  }
0x250: {  	[sflag:s20] =	ssyncset.done $0x0  }
0x251: {  	[sflag:s20] =	ssyncadd.s32 $0xFFFFC000  }
0x252: {  	_ =	swait.ge [sflag:s20], $0x4000  }
0x253: {  	[sflag:s20] =	ssyncset.done $0x0  }
0x254: {  	[sflag:s20] =	ssyncadd.s32 $0xFFFFC000  }
0x255: {  	_ =	swait.ge [sflag:s20], $0x4000  }
0x256: {  	[sflag:s20] =	ssyncset.done $0x0  }
0x257: {  	[sflag:s20] =	ssyncadd.s32 $0xFFFFC000  }
0x258: {  	_ =	swait.ge [sflag:s20], $0x4000  }
0x259: {  	[sflag:s20] =	ssyncset.done $0x0  }
0x25a: {  	[sflag:s20] =	ssyncadd.s32 $0xFFFFC000  }
0x25b: {  	_ =	swait.ge [sflag:s20], $0x4000  }
0x25c: {  	[sflag:s20] =	ssyncset.done $0x0  }
0x25d: {  	[sflag:s20] =	ssyncadd.s32 $0xFFFFC000  }
0x25e: {  	_ =	swait.ge [sflag:s20], $0x4000  }
0x25f: {  	[sflag:s20] =	ssyncset.done $0x0  }
0x260: {  	[sflag:s20] =	ssyncadd.s32 $0xFFFFC000  }
0x261: {  	_ =	swait.ge [sflag:s20], $0x4000  }
0x262: {  	[sflag:s20] =	ssyncset.done $0x0  }
0x263: {  	[sflag:s20] =	ssyncadd.s32 $0xFFFFC000  }
0x264: {  	_ =	swait.ge [sflag:s20], $0x4000  }
0x265: {  	s0 =	sld [smem:$0x7F1]  }
0x266: {  	[sflag:s20] =	ssyncset.done $0x0  }
0x267: {  	s21 =	sld [smem:$0x7F2];
	[sflag:s20] =	ssyncadd.s32 $0xFFFFC000  }
0x268: {  	[spmem:s2] =	stream.indirect.scatter.add.f32 [tilespmem:s9], [sflag:$0x1], $0x80, s0, s10, $0xb8;
	[tilespmem:$0x1EC00] =	vst v63  }
0x269: {  	s0 =	sld [smem:$0x7F3]  }
0x26a: {  	[spmem:s2] =	stream.indirect.scatter.add.f32 [tilespmem:s9], [sflag:$0x1], $0x80, s21, s10, $0xb8;
	[tilespmem:$0x1EC00] =	vst v63  }
0x26b: {  	s21 =	sld [smem:$0x7F4]  }
0x26c: {  	[spmem:s2] =	stream.indirect.scatter.add.f32 [tilespmem:s9], [sflag:$0x1], $0x80, s0, s10, $0xb8;
	[tilespmem:$0x1EC00] =	vst v63  }
0x26d: {  	s0 =	sld [smem:$0x7F5]  }
0x26e: {  	[spmem:s2] =	stream.indirect.scatter.add.f32 [tilespmem:s9], [sflag:$0x1], $0x80, s21, s10, $0xb8;
	[tilespmem:$0x1EC00] =	vst v63  }
0x26f: {  	s21 =	sld [smem:$0x7F6]  }
0x270: {  	[spmem:s2] =	stream.indirect.scatter.add.f32 [tilespmem:s9], [sflag:$0x1], $0x80, s0, s10, $0xb8;
	[tilespmem:$0x1EC00] =	vst v63  }
0x271: {  	s0 =	sld [smem:$0x7F7]  }
0x272: {  	[spmem:s2] =	stream.indirect.scatter.add.f32 [tilespmem:s9], [sflag:$0x1], $0x80, s21, s10, $0xb8;
	[tilespmem:$0x1EC00] =	vst v63  }
0x273: {  	s21 =	sld [smem:$0x7F8]  }
0x274: {  	[spmem:s2] =	stream.indirect.scatter.add.f32 [tilespmem:s9], [sflag:$0x1], $0x80, s0, s10, $0xb8;
	[tilespmem:$0x1EC00] =	vst v63  }
0x275: {  	_ = 	snop  }
0x276: {  	[spmem:s2] =	stream.indirect.scatter.add.f32 [tilespmem:s9], [sflag:$0x1], $0x80, s21, s10, $0xb8;
	[tilespmem:$0x1EC00] =	vst v63  }
0x277: {  	_ =	swait.ge [sflag:s20], $0x4000  }
0x278: {  	[sflag:s20] =	ssyncset.done $0x0  }
0x279: {  	[sflag:s20] =	ssyncadd.s32 $0xFFFFC000  }
0x27a: {  	_ =	swait.ge [sflag:s20], $0x4000  }
0x27b: {  	[sflag:s20] =	ssyncset.done $0x0  }
0x27c: {  	[sflag:s20] =	ssyncadd.s32 $0xFFFFC000  }
0x27d: {  	_ =	swait.ge [sflag:s20], $0x4000  }
0x27e: {  	[sflag:s20] =	ssyncset.done $0x0  }
0x27f: {  	[sflag:s20] =	ssyncadd.s32 $0xFFFFC000  }
0x280: {  	_ =	swait.ge [sflag:s20], $0x4000  }
0x281: {  	[sflag:s20] =	ssyncset.done $0x0  }
0x282: {  	[sflag:s20] =	ssyncadd.s32 $0xFFFFC000  }
0x283: {  	_ =	swait.ge [sflag:s20], $0x4000  }
0x284: {  	[sflag:s20] =	ssyncset.done $0x0  }
0x285: {  	[sflag:s20] =	ssyncadd.s32 $0xFFFFC000  }
0x286: {  	_ =	swait.ge [sflag:s20], $0x4000  }
0x287: {  	[sflag:s20] =	ssyncset.done $0x0  }
0x288: {  	[sflag:s20] =	ssyncadd.s32 $0xFFFFC000  }
0x289: {  	_ =	swait.ge [sflag:s20], $0x4000  }
0x28a: {  	[sflag:s20] =	ssyncset.done $0x0  }
0x28b: {  	[sflag:s20] =	ssyncadd.s32 $0xFFFFC000  }
0x28c: {  	_ =	swait.ge [sflag:s20], $0x4000  }
0x28d: {  	s0 =	sld [smem:$0x7F9]  }
0x28e: {  	[sflag:s20] =	ssyncset.done $0x0  }
0x28f: {  	s21 =	sld [smem:$0x7FA];
	[sflag:s20] =	ssyncadd.s32 $0xFFFFC000  }
0x290: {  	[spmem:s2] =	stream.indirect.scatter.add.f32 [tilespmem:s9], [sflag:$0x1], $0x80, s0, s10, $0xb8;
	[tilespmem:$0x1EC00] =	vst v63  }
0x291: {  	s0 =	sld [smem:$0x7FB]  }
0x292: {  	[spmem:s2] =	stream.indirect.scatter.add.f32 [tilespmem:s9], [sflag:$0x1], $0x80, s21, s10, $0xb8;
	[tilespmem:$0x1EC00] =	vst v63  }
0x293: {  	s21 =	sld [smem:$0x7FC]  }
0x294: {  	[spmem:s2] =	stream.indirect.scatter.add.f32 [tilespmem:s9], [sflag:$0x1], $0x80, s0, s10, $0xb8;
	[tilespmem:$0x1EC00] =	vst v63  }
0x295: {  	s0 =	sld [smem:$0x7FD]  }
0x296: {  	[spmem:s2] =	stream.indirect.scatter.add.f32 [tilespmem:s9], [sflag:$0x1], $0x80, s21, s10, $0xb8;
	[tilespmem:$0x1EC00] =	vst v63  }
0x297: {  	_ = 	snop  }
0x298: {  	[spmem:s2] =	stream.indirect.scatter.add.f32 [tilespmem:s9], [sflag:$0x1], $0x80, s0, s10, $0xb8;
	[tilespmem:$0x1EC00] =	vst v63  }
0x299: {  	s21 =	simm.s32 $0x2280  }
0x29a: {  	[spmem:s2] =	stream.indirect.scatter.add.f32 [tilespmem:s9], [sflag:$0x1], $0x80, s21, s10, $0xb8;
	[tilespmem:$0x1EC00] =	vst v63  }
0x29b: {  	_ = 	snop  }
0x29c: {  	[spmem:s2] =	stream.indirect.scatter.add.f32 [tilespmem:s9], [sflag:$0x1], $0x80, s22, s10, $0xb8;
	[tilespmem:$0x1EC00] =	vst v63  }
0x29d: {  	_ = 	snop  }
0x29e: {  	[spmem:s2] =	stream.indirect.scatter.add.f32 [tilespmem:s9], [sflag:$0x1], $0x80, s23, s10, $0xb8;
	[tilespmem:$0x1EC00] =	vst v63  }
0x29f: {  	_ =	swait.ge [sflag:s20], $0x4000  }
0x2a0: {  	[sflag:s20] =	ssyncset.done $0x0  }
0x2a1: {  	[sflag:s20] =	ssyncadd.s32 $0xFFFFC000  }
0x2a2: {  	_ =	swait.ge [sflag:s20], $0x4000  }
0x2a3: {  	[sflag:s20] =	ssyncset.done $0x0  }
0x2a4: {  	[sflag:s20] =	ssyncadd.s32 $0xFFFFC000  }
0x2a5: {  	_ =	swait.ge [sflag:s20], $0x4000  }
0x2a6: {  	[sflag:s20] =	ssyncset.done $0x0  }
0x2a7: {  	[sflag:s20] =	ssyncadd.s32 $0xFFFFC000  }
0x2a8: {  	_ =	swait.ge [sflag:s20], $0x4000  }
0x2a9: {  	[sflag:s20] =	ssyncset.done $0x0  }
0x2aa: {  	[sflag:s20] =	ssyncadd.s32 $0xFFFFC000  }
0x2ab: {  	_ =	swait.ge [sflag:s20], $0x4000  }
0x2ac: {  	[sflag:s20] =	ssyncset.done $0x0  }
0x2ad: {  	[sflag:s20] =	ssyncadd.s32 $0xFFFFC000  }
0x2ae: {  	_ =	swait.ge [sflag:s20], $0x4000  }
0x2af: {  	[sflag:s20] =	ssyncset.done $0x0  }
0x2b0: {  	[sflag:s20] =	ssyncadd.s32 $0xFFFFC000  }
0x2b1: {  	_ =	swait.ge [sflag:s20], $0x4000  }
0x2b2: {  	[sflag:s20] =	ssyncset.done $0x0  }
0x2b3: {  	[sflag:s20] =	ssyncadd.s32 $0xFFFFC000  }
0x2b4: {  	_ =	swait.ge [sflag:s20], $0x4000  }
0x2b5: {  	[sflag:s20] =	ssyncset.done $0x0  }
0x2b6: {  	[sflag:s20] =	ssyncadd.s32 $0xFFFFC000  }
0x2b7: {  	[spmem:s2] =	stream.indirect.scatter.add.f32 [tilespmem:s9], [sflag:$0x1], $0x80, s24, s10, $0xb8;
	[tilespmem:$0x1EC00] =	vst v63  }
0x2b8: {  	_ = 	snop  }
0x2b9: {  	[spmem:s2] =	stream.indirect.scatter.add.f32 [tilespmem:s9], [sflag:$0x1], $0x80, s25, s10, $0xb8;
	[tilespmem:$0x1EC00] =	vst v63  }
0x2ba: {  	_ = 	snop  }
0x2bb: {  	[spmem:s2] =	stream.indirect.scatter.add.f32 [tilespmem:s9], [sflag:$0x1], $0x80, s26, s10, $0xb8;
	[tilespmem:$0x1EC00] =	vst v63  }
0x2bc: {  	_ = 	snop  }
0x2bd: {  	[spmem:s2] =	stream.indirect.scatter.add.f32 [tilespmem:s9], [sflag:$0x1], $0x80, s28, s10, $0xb8;
	[tilespmem:$0x1EC00] =	vst v63  }
0x2be: {  	_ = 	snop  }
0x2bf: {  	[spmem:s2] =	stream.indirect.scatter.add.f32 [tilespmem:s9], [sflag:$0x1], $0x80, s29, s10, $0xb8;
	[tilespmem:$0x1EC00] =	vst v63  }
0x2c0: {  	_ = 	snop  }
0x2c1: {  	[spmem:s2] =	stream.indirect.scatter.add.f32 [tilespmem:s9], [sflag:$0x1], $0x80, s30, s10, $0xb8;
	[tilespmem:$0x1EC00] =	vst v63  }
0x2c2: {  	_ = 	snop  }
0x2c3: {  	[spmem:s2] =	stream.indirect.scatter.add.f32 [tilespmem:s9], [sflag:$0x1], $0x80, s31, s10, $0xb8;
	[tilespmem:$0x1EC00] =	vst v63  }
0x2c4: {  	_ = 	snop  }
0x2c5: {  	[spmem:s2] =	stream.indirect.scatter.add.f32 [tilespmem:s9], [sflag:$0x1], $0x80, s1, s10, $0xb8;
	[tilespmem:$0x1EC00] =	vst v63  }
0x2c6: {  	_ =	swait.ge [sflag:s20], $0x4000  }
0x2c7: {  	[sflag:s20] =	ssyncset.done $0x0  }
0x2c8: {  	[sflag:s20] =	ssyncadd.s32 $0xFFFFC000  }
0x2c9: {  	_ =	swait.ge [sflag:s20], $0x4000  }
0x2ca: {  	[sflag:s20] =	ssyncset.done $0x0  }
0x2cb: {  	[sflag:s20] =	ssyncadd.s32 $0xFFFFC000  }
0x2cc: {  	_ =	swait.ge [sflag:s20], $0x4000  }
0x2cd: {  	[sflag:s20] =	ssyncset.done $0x0  }
0x2ce: {  	[sflag:s20] =	ssyncadd.s32 $0xFFFFC000  }
0x2cf: {  	_ =	swait.ge [sflag:s20], $0x4000  }
0x2d0: {  	[sflag:s20] =	ssyncset.done $0x0  }
0x2d1: {  	[sflag:s20] =	ssyncadd.s32 $0xFFFFC000  }
0x2d2: {  	_ =	swait.ge [sflag:s20], $0x4000  }
0x2d3: {  	[sflag:s20] =	ssyncset.done $0x0  }
0x2d4: {  	[sflag:s20] =	ssyncadd.s32 $0xFFFFC000  }
0x2d5: {  	_ =	swait.ge [sflag:s20], $0x4000  }
0x2d6: {  	[sflag:s20] =	ssyncset.done $0x0  }
0x2d7: {  	[sflag:s20] =	ssyncadd.s32 $0xFFFFC000  }
0x2d8: {  	_ =	swait.ge [sflag:s20], $0x4000  }
0x2d9: {  	[sflag:s20] =	ssyncset.done $0x0  }
0x2da: {  	[sflag:s20] =	ssyncadd.s32 $0xFFFFC000  }
0x2db: {  	_ =	swait.ge [sflag:s20], $0x4000  }
0x2dc: {  	[sflag:s20] =	ssyncset.done $0x0  }
0x2dd: {  	[sflag:s20] =	ssyncadd.s32 $0xFFFFC000  }
0x2de: {  	p0 =	sne.s32 s6, $0x1;
	[bflag:$0x0] =	sbarrier.arrive $0xFFFF  }
.Ltmp0:
0x2df: {  	s21 =	rddreg [dreg:$0xd];
	(pc) =	sbr.rel @p0 .LBB2_1-.Ltmp0, $4  }
0x2e0: {  	[hbm:s21], [sflag:s5] =	dma.local [spmem:s7], $0x2800  }
0x2e1: {  	_ =	swait.ge [sflag:s8], $0x2800  }
0x2e2: {  	[sflag:s8] =	ssyncset.done $0x0  }
0x2e3: {  	s6 =	sadd.s32 $0xFFFFFFFF, s6;
	[sflag:s8] =	ssyncadd.s32 $0xFFFFD800  }
0x2e4: {  	_ =	sfence.sel $0x180000  }
0x2e5: {  	[bflag:$0x0] =	sbarrier.arrive $0xFFFF  }
0x2e6: {  	_ =	strace $0x90000047  }
0x2e7: {  	s0 =	stileid.u32;
	[bflag:$0x2] =	sbarrier.arrive $0xFFFF  }
0x2e8: {  	p0 =	sne.s32 s0, $0x0;
	s0 =	rddreg [dreg:$0x3]  }
0x2e9: {  	s0 =	sadd.s32 @!p0 $0x100000, s0  }
0x2ea: {  	[sflag:s0] =	ssyncadd.tile.s32 @!p0 $0x1;
	_ =	shalt  }
.Lfunc_end2:
_tile_overlayer_lowered:
.L_overlay_start_2:
0x2eb: {  	(tag) =	ssettag $0x2  }
0x2ec: {  	s0 =	rddreg [dreg:$0x0];
	s2 =	stileid.u32  }
0x2ed: {  	s1 =	rddreg [dreg:$0x1];
	p0 =	sne.s32 s2, $0x0  }
0x2ee: {  	s3 =	rddreg [dreg:$0x2];
	[bflag:$0x3] =	sbarrier.arrive $0xFFFF;
	s2 =	simm.s32 @!p0 $0x1C03  }
0x2ef: {  	[timem:s3], [sflag:s2] =	dma.local @!p0 [hbm:s0], s1  }
0x2f0: {  	s0 =	simm.s32 @!p0 $0x3  }
0x2f1: {  	_ =	swait.ge @!p0 [sflag:s0], s1  }
0x2f2: {  	s1 =	ssub.s32 @!p0 $0x0, s1;
	[sflag:s0] =	ssyncset.done @!p0 $0x0  }
0x2f3: {  	[sflag:s0] =	ssyncadd.s32 @!p0 s1  }
0x2f4: {  	[bflag:$0x3] =	sbarrier.arrive $0xFFFF  }
0x2f5: {  	_ =	shalt  }

</sc_bundles>
